<compile_context>
chip_gen: v7x
topology: tpu7x:2x2x1
jax: 0.10.2.dev20260603
libtpu: 0.0.44.dev20260713+nightly
codegen_flags: <defaults>
</compile_context>

<pallas_src>
import functools

import jax
import jax.numpy as jnp
from jax import lax
from jax.experimental import pallas as pl
from jax.experimental.pallas import tpu as pltpu
from jax.experimental.pallas import tpu_sc as plsc

N = 10000
F = 128
H = F // 2
B = 16
NC = 2
NS = 16
CH = 120
NSLOT = 6
K = 174
KP = K + NSLOT
NPAD = 10240
RPT = NPAD // NS
RB = 2000
GRID = N // RB

_mesh = plsc.VectorSubcoreMesh(core_axis_name="c", subcore_axis_name="s")


@functools.partial(
    pl.kernel,
    out_type=jax.ShapeDtypeStruct((NC, NPAD, 16), jnp.float32),
    mesh=_mesh,
    scratch_types=[
        pltpu.VMEM((KP, CH), jnp.int32),
        pltpu.VMEM((CH, 16), jnp.float32),
        pltpu.VMEM_SHARED((NPAD, 16), jnp.float32),
    ],
)
def _sc_degree(dsts_hbm, ones_hbm, z16_hbm, out_hbm, dst_v, ones_v, acc):
    c = lax.axis_index("c")
    s = lax.axis_index("s")
    pltpu.sync_copy(z16_hbm, acc.at[pl.ds(s * RPT, RPT)])
    pltpu.sync_copy(dsts_hbm.at[s], dst_v)
    pltpu.sync_copy(ones_hbm, ones_v)
    plsc.subcore_barrier()

    def body(k, carry):
        pltpu.sync_copy(ones_v, acc.at[dst_v.at[k]], add=True)
        return carry

    lax.fori_loop(c * (K // 2), c * (K // 2) + K // 2, body, 0)
    plsc.subcore_barrier()
    pltpu.sync_copy(acc.at[pl.ds(s * RPT, RPT)],
                    out_hbm.at[c, pl.ds(s * RPT, RPT)])


RST = N // NS


@functools.partial(
    pl.kernel,
    out_type=jax.ShapeDtypeStruct((NC, NPAD, H), jnp.float32),
    mesh=_mesh,
    scratch_types=[
        [pltpu.VMEM((2, CH), jnp.int32)] * NSLOT,
        [pltpu.VMEM((CH, H), jnp.float32)] * NSLOT,
        pltpu.VMEM_SHARED((NPAD, H), jnp.float32),
        pltpu.VMEM_SHARED((N, H), jnp.float32),
        [pltpu.SemaphoreType.DMA] * NSLOT,
        [pltpu.SemaphoreType.DMA] * NSLOT,
        [pltpu.SemaphoreType.DMA] * NSLOT,
    ],
    compiler_params=pltpu.CompilerParams(use_tc_tiling_on_sc=False),
)
def _sc_scatter(g_lo_hbm, g_hi_hbm, sd_hbm, z64_hbm, out_hbm,
                idxs, bufs, acc, gstage, gsems, ssems, isems):
    c = lax.axis_index("c")
    s = lax.axis_index("s")
    pltpu.sync_copy(z64_hbm, acc.at[pl.ds(s * RPT, RPT)])
    pl.when(c == 0)(lambda: pltpu.sync_copy(
        g_lo_hbm.at[pl.ds(s * RST, RST)], gstage.at[pl.ds(s * RST, RST)]))
    pl.when(c == 1)(lambda: pltpu.sync_copy(
        g_hi_hbm.at[pl.ds(s * RST, RST)], gstage.at[pl.ds(s * RST, RST)]))
    for b in range(NSLOT):
        pltpu.sync_copy(sd_hbm.at[s, b], idxs[b])
    plsc.subcore_barrier()

    for b in range(NSLOT):
        pltpu.async_copy(gstage.at[idxs[b].at[0]], bufs[b], gsems[b])

    def body(i, carry):
        g = NSLOT * i
        for b in range(NSLOT):
            pltpu.make_async_copy(gstage.at[idxs[b].at[0]], bufs[b],
                                  gsems[b]).wait()
            pltpu.async_copy(bufs[b], acc.at[idxs[b].at[1]], ssems[b],
                             add=True)
        for b in range(NSLOT):
            k = g + b
            pltpu.make_async_copy(bufs[b], acc.at[idxs[b].at[1]],
                                  ssems[b]).wait()
            pltpu.async_copy(sd_hbm.at[s, k + NSLOT], idxs[b], isems[b])
        for b in range(NSLOT):
            k = g + b
            pltpu.make_async_copy(sd_hbm.at[s, k + NSLOT], idxs[b],
                                  isems[b]).wait()
            pltpu.async_copy(gstage.at[idxs[b].at[0]], bufs[b], gsems[b])
        return carry

    lax.fori_loop(0, K // NSLOT, body, 0)
    for b in range(NSLOT):
        pltpu.make_async_copy(gstage.at[idxs[b].at[0]], bufs[b],
                              gsems[b]).wait()
    plsc.subcore_barrier()
    pltpu.sync_copy(acc.at[pl.ds(s * RPT, RPT)],
                    out_hbm.at[c, pl.ds(s * RPT, RPT)])


def _dinv(dp):
    return lax.rsqrt(dp[0, :, 0:1] + dp[1, :, 0:1])


def _tc_first_body(x_ref, w_ref, dp_ref, glo_ref, ghi_ref):
    g = jnp.dot(x_ref[...], w_ref[...], preferred_element_type=jnp.float32)
    g = _dinv(dp_ref[...]) * g
    glo_ref[...] = g[:, :H]
    ghi_ref[...] = g[:, H:]


def _tc_mid_body(ap_ref, dp_ref, b_ref, w_ref, glo_ref, ghi_ref):
    dinv = _dinv(dp_ref[...])
    a = jnp.concatenate([ap_ref[0], ap_ref[1]], axis=1)
    act = jax.nn.relu(dinv * a + b_ref[...])
    g = dinv * jnp.dot(act, w_ref[...], preferred_element_type=jnp.float32)
    glo_ref[...] = g[:, :H]
    ghi_ref[...] = g[:, H:]


def _tc_final_body(ap_ref, dp_ref, b_ref, oh_ref, xs_ref,
                   wl1a_ref, wl1b_ref, bl1_ref, wl2_ref, bl2_ref,
                   out_ref, macc):
    i = pl.program_id(0)

    @pl.when(i == 0)
    def _():
        macc[...] = jnp.zeros_like(macc)

    dinv = _dinv(dp_ref[...])
    a = jnp.concatenate([ap_ref[0], ap_ref[1]], axis=1)
    act = jax.nn.relu(dinv * a + b_ref[...])
    aug = jnp.concatenate([act, jnp.ones((RB, 8), jnp.float32)], axis=1)
    macc[...] += lax.dot_general(oh_ref[...], aug, (((0,), (0,)), ((), ())),
                                 preferred_element_type=jnp.float32)

    @pl.when(i == GRID - 1)
    def _():
        m = macc[...]
        pooled = m[:, :F] / jnp.maximum(m[:, F:F + 1], 1.0)
        h1 = jax.nn.relu(
            jnp.dot(pooled, wl1a_ref[...], preferred_element_type=jnp.float32)
            + jnp.dot(xs_ref[...], wl1b_ref[...],
                      preferred_element_type=jnp.float32)
            + bl1_ref[...])
        out_ref[...] = (jnp.dot(h1, wl2_ref[...],
                                preferred_element_type=jnp.float32)
                        + bl2_ref[...])


def _half_spec():
    return pl.BlockSpec((RB, H), lambda i: (i, 0))


def _ap_spec():
    return pl.BlockSpec((NC, RB, H), lambda i: (0, i, 0))


def _deg_spec():
    return pl.BlockSpec((NC, RB, 16), lambda i: (0, i, 0))


def _full(shape):
    return pl.BlockSpec(shape, lambda i: tuple(0 for _ in shape))


_g_out = lambda: (
    [jax.ShapeDtypeStruct((N, H), jnp.float32)] * 2,
    [_half_spec(), _half_spec()],
)


def _tc_first(x, w0, degp):
    shapes, specs = _g_out()
    return pl.pallas_call(
        _tc_first_body,
        grid=(GRID,),
        in_specs=[pl.BlockSpec((RB, F), lambda i: (i, 0)),
                  _full((F, F)), _deg_spec()],
        out_specs=specs,
        out_shape=shapes,
    )(x, w0, degp)


def _tc_mid(ap, degp, b, w):
    shapes, specs = _g_out()
    return pl.pallas_call(
        _tc_mid_body,
        grid=(GRID,),
        in_specs=[_ap_spec(), _deg_spec(), _full((1, F)), _full((F, F))],
        out_specs=specs,
        out_shape=shapes,
    )(ap, degp, b, w)


def _tc_final(ap, degp, b, onehot, xs, wl1a, wl1b, bl1, wl2, bl2):
    return pl.pallas_call(
        _tc_final_body,
        grid=(GRID,),
        in_specs=[_ap_spec(), _deg_spec(), _full((1, F)),
                  pl.BlockSpec((RB, B), lambda i: (i, 0)), _full((B, 4)),
                  _full((F, 64)), _full((4, 64)), _full((1, 64)),
                  _full((64, 1)), _full((1, 1))],
        out_specs=_full((B, 1)),
        out_shape=jax.ShapeDtypeStruct((B, 1), jnp.float32),
        scratch_shapes=[pltpu.VMEM((B, F + 8), jnp.float32)],
    )(ap, degp, b, onehot, xs, wl1a, wl1b, bl1, wl2, bl2)


def kernel(x, edge_index, x_scalar, batch_index,
           W0, b0, W1, b1, W2, b2, W3, b3, Wl1, bl1, Wl2, bl2):
    loop = jnp.arange(N, dtype=edge_index.dtype)
    src = jnp.concatenate([edge_index[0], loop])
    dst = jnp.concatenate([edge_index[1], loop])
    ep = NS * K * CH
    pad = ep - src.shape[0]
    pad_src = (jnp.arange(pad, dtype=src.dtype) * 37) % N
    pad_dst = N + (jnp.arange(pad, dtype=dst.dtype) % (NPAD - N))
    src = jnp.concatenate([src, pad_src])
    dst = jnp.concatenate([dst, pad_dst])
    srcs = src.reshape(NS, K, CH)
    dsts = dst.reshape(NS, K, CH)
    npr = (KP - K) * CH
    zrow = ((jnp.arange(npr, dtype=jnp.int32) * 53) % N).reshape(1, KP - K,
                                                                 CH)
    zrow = jnp.broadcast_to(zrow, (NS, KP - K, CH))
    srcs = jnp.concatenate([srcs, zrow], axis=1)
    dsts = jnp.concatenate([dsts, jnp.full((NS, KP - K, CH), N, jnp.int32)],
                           axis=1)
    sd = jnp.stack([srcs, dsts], axis=2)

    ones16 = jnp.ones((CH, 16), jnp.float32)
    z16 = jnp.zeros((RPT, 16), jnp.float32)
    z64 = jnp.zeros((RPT, H), jnp.float32)
    onehot = (batch_index[:, None] ==
              jnp.arange(B, dtype=batch_index.dtype)[None, :]
              ).astype(jnp.float32)

    degp = _sc_degree(dsts, ones16, z16)

    g_lo, g_hi = _tc_first(x, W0, degp)
    for b_l, w_next in ((b0, W1), (b1, W2), (b2, W3)):
        ap = _sc_scatter(g_lo, g_hi, sd, z64)
        g_lo, g_hi = _tc_mid(ap, degp, b_l.reshape(1, F), w_next)
    ap = _sc_scatter(g_lo, g_hi, sd, z64)

    return _tc_final(ap, degp, b3.reshape(1, F), onehot, x_scalar,
                     Wl1[:F], Wl1[F:], bl1.reshape(1, 64),
                     Wl2, bl2.reshape(1, 1))

# --- scband reference (transcript-rebuilt; emitter-appended) ---
"""Pipeline reference for scband-gcn-50723563765864 (READ-ONLY COPY).

The authoritative reference and input builder live on the scoring server;
editing this copy changes nothing except your own understanding.
"""

import jax, jax.numpy as jnp
import numpy as np

N = 10000
E = 320000
F_IN = 128
EMB = 128
B = 16


def setup_inputs(seed: int = 0) -> dict:
    key = jax.random.key(seed)
    ks = jax.random.split(key, 20)
    x = jax.random.normal(ks[0], (N, F_IN), dtype=jnp.float32)
    edge_index = jax.random.randint(ks[1], (2, E), 0, N, dtype=jnp.int32)
    x_scalar = jax.random.normal(ks[2], (B, 4), dtype=jnp.float32)
    batch_index = jnp.sort(jax.random.randint(ks[3], (N,), 0, B, dtype=jnp.int32))

    def lin(k, fan_in, fan_out):
        bound = 1.0 / np.sqrt(fan_in)
        k1, k2 = jax.random.split(k)
        W = jax.random.uniform(k1, (fan_in, fan_out), jnp.float32, -bound, bound)
        b = jax.random.uniform(k2, (fan_out,), jnp.float32, -bound, bound)
        return W, b

    W0, b0 = lin(ks[4], F_IN, EMB)
    W1, b1 = lin(ks[5], EMB, EMB)
    W2, b2 = lin(ks[6], EMB, EMB)
    W3, b3 = lin(ks[7], EMB, EMB)
    Wl1, bl1 = lin(ks[8], EMB + 4, 64)
    Wl2, bl2 = lin(ks[9], 64, 1)
    return {"x": x, "edge_index": edge_index, "x_scalar": x_scalar,
            "batch_index": batch_index,
            "W0": W0, "b0": b0, "W1": W1, "b1": b1, "W2": W2, "b2": b2,
            "W3": W3, "b3": b3, "Wl1": Wl1, "bl1": bl1, "Wl2": Wl2, "bl2": bl2}


def _gcn_conv(x, W, b, src, dst, n):
    # GCNConv: h = W x; add self-loops; symmetric normalization D^-1/2 A D^-1/2; scatter-add at dst
    h = x @ W
    ones = jnp.ones(src.shape[0], dtype=h.dtype)
    deg = jnp.zeros((n,), dtype=h.dtype).at[dst].add(ones)
    dinv = jnp.where(deg > 0, jax.lax.rsqrt(jnp.maximum(deg, 1e-12)), 0.0)
    norm = dinv[src] * dinv[dst]
    msg = norm[:, None] * h[src]
    out = jnp.zeros((n, h.shape[1]), dtype=h.dtype).at[dst].add(msg)
    return out + b


def reference(x, edge_index, x_scalar, batch_index,
              W0, b0, W1, b1, W2, b2, W3, b3, Wl1, bl1, Wl2, bl2):
    n = x.shape[0]
    loop = jnp.arange(n, dtype=edge_index.dtype)
    src = jnp.concatenate([edge_index[0], loop])
    dst = jnp.concatenate([edge_index[1], loop])

    h = jax.nn.relu(_gcn_conv(x, W0, b0, src, dst, n))
    h = jax.nn.relu(_gcn_conv(h, W1, b1, src, dst, n))
    h = jax.nn.relu(_gcn_conv(h, W2, b2, src, dst, n))
    h = jax.nn.relu(_gcn_conv(h, W3, b3, src, dst, n))

    # global mean pool over batch_index
    summed = jax.ops.segment_sum(h, batch_index, num_segments=B)
    counts = jax.ops.segment_sum(jnp.ones((n,), dtype=h.dtype), batch_index, num_segments=B)
    pooled = summed / jnp.maximum(counts, 1.0)[:, None]

    hid = jnp.concatenate([pooled, x_scalar], axis=1)
    out = jax.nn.relu(hid @ Wl1 + bl1)
    out = out @ Wl2 + bl2
    return out

if __name__ == "__main__":
    import jax
    _d = setup_inputs()
    print(jax.jit(kernel)(*tuple(_d.values())))

</pallas_src>

<mosaic_0001>
#map = affine_map<(d0, d1) -> (0, 0)>
#map1 = affine_map<(d0, d1) -> (0, 0, 0, 0)>
#map2 = affine_map<(d0, d1) -> (0, 0, 0)>
module attributes {stable_mosaic.version = 14 : i64} {
  func.func @_sc_scatter(%arg0: i32, %arg1: i32, %arg2: memref<10000x64xf32, #tpu.memory_space<hbm>>, %arg3: memref<10000x64xf32, #tpu.memory_space<hbm>>, %arg4: memref<16x180x2x120xi32, #tpu.memory_space<hbm>>, %arg5: memref<640x64xf32, #tpu.memory_space<hbm>>, %arg6: memref<2x10240x64xf32, #tpu.memory_space<hbm>>, %arg7: memref<2x120xi32, #tpu.memory_space<vmem>>, %arg8: memref<2x120xi32, #tpu.memory_space<vmem>>, %arg9: memref<2x120xi32, #tpu.memory_space<vmem>>, %arg10: memref<2x120xi32, #tpu.memory_space<vmem>>, %arg11: memref<2x120xi32, #tpu.memory_space<vmem>>, %arg12: memref<2x120xi32, #tpu.memory_space<vmem>>, %arg13: memref<120x64xf32, #tpu.memory_space<vmem>>, %arg14: memref<120x64xf32, #tpu.memory_space<vmem>>, %arg15: memref<120x64xf32, #tpu.memory_space<vmem>>, %arg16: memref<120x64xf32, #tpu.memory_space<vmem>>, %arg17: memref<120x64xf32, #tpu.memory_space<vmem>>, %arg18: memref<120x64xf32, #tpu.memory_space<vmem>>, %arg19: memref<10240x64xf32, #tpu.memory_space<vmem_shared>>, %arg20: memref<10000x64xf32, #tpu.memory_space<vmem_shared>>, %arg21: memref<!tpu.dma_semaphore, #tpu.memory_space<semaphore_mem>>, %arg22: memref<!tpu.dma_semaphore, #tpu.memory_space<semaphore_mem>>, %arg23: memref<!tpu.dma_semaphore, #tpu.memory_space<semaphore_mem>>, %arg24: memref<!tpu.dma_semaphore, #tpu.memory_space<semaphore_mem>>, %arg25: memref<!tpu.dma_semaphore, #tpu.memory_space<semaphore_mem>>, %arg26: memref<!tpu.dma_semaphore, #tpu.memory_space<semaphore_mem>>, %arg27: memref<!tpu.dma_semaphore, #tpu.memory_space<semaphore_mem>>, %arg28: memref<!tpu.dma_semaphore, #tpu.memory_space<semaphore_mem>>, %arg29: memref<!tpu.dma_semaphore, #tpu.memory_space<semaphore_mem>>, %arg30: memref<!tpu.dma_semaphore, #tpu.memory_space<semaphore_mem>>, %arg31: memref<!tpu.dma_semaphore, #tpu.memory_space<semaphore_mem>>, %arg32: memref<!tpu.dma_semaphore, #tpu.memory_space<semaphore_mem>>, %arg33: memref<!tpu.dma_semaphore, #tpu.memory_space<semaphore_mem>>, %arg34: memref<!tpu.dma_semaphore, #tpu.memory_space<semaphore_mem>>, %arg35: memref<!tpu.dma_semaphore, #tpu.memory_space<semaphore_mem>>, %arg36: memref<!tpu.dma_semaphore, #tpu.memory_space<semaphore_mem>>, %arg37: memref<!tpu.dma_semaphore, #tpu.memory_space<semaphore_mem>>, %arg38: memref<!tpu.dma_semaphore, #tpu.memory_space<semaphore_mem>>) attributes {dimension_semantics = [#tpu.dimension_semantics<core_parallel>, #tpu.dimension_semantics<subcore_parallel>], iteration_bounds = array<i64: 2, 16>, scalar_prefetch = 0 : i64, scratch_operands = 32 : i64, tpu.core_type = #tpu.core_type<sc_vector_subcore>, window_params = [{transform_indices = #map}, {transform_indices = #map}, {transform_indices = #map1}, {transform_indices = #map}, {transform_indices = #map2}]} {
    %mul3A = arith.constant 640 : i32
    %mul3A_0 = arith.muli %arg1, %mul3A : i32
    "tpu.region"() ({
      %run_scoped3A_105 = tpu.sem_alloc : memref<!tpu.dma_semaphore, #tpu.memory_space<semaphore_mem>>
      %dma_start3A_106 = arith.constant 0 : i32
      %dma_start3A_107 = tpu.memref_slice %arg19[%mul3A_0, %dma_start3A_106] : memref<10240x64xf32, #tpu.memory_space<vmem_shared>> -> memref<640x64xf32, #tpu.memory_space<vmem_shared>>
      tpu.enqueue_dma source(%arg5 : memref<640x64xf32, #tpu.memory_space<hbm>>) target(%dma_start3A_107 : memref<640x64xf32, #tpu.memory_space<vmem_shared>>) target_semaphore(%run_scoped3A_105 : memref<!tpu.dma_semaphore, #tpu.memory_space<semaphore_mem>>)
      %dma_wait3A_108 = arith.constant 0 : i32
      %dma_wait3A_109 = tpu.memref_slice %arg19[%mul3A_0, %dma_wait3A_108] : memref<10240x64xf32, #tpu.memory_space<vmem_shared>> -> memref<640x64xf32, #tpu.memory_space<vmem_shared>>
      tpu.wait_dma2 semaphore(%run_scoped3A_105 : memref<!tpu.dma_semaphore, #tpu.memory_space<semaphore_mem>>) src(%arg5 : memref<640x64xf32, #tpu.memory_space<hbm>>) dst(%dma_wait3A_109 : memref<640x64xf32, #tpu.memory_space<vmem_shared>>)
      tpu.yield
    }) : () -> ()
    %eq3A = arith.constant 0 : i32
    %eq3A_1 = arith.cmpi eq, %arg0, %eq3A : i32
    %convert_element_type3A = arith.extui %eq3A_1 : i1 to i32
    %cond3A = arith.constant 0 : i32
    %cond3A_2 = arith.cmpi ne, %convert_element_type3A, %cond3A : i32
    scf.if %cond3A_2 {
      %mul3A_105 = arith.constant 625 : i32
      %mul3A_106 = arith.muli %arg1, %mul3A_105 : i32
      %mul3A_107 = arith.constant 625 : i32
      %mul3A_108 = arith.muli %arg1, %mul3A_107 : i32
      "tpu.region"() ({
        %run_scoped3A_109 = tpu.sem_alloc : memref<!tpu.dma_semaphore, #tpu.memory_space<semaphore_mem>>
        %dma_start3A_110 = arith.constant 0 : i32
        %dma_start3A_111 = tpu.memref_slice %arg20[%mul3A_108, %dma_start3A_110] : memref<10000x64xf32, #tpu.memory_space<vmem_shared>> -> memref<625x64xf32, #tpu.memory_space<vmem_shared>>
        %dma_start3A_112 = arith.constant 0 : i32
        %dma_start3A_113 = tpu.memref_slice %arg2[%mul3A_106, %dma_start3A_112] : memref<10000x64xf32, #tpu.memory_space<hbm>> -> memref<625x64xf32, #tpu.memory_space<hbm>>
        tpu.enqueue_dma source(%dma_start3A_113 : memref<625x64xf32, #tpu.memory_space<hbm>>) target(%dma_start3A_111 : memref<625x64xf32, #tpu.memory_space<vmem_shared>>) target_semaphore(%run_scoped3A_109 : memref<!tpu.dma_semaphore, #tpu.memory_space<semaphore_mem>>)
        %dma_wait3A_114 = arith.constant 0 : i32
        %dma_wait3A_115 = tpu.memref_slice %arg20[%mul3A_108, %dma_wait3A_114] : memref<10000x64xf32, #tpu.memory_space<vmem_shared>> -> memref<625x64xf32, #tpu.memory_space<vmem_shared>>
        %dma_wait3A_116 = arith.constant 0 : i32
        %dma_wait3A_117 = tpu.memref_slice %arg2[%mul3A_106, %dma_wait3A_116] : memref<10000x64xf32, #tpu.memory_space<hbm>> -> memref<625x64xf32, #tpu.memory_space<hbm>>
        tpu.wait_dma2 semaphore(%run_scoped3A_109 : memref<!tpu.dma_semaphore, #tpu.memory_space<semaphore_mem>>) src(%dma_wait3A_117 : memref<625x64xf32, #tpu.memory_space<hbm>>) dst(%dma_wait3A_115 : memref<625x64xf32, #tpu.memory_space<vmem_shared>>)
        tpu.yield
      }) : () -> ()
    } else {
    }
    %eq3A_3 = arith.constant 1 : i32
    %eq3A_4 = arith.cmpi eq, %arg0, %eq3A_3 : i32
    %convert_element_type3A_5 = arith.extui %eq3A_4 : i1 to i32
    %cond3A_6 = arith.constant 0 : i32
    %cond3A_7 = arith.cmpi ne, %convert_element_type3A_5, %cond3A_6 : i32
    scf.if %cond3A_7 {
      %mul3A_105 = arith.constant 625 : i32
      %mul3A_106 = arith.muli %arg1, %mul3A_105 : i32
      %mul3A_107 = arith.constant 625 : i32
      %mul3A_108 = arith.muli %arg1, %mul3A_107 : i32
      "tpu.region"() ({
        %run_scoped3A_109 = tpu.sem_alloc : memref<!tpu.dma_semaphore, #tpu.memory_space<semaphore_mem>>
        %dma_start3A_110 = arith.constant 0 : i32
        %dma_start3A_111 = tpu.memref_slice %arg20[%mul3A_108, %dma_start3A_110] : memref<10000x64xf32, #tpu.memory_space<vmem_shared>> -> memref<625x64xf32, #tpu.memory_space<vmem_shared>>
        %dma_start3A_112 = arith.constant 0 : i32
        %dma_start3A_113 = tpu.memref_slice %arg3[%mul3A_106, %dma_start3A_112] : memref<10000x64xf32, #tpu.memory_space<hbm>> -> memref<625x64xf32, #tpu.memory_space<hbm>>
        tpu.enqueue_dma source(%dma_start3A_113 : memref<625x64xf32, #tpu.memory_space<hbm>>) target(%dma_start3A_111 : memref<625x64xf32, #tpu.memory_space<vmem_shared>>) target_semaphore(%run_scoped3A_109 : memref<!tpu.dma_semaphore, #tpu.memory_space<semaphore_mem>>)
        %dma_wait3A_114 = arith.constant 0 : i32
        %dma_wait3A_115 = tpu.memref_slice %arg20[%mul3A_108, %dma_wait3A_114] : memref<10000x64xf32, #tpu.memory_space<vmem_shared>> -> memref<625x64xf32, #tpu.memory_space<vmem_shared>>
        %dma_wait3A_116 = arith.constant 0 : i32
        %dma_wait3A_117 = tpu.memref_slice %arg3[%mul3A_106, %dma_wait3A_116] : memref<10000x64xf32, #tpu.memory_space<hbm>> -> memref<625x64xf32, #tpu.memory_space<hbm>>
        tpu.wait_dma2 semaphore(%run_scoped3A_109 : memref<!tpu.dma_semaphore, #tpu.memory_space<semaphore_mem>>) src(%dma_wait3A_117 : memref<625x64xf32, #tpu.memory_space<hbm>>) dst(%dma_wait3A_115 : memref<625x64xf32, #tpu.memory_space<vmem_shared>>)
        tpu.yield
      }) : () -> ()
    } else {
    }
    %run_scoped3A = arith.constant 0 : i32
    "tpu.region"() ({
      %run_scoped3A_105 = tpu.sem_alloc : memref<!tpu.dma_semaphore, #tpu.memory_space<semaphore_mem>>
      %dma_start3A_106 = arith.constant 0 : i32
      %dma_start3A_107 = arith.constant 0 : i32
      %dma_start3A_108 = tpu.memref_slice %arg4[%arg1, %run_scoped3A, %dma_start3A_106, %dma_start3A_107] : memref<16x180x2x120xi32, #tpu.memory_space<hbm>> -> memref<1x1x2x120xi32, #tpu.memory_space<hbm>>
      %dma_start3A_109 = tpu.memref_squeeze %dma_start3A_108 : memref<1x1x2x120xi32, #tpu.memory_space<hbm>> -> memref<2x120xi32, #tpu.memory_space<hbm>>
      %dma_start3A_110 = arith.constant 0 : i32
      %dma_start3A_111 = arith.constant 0 : i32
      %dma_start3A_112 = tpu.memref_slice %arg4[%arg1, %run_scoped3A, %dma_start3A_110, %dma_start3A_111] : memref<16x180x2x120xi32, #tpu.memory_space<hbm>> -> memref<1x1x2x120xi32, #tpu.memory_space<hbm>>
      %dma_start3A_113 = tpu.memref_squeeze %dma_start3A_112 : memref<1x1x2x120xi32, #tpu.memory_space<hbm>> -> memref<2x120xi32, #tpu.memory_space<hbm>>
      tpu.enqueue_dma source(%dma_start3A_113 : memref<2x120xi32, #tpu.memory_space<hbm>>) target(%arg7 : memref<2x120xi32, #tpu.memory_space<vmem>>) target_semaphore(%run_scoped3A_105 : memref<!tpu.dma_semaphore, #tpu.memory_space<semaphore_mem>>)
      %dma_wait3A_114 = arith.constant 0 : i32
      %dma_wait3A_115 = arith.constant 0 : i32
      %dma_wait3A_116 = tpu.memref_slice %arg4[%arg1, %run_scoped3A, %dma_wait3A_114, %dma_wait3A_115] : memref<16x180x2x120xi32, #tpu.memory_space<hbm>> -> memref<1x1x2x120xi32, #tpu.memory_space<hbm>>
      %dma_wait3A_117 = tpu.memref_squeeze %dma_wait3A_116 : memref<1x1x2x120xi32, #tpu.memory_space<hbm>> -> memref<2x120xi32, #tpu.memory_space<hbm>>
      %dma_wait3A_118 = arith.constant 0 : i32
      %dma_wait3A_119 = arith.constant 0 : i32
      %dma_wait3A_120 = tpu.memref_slice %arg4[%arg1, %run_scoped3A, %dma_wait3A_118, %dma_wait3A_119] : memref<16x180x2x120xi32, #tpu.memory_space<hbm>> -> memref<1x1x2x120xi32, #tpu.memory_space<hbm>>
      %dma_wait3A_121 = tpu.memref_squeeze %dma_wait3A_120 : memref<1x1x2x120xi32, #tpu.memory_space<hbm>> -> memref<2x120xi32, #tpu.memory_space<hbm>>
      tpu.wait_dma2 semaphore(%run_scoped3A_105 : memref<!tpu.dma_semaphore, #tpu.memory_space<semaphore_mem>>) src(%dma_wait3A_121 : memref<2x120xi32, #tpu.memory_space<hbm>>) dst(%arg7 : memref<2x120xi32, #tpu.memory_space<vmem>>)
      tpu.yield
    }) : () -> ()
    %run_scoped3A_8 = arith.constant 1 : i32
    "tpu.region"() ({
      %run_scoped3A_105 = tpu.sem_alloc : memref<!tpu.dma_semaphore, #tpu.memory_space<semaphore_mem>>
      %dma_start3A_106 = arith.constant 0 : i32
      %dma_start3A_107 = arith.constant 0 : i32
      %dma_start3A_108 = tpu.memref_slice %arg4[%arg1, %run_scoped3A_8, %dma_start3A_106, %dma_start3A_107] : memref<16x180x2x120xi32, #tpu.memory_space<hbm>> -> memref<1x1x2x120xi32, #tpu.memory_space<hbm>>
      %dma_start3A_109 = tpu.memref_squeeze %dma_start3A_108 : memref<1x1x2x120xi32, #tpu.memory_space<hbm>> -> memref<2x120xi32, #tpu.memory_space<hbm>>
      %dma_start3A_110 = arith.constant 0 : i32
      %dma_start3A_111 = arith.constant 0 : i32
      %dma_start3A_112 = tpu.memref_slice %arg4[%arg1, %run_scoped3A_8, %dma_start3A_110, %dma_start3A_111] : memref<16x180x2x120xi32, #tpu.memory_space<hbm>> -> memref<1x1x2x120xi32, #tpu.memory_space<hbm>>
      %dma_start3A_113 = tpu.memref_squeeze %dma_start3A_112 : memref<1x1x2x120xi32, #tpu.memory_space<hbm>> -> memref<2x120xi32, #tpu.memory_space<hbm>>
      tpu.enqueue_dma source(%dma_start3A_113 : memref<2x120xi32, #tpu.memory_space<hbm>>) target(%arg8 : memref<2x120xi32, #tpu.memory_space<vmem>>) target_semaphore(%run_scoped3A_105 : memref<!tpu.dma_semaphore, #tpu.memory_space<semaphore_mem>>)
      %dma_wait3A_114 = arith.constant 0 : i32
      %dma_wait3A_115 = arith.constant 0 : i32
      %dma_wait3A_116 = tpu.memref_slice %arg4[%arg1, %run_scoped3A_8, %dma_wait3A_114, %dma_wait3A_115] : memref<16x180x2x120xi32, #tpu.memory_space<hbm>> -> memref<1x1x2x120xi32, #tpu.memory_space<hbm>>
      %dma_wait3A_117 = tpu.memref_squeeze %dma_wait3A_116 : memref<1x1x2x120xi32, #tpu.memory_space<hbm>> -> memref<2x120xi32, #tpu.memory_space<hbm>>
      %dma_wait3A_118 = arith.constant 0 : i32
      %dma_wait3A_119 = arith.constant 0 : i32
      %dma_wait3A_120 = tpu.memref_slice %arg4[%arg1, %run_scoped3A_8, %dma_wait3A_118, %dma_wait3A_119] : memref<16x180x2x120xi32, #tpu.memory_space<hbm>> -> memref<1x1x2x120xi32, #tpu.memory_space<hbm>>
      %dma_wait3A_121 = tpu.memref_squeeze %dma_wait3A_120 : memref<1x1x2x120xi32, #tpu.memory_space<hbm>> -> memref<2x120xi32, #tpu.memory_space<hbm>>
      tpu.wait_dma2 semaphore(%run_scoped3A_105 : memref<!tpu.dma_semaphore, #tpu.memory_space<semaphore_mem>>) src(%dma_wait3A_121 : memref<2x120xi32, #tpu.memory_space<hbm>>) dst(%arg8 : memref<2x120xi32, #tpu.memory_space<vmem>>)
      tpu.yield
    }) : () -> ()
    %run_scoped3A_9 = arith.constant 2 : i32
    "tpu.region"() ({
      %run_scoped3A_105 = tpu.sem_alloc : memref<!tpu.dma_semaphore, #tpu.memory_space<semaphore_mem>>
      %dma_start3A_106 = arith.constant 0 : i32
      %dma_start3A_107 = arith.constant 0 : i32
      %dma_start3A_108 = tpu.memref_slice %arg4[%arg1, %run_scoped3A_9, %dma_start3A_106, %dma_start3A_107] : memref<16x180x2x120xi32, #tpu.memory_space<hbm>> -> memref<1x1x2x120xi32, #tpu.memory_space<hbm>>
      %dma_start3A_109 = tpu.memref_squeeze %dma_start3A_108 : memref<1x1x2x120xi32, #tpu.memory_space<hbm>> -> memref<2x120xi32, #tpu.memory_space<hbm>>
      %dma_start3A_110 = arith.constant 0 : i32
      %dma_start3A_111 = arith.constant 0 : i32
      %dma_start3A_112 = tpu.memref_slice %arg4[%arg1, %run_scoped3A_9, %dma_start3A_110, %dma_start3A_111] : memref<16x180x2x120xi32, #tpu.memory_space<hbm>> -> memref<1x1x2x120xi32, #tpu.memory_space<hbm>>
      %dma_start3A_113 = tpu.memref_squeeze %dma_start3A_112 : memref<1x1x2x120xi32, #tpu.memory_space<hbm>> -> memref<2x120xi32, #tpu.memory_space<hbm>>
      tpu.enqueue_dma source(%dma_start3A_113 : memref<2x120xi32, #tpu.memory_space<hbm>>) target(%arg9 : memref<2x120xi32, #tpu.memory_space<vmem>>) target_semaphore(%run_scoped3A_105 : memref<!tpu.dma_semaphore, #tpu.memory_space<semaphore_mem>>)
      %dma_wait3A_114 = arith.constant 0 : i32
      %dma_wait3A_115 = arith.constant 0 : i32
      %dma_wait3A_116 = tpu.memref_slice %arg4[%arg1, %run_scoped3A_9, %dma_wait3A_114, %dma_wait3A_115] : memref<16x180x2x120xi32, #tpu.memory_space<hbm>> -> memref<1x1x2x120xi32, #tpu.memory_space<hbm>>
      %dma_wait3A_117 = tpu.memref_squeeze %dma_wait3A_116 : memref<1x1x2x120xi32, #tpu.memory_space<hbm>> -> memref<2x120xi32, #tpu.memory_space<hbm>>
      %dma_wait3A_118 = arith.constant 0 : i32
      %dma_wait3A_119 = arith.constant 0 : i32
      %dma_wait3A_120 = tpu.memref_slice %arg4[%arg1, %run_scoped3A_9, %dma_wait3A_118, %dma_wait3A_119] : memref<16x180x2x120xi32, #tpu.memory_space<hbm>> -> memref<1x1x2x120xi32, #tpu.memory_space<hbm>>
      %dma_wait3A_121 = tpu.memref_squeeze %dma_wait3A_120 : memref<1x1x2x120xi32, #tpu.memory_space<hbm>> -> memref<2x120xi32, #tpu.memory_space<hbm>>
      tpu.wait_dma2 semaphore(%run_scoped3A_105 : memref<!tpu.dma_semaphore, #tpu.memory_space<semaphore_mem>>) src(%dma_wait3A_121 : memref<2x120xi32, #tpu.memory_space<hbm>>) dst(%arg9 : memref<2x120xi32, #tpu.memory_space<vmem>>)
      tpu.yield
    }) : () -> ()
    %run_scoped3A_10 = arith.constant 3 : i32
    "tpu.region"() ({
      %run_scoped3A_105 = tpu.sem_alloc : memref<!tpu.dma_semaphore, #tpu.memory_space<semaphore_mem>>
      %dma_start3A_106 = arith.constant 0 : i32
      %dma_start3A_107 = arith.constant 0 : i32
      %dma_start3A_108 = tpu.memref_slice %arg4[%arg1, %run_scoped3A_10, %dma_start3A_106, %dma_start3A_107] : memref<16x180x2x120xi32, #tpu.memory_space<hbm>> -> memref<1x1x2x120xi32, #tpu.memory_space<hbm>>
      %dma_start3A_109 = tpu.memref_squeeze %dma_start3A_108 : memref<1x1x2x120xi32, #tpu.memory_space<hbm>> -> memref<2x120xi32, #tpu.memory_space<hbm>>
      %dma_start3A_110 = arith.constant 0 : i32
      %dma_start3A_111 = arith.constant 0 : i32
      %dma_start3A_112 = tpu.memref_slice %arg4[%arg1, %run_scoped3A_10, %dma_start3A_110, %dma_start3A_111] : memref<16x180x2x120xi32, #tpu.memory_space<hbm>> -> memref<1x1x2x120xi32, #tpu.memory_space<hbm>>
      %dma_start3A_113 = tpu.memref_squeeze %dma_start3A_112 : memref<1x1x2x120xi32, #tpu.memory_space<hbm>> -> memref<2x120xi32, #tpu.memory_space<hbm>>
      tpu.enqueue_dma source(%dma_start3A_113 : memref<2x120xi32, #tpu.memory_space<hbm>>) target(%arg10 : memref<2x120xi32, #tpu.memory_space<vmem>>) target_semaphore(%run_scoped3A_105 : memref<!tpu.dma_semaphore, #tpu.memory_space<semaphore_mem>>)
      %dma_wait3A_114 = arith.constant 0 : i32
      %dma_wait3A_115 = arith.constant 0 : i32
      %dma_wait3A_116 = tpu.memref_slice %arg4[%arg1, %run_scoped3A_10, %dma_wait3A_114, %dma_wait3A_115] : memref<16x180x2x120xi32, #tpu.memory_space<hbm>> -> memref<1x1x2x120xi32, #tpu.memory_space<hbm>>
      %dma_wait3A_117 = tpu.memref_squeeze %dma_wait3A_116 : memref<1x1x2x120xi32, #tpu.memory_space<hbm>> -> memref<2x120xi32, #tpu.memory_space<hbm>>
      %dma_wait3A_118 = arith.constant 0 : i32
      %dma_wait3A_119 = arith.constant 0 : i32
      %dma_wait3A_120 = tpu.memref_slice %arg4[%arg1, %run_scoped3A_10, %dma_wait3A_118, %dma_wait3A_119] : memref<16x180x2x120xi32, #tpu.memory_space<hbm>> -> memref<1x1x2x120xi32, #tpu.memory_space<hbm>>
      %dma_wait3A_121 = tpu.memref_squeeze %dma_wait3A_120 : memref<1x1x2x120xi32, #tpu.memory_space<hbm>> -> memref<2x120xi32, #tpu.memory_space<hbm>>
      tpu.wait_dma2 semaphore(%run_scoped3A_105 : memref<!tpu.dma_semaphore, #tpu.memory_space<semaphore_mem>>) src(%dma_wait3A_121 : memref<2x120xi32, #tpu.memory_space<hbm>>) dst(%arg10 : memref<2x120xi32, #tpu.memory_space<vmem>>)
      tpu.yield
    }) : () -> ()
    %run_scoped3A_11 = arith.constant 4 : i32
    "tpu.region"() ({
      %run_scoped3A_105 = tpu.sem_alloc : memref<!tpu.dma_semaphore, #tpu.memory_space<semaphore_mem>>
      %dma_start3A_106 = arith.constant 0 : i32
      %dma_start3A_107 = arith.constant 0 : i32
      %dma_start3A_108 = tpu.memref_slice %arg4[%arg1, %run_scoped3A_11, %dma_start3A_106, %dma_start3A_107] : memref<16x180x2x120xi32, #tpu.memory_space<hbm>> -> memref<1x1x2x120xi32, #tpu.memory_space<hbm>>
      %dma_start3A_109 = tpu.memref_squeeze %dma_start3A_108 : memref<1x1x2x120xi32, #tpu.memory_space<hbm>> -> memref<2x120xi32, #tpu.memory_space<hbm>>
      %dma_start3A_110 = arith.constant 0 : i32
      %dma_start3A_111 = arith.constant 0 : i32
      %dma_start3A_112 = tpu.memref_slice %arg4[%arg1, %run_scoped3A_11, %dma_start3A_110, %dma_start3A_111] : memref<16x180x2x120xi32, #tpu.memory_space<hbm>> -> memref<1x1x2x120xi32, #tpu.memory_space<hbm>>
      %dma_start3A_113 = tpu.memref_squeeze %dma_start3A_112 : memref<1x1x2x120xi32, #tpu.memory_space<hbm>> -> memref<2x120xi32, #tpu.memory_space<hbm>>
      tpu.enqueue_dma source(%dma_start3A_113 : memref<2x120xi32, #tpu.memory_space<hbm>>) target(%arg11 : memref<2x120xi32, #tpu.memory_space<vmem>>) target_semaphore(%run_scoped3A_105 : memref<!tpu.dma_semaphore, #tpu.memory_space<semaphore_mem>>)
      %dma_wait3A_114 = arith.constant 0 : i32
      %dma_wait3A_115 = arith.constant 0 : i32
      %dma_wait3A_116 = tpu.memref_slice %arg4[%arg1, %run_scoped3A_11, %dma_wait3A_114, %dma_wait3A_115] : memref<16x180x2x120xi32, #tpu.memory_space<hbm>> -> memref<1x1x2x120xi32, #tpu.memory_space<hbm>>
      %dma_wait3A_117 = tpu.memref_squeeze %dma_wait3A_116 : memref<1x1x2x120xi32, #tpu.memory_space<hbm>> -> memref<2x120xi32, #tpu.memory_space<hbm>>
      %dma_wait3A_118 = arith.constant 0 : i32
      %dma_wait3A_119 = arith.constant 0 : i32
      %dma_wait3A_120 = tpu.memref_slice %arg4[%arg1, %run_scoped3A_11, %dma_wait3A_118, %dma_wait3A_119] : memref<16x180x2x120xi32, #tpu.memory_space<hbm>> -> memref<1x1x2x120xi32, #tpu.memory_space<hbm>>
      %dma_wait3A_121 = tpu.memref_squeeze %dma_wait3A_120 : memref<1x1x2x120xi32, #tpu.memory_space<hbm>> -> memref<2x120xi32, #tpu.memory_space<hbm>>
      tpu.wait_dma2 semaphore(%run_scoped3A_105 : memref<!tpu.dma_semaphore, #tpu.memory_space<semaphore_mem>>) src(%dma_wait3A_121 : memref<2x120xi32, #tpu.memory_space<hbm>>) dst(%arg11 : memref<2x120xi32, #tpu.memory_space<vmem>>)
      tpu.yield
    }) : () -> ()
    %run_scoped3A_12 = arith.constant 5 : i32
    "tpu.region"() ({
      %run_scoped3A_105 = tpu.sem_alloc : memref<!tpu.dma_semaphore, #tpu.memory_space<semaphore_mem>>
      %dma_start3A_106 = arith.constant 0 : i32
      %dma_start3A_107 = arith.constant 0 : i32
      %dma_start3A_108 = tpu.memref_slice %arg4[%arg1, %run_scoped3A_12, %dma_start3A_106, %dma_start3A_107] : memref<16x180x2x120xi32, #tpu.memory_space<hbm>> -> memref<1x1x2x120xi32, #tpu.memory_space<hbm>>
      %dma_start3A_109 = tpu.memref_squeeze %dma_start3A_108 : memref<1x1x2x120xi32, #tpu.memory_space<hbm>> -> memref<2x120xi32, #tpu.memory_space<hbm>>
      %dma_start3A_110 = arith.constant 0 : i32
      %dma_start3A_111 = arith.constant 0 : i32
      %dma_start3A_112 = tpu.memref_slice %arg4[%arg1, %run_scoped3A_12, %dma_start3A_110, %dma_start3A_111] : memref<16x180x2x120xi32, #tpu.memory_space<hbm>> -> memref<1x1x2x120xi32, #tpu.memory_space<hbm>>
      %dma_start3A_113 = tpu.memref_squeeze %dma_start3A_112 : memref<1x1x2x120xi32, #tpu.memory_space<hbm>> -> memref<2x120xi32, #tpu.memory_space<hbm>>
      tpu.enqueue_dma source(%dma_start3A_113 : memref<2x120xi32, #tpu.memory_space<hbm>>) target(%arg12 : memref<2x120xi32, #tpu.memory_space<vmem>>) target_semaphore(%run_scoped3A_105 : memref<!tpu.dma_semaphore, #tpu.memory_space<semaphore_mem>>)
      %dma_wait3A_114 = arith.constant 0 : i32
      %dma_wait3A_115 = arith.constant 0 : i32
      %dma_wait3A_116 = tpu.memref_slice %arg4[%arg1, %run_scoped3A_12, %dma_wait3A_114, %dma_wait3A_115] : memref<16x180x2x120xi32, #tpu.memory_space<hbm>> -> memref<1x1x2x120xi32, #tpu.memory_space<hbm>>
      %dma_wait3A_117 = tpu.memref_squeeze %dma_wait3A_116 : memref<1x1x2x120xi32, #tpu.memory_space<hbm>> -> memref<2x120xi32, #tpu.memory_space<hbm>>
      %dma_wait3A_118 = arith.constant 0 : i32
      %dma_wait3A_119 = arith.constant 0 : i32
      %dma_wait3A_120 = tpu.memref_slice %arg4[%arg1, %run_scoped3A_12, %dma_wait3A_118, %dma_wait3A_119] : memref<16x180x2x120xi32, #tpu.memory_space<hbm>> -> memref<1x1x2x120xi32, #tpu.memory_space<hbm>>
      %dma_wait3A_121 = tpu.memref_squeeze %dma_wait3A_120 : memref<1x1x2x120xi32, #tpu.memory_space<hbm>> -> memref<2x120xi32, #tpu.memory_space<hbm>>
      tpu.wait_dma2 semaphore(%run_scoped3A_105 : memref<!tpu.dma_semaphore, #tpu.memory_space<semaphore_mem>>) src(%dma_wait3A_121 : memref<2x120xi32, #tpu.memory_space<hbm>>) dst(%arg12 : memref<2x120xi32, #tpu.memory_space<vmem>>)
      tpu.yield
    }) : () -> ()
    %barrier3A = arith.constant 0 : index
    tpu.barrier barrier_id(%barrier3A)
    %dma_start3A = arith.constant 0 : i32
    %dma_start3A_13 = arith.constant 0 : i32
    %dma_start3A_14 = tpu.memref_slice %arg7[%dma_start3A, %dma_start3A_13] : memref<2x120xi32, #tpu.memory_space<vmem>> -> memref<1x120xi32, #tpu.memory_space<vmem>>
    %dma_start3A_15 = tpu.memref_squeeze %dma_start3A_14 : memref<1x120xi32, #tpu.memory_space<vmem>> -> memref<120xi32, #tpu.memory_space<vmem>>
    %dma_start3A_16 = arith.constant 0 : i32
    %dma_start3A_17 = arith.constant 0 : i32
    %dma_start3A_18 = tpu.memref_slice %arg20[%dma_start3A_16, %dma_start3A_17] : memref<10000x64xf32, #tpu.memory_space<vmem_shared>> -> memref<10000x64xf32, #tpu.memory_space<vmem_shared>>
    tpu.enqueue_indirect_dma source(%dma_start3A_18 : memref<10000x64xf32, #tpu.memory_space<vmem_shared>>) target(%arg13 : memref<120x64xf32, #tpu.memory_space<vmem>>) offsets(%dma_start3A_15 : memref<120xi32, #tpu.memory_space<vmem>>) semaphore(%arg21 : memref<!tpu.dma_semaphore, #tpu.memory_space<semaphore_mem>>)
    %dma_start3A_19 = arith.constant 0 : i32
    %dma_start3A_20 = arith.constant 0 : i32
    %dma_start3A_21 = tpu.memref_slice %arg8[%dma_start3A_19, %dma_start3A_20] : memref<2x120xi32, #tpu.memory_space<vmem>> -> memref<1x120xi32, #tpu.memory_space<vmem>>
    %dma_start3A_22 = tpu.memref_squeeze %dma_start3A_21 : memref<1x120xi32, #tpu.memory_space<vmem>> -> memref<120xi32, #tpu.memory_space<vmem>>
    %dma_start3A_23 = arith.constant 0 : i32
    %dma_start3A_24 = arith.constant 0 : i32
    %dma_start3A_25 = tpu.memref_slice %arg20[%dma_start3A_23, %dma_start3A_24] : memref<10000x64xf32, #tpu.memory_space<vmem_shared>> -> memref<10000x64xf32, #tpu.memory_space<vmem_shared>>
    tpu.enqueue_indirect_dma source(%dma_start3A_25 : memref<10000x64xf32, #tpu.memory_space<vmem_shared>>) target(%arg14 : memref<120x64xf32, #tpu.memory_space<vmem>>) offsets(%dma_start3A_22 : memref<120xi32, #tpu.memory_space<vmem>>) semaphore(%arg22 : memref<!tpu.dma_semaphore, #tpu.memory_space<semaphore_mem>>)
    %dma_start3A_26 = arith.constant 0 : i32
    %dma_start3A_27 = arith.constant 0 : i32
    %dma_start3A_28 = tpu.memref_slice %arg9[%dma_start3A_26, %dma_start3A_27] : memref<2x120xi32, #tpu.memory_space<vmem>> -> memref<1x120xi32, #tpu.memory_space<vmem>>
    %dma_start3A_29 = tpu.memref_squeeze %dma_start3A_28 : memref<1x120xi32, #tpu.memory_space<vmem>> -> memref<120xi32, #tpu.memory_space<vmem>>
    %dma_start3A_30 = arith.constant 0 : i32
    %dma_start3A_31 = arith.constant 0 : i32
    %dma_start3A_32 = tpu.memref_slice %arg20[%dma_start3A_30, %dma_start3A_31] : memref<10000x64xf32, #tpu.memory_space<vmem_shared>> -> memref<10000x64xf32, #tpu.memory_space<vmem_shared>>
    tpu.enqueue_indirect_dma source(%dma_start3A_32 : memref<10000x64xf32, #tpu.memory_space<vmem_shared>>) target(%arg15 : memref<120x64xf32, #tpu.memory_space<vmem>>) offsets(%dma_start3A_29 : memref<120xi32, #tpu.memory_space<vmem>>) semaphore(%arg23 : memref<!tpu.dma_semaphore, #tpu.memory_space<semaphore_mem>>)
    %dma_start3A_33 = arith.constant 0 : i32
    %dma_start3A_34 = arith.constant 0 : i32
    %dma_start3A_35 = tpu.memref_slice %arg10[%dma_start3A_33, %dma_start3A_34] : memref<2x120xi32, #tpu.memory_space<vmem>> -> memref<1x120xi32, #tpu.memory_space<vmem>>
    %dma_start3A_36 = tpu.memref_squeeze %dma_start3A_35 : memref<1x120xi32, #tpu.memory_space<vmem>> -> memref<120xi32, #tpu.memory_space<vmem>>
    %dma_start3A_37 = arith.constant 0 : i32
    %dma_start3A_38 = arith.constant 0 : i32
    %dma_start3A_39 = tpu.memref_slice %arg20[%dma_start3A_37, %dma_start3A_38] : memref<10000x64xf32, #tpu.memory_space<vmem_shared>> -> memref<10000x64xf32, #tpu.memory_space<vmem_shared>>
    tpu.enqueue_indirect_dma source(%dma_start3A_39 : memref<10000x64xf32, #tpu.memory_space<vmem_shared>>) target(%arg16 : memref<120x64xf32, #tpu.memory_space<vmem>>) offsets(%dma_start3A_36 : memref<120xi32, #tpu.memory_space<vmem>>) semaphore(%arg24 : memref<!tpu.dma_semaphore, #tpu.memory_space<semaphore_mem>>)
    %dma_start3A_40 = arith.constant 0 : i32
    %dma_start3A_41 = arith.constant 0 : i32
    %dma_start3A_42 = tpu.memref_slice %arg11[%dma_start3A_40, %dma_start3A_41] : memref<2x120xi32, #tpu.memory_space<vmem>> -> memref<1x120xi32, #tpu.memory_space<vmem>>
    %dma_start3A_43 = tpu.memref_squeeze %dma_start3A_42 : memref<1x120xi32, #tpu.memory_space<vmem>> -> memref<120xi32, #tpu.memory_space<vmem>>
    %dma_start3A_44 = arith.constant 0 : i32
    %dma_start3A_45 = arith.constant 0 : i32
    %dma_start3A_46 = tpu.memref_slice %arg20[%dma_start3A_44, %dma_start3A_45] : memref<10000x64xf32, #tpu.memory_space<vmem_shared>> -> memref<10000x64xf32, #tpu.memory_space<vmem_shared>>
    tpu.enqueue_indirect_dma source(%dma_start3A_46 : memref<10000x64xf32, #tpu.memory_space<vmem_shared>>) target(%arg17 : memref<120x64xf32, #tpu.memory_space<vmem>>) offsets(%dma_start3A_43 : memref<120xi32, #tpu.memory_space<vmem>>) semaphore(%arg25 : memref<!tpu.dma_semaphore, #tpu.memory_space<semaphore_mem>>)
    %dma_start3A_47 = arith.constant 0 : i32
    %dma_start3A_48 = arith.constant 0 : i32
    %dma_start3A_49 = tpu.memref_slice %arg12[%dma_start3A_47, %dma_start3A_48] : memref<2x120xi32, #tpu.memory_space<vmem>> -> memref<1x120xi32, #tpu.memory_space<vmem>>
    %dma_start3A_50 = tpu.memref_squeeze %dma_start3A_49 : memref<1x120xi32, #tpu.memory_space<vmem>> -> memref<120xi32, #tpu.memory_space<vmem>>
    %dma_start3A_51 = arith.constant 0 : i32
    %dma_start3A_52 = arith.constant 0 : i32
    %dma_start3A_53 = tpu.memref_slice %arg20[%dma_start3A_51, %dma_start3A_52] : memref<10000x64xf32, #tpu.memory_space<vmem_shared>> -> memref<10000x64xf32, #tpu.memory_space<vmem_shared>>
    tpu.enqueue_indirect_dma source(%dma_start3A_53 : memref<10000x64xf32, #tpu.memory_space<vmem_shared>>) target(%arg18 : memref<120x64xf32, #tpu.memory_space<vmem>>) offsets(%dma_start3A_50 : memref<120xi32, #tpu.memory_space<vmem>>) semaphore(%arg26 : memref<!tpu.dma_semaphore, #tpu.memory_space<semaphore_mem>>)
    %scan3A = arith.constant 0 : i32
    %scan3A_54 = arith.constant 0 : i32
    %scan3A_55 = arith.constant 29 : i32
    %scan3A_56 = arith.addi %scan3A_54, %scan3A_55 : i32
    %scan3A_57 = arith.constant 1 : i32
    scf.for %scan3A_105 = %scan3A_54 to %scan3A_56 step %scan3A_57  : i32 {
      %mul3A_106 = arith.constant 6 : i32
      %mul3A_107 = arith.muli %mul3A_106, %scan3A_105 : i32
      %dma_wait3A_108 = arith.constant 0 : i32
      %dma_wait3A_109 = arith.constant 0 : i32
      %dma_wait3A_110 = tpu.memref_slice %arg7[%dma_wait3A_108, %dma_wait3A_109] : memref<2x120xi32, #tpu.memory_space<vmem>> -> memref<1x120xi32, #tpu.memory_space<vmem>>
      %dma_wait3A_111 = tpu.memref_squeeze %dma_wait3A_110 : memref<1x120xi32, #tpu.memory_space<vmem>> -> memref<120xi32, #tpu.memory_space<vmem>>
      %dma_wait3A_112 = arith.constant 0 : i32
      %dma_wait3A_113 = arith.constant 0 : i32
      %dma_wait3A_114 = tpu.memref_slice %arg20[%dma_wait3A_112, %dma_wait3A_113] : memref<10000x64xf32, #tpu.memory_space<vmem_shared>> -> memref<10000x64xf32, #tpu.memory_space<vmem_shared>>
      tpu.wait_indirect_dma semaphore(%arg21 : memref<!tpu.dma_semaphore, #tpu.memory_space<semaphore_mem>>) src(%dma_wait3A_114 : memref<10000x64xf32, #tpu.memory_space<vmem_shared>>) dst(%arg13 : memref<120x64xf32, #tpu.memory_space<vmem>>)
      %dma_start3A_115 = arith.constant 1 : i32
      %dma_start3A_116 = arith.constant 0 : i32
      %dma_start3A_117 = tpu.memref_slice %arg7[%dma_start3A_115, %dma_start3A_116] : memref<2x120xi32, #tpu.memory_space<vmem>> -> memref<1x120xi32, #tpu.memory_space<vmem>>
      %dma_start3A_118 = tpu.memref_squeeze %dma_start3A_117 : memref<1x120xi32, #tpu.memory_space<vmem>> -> memref<120xi32, #tpu.memory_space<vmem>>
      %dma_start3A_119 = arith.constant 0 : i32
      %dma_start3A_120 = arith.constant 0 : i32
      %dma_start3A_121 = tpu.memref_slice %arg19[%dma_start3A_119, %dma_start3A_120] : memref<10240x64xf32, #tpu.memory_space<vmem_shared>> -> memref<10240x64xf32, #tpu.memory_space<vmem_shared>>
      tpu.enqueue_indirect_dma source(%arg13 : memref<120x64xf32, #tpu.memory_space<vmem>>) target(%dma_start3A_121 : memref<10240x64xf32, #tpu.memory_space<vmem_shared>>) offsets(%dma_start3A_118 : memref<120xi32, #tpu.memory_space<vmem>>) semaphore(%arg27 : memref<!tpu.dma_semaphore, #tpu.memory_space<semaphore_mem>>) {add = true}
      %dma_wait3A_122 = arith.constant 0 : i32
      %dma_wait3A_123 = arith.constant 0 : i32
      %dma_wait3A_124 = tpu.memref_slice %arg8[%dma_wait3A_122, %dma_wait3A_123] : memref<2x120xi32, #tpu.memory_space<vmem>> -> memref<1x120xi32, #tpu.memory_space<vmem>>
      %dma_wait3A_125 = tpu.memref_squeeze %dma_wait3A_124 : memref<1x120xi32, #tpu.memory_space<vmem>> -> memref<120xi32, #tpu.memory_space<vmem>>
      %dma_wait3A_126 = arith.constant 0 : i32
      %dma_wait3A_127 = arith.constant 0 : i32
      %dma_wait3A_128 = tpu.memref_slice %arg20[%dma_wait3A_126, %dma_wait3A_127] : memref<10000x64xf32, #tpu.memory_space<vmem_shared>> -> memref<10000x64xf32, #tpu.memory_space<vmem_shared>>
      tpu.wait_indirect_dma semaphore(%arg22 : memref<!tpu.dma_semaphore, #tpu.memory_space<semaphore_mem>>) src(%dma_wait3A_128 : memref<10000x64xf32, #tpu.memory_space<vmem_shared>>) dst(%arg14 : memref<120x64xf32, #tpu.memory_space<vmem>>)
      %dma_start3A_129 = arith.constant 1 : i32
      %dma_start3A_130 = arith.constant 0 : i32
      %dma_start3A_131 = tpu.memref_slice %arg8[%dma_start3A_129, %dma_start3A_130] : memref<2x120xi32, #tpu.memory_space<vmem>> -> memref<1x120xi32, #tpu.memory_space<vmem>>
      %dma_start3A_132 = tpu.memref_squeeze %dma_start3A_131 : memref<1x120xi32, #tpu.memory_space<vmem>> -> memref<120xi32, #tpu.memory_space<vmem>>
      %dma_start3A_133 = arith.constant 0 : i32
      %dma_start3A_134 = arith.constant 0 : i32
      %dma_start3A_135 = tpu.memref_slice %arg19[%dma_start3A_133, %dma_start3A_134] : memref<10240x64xf32, #tpu.memory_space<vmem_shared>> -> memref<10240x64xf32, #tpu.memory_space<vmem_shared>>
      tpu.enqueue_indirect_dma source(%arg14 : memref<120x64xf32, #tpu.memory_space<vmem>>) target(%dma_start3A_135 : memref<10240x64xf32, #tpu.memory_space<vmem_shared>>) offsets(%dma_start3A_132 : memref<120xi32, #tpu.memory_space<vmem>>) semaphore(%arg28 : memref<!tpu.dma_semaphore, #tpu.memory_space<semaphore_mem>>) {add = true}
      %dma_wait3A_136 = arith.constant 0 : i32
      %dma_wait3A_137 = arith.constant 0 : i32
      %dma_wait3A_138 = tpu.memref_slice %arg9[%dma_wait3A_136, %dma_wait3A_137] : memref<2x120xi32, #tpu.memory_space<vmem>> -> memref<1x120xi32, #tpu.memory_space<vmem>>
      %dma_wait3A_139 = tpu.memref_squeeze %dma_wait3A_138 : memref<1x120xi32, #tpu.memory_space<vmem>> -> memref<120xi32, #tpu.memory_space<vmem>>
      %dma_wait3A_140 = arith.constant 0 : i32
      %dma_wait3A_141 = arith.constant 0 : i32
      %dma_wait3A_142 = tpu.memref_slice %arg20[%dma_wait3A_140, %dma_wait3A_141] : memref<10000x64xf32, #tpu.memory_space<vmem_shared>> -> memref<10000x64xf32, #tpu.memory_space<vmem_shared>>
      tpu.wait_indirect_dma semaphore(%arg23 : memref<!tpu.dma_semaphore, #tpu.memory_space<semaphore_mem>>) src(%dma_wait3A_142 : memref<10000x64xf32, #tpu.memory_space<vmem_shared>>) dst(%arg15 : memref<120x64xf32, #tpu.memory_space<vmem>>)
      %dma_start3A_143 = arith.constant 1 : i32
      %dma_start3A_144 = arith.constant 0 : i32
      %dma_start3A_145 = tpu.memref_slice %arg9[%dma_start3A_143, %dma_start3A_144] : memref<2x120xi32, #tpu.memory_space<vmem>> -> memref<1x120xi32, #tpu.memory_space<vmem>>
      %dma_start3A_146 = tpu.memref_squeeze %dma_start3A_145 : memref<1x120xi32, #tpu.memory_space<vmem>> -> memref<120xi32, #tpu.memory_space<vmem>>
      %dma_start3A_147 = arith.constant 0 : i32
      %dma_start3A_148 = arith.constant 0 : i32
      %dma_start3A_149 = tpu.memref_slice %arg19[%dma_start3A_147, %dma_start3A_148] : memref<10240x64xf32, #tpu.memory_space<vmem_shared>> -> memref<10240x64xf32, #tpu.memory_space<vmem_shared>>
      tpu.enqueue_indirect_dma source(%arg15 : memref<120x64xf32, #tpu.memory_space<vmem>>) target(%dma_start3A_149 : memref<10240x64xf32, #tpu.memory_space<vmem_shared>>) offsets(%dma_start3A_146 : memref<120xi32, #tpu.memory_space<vmem>>) semaphore(%arg29 : memref<!tpu.dma_semaphore, #tpu.memory_space<semaphore_mem>>) {add = true}
      %dma_wait3A_150 = arith.constant 0 : i32
      %dma_wait3A_151 = arith.constant 0 : i32
      %dma_wait3A_152 = tpu.memref_slice %arg10[%dma_wait3A_150, %dma_wait3A_151] : memref<2x120xi32, #tpu.memory_space<vmem>> -> memref<1x120xi32, #tpu.memory_space<vmem>>
      %dma_wait3A_153 = tpu.memref_squeeze %dma_wait3A_152 : memref<1x120xi32, #tpu.memory_space<vmem>> -> memref<120xi32, #tpu.memory_space<vmem>>
      %dma_wait3A_154 = arith.constant 0 : i32
      %dma_wait3A_155 = arith.constant 0 : i32
      %dma_wait3A_156 = tpu.memref_slice %arg20[%dma_wait3A_154, %dma_wait3A_155] : memref<10000x64xf32, #tpu.memory_space<vmem_shared>> -> memref<10000x64xf32, #tpu.memory_space<vmem_shared>>
      tpu.wait_indirect_dma semaphore(%arg24 : memref<!tpu.dma_semaphore, #tpu.memory_space<semaphore_mem>>) src(%dma_wait3A_156 : memref<10000x64xf32, #tpu.memory_space<vmem_shared>>) dst(%arg16 : memref<120x64xf32, #tpu.memory_space<vmem>>)
      %dma_start3A_157 = arith.constant 1 : i32
      %dma_start3A_158 = arith.constant 0 : i32
      %dma_start3A_159 = tpu.memref_slice %arg10[%dma_start3A_157, %dma_start3A_158] : memref<2x120xi32, #tpu.memory_space<vmem>> -> memref<1x120xi32, #tpu.memory_space<vmem>>
      %dma_start3A_160 = tpu.memref_squeeze %dma_start3A_159 : memref<1x120xi32, #tpu.memory_space<vmem>> -> memref<120xi32, #tpu.memory_space<vmem>>
      %dma_start3A_161 = arith.constant 0 : i32
      %dma_start3A_162 = arith.constant 0 : i32
      %dma_start3A_163 = tpu.memref_slice %arg19[%dma_start3A_161, %dma_start3A_162] : memref<10240x64xf32, #tpu.memory_space<vmem_shared>> -> memref<10240x64xf32, #tpu.memory_space<vmem_shared>>
      tpu.enqueue_indirect_dma source(%arg16 : memref<120x64xf32, #tpu.memory_space<vmem>>) target(%dma_start3A_163 : memref<10240x64xf32, #tpu.memory_space<vmem_shared>>) offsets(%dma_start3A_160 : memref<120xi32, #tpu.memory_space<vmem>>) semaphore(%arg30 : memref<!tpu.dma_semaphore, #tpu.memory_space<semaphore_mem>>) {add = true}
      %dma_wait3A_164 = arith.constant 0 : i32
      %dma_wait3A_165 = arith.constant 0 : i32
      %dma_wait3A_166 = tpu.memref_slice %arg11[%dma_wait3A_164, %dma_wait3A_165] : memref<2x120xi32, #tpu.memory_space<vmem>> -> memref<1x120xi32, #tpu.memory_space<vmem>>
      %dma_wait3A_167 = tpu.memref_squeeze %dma_wait3A_166 : memref<1x120xi32, #tpu.memory_space<vmem>> -> memref<120xi32, #tpu.memory_space<vmem>>
      %dma_wait3A_168 = arith.constant 0 : i32
      %dma_wait3A_169 = arith.constant 0 : i32
      %dma_wait3A_170 = tpu.memref_slice %arg20[%dma_wait3A_168, %dma_wait3A_169] : memref<10000x64xf32, #tpu.memory_space<vmem_shared>> -> memref<10000x64xf32, #tpu.memory_space<vmem_shared>>
      tpu.wait_indirect_dma semaphore(%arg25 : memref<!tpu.dma_semaphore, #tpu.memory_space<semaphore_mem>>) src(%dma_wait3A_170 : memref<10000x64xf32, #tpu.memory_space<vmem_shared>>) dst(%arg17 : memref<120x64xf32, #tpu.memory_space<vmem>>)
      %dma_start3A_171 = arith.constant 1 : i32
      %dma_start3A_172 = arith.constant 0 : i32
      %dma_start3A_173 = tpu.memref_slice %arg11[%dma_start3A_171, %dma_start3A_172] : memref<2x120xi32, #tpu.memory_space<vmem>> -> memref<1x120xi32, #tpu.memory_space<vmem>>
      %dma_start3A_174 = tpu.memref_squeeze %dma_start3A_173 : memref<1x120xi32, #tpu.memory_space<vmem>> -> memref<120xi32, #tpu.memory_space<vmem>>
      %dma_start3A_175 = arith.constant 0 : i32
      %dma_start3A_176 = arith.constant 0 : i32
      %dma_start3A_177 = tpu.memref_slice %arg19[%dma_start3A_175, %dma_start3A_176] : memref<10240x64xf32, #tpu.memory_space<vmem_shared>> -> memref<10240x64xf32, #tpu.memory_space<vmem_shared>>
      tpu.enqueue_indirect_dma source(%arg17 : memref<120x64xf32, #tpu.memory_space<vmem>>) target(%dma_start3A_177 : memref<10240x64xf32, #tpu.memory_space<vmem_shared>>) offsets(%dma_start3A_174 : memref<120xi32, #tpu.memory_space<vmem>>) semaphore(%arg31 : memref<!tpu.dma_semaphore, #tpu.memory_space<semaphore_mem>>) {add = true}
      %dma_wait3A_178 = arith.constant 0 : i32
      %dma_wait3A_179 = arith.constant 0 : i32
      %dma_wait3A_180 = tpu.memref_slice %arg12[%dma_wait3A_178, %dma_wait3A_179] : memref<2x120xi32, #tpu.memory_space<vmem>> -> memref<1x120xi32, #tpu.memory_space<vmem>>
      %dma_wait3A_181 = tpu.memref_squeeze %dma_wait3A_180 : memref<1x120xi32, #tpu.memory_space<vmem>> -> memref<120xi32, #tpu.memory_space<vmem>>
      %dma_wait3A_182 = arith.constant 0 : i32
      %dma_wait3A_183 = arith.constant 0 : i32
      %dma_wait3A_184 = tpu.memref_slice %arg20[%dma_wait3A_182, %dma_wait3A_183] : memref<10000x64xf32, #tpu.memory_space<vmem_shared>> -> memref<10000x64xf32, #tpu.memory_space<vmem_shared>>
      tpu.wait_indirect_dma semaphore(%arg26 : memref<!tpu.dma_semaphore, #tpu.memory_space<semaphore_mem>>) src(%dma_wait3A_184 : memref<10000x64xf32, #tpu.memory_space<vmem_shared>>) dst(%arg18 : memref<120x64xf32, #tpu.memory_space<vmem>>)
      %dma_start3A_185 = arith.constant 1 : i32
      %dma_start3A_186 = arith.constant 0 : i32
      %dma_start3A_187 = tpu.memref_slice %arg12[%dma_start3A_185, %dma_start3A_186] : memref<2x120xi32, #tpu.memory_space<vmem>> -> memref<1x120xi32, #tpu.memory_space<vmem>>
      %dma_start3A_188 = tpu.memref_squeeze %dma_start3A_187 : memref<1x120xi32, #tpu.memory_space<vmem>> -> memref<120xi32, #tpu.memory_space<vmem>>
      %dma_start3A_189 = arith.constant 0 : i32
      %dma_start3A_190 = arith.constant 0 : i32
      %dma_start3A_191 = tpu.memref_slice %arg19[%dma_start3A_189, %dma_start3A_190] : memref<10240x64xf32, #tpu.memory_space<vmem_shared>> -> memref<10240x64xf32, #tpu.memory_space<vmem_shared>>
      tpu.enqueue_indirect_dma source(%arg18 : memref<120x64xf32, #tpu.memory_space<vmem>>) target(%dma_start3A_191 : memref<10240x64xf32, #tpu.memory_space<vmem_shared>>) offsets(%dma_start3A_188 : memref<120xi32, #tpu.memory_space<vmem>>) semaphore(%arg32 : memref<!tpu.dma_semaphore, #tpu.memory_space<semaphore_mem>>) {add = true}
      %add3A = arith.constant 0 : i32
      %add3A_192 = arith.addi %mul3A_107, %add3A : i32
      %dma_wait3A_193 = arith.constant 1 : i32
      %dma_wait3A_194 = arith.constant 0 : i32
      %dma_wait3A_195 = tpu.memref_slice %arg7[%dma_wait3A_193, %dma_wait3A_194] : memref<2x120xi32, #tpu.memory_space<vmem>> -> memref<1x120xi32, #tpu.memory_space<vmem>>
      %dma_wait3A_196 = tpu.memref_squeeze %dma_wait3A_195 : memref<1x120xi32, #tpu.memory_space<vmem>> -> memref<120xi32, #tpu.memory_space<vmem>>
      %dma_wait3A_197 = arith.constant 0 : i32
      %dma_wait3A_198 = arith.constant 0 : i32
      %dma_wait3A_199 = tpu.memref_slice %arg19[%dma_wait3A_197, %dma_wait3A_198] : memref<10240x64xf32, #tpu.memory_space<vmem_shared>> -> memref<10240x64xf32, #tpu.memory_space<vmem_shared>>
      tpu.wait_indirect_dma semaphore(%arg27 : memref<!tpu.dma_semaphore, #tpu.memory_space<semaphore_mem>>) src(%arg13 : memref<120x64xf32, #tpu.memory_space<vmem>>) dst(%dma_wait3A_199 : memref<10240x64xf32, #tpu.memory_space<vmem_shared>>)
      %add3A_200 = arith.constant 6 : i32
      %add3A_201 = arith.addi %add3A_192, %add3A_200 : i32
      %dma_start3A_202 = arith.constant 0 : i32
      %dma_start3A_203 = arith.constant 0 : i32
      %dma_start3A_204 = tpu.memref_slice %arg4[%arg1, %add3A_201, %dma_start3A_202, %dma_start3A_203] : memref<16x180x2x120xi32, #tpu.memory_space<hbm>> -> memref<1x1x2x120xi32, #tpu.memory_space<hbm>>
      %dma_start3A_205 = tpu.memref_squeeze %dma_start3A_204 : memref<1x1x2x120xi32, #tpu.memory_space<hbm>> -> memref<2x120xi32, #tpu.memory_space<hbm>>
      %dma_start3A_206 = arith.constant 0 : i32
      %dma_start3A_207 = arith.constant 0 : i32
      %dma_start3A_208 = tpu.memref_slice %arg4[%arg1, %add3A_201, %dma_start3A_206, %dma_start3A_207] : memref<16x180x2x120xi32, #tpu.memory_space<hbm>> -> memref<1x1x2x120xi32, #tpu.memory_space<hbm>>
      %dma_start3A_209 = tpu.memref_squeeze %dma_start3A_208 : memref<1x1x2x120xi32, #tpu.memory_space<hbm>> -> memref<2x120xi32, #tpu.memory_space<hbm>>
      tpu.enqueue_dma source(%dma_start3A_209 : memref<2x120xi32, #tpu.memory_space<hbm>>) target(%arg7 : memref<2x120xi32, #tpu.memory_space<vmem>>) target_semaphore(%arg33 : memref<!tpu.dma_semaphore, #tpu.memory_space<semaphore_mem>>)
      %add3A_210 = arith.constant 1 : i32
      %add3A_211 = arith.addi %mul3A_107, %add3A_210 : i32
      %dma_wait3A_212 = arith.constant 1 : i32
      %dma_wait3A_213 = arith.constant 0 : i32
      %dma_wait3A_214 = tpu.memref_slice %arg8[%dma_wait3A_212, %dma_wait3A_213] : memref<2x120xi32, #tpu.memory_space<vmem>> -> memref<1x120xi32, #tpu.memory_space<vmem>>
      %dma_wait3A_215 = tpu.memref_squeeze %dma_wait3A_214 : memref<1x120xi32, #tpu.memory_space<vmem>> -> memref<120xi32, #tpu.memory_space<vmem>>
      %dma_wait3A_216 = arith.constant 0 : i32
      %dma_wait3A_217 = arith.constant 0 : i32
      %dma_wait3A_218 = tpu.memref_slice %arg19[%dma_wait3A_216, %dma_wait3A_217] : memref<10240x64xf32, #tpu.memory_space<vmem_shared>> -> memref<10240x64xf32, #tpu.memory_space<vmem_shared>>
      tpu.wait_indirect_dma semaphore(%arg28 : memref<!tpu.dma_semaphore, #tpu.memory_space<semaphore_mem>>) src(%arg14 : memref<120x64xf32, #tpu.memory_space<vmem>>) dst(%dma_wait3A_218 : memref<10240x64xf32, #tpu.memory_space<vmem_shared>>)
      %add3A_219 = arith.constant 6 : i32
      %add3A_220 = arith.addi %add3A_211, %add3A_219 : i32
      %dma_start3A_221 = arith.constant 0 : i32
      %dma_start3A_222 = arith.constant 0 : i32
      %dma_start3A_223 = tpu.memref_slice %arg4[%arg1, %add3A_220, %dma_start3A_221, %dma_start3A_222] : memref<16x180x2x120xi32, #tpu.memory_space<hbm>> -> memref<1x1x2x120xi32, #tpu.memory_space<hbm>>
      %dma_start3A_224 = tpu.memref_squeeze %dma_start3A_223 : memref<1x1x2x120xi32, #tpu.memory_space<hbm>> -> memref<2x120xi32, #tpu.memory_space<hbm>>
      %dma_start3A_225 = arith.constant 0 : i32
      %dma_start3A_226 = arith.constant 0 : i32
      %dma_start3A_227 = tpu.memref_slice %arg4[%arg1, %add3A_220, %dma_start3A_225, %dma_start3A_226] : memref<16x180x2x120xi32, #tpu.memory_space<hbm>> -> memref<1x1x2x120xi32, #tpu.memory_space<hbm>>
      %dma_start3A_228 = tpu.memref_squeeze %dma_start3A_227 : memref<1x1x2x120xi32, #tpu.memory_space<hbm>> -> memref<2x120xi32, #tpu.memory_space<hbm>>
      tpu.enqueue_dma source(%dma_start3A_228 : memref<2x120xi32, #tpu.memory_space<hbm>>) target(%arg8 : memref<2x120xi32, #tpu.memory_space<vmem>>) target_semaphore(%arg34 : memref<!tpu.dma_semaphore, #tpu.memory_space<semaphore_mem>>)
      %add3A_229 = arith.constant 2 : i32
      %add3A_230 = arith.addi %mul3A_107, %add3A_229 : i32
      %dma_wait3A_231 = arith.constant 1 : i32
      %dma_wait3A_232 = arith.constant 0 : i32
      %dma_wait3A_233 = tpu.memref_slice %arg9[%dma_wait3A_231, %dma_wait3A_232] : memref<2x120xi32, #tpu.memory_space<vmem>> -> memref<1x120xi32, #tpu.memory_space<vmem>>
      %dma_wait3A_234 = tpu.memref_squeeze %dma_wait3A_233 : memref<1x120xi32, #tpu.memory_space<vmem>> -> memref<120xi32, #tpu.memory_space<vmem>>
      %dma_wait3A_235 = arith.constant 0 : i32
      %dma_wait3A_236 = arith.constant 0 : i32
      %dma_wait3A_237 = tpu.memref_slice %arg19[%dma_wait3A_235, %dma_wait3A_236] : memref<10240x64xf32, #tpu.memory_space<vmem_shared>> -> memref<10240x64xf32, #tpu.memory_space<vmem_shared>>
      tpu.wait_indirect_dma semaphore(%arg29 : memref<!tpu.dma_semaphore, #tpu.memory_space<semaphore_mem>>) src(%arg15 : memref<120x64xf32, #tpu.memory_space<vmem>>) dst(%dma_wait3A_237 : memref<10240x64xf32, #tpu.memory_space<vmem_shared>>)
      %add3A_238 = arith.constant 6 : i32
      %add3A_239 = arith.addi %add3A_230, %add3A_238 : i32
      %dma_start3A_240 = arith.constant 0 : i32
      %dma_start3A_241 = arith.constant 0 : i32
      %dma_start3A_242 = tpu.memref_slice %arg4[%arg1, %add3A_239, %dma_start3A_240, %dma_start3A_241] : memref<16x180x2x120xi32, #tpu.memory_space<hbm>> -> memref<1x1x2x120xi32, #tpu.memory_space<hbm>>
      %dma_start3A_243 = tpu.memref_squeeze %dma_start3A_242 : memref<1x1x2x120xi32, #tpu.memory_space<hbm>> -> memref<2x120xi32, #tpu.memory_space<hbm>>
      %dma_start3A_244 = arith.constant 0 : i32
      %dma_start3A_245 = arith.constant 0 : i32
      %dma_start3A_246 = tpu.memref_slice %arg4[%arg1, %add3A_239, %dma_start3A_244, %dma_start3A_245] : memref<16x180x2x120xi32, #tpu.memory_space<hbm>> -> memref<1x1x2x120xi32, #tpu.memory_space<hbm>>
      %dma_start3A_247 = tpu.memref_squeeze %dma_start3A_246 : memref<1x1x2x120xi32, #tpu.memory_space<hbm>> -> memref<2x120xi32, #tpu.memory_space<hbm>>
      tpu.enqueue_dma source(%dma_start3A_247 : memref<2x120xi32, #tpu.memory_space<hbm>>) target(%arg9 : memref<2x120xi32, #tpu.memory_space<vmem>>) target_semaphore(%arg35 : memref<!tpu.dma_semaphore, #tpu.memory_space<semaphore_mem>>)
      %add3A_248 = arith.constant 3 : i32
      %add3A_249 = arith.addi %mul3A_107, %add3A_248 : i32
      %dma_wait3A_250 = arith.constant 1 : i32
      %dma_wait3A_251 = arith.constant 0 : i32
      %dma_wait3A_252 = tpu.memref_slice %arg10[%dma_wait3A_250, %dma_wait3A_251] : memref<2x120xi32, #tpu.memory_space<vmem>> -> memref<1x120xi32, #tpu.memory_space<vmem>>
      %dma_wait3A_253 = tpu.memref_squeeze %dma_wait3A_252 : memref<1x120xi32, #tpu.memory_space<vmem>> -> memref<120xi32, #tpu.memory_space<vmem>>
      %dma_wait3A_254 = arith.constant 0 : i32
      %dma_wait3A_255 = arith.constant 0 : i32
      %dma_wait3A_256 = tpu.memref_slice %arg19[%dma_wait3A_254, %dma_wait3A_255] : memref<10240x64xf32, #tpu.memory_space<vmem_shared>> -> memref<10240x64xf32, #tpu.memory_space<vmem_shared>>
      tpu.wait_indirect_dma semaphore(%arg30 : memref<!tpu.dma_semaphore, #tpu.memory_space<semaphore_mem>>) src(%arg16 : memref<120x64xf32, #tpu.memory_space<vmem>>) dst(%dma_wait3A_256 : memref<10240x64xf32, #tpu.memory_space<vmem_shared>>)
      %add3A_257 = arith.constant 6 : i32
      %add3A_258 = arith.addi %add3A_249, %add3A_257 : i32
      %dma_start3A_259 = arith.constant 0 : i32
      %dma_start3A_260 = arith.constant 0 : i32
      %dma_start3A_261 = tpu.memref_slice %arg4[%arg1, %add3A_258, %dma_start3A_259, %dma_start3A_260] : memref<16x180x2x120xi32, #tpu.memory_space<hbm>> -> memref<1x1x2x120xi32, #tpu.memory_space<hbm>>
      %dma_start3A_262 = tpu.memref_squeeze %dma_start3A_261 : memref<1x1x2x120xi32, #tpu.memory_space<hbm>> -> memref<2x120xi32, #tpu.memory_space<hbm>>
      %dma_start3A_263 = arith.constant 0 : i32
      %dma_start3A_264 = arith.constant 0 : i32
      %dma_start3A_265 = tpu.memref_slice %arg4[%arg1, %add3A_258, %dma_start3A_263, %dma_start3A_264] : memref<16x180x2x120xi32, #tpu.memory_space<hbm>> -> memref<1x1x2x120xi32, #tpu.memory_space<hbm>>
      %dma_start3A_266 = tpu.memref_squeeze %dma_start3A_265 : memref<1x1x2x120xi32, #tpu.memory_space<hbm>> -> memref<2x120xi32, #tpu.memory_space<hbm>>
      tpu.enqueue_dma source(%dma_start3A_266 : memref<2x120xi32, #tpu.memory_space<hbm>>) target(%arg10 : memref<2x120xi32, #tpu.memory_space<vmem>>) target_semaphore(%arg36 : memref<!tpu.dma_semaphore, #tpu.memory_space<semaphore_mem>>)
      %add3A_267 = arith.constant 4 : i32
      %add3A_268 = arith.addi %mul3A_107, %add3A_267 : i32
      %dma_wait3A_269 = arith.constant 1 : i32
      %dma_wait3A_270 = arith.constant 0 : i32
      %dma_wait3A_271 = tpu.memref_slice %arg11[%dma_wait3A_269, %dma_wait3A_270] : memref<2x120xi32, #tpu.memory_space<vmem>> -> memref<1x120xi32, #tpu.memory_space<vmem>>
      %dma_wait3A_272 = tpu.memref_squeeze %dma_wait3A_271 : memref<1x120xi32, #tpu.memory_space<vmem>> -> memref<120xi32, #tpu.memory_space<vmem>>
      %dma_wait3A_273 = arith.constant 0 : i32
      %dma_wait3A_274 = arith.constant 0 : i32
      %dma_wait3A_275 = tpu.memref_slice %arg19[%dma_wait3A_273, %dma_wait3A_274] : memref<10240x64xf32, #tpu.memory_space<vmem_shared>> -> memref<10240x64xf32, #tpu.memory_space<vmem_shared>>
      tpu.wait_indirect_dma semaphore(%arg31 : memref<!tpu.dma_semaphore, #tpu.memory_space<semaphore_mem>>) src(%arg17 : memref<120x64xf32, #tpu.memory_space<vmem>>) dst(%dma_wait3A_275 : memref<10240x64xf32, #tpu.memory_space<vmem_shared>>)
      %add3A_276 = arith.constant 6 : i32
      %add3A_277 = arith.addi %add3A_268, %add3A_276 : i32
      %dma_start3A_278 = arith.constant 0 : i32
      %dma_start3A_279 = arith.constant 0 : i32
      %dma_start3A_280 = tpu.memref_slice %arg4[%arg1, %add3A_277, %dma_start3A_278, %dma_start3A_279] : memref<16x180x2x120xi32, #tpu.memory_space<hbm>> -> memref<1x1x2x120xi32, #tpu.memory_space<hbm>>
      %dma_start3A_281 = tpu.memref_squeeze %dma_start3A_280 : memref<1x1x2x120xi32, #tpu.memory_space<hbm>> -> memref<2x120xi32, #tpu.memory_space<hbm>>
      %dma_start3A_282 = arith.constant 0 : i32
      %dma_start3A_283 = arith.constant 0 : i32
      %dma_start3A_284 = tpu.memref_slice %arg4[%arg1, %add3A_277, %dma_start3A_282, %dma_start3A_283] : memref<16x180x2x120xi32, #tpu.memory_space<hbm>> -> memref<1x1x2x120xi32, #tpu.memory_space<hbm>>
      %dma_start3A_285 = tpu.memref_squeeze %dma_start3A_284 : memref<1x1x2x120xi32, #tpu.memory_space<hbm>> -> memref<2x120xi32, #tpu.memory_space<hbm>>
      tpu.enqueue_dma source(%dma_start3A_285 : memref<2x120xi32, #tpu.memory_space<hbm>>) target(%arg11 : memref<2x120xi32, #tpu.memory_space<vmem>>) target_semaphore(%arg37 : memref<!tpu.dma_semaphore, #tpu.memory_space<semaphore_mem>>)
      %add3A_286 = arith.constant 5 : i32
      %add3A_287 = arith.addi %mul3A_107, %add3A_286 : i32
      %dma_wait3A_288 = arith.constant 1 : i32
      %dma_wait3A_289 = arith.constant 0 : i32
      %dma_wait3A_290 = tpu.memref_slice %arg12[%dma_wait3A_288, %dma_wait3A_289] : memref<2x120xi32, #tpu.memory_space<vmem>> -> memref<1x120xi32, #tpu.memory_space<vmem>>
      %dma_wait3A_291 = tpu.memref_squeeze %dma_wait3A_290 : memref<1x120xi32, #tpu.memory_space<vmem>> -> memref<120xi32, #tpu.memory_space<vmem>>
      %dma_wait3A_292 = arith.constant 0 : i32
      %dma_wait3A_293 = arith.constant 0 : i32
      %dma_wait3A_294 = tpu.memref_slice %arg19[%dma_wait3A_292, %dma_wait3A_293] : memref<10240x64xf32, #tpu.memory_space<vmem_shared>> -> memref<10240x64xf32, #tpu.memory_space<vmem_shared>>
      tpu.wait_indirect_dma semaphore(%arg32 : memref<!tpu.dma_semaphore, #tpu.memory_space<semaphore_mem>>) src(%arg18 : memref<120x64xf32, #tpu.memory_space<vmem>>) dst(%dma_wait3A_294 : memref<10240x64xf32, #tpu.memory_space<vmem_shared>>)
      %add3A_295 = arith.constant 6 : i32
      %add3A_296 = arith.addi %add3A_287, %add3A_295 : i32
      %dma_start3A_297 = arith.constant 0 : i32
      %dma_start3A_298 = arith.constant 0 : i32
      %dma_start3A_299 = tpu.memref_slice %arg4[%arg1, %add3A_296, %dma_start3A_297, %dma_start3A_298] : memref<16x180x2x120xi32, #tpu.memory_space<hbm>> -> memref<1x1x2x120xi32, #tpu.memory_space<hbm>>
      %dma_start3A_300 = tpu.memref_squeeze %dma_start3A_299 : memref<1x1x2x120xi32, #tpu.memory_space<hbm>> -> memref<2x120xi32, #tpu.memory_space<hbm>>
      %dma_start3A_301 = arith.constant 0 : i32
      %dma_start3A_302 = arith.constant 0 : i32
      %dma_start3A_303 = tpu.memref_slice %arg4[%arg1, %add3A_296, %dma_start3A_301, %dma_start3A_302] : memref<16x180x2x120xi32, #tpu.memory_space<hbm>> -> memref<1x1x2x120xi32, #tpu.memory_space<hbm>>
      %dma_start3A_304 = tpu.memref_squeeze %dma_start3A_303 : memref<1x1x2x120xi32, #tpu.memory_space<hbm>> -> memref<2x120xi32, #tpu.memory_space<hbm>>
      tpu.enqueue_dma source(%dma_start3A_304 : memref<2x120xi32, #tpu.memory_space<hbm>>) target(%arg12 : memref<2x120xi32, #tpu.memory_space<vmem>>) target_semaphore(%arg38 : memref<!tpu.dma_semaphore, #tpu.memory_space<semaphore_mem>>)
      %add3A_305 = arith.constant 0 : i32
      %add3A_306 = arith.addi %mul3A_107, %add3A_305 : i32
      %add3A_307 = arith.constant 6 : i32
      %add3A_308 = arith.addi %add3A_306, %add3A_307 : i32
      %dma_wait3A_309 = arith.constant 0 : i32
      %dma_wait3A_310 = arith.constant 0 : i32
      %dma_wait3A_311 = tpu.memref_slice %arg4[%arg1, %add3A_308, %dma_wait3A_309, %dma_wait3A_310] : memref<16x180x2x120xi32, #tpu.memory_space<hbm>> -> memref<1x1x2x120xi32, #tpu.memory_space<hbm>>
      %dma_wait3A_312 = tpu.memref_squeeze %dma_wait3A_311 : memref<1x1x2x120xi32, #tpu.memory_space<hbm>> -> memref<2x120xi32, #tpu.memory_space<hbm>>
      %dma_wait3A_313 = arith.constant 0 : i32
      %dma_wait3A_314 = arith.constant 0 : i32
      %dma_wait3A_315 = tpu.memref_slice %arg4[%arg1, %add3A_308, %dma_wait3A_313, %dma_wait3A_314] : memref<16x180x2x120xi32, #tpu.memory_space<hbm>> -> memref<1x1x2x120xi32, #tpu.memory_space<hbm>>
      %dma_wait3A_316 = tpu.memref_squeeze %dma_wait3A_315 : memref<1x1x2x120xi32, #tpu.memory_space<hbm>> -> memref<2x120xi32, #tpu.memory_space<hbm>>
      tpu.wait_dma2 semaphore(%arg33 : memref<!tpu.dma_semaphore, #tpu.memory_space<semaphore_mem>>) src(%dma_wait3A_316 : memref<2x120xi32, #tpu.memory_space<hbm>>) dst(%arg7 : memref<2x120xi32, #tpu.memory_space<vmem>>)
      %dma_start3A_317 = arith.constant 0 : i32
      %dma_start3A_318 = arith.constant 0 : i32
      %dma_start3A_319 = tpu.memref_slice %arg7[%dma_start3A_317, %dma_start3A_318] : memref<2x120xi32, #tpu.memory_space<vmem>> -> memref<1x120xi32, #tpu.memory_space<vmem>>
      %dma_start3A_320 = tpu.memref_squeeze %dma_start3A_319 : memref<1x120xi32, #tpu.memory_space<vmem>> -> memref<120xi32, #tpu.memory_space<vmem>>
      %dma_start3A_321 = arith.constant 0 : i32
      %dma_start3A_322 = arith.constant 0 : i32
      %dma_start3A_323 = tpu.memref_slice %arg20[%dma_start3A_321, %dma_start3A_322] : memref<10000x64xf32, #tpu.memory_space<vmem_shared>> -> memref<10000x64xf32, #tpu.memory_space<vmem_shared>>
      tpu.enqueue_indirect_dma source(%dma_start3A_323 : memref<10000x64xf32, #tpu.memory_space<vmem_shared>>) target(%arg13 : memref<120x64xf32, #tpu.memory_space<vmem>>) offsets(%dma_start3A_320 : memref<120xi32, #tpu.memory_space<vmem>>) semaphore(%arg21 : memref<!tpu.dma_semaphore, #tpu.memory_space<semaphore_mem>>)
      %add3A_324 = arith.constant 1 : i32
      %add3A_325 = arith.addi %mul3A_107, %add3A_324 : i32
      %add3A_326 = arith.constant 6 : i32
      %add3A_327 = arith.addi %add3A_325, %add3A_326 : i32
      %dma_wait3A_328 = arith.constant 0 : i32
      %dma_wait3A_329 = arith.constant 0 : i32
      %dma_wait3A_330 = tpu.memref_slice %arg4[%arg1, %add3A_327, %dma_wait3A_328, %dma_wait3A_329] : memref<16x180x2x120xi32, #tpu.memory_space<hbm>> -> memref<1x1x2x120xi32, #tpu.memory_space<hbm>>
      %dma_wait3A_331 = tpu.memref_squeeze %dma_wait3A_330 : memref<1x1x2x120xi32, #tpu.memory_space<hbm>> -> memref<2x120xi32, #tpu.memory_space<hbm>>
      %dma_wait3A_332 = arith.constant 0 : i32
      %dma_wait3A_333 = arith.constant 0 : i32
      %dma_wait3A_334 = tpu.memref_slice %arg4[%arg1, %add3A_327, %dma_wait3A_332, %dma_wait3A_333] : memref<16x180x2x120xi32, #tpu.memory_space<hbm>> -> memref<1x1x2x120xi32, #tpu.memory_space<hbm>>
      %dma_wait3A_335 = tpu.memref_squeeze %dma_wait3A_334 : memref<1x1x2x120xi32, #tpu.memory_space<hbm>> -> memref<2x120xi32, #tpu.memory_space<hbm>>
      tpu.wait_dma2 semaphore(%arg34 : memref<!tpu.dma_semaphore, #tpu.memory_space<semaphore_mem>>) src(%dma_wait3A_335 : memref<2x120xi32, #tpu.memory_space<hbm>>) dst(%arg8 : memref<2x120xi32, #tpu.memory_space<vmem>>)
      %dma_start3A_336 = arith.constant 0 : i32
      %dma_start3A_337 = arith.constant 0 : i32
      %dma_start3A_338 = tpu.memref_slice %arg8[%dma_start3A_336, %dma_start3A_337] : memref<2x120xi32, #tpu.memory_space<vmem>> -> memref<1x120xi32, #tpu.memory_space<vmem>>
      %dma_start3A_339 = tpu.memref_squeeze %dma_start3A_338 : memref<1x120xi32, #tpu.memory_space<vmem>> -> memref<120xi32, #tpu.memory_space<vmem>>
      %dma_start3A_340 = arith.constant 0 : i32
      %dma_start3A_341 = arith.constant 0 : i32
      %dma_start3A_342 = tpu.memref_slice %arg20[%dma_start3A_340, %dma_start3A_341] : memref<10000x64xf32, #tpu.memory_space<vmem_shared>> -> memref<10000x64xf32, #tpu.memory_space<vmem_shared>>
      tpu.enqueue_indirect_dma source(%dma_start3A_342 : memref<10000x64xf32, #tpu.memory_space<vmem_shared>>) target(%arg14 : memref<120x64xf32, #tpu.memory_space<vmem>>) offsets(%dma_start3A_339 : memref<120xi32, #tpu.memory_space<vmem>>) semaphore(%arg22 : memref<!tpu.dma_semaphore, #tpu.memory_space<semaphore_mem>>)
      %add3A_343 = arith.constant 2 : i32
      %add3A_344 = arith.addi %mul3A_107, %add3A_343 : i32
      %add3A_345 = arith.constant 6 : i32
      %add3A_346 = arith.addi %add3A_344, %add3A_345 : i32
      %dma_wait3A_347 = arith.constant 0 : i32
      %dma_wait3A_348 = arith.constant 0 : i32
      %dma_wait3A_349 = tpu.memref_slice %arg4[%arg1, %add3A_346, %dma_wait3A_347, %dma_wait3A_348] : memref<16x180x2x120xi32, #tpu.memory_space<hbm>> -> memref<1x1x2x120xi32, #tpu.memory_space<hbm>>
      %dma_wait3A_350 = tpu.memref_squeeze %dma_wait3A_349 : memref<1x1x2x120xi32, #tpu.memory_space<hbm>> -> memref<2x120xi32, #tpu.memory_space<hbm>>
      %dma_wait3A_351 = arith.constant 0 : i32
      %dma_wait3A_352 = arith.constant 0 : i32
      %dma_wait3A_353 = tpu.memref_slice %arg4[%arg1, %add3A_346, %dma_wait3A_351, %dma_wait3A_352] : memref<16x180x2x120xi32, #tpu.memory_space<hbm>> -> memref<1x1x2x120xi32, #tpu.memory_space<hbm>>
      %dma_wait3A_354 = tpu.memref_squeeze %dma_wait3A_353 : memref<1x1x2x120xi32, #tpu.memory_space<hbm>> -> memref<2x120xi32, #tpu.memory_space<hbm>>
      tpu.wait_dma2 semaphore(%arg35 : memref<!tpu.dma_semaphore, #tpu.memory_space<semaphore_mem>>) src(%dma_wait3A_354 : memref<2x120xi32, #tpu.memory_space<hbm>>) dst(%arg9 : memref<2x120xi32, #tpu.memory_space<vmem>>)
      %dma_start3A_355 = arith.constant 0 : i32
      %dma_start3A_356 = arith.constant 0 : i32
      %dma_start3A_357 = tpu.memref_slice %arg9[%dma_start3A_355, %dma_start3A_356] : memref<2x120xi32, #tpu.memory_space<vmem>> -> memref<1x120xi32, #tpu.memory_space<vmem>>
      %dma_start3A_358 = tpu.memref_squeeze %dma_start3A_357 : memref<1x120xi32, #tpu.memory_space<vmem>> -> memref<120xi32, #tpu.memory_space<vmem>>
      %dma_start3A_359 = arith.constant 0 : i32
      %dma_start3A_360 = arith.constant 0 : i32
      %dma_start3A_361 = tpu.memref_slice %arg20[%dma_start3A_359, %dma_start3A_360] : memref<10000x64xf32, #tpu.memory_space<vmem_shared>> -> memref<10000x64xf32, #tpu.memory_space<vmem_shared>>
      tpu.enqueue_indirect_dma source(%dma_start3A_361 : memref<10000x64xf32, #tpu.memory_space<vmem_shared>>) target(%arg15 : memref<120x64xf32, #tpu.memory_space<vmem>>) offsets(%dma_start3A_358 : memref<120xi32, #tpu.memory_space<vmem>>) semaphore(%arg23 : memref<!tpu.dma_semaphore, #tpu.memory_space<semaphore_mem>>)
      %add3A_362 = arith.constant 3 : i32
      %add3A_363 = arith.addi %mul3A_107, %add3A_362 : i32
      %add3A_364 = arith.constant 6 : i32
      %add3A_365 = arith.addi %add3A_363, %add3A_364 : i32
      %dma_wait3A_366 = arith.constant 0 : i32
      %dma_wait3A_367 = arith.constant 0 : i32
      %dma_wait3A_368 = tpu.memref_slice %arg4[%arg1, %add3A_365, %dma_wait3A_366, %dma_wait3A_367] : memref<16x180x2x120xi32, #tpu.memory_space<hbm>> -> memref<1x1x2x120xi32, #tpu.memory_space<hbm>>
      %dma_wait3A_369 = tpu.memref_squeeze %dma_wait3A_368 : memref<1x1x2x120xi32, #tpu.memory_space<hbm>> -> memref<2x120xi32, #tpu.memory_space<hbm>>
      %dma_wait3A_370 = arith.constant 0 : i32
      %dma_wait3A_371 = arith.constant 0 : i32
      %dma_wait3A_372 = tpu.memref_slice %arg4[%arg1, %add3A_365, %dma_wait3A_370, %dma_wait3A_371] : memref<16x180x2x120xi32, #tpu.memory_space<hbm>> -> memref<1x1x2x120xi32, #tpu.memory_space<hbm>>
      %dma_wait3A_373 = tpu.memref_squeeze %dma_wait3A_372 : memref<1x1x2x120xi32, #tpu.memory_space<hbm>> -> memref<2x120xi32, #tpu.memory_space<hbm>>
      tpu.wait_dma2 semaphore(%arg36 : memref<!tpu.dma_semaphore, #tpu.memory_space<semaphore_mem>>) src(%dma_wait3A_373 : memref<2x120xi32, #tpu.memory_space<hbm>>) dst(%arg10 : memref<2x120xi32, #tpu.memory_space<vmem>>)
      %dma_start3A_374 = arith.constant 0 : i32
      %dma_start3A_375 = arith.constant 0 : i32
      %dma_start3A_376 = tpu.memref_slice %arg10[%dma_start3A_374, %dma_start3A_375] : memref<2x120xi32, #tpu.memory_space<vmem>> -> memref<1x120xi32, #tpu.memory_space<vmem>>
      %dma_start3A_377 = tpu.memref_squeeze %dma_start3A_376 : memref<1x120xi32, #tpu.memory_space<vmem>> -> memref<120xi32, #tpu.memory_space<vmem>>
      %dma_start3A_378 = arith.constant 0 : i32
      %dma_start3A_379 = arith.constant 0 : i32
      %dma_start3A_380 = tpu.memref_slice %arg20[%dma_start3A_378, %dma_start3A_379] : memref<10000x64xf32, #tpu.memory_space<vmem_shared>> -> memref<10000x64xf32, #tpu.memory_space<vmem_shared>>
      tpu.enqueue_indirect_dma source(%dma_start3A_380 : memref<10000x64xf32, #tpu.memory_space<vmem_shared>>) target(%arg16 : memref<120x64xf32, #tpu.memory_space<vmem>>) offsets(%dma_start3A_377 : memref<120xi32, #tpu.memory_space<vmem>>) semaphore(%arg24 : memref<!tpu.dma_semaphore, #tpu.memory_space<semaphore_mem>>)
      %add3A_381 = arith.constant 4 : i32
      %add3A_382 = arith.addi %mul3A_107, %add3A_381 : i32
      %add3A_383 = arith.constant 6 : i32
      %add3A_384 = arith.addi %add3A_382, %add3A_383 : i32
      %dma_wait3A_385 = arith.constant 0 : i32
      %dma_wait3A_386 = arith.constant 0 : i32
      %dma_wait3A_387 = tpu.memref_slice %arg4[%arg1, %add3A_384, %dma_wait3A_385, %dma_wait3A_386] : memref<16x180x2x120xi32, #tpu.memory_space<hbm>> -> memref<1x1x2x120xi32, #tpu.memory_space<hbm>>
      %dma_wait3A_388 = tpu.memref_squeeze %dma_wait3A_387 : memref<1x1x2x120xi32, #tpu.memory_space<hbm>> -> memref<2x120xi32, #tpu.memory_space<hbm>>
      %dma_wait3A_389 = arith.constant 0 : i32
      %dma_wait3A_390 = arith.constant 0 : i32
      %dma_wait3A_391 = tpu.memref_slice %arg4[%arg1, %add3A_384, %dma_wait3A_389, %dma_wait3A_390] : memref<16x180x2x120xi32, #tpu.memory_space<hbm>> -> memref<1x1x2x120xi32, #tpu.memory_space<hbm>>
      %dma_wait3A_392 = tpu.memref_squeeze %dma_wait3A_391 : memref<1x1x2x120xi32, #tpu.memory_space<hbm>> -> memref<2x120xi32, #tpu.memory_space<hbm>>
      tpu.wait_dma2 semaphore(%arg37 : memref<!tpu.dma_semaphore, #tpu.memory_space<semaphore_mem>>) src(%dma_wait3A_392 : memref<2x120xi32, #tpu.memory_space<hbm>>) dst(%arg11 : memref<2x120xi32, #tpu.memory_space<vmem>>)
      %dma_start3A_393 = arith.constant 0 : i32
      %dma_start3A_394 = arith.constant 0 : i32
      %dma_start3A_395 = tpu.memref_slice %arg11[%dma_start3A_393, %dma_start3A_394] : memref<2x120xi32, #tpu.memory_space<vmem>> -> memref<1x120xi32, #tpu.memory_space<vmem>>
      %dma_start3A_396 = tpu.memref_squeeze %dma_start3A_395 : memref<1x120xi32, #tpu.memory_space<vmem>> -> memref<120xi32, #tpu.memory_space<vmem>>
      %dma_start3A_397 = arith.constant 0 : i32
      %dma_start3A_398 = arith.constant 0 : i32
      %dma_start3A_399 = tpu.memref_slice %arg20[%dma_start3A_397, %dma_start3A_398] : memref<10000x64xf32, #tpu.memory_space<vmem_shared>> -> memref<10000x64xf32, #tpu.memory_space<vmem_shared>>
      tpu.enqueue_indirect_dma source(%dma_start3A_399 : memref<10000x64xf32, #tpu.memory_space<vmem_shared>>) target(%arg17 : memref<120x64xf32, #tpu.memory_space<vmem>>) offsets(%dma_start3A_396 : memref<120xi32, #tpu.memory_space<vmem>>) semaphore(%arg25 : memref<!tpu.dma_semaphore, #tpu.memory_space<semaphore_mem>>)
      %add3A_400 = arith.constant 5 : i32
      %add3A_401 = arith.addi %mul3A_107, %add3A_400 : i32
      %add3A_402 = arith.constant 6 : i32
      %add3A_403 = arith.addi %add3A_401, %add3A_402 : i32
      %dma_wait3A_404 = arith.constant 0 : i32
      %dma_wait3A_405 = arith.constant 0 : i32
      %dma_wait3A_406 = tpu.memref_slice %arg4[%arg1, %add3A_403, %dma_wait3A_404, %dma_wait3A_405] : memref<16x180x2x120xi32, #tpu.memory_space<hbm>> -> memref<1x1x2x120xi32, #tpu.memory_space<hbm>>
      %dma_wait3A_407 = tpu.memref_squeeze %dma_wait3A_406 : memref<1x1x2x120xi32, #tpu.memory_space<hbm>> -> memref<2x120xi32, #tpu.memory_space<hbm>>
      %dma_wait3A_408 = arith.constant 0 : i32
      %dma_wait3A_409 = arith.constant 0 : i32
      %dma_wait3A_410 = tpu.memref_slice %arg4[%arg1, %add3A_403, %dma_wait3A_408, %dma_wait3A_409] : memref<16x180x2x120xi32, #tpu.memory_space<hbm>> -> memref<1x1x2x120xi32, #tpu.memory_space<hbm>>
      %dma_wait3A_411 = tpu.memref_squeeze %dma_wait3A_410 : memref<1x1x2x120xi32, #tpu.memory_space<hbm>> -> memref<2x120xi32, #tpu.memory_space<hbm>>
      tpu.wait_dma2 semaphore(%arg38 : memref<!tpu.dma_semaphore, #tpu.memory_space<semaphore_mem>>) src(%dma_wait3A_411 : memref<2x120xi32, #tpu.memory_space<hbm>>) dst(%arg12 : memref<2x120xi32, #tpu.memory_space<vmem>>)
      %dma_start3A_412 = arith.constant 0 : i32
      %dma_start3A_413 = arith.constant 0 : i32
      %dma_start3A_414 = tpu.memref_slice %arg12[%dma_start3A_412, %dma_start3A_413] : memref<2x120xi32, #tpu.memory_space<vmem>> -> memref<1x120xi32, #tpu.memory_space<vmem>>
      %dma_start3A_415 = tpu.memref_squeeze %dma_start3A_414 : memref<1x120xi32, #tpu.memory_space<vmem>> -> memref<120xi32, #tpu.memory_space<vmem>>
      %dma_start3A_416 = arith.constant 0 : i32
      %dma_start3A_417 = arith.constant 0 : i32
      %dma_start3A_418 = tpu.memref_slice %arg20[%dma_start3A_416, %dma_start3A_417] : memref<10000x64xf32, #tpu.memory_space<vmem_shared>> -> memref<10000x64xf32, #tpu.memory_space<vmem_shared>>
      tpu.enqueue_indirect_dma source(%dma_start3A_418 : memref<10000x64xf32, #tpu.memory_space<vmem_shared>>) target(%arg18 : memref<120x64xf32, #tpu.memory_space<vmem>>) offsets(%dma_start3A_415 : memref<120xi32, #tpu.memory_space<vmem>>) semaphore(%arg26 : memref<!tpu.dma_semaphore, #tpu.memory_space<semaphore_mem>>)
    }
    %scan3A_58 = arith.constant 29 : i32
    %dma_wait3A = arith.constant 0 : i32
    %dma_wait3A_59 = arith.constant 0 : i32
    %dma_wait3A_60 = tpu.memref_slice %arg7[%dma_wait3A, %dma_wait3A_59] : memref<2x120xi32, #tpu.memory_space<vmem>> -> memref<1x120xi32, #tpu.memory_space<vmem>>
    %dma_wait3A_61 = tpu.memref_squeeze %dma_wait3A_60 : memref<1x120xi32, #tpu.memory_space<vmem>> -> memref<120xi32, #tpu.memory_space<vmem>>
    %dma_wait3A_62 = arith.constant 0 : i32
    %dma_wait3A_63 = arith.constant 0 : i32
    %dma_wait3A_64 = tpu.memref_slice %arg20[%dma_wait3A_62, %dma_wait3A_63] : memref<10000x64xf32, #tpu.memory_space<vmem_shared>> -> memref<10000x64xf32, #tpu.memory_space<vmem_shared>>
    tpu.wait_indirect_dma semaphore(%arg21 : memref<!tpu.dma_semaphore, #tpu.memory_space<semaphore_mem>>) src(%dma_wait3A_64 : memref<10000x64xf32, #tpu.memory_space<vmem_shared>>) dst(%arg13 : memref<120x64xf32, #tpu.memory_space<vmem>>)
    %dma_wait3A_65 = arith.constant 0 : i32
    %dma_wait3A_66 = arith.constant 0 : i32
    %dma_wait3A_67 = tpu.memref_slice %arg8[%dma_wait3A_65, %dma_wait3A_66] : memref<2x120xi32, #tpu.memory_space<vmem>> -> memref<1x120xi32, #tpu.memory_space<vmem>>
    %dma_wait3A_68 = tpu.memref_squeeze %dma_wait3A_67 : memref<1x120xi32, #tpu.memory_space<vmem>> -> memref<120xi32, #tpu.memory_space<vmem>>
    %dma_wait3A_69 = arith.constant 0 : i32
    %dma_wait3A_70 = arith.constant 0 : i32
    %dma_wait3A_71 = tpu.memref_slice %arg20[%dma_wait3A_69, %dma_wait3A_70] : memref<10000x64xf32, #tpu.memory_space<vmem_shared>> -> memref<10000x64xf32, #tpu.memory_space<vmem_shared>>
    tpu.wait_indirect_dma semaphore(%arg22 : memref<!tpu.dma_semaphore, #tpu.memory_space<semaphore_mem>>) src(%dma_wait3A_71 : memref<10000x64xf32, #tpu.memory_space<vmem_shared>>) dst(%arg14 : memref<120x64xf32, #tpu.memory_space<vmem>>)
    %dma_wait3A_72 = arith.constant 0 : i32
    %dma_wait3A_73 = arith.constant 0 : i32
    %dma_wait3A_74 = tpu.memref_slice %arg9[%dma_wait3A_72, %dma_wait3A_73] : memref<2x120xi32, #tpu.memory_space<vmem>> -> memref<1x120xi32, #tpu.memory_space<vmem>>
    %dma_wait3A_75 = tpu.memref_squeeze %dma_wait3A_74 : memref<1x120xi32, #tpu.memory_space<vmem>> -> memref<120xi32, #tpu.memory_space<vmem>>
    %dma_wait3A_76 = arith.constant 0 : i32
    %dma_wait3A_77 = arith.constant 0 : i32
    %dma_wait3A_78 = tpu.memref_slice %arg20[%dma_wait3A_76, %dma_wait3A_77] : memref<10000x64xf32, #tpu.memory_space<vmem_shared>> -> memref<10000x64xf32, #tpu.memory_space<vmem_shared>>
    tpu.wait_indirect_dma semaphore(%arg23 : memref<!tpu.dma_semaphore, #tpu.memory_space<semaphore_mem>>) src(%dma_wait3A_78 : memref<10000x64xf32, #tpu.memory_space<vmem_shared>>) dst(%arg15 : memref<120x64xf32, #tpu.memory_space<vmem>>)
    %dma_wait3A_79 = arith.constant 0 : i32
    %dma_wait3A_80 = arith.constant 0 : i32
    %dma_wait3A_81 = tpu.memref_slice %arg10[%dma_wait3A_79, %dma_wait3A_80] : memref<2x120xi32, #tpu.memory_space<vmem>> -> memref<1x120xi32, #tpu.memory_space<vmem>>
    %dma_wait3A_82 = tpu.memref_squeeze %dma_wait3A_81 : memref<1x120xi32, #tpu.memory_space<vmem>> -> memref<120xi32, #tpu.memory_space<vmem>>
    %dma_wait3A_83 = arith.constant 0 : i32
    %dma_wait3A_84 = arith.constant 0 : i32
    %dma_wait3A_85 = tpu.memref_slice %arg20[%dma_wait3A_83, %dma_wait3A_84] : memref<10000x64xf32, #tpu.memory_space<vmem_shared>> -> memref<10000x64xf32, #tpu.memory_space<vmem_shared>>
    tpu.wait_indirect_dma semaphore(%arg24 : memref<!tpu.dma_semaphore, #tpu.memory_space<semaphore_mem>>) src(%dma_wait3A_85 : memref<10000x64xf32, #tpu.memory_space<vmem_shared>>) dst(%arg16 : memref<120x64xf32, #tpu.memory_space<vmem>>)
    %dma_wait3A_86 = arith.constant 0 : i32
    %dma_wait3A_87 = arith.constant 0 : i32
    %dma_wait3A_88 = tpu.memref_slice %arg11[%dma_wait3A_86, %dma_wait3A_87] : memref<2x120xi32, #tpu.memory_space<vmem>> -> memref<1x120xi32, #tpu.memory_space<vmem>>
    %dma_wait3A_89 = tpu.memref_squeeze %dma_wait3A_88 : memref<1x120xi32, #tpu.memory_space<vmem>> -> memref<120xi32, #tpu.memory_space<vmem>>
    %dma_wait3A_90 = arith.constant 0 : i32
    %dma_wait3A_91 = arith.constant 0 : i32
    %dma_wait3A_92 = tpu.memref_slice %arg20[%dma_wait3A_90, %dma_wait3A_91] : memref<10000x64xf32, #tpu.memory_space<vmem_shared>> -> memref<10000x64xf32, #tpu.memory_space<vmem_shared>>
    tpu.wait_indirect_dma semaphore(%arg25 : memref<!tpu.dma_semaphore, #tpu.memory_space<semaphore_mem>>) src(%dma_wait3A_92 : memref<10000x64xf32, #tpu.memory_space<vmem_shared>>) dst(%arg17 : memref<120x64xf32, #tpu.memory_space<vmem>>)
    %dma_wait3A_93 = arith.constant 0 : i32
    %dma_wait3A_94 = arith.constant 0 : i32
    %dma_wait3A_95 = tpu.memref_slice %arg12[%dma_wait3A_93, %dma_wait3A_94] : memref<2x120xi32, #tpu.memory_space<vmem>> -> memref<1x120xi32, #tpu.memory_space<vmem>>
    %dma_wait3A_96 = tpu.memref_squeeze %dma_wait3A_95 : memref<1x120xi32, #tpu.memory_space<vmem>> -> memref<120xi32, #tpu.memory_space<vmem>>
    %dma_wait3A_97 = arith.constant 0 : i32
    %dma_wait3A_98 = arith.constant 0 : i32
    %dma_wait3A_99 = tpu.memref_slice %arg20[%dma_wait3A_97, %dma_wait3A_98] : memref<10000x64xf32, #tpu.memory_space<vmem_shared>> -> memref<10000x64xf32, #tpu.memory_space<vmem_shared>>
    tpu.wait_indirect_dma semaphore(%arg26 : memref<!tpu.dma_semaphore, #tpu.memory_space<semaphore_mem>>) src(%dma_wait3A_99 : memref<10000x64xf32, #tpu.memory_space<vmem_shared>>) dst(%arg18 : memref<120x64xf32, #tpu.memory_space<vmem>>)
    %barrier3A_100 = arith.constant 0 : index
    tpu.barrier barrier_id(%barrier3A_100)
    %mul3A_101 = arith.constant 640 : i32
    %mul3A_102 = arith.muli %arg1, %mul3A_101 : i32
    %mul3A_103 = arith.constant 640 : i32
    %mul3A_104 = arith.muli %arg1, %mul3A_103 : i32
    "tpu.region"() ({
      %run_scoped3A_105 = tpu.sem_alloc : memref<!tpu.dma_semaphore, #tpu.memory_space<semaphore_mem>>
      %dma_start3A_106 = arith.constant 0 : i32
      %dma_start3A_107 = tpu.memref_slice %arg6[%arg0, %mul3A_104, %dma_start3A_106] : memref<2x10240x64xf32, #tpu.memory_space<hbm>> -> memref<1x640x64xf32, #tpu.memory_space<hbm>>
      %dma_start3A_108 = tpu.memref_squeeze %dma_start3A_107 : memref<1x640x64xf32, #tpu.memory_space<hbm>> -> memref<640x64xf32, #tpu.memory_space<hbm>>
      %dma_start3A_109 = arith.constant 0 : i32
      %dma_start3A_110 = tpu.memref_slice %arg19[%mul3A_102, %dma_start3A_109] : memref<10240x64xf32, #tpu.memory_space<vmem_shared>> -> memref<640x64xf32, #tpu.memory_space<vmem_shared>>
      tpu.enqueue_dma source(%dma_start3A_110 : memref<640x64xf32, #tpu.memory_space<vmem_shared>>) target(%dma_start3A_108 : memref<640x64xf32, #tpu.memory_space<hbm>>) target_semaphore(%run_scoped3A_105 : memref<!tpu.dma_semaphore, #tpu.memory_space<semaphore_mem>>)
      %dma_wait3A_111 = arith.constant 0 : i32
      %dma_wait3A_112 = tpu.memref_slice %arg6[%arg0, %mul3A_104, %dma_wait3A_111] : memref<2x10240x64xf32, #tpu.memory_space<hbm>> -> memref<1x640x64xf32, #tpu.memory_space<hbm>>
      %dma_wait3A_113 = tpu.memref_squeeze %dma_wait3A_112 : memref<1x640x64xf32, #tpu.memory_space<hbm>> -> memref<640x64xf32, #tpu.memory_space<hbm>>
      %dma_wait3A_114 = arith.constant 0 : i32
      %dma_wait3A_115 = tpu.memref_slice %arg19[%mul3A_102, %dma_wait3A_114] : memref<10240x64xf32, #tpu.memory_space<vmem_shared>> -> memref<640x64xf32, #tpu.memory_space<vmem_shared>>
      tpu.wait_dma2 semaphore(%run_scoped3A_105 : memref<!tpu.dma_semaphore, #tpu.memory_space<semaphore_mem>>) src(%dma_wait3A_115 : memref<640x64xf32, #tpu.memory_space<vmem_shared>>) dst(%dma_wait3A_113 : memref<640x64xf32, #tpu.memory_space<hbm>>)
      tpu.yield
    }) : () -> ()
    return
  }
}

#map = affine_map<(d0, d1) -> (0, 0)>
#map1 = affine_map<(d0, d1) -> (0, 0, 0, 0)>
#map2 = affine_map<(d0, d1) -> (0, 0, 0)>
module attributes {stable_mosaic.version = 14 : i64} {
  func.func @_sc_scatter(%arg0: i32, %arg1: i32, %arg2: memref<10000x64xf32, #tpu.memory_space<hbm>>, %arg3: memref<10000x64xf32, #tpu.memory_space<hbm>>, %arg4: memref<16x180x2x120xi32, #tpu.memory_space<hbm>>, %arg5: memref<640x64xf32, #tpu.memory_space<hbm>>, %arg6: memref<2x10240x64xf32, #tpu.memory_space<hbm>>, %arg7: memref<2x120xi32, #tpu.memory_space<vmem>>, %arg8: memref<2x120xi32, #tpu.memory_space<vmem>>, %arg9: memref<2x120xi32, #tpu.memory_space<vmem>>, %arg10: memref<2x120xi32, #tpu.memory_space<vmem>>, %arg11: memref<2x120xi32, #tpu.memory_space<vmem>>, %arg12: memref<2x120xi32, #tpu.memory_space<vmem>>, %arg13: memref<120x64xf32, #tpu.memory_space<vmem>>, %arg14: memref<120x64xf32, #tpu.memory_space<vmem>>, %arg15: memref<120x64xf32, #tpu.memory_space<vmem>>, %arg16: memref<120x64xf32, #tpu.memory_space<vmem>>, %arg17: memref<120x64xf32, #tpu.memory_space<vmem>>, %arg18: memref<120x64xf32, #tpu.memory_space<vmem>>, %arg19: memref<10240x64xf32, #tpu.memory_space<vmem_shared>>, %arg20: memref<10000x64xf32, #tpu.memory_space<vmem_shared>>, %arg21: memref<!tpu.dma_semaphore, #tpu.memory_space<semaphore_mem>>, %arg22: memref<!tpu.dma_semaphore, #tpu.memory_space<semaphore_mem>>, %arg23: memref<!tpu.dma_semaphore, #tpu.memory_space<semaphore_mem>>, %arg24: memref<!tpu.dma_semaphore, #tpu.memory_space<semaphore_mem>>, %arg25: memref<!tpu.dma_semaphore, #tpu.memory_space<semaphore_mem>>, %arg26: memref<!tpu.dma_semaphore, #tpu.memory_space<semaphore_mem>>, %arg27: memref<!tpu.dma_semaphore, #tpu.memory_space<semaphore_mem>>, %arg28: memref<!tpu.dma_semaphore, #tpu.memory_space<semaphore_mem>>, %arg29: memref<!tpu.dma_semaphore, #tpu.memory_space<semaphore_mem>>, %arg30: memref<!tpu.dma_semaphore, #tpu.memory_space<semaphore_mem>>, %arg31: memref<!tpu.dma_semaphore, #tpu.memory_space<semaphore_mem>>, %arg32: memref<!tpu.dma_semaphore, #tpu.memory_space<semaphore_mem>>, %arg33: memref<!tpu.dma_semaphore, #tpu.memory_space<semaphore_mem>>, %arg34: memref<!tpu.dma_semaphore, #tpu.memory_space<semaphore_mem>>, %arg35: memref<!tpu.dma_semaphore, #tpu.memory_space<semaphore_mem>>, %arg36: memref<!tpu.dma_semaphore, #tpu.memory_space<semaphore_mem>>, %arg37: memref<!tpu.dma_semaphore, #tpu.memory_space<semaphore_mem>>, %arg38: memref<!tpu.dma_semaphore, #tpu.memory_space<semaphore_mem>>) attributes {dimension_semantics = [#tpu.dimension_semantics<core_parallel>, #tpu.dimension_semantics<subcore_parallel>], iteration_bounds = array<i64: 2, 16>, scalar_prefetch = 0 : i64, scratch_operands = 32 : i64, tpu.core_type = #tpu.core_type<sc_vector_subcore>, window_params = [{transform_indices = #map}, {transform_indices = #map}, {transform_indices = #map1}, {transform_indices = #map}, {transform_indices = #map2}]} {
    %mul3A = arith.constant 640 : i32
    %mul3A_0 = arith.muli %arg1, %mul3A : i32
    "tpu.region"() ({
      %run_scoped3A_105 = tpu.sem_alloc : memref<!tpu.dma_semaphore, #tpu.memory_space<semaphore_mem>>
      %dma_start3A_106 = arith.constant 0 : i32
      %dma_start3A_107 = tpu.memref_slice %arg19[%mul3A_0, %dma_start3A_106] : memref<10240x64xf32, #tpu.memory_space<vmem_shared>> -> memref<640x64xf32, #tpu.memory_space<vmem_shared>>
      tpu.enqueue_dma source(%arg5 : memref<640x64xf32, #tpu.memory_space<hbm>>) target(%dma_start3A_107 : memref<640x64xf32, #tpu.memory_space<vmem_shared>>) target_semaphore(%run_scoped3A_105 : memref<!tpu.dma_semaphore, #tpu.memory_space<semaphore_mem>>)
      %dma_wait3A_108 = arith.constant 0 : i32
      %dma_wait3A_109 = tpu.memref_slice %arg19[%mul3A_0, %dma_wait3A_108] : memref<10240x64xf32, #tpu.memory_space<vmem_shared>> -> memref<640x64xf32, #tpu.memory_space<vmem_shared>>
      tpu.wait_dma2 semaphore(%run_scoped3A_105 : memref<!tpu.dma_semaphore, #tpu.memory_space<semaphore_mem>>) src(%arg5 : memref<640x64xf32, #tpu.memory_space<hbm>>) dst(%dma_wait3A_109 : memref<640x64xf32, #tpu.memory_space<vmem_shared>>)
      tpu.yield
    }) : () -> ()
    %eq3A = arith.constant 0 : i32
    %eq3A_1 = arith.cmpi eq, %arg0, %eq3A : i32
    %convert_element_type3A = arith.extui %eq3A_1 : i1 to i32
    %cond3A = arith.constant 0 : i32
    %cond3A_2 = arith.cmpi ne, %convert_element_type3A, %cond3A : i32
    scf.if %cond3A_2 {
      %mul3A_105 = arith.constant 625 : i32
      %mul3A_106 = arith.muli %arg1, %mul3A_105 : i32
      %mul3A_107 = arith.constant 625 : i32
      %mul3A_108 = arith.muli %arg1, %mul3A_107 : i32
      "tpu.region"() ({
        %run_scoped3A_109 = tpu.sem_alloc : memref<!tpu.dma_semaphore, #tpu.memory_space<semaphore_mem>>
        %dma_start3A_110 = arith.constant 0 : i32
        %dma_start3A_111 = tpu.memref_slice %arg20[%mul3A_108, %dma_start3A_110] : memref<10000x64xf32, #tpu.memory_space<vmem_shared>> -> memref<625x64xf32, #tpu.memory_space<vmem_shared>>
        %dma_start3A_112 = arith.constant 0 : i32
        %dma_start3A_113 = tpu.memref_slice %arg2[%mul3A_106, %dma_start3A_112] : memref<10000x64xf32, #tpu.memory_space<hbm>> -> memref<625x64xf32, #tpu.memory_space<hbm>>
        tpu.enqueue_dma source(%dma_start3A_113 : memref<625x64xf32, #tpu.memory_space<hbm>>) target(%dma_start3A_111 : memref<625x64xf32, #tpu.memory_space<vmem_shared>>) target_semaphore(%run_scoped3A_109 : memref<!tpu.dma_semaphore, #tpu.memory_space<semaphore_mem>>)
        %dma_wait3A_114 = arith.constant 0 : i32
        %dma_wait3A_115 = tpu.memref_slice %arg20[%mul3A_108, %dma_wait3A_114] : memref<10000x64xf32, #tpu.memory_space<vmem_shared>> -> memref<625x64xf32, #tpu.memory_space<vmem_shared>>
        %dma_wait3A_116 = arith.constant 0 : i32
        %dma_wait3A_117 = tpu.memref_slice %arg2[%mul3A_106, %dma_wait3A_116] : memref<10000x64xf32, #tpu.memory_space<hbm>> -> memref<625x64xf32, #tpu.memory_space<hbm>>
        tpu.wait_dma2 semaphore(%run_scoped3A_109 : memref<!tpu.dma_semaphore, #tpu.memory_space<semaphore_mem>>) src(%dma_wait3A_117 : memref<625x64xf32, #tpu.memory_space<hbm>>) dst(%dma_wait3A_115 : memref<625x64xf32, #tpu.memory_space<vmem_shared>>)
        tpu.yield
      }) : () -> ()
    } else {
    }
    %eq3A_3 = arith.constant 1 : i32
    %eq3A_4 = arith.cmpi eq, %arg0, %eq3A_3 : i32
    %convert_element_type3A_5 = arith.extui %eq3A_4 : i1 to i32
    %cond3A_6 = arith.constant 0 : i32
    %cond3A_7 = arith.cmpi ne, %convert_element_type3A_5, %cond3A_6 : i32
    scf.if %cond3A_7 {
      %mul3A_105 = arith.constant 625 : i32
      %mul3A_106 = arith.muli %arg1, %mul3A_105 : i32
      %mul3A_107 = arith.constant 625 : i32
      %mul3A_108 = arith.muli %arg1, %mul3A_107 : i32
      "tpu.region"() ({
        %run_scoped3A_109 = tpu.sem_alloc : memref<!tpu.dma_semaphore, #tpu.memory_space<semaphore_mem>>
        %dma_start3A_110 = arith.constant 0 : i32
        %dma_start3A_111 = tpu.memref_slice %arg20[%mul3A_108, %dma_start3A_110] : memref<10000x64xf32, #tpu.memory_space<vmem_shared>> -> memref<625x64xf32, #tpu.memory_space<vmem_shared>>
        %dma_start3A_112 = arith.constant 0 : i32
        %dma_start3A_113 = tpu.memref_slice %arg3[%mul3A_106, %dma_start3A_112] : memref<10000x64xf32, #tpu.memory_space<hbm>> -> memref<625x64xf32, #tpu.memory_space<hbm>>
        tpu.enqueue_dma source(%dma_start3A_113 : memref<625x64xf32, #tpu.memory_space<hbm>>) target(%dma_start3A_111 : memref<625x64xf32, #tpu.memory_space<vmem_shared>>) target_semaphore(%run_scoped3A_109 : memref<!tpu.dma_semaphore, #tpu.memory_space<semaphore_mem>>)
        %dma_wait3A_114 = arith.constant 0 : i32
        %dma_wait3A_115 = tpu.memref_slice %arg20[%mul3A_108, %dma_wait3A_114] : memref<10000x64xf32, #tpu.memory_space<vmem_shared>> -> memref<625x64xf32, #tpu.memory_space<vmem_shared>>
        %dma_wait3A_116 = arith.constant 0 : i32
        %dma_wait3A_117 = tpu.memref_slice %arg3[%mul3A_106, %dma_wait3A_116] : memref<10000x64xf32, #tpu.memory_space<hbm>> -> memref<625x64xf32, #tpu.memory_space<hbm>>
        tpu.wait_dma2 semaphore(%run_scoped3A_109 : memref<!tpu.dma_semaphore, #tpu.memory_space<semaphore_mem>>) src(%dma_wait3A_117 : memref<625x64xf32, #tpu.memory_space<hbm>>) dst(%dma_wait3A_115 : memref<625x64xf32, #tpu.memory_space<vmem_shared>>)
        tpu.yield
      }) : () -> ()
    } else {
    }
    %run_scoped3A = arith.constant 0 : i32
    "tpu.region"() ({
      %run_scoped3A_105 = tpu.sem_alloc : memref<!tpu.dma_semaphore, #tpu.memory_space<semaphore_mem>>
      %dma_start3A_106 = arith.constant 0 : i32
      %dma_start3A_107 = arith.constant 0 : i32
      %dma_start3A_108 = tpu.memref_slice %arg4[%arg1, %run_scoped3A, %dma_start3A_106, %dma_start3A_107] : memref<16x180x2x120xi32, #tpu.memory_space<hbm>> -> memref<1x1x2x120xi32, #tpu.memory_space<hbm>>
      %dma_start3A_109 = tpu.memref_squeeze %dma_start3A_108 : memref<1x1x2x120xi32, #tpu.memory_space<hbm>> -> memref<2x120xi32, #tpu.memory_space<hbm>>
      %dma_start3A_110 = arith.constant 0 : i32
      %dma_start3A_111 = arith.constant 0 : i32
      %dma_start3A_112 = tpu.memref_slice %arg4[%arg1, %run_scoped3A, %dma_start3A_110, %dma_start3A_111] : memref<16x180x2x120xi32, #tpu.memory_space<hbm>> -> memref<1x1x2x120xi32, #tpu.memory_space<hbm>>
      %dma_start3A_113 = tpu.memref_squeeze %dma_start3A_112 : memref<1x1x2x120xi32, #tpu.memory_space<hbm>> -> memref<2x120xi32, #tpu.memory_space<hbm>>
      tpu.enqueue_dma source(%dma_start3A_113 : memref<2x120xi32, #tpu.memory_space<hbm>>) target(%arg7 : memref<2x120xi32, #tpu.memory_space<vmem>>) target_semaphore(%run_scoped3A_105 : memref<!tpu.dma_semaphore, #tpu.memory_space<semaphore_mem>>)
      %dma_wait3A_114 = arith.constant 0 : i32
      %dma_wait3A_115 = arith.constant 0 : i32
      %dma_wait3A_116 = tpu.memref_slice %arg4[%arg1, %run_scoped3A, %dma_wait3A_114, %dma_wait3A_115] : memref<16x180x2x120xi32, #tpu.memory_space<hbm>> -> memref<1x1x2x120xi32, #tpu.memory_space<hbm>>
      %dma_wait3A_117 = tpu.memref_squeeze %dma_wait3A_116 : memref<1x1x2x120xi32, #tpu.memory_space<hbm>> -> memref<2x120xi32, #tpu.memory_space<hbm>>
      %dma_wait3A_118 = arith.constant 0 : i32
      %dma_wait3A_119 = arith.constant 0 : i32
      %dma_wait3A_120 = tpu.memref_slice %arg4[%arg1, %run_scoped3A, %dma_wait3A_118, %dma_wait3A_119] : memref<16x180x2x120xi32, #tpu.memory_space<hbm>> -> memref<1x1x2x120xi32, #tpu.memory_space<hbm>>
      %dma_wait3A_121 = tpu.memref_squeeze %dma_wait3A_120 : memref<1x1x2x120xi32, #tpu.memory_space<hbm>> -> memref<2x120xi32, #tpu.memory_space<hbm>>
      tpu.wait_dma2 semaphore(%run_scoped3A_105 : memref<!tpu.dma_semaphore, #tpu.memory_space<semaphore_mem>>) src(%dma_wait3A_121 : memref<2x120xi32, #tpu.memory_space<hbm>>) dst(%arg7 : memref<2x120xi32, #tpu.memory_space<vmem>>)
      tpu.yield
    }) : () -> ()
    %run_scoped3A_8 = arith.constant 1 : i32
    "tpu.region"() ({
      %run_scoped3A_105 = tpu.sem_alloc : memref<!tpu.dma_semaphore, #tpu.memory_space<semaphore_mem>>
      %dma_start3A_106 = arith.constant 0 : i32
      %dma_start3A_107 = arith.constant 0 : i32
      %dma_start3A_108 = tpu.memref_slice %arg4[%arg1, %run_scoped3A_8, %dma_start3A_106, %dma_start3A_107] : memref<16x180x2x120xi32, #tpu.memory_space<hbm>> -> memref<1x1x2x120xi32, #tpu.memory_space<hbm>>
      %dma_start3A_109 = tpu.memref_squeeze %dma_start3A_108 : memref<1x1x2x120xi32, #tpu.memory_space<hbm>> -> memref<2x120xi32, #tpu.memory_space<hbm>>
      %dma_start3A_110 = arith.constant 0 : i32
      %dma_start3A_111 = arith.constant 0 : i32
      %dma_start3A_112 = tpu.memref_slice %arg4[%arg1, %run_scoped3A_8, %dma_start3A_110, %dma_start3A_111] : memref<16x180x2x120xi32, #tpu.memory_space<hbm>> -> memref<1x1x2x120xi32, #tpu.memory_space<hbm>>
      %dma_start3A_113 = tpu.memref_squeeze %dma_start3A_112 : memref<1x1x2x120xi32, #tpu.memory_space<hbm>> -> memref<2x120xi32, #tpu.memory_space<hbm>>
      tpu.enqueue_dma source(%dma_start3A_113 : memref<2x120xi32, #tpu.memory_space<hbm>>) target(%arg8 : memref<2x120xi32, #tpu.memory_space<vmem>>) target_semaphore(%run_scoped3A_105 : memref<!tpu.dma_semaphore, #tpu.memory_space<semaphore_mem>>)
      %dma_wait3A_114 = arith.constant 0 : i32
      %dma_wait3A_115 = arith.constant 0 : i32
      %dma_wait3A_116 = tpu.memref_slice %arg4[%arg1, %run_scoped3A_8, %dma_wait3A_114, %dma_wait3A_115] : memref<16x180x2x120xi32, #tpu.memory_space<hbm>> -> memref<1x1x2x120xi32, #tpu.memory_space<hbm>>
      %dma_wait3A_117 = tpu.memref_squeeze %dma_wait3A_116 : memref<1x1x2x120xi32, #tpu.memory_space<hbm>> -> memref<2x120xi32, #tpu.memory_space<hbm>>
      %dma_wait3A_118 = arith.constant 0 : i32
      %dma_wait3A_119 = arith.constant 0 : i32
      %dma_wait3A_120 = tpu.memref_slice %arg4[%arg1, %run_scoped3A_8, %dma_wait3A_118, %dma_wait3A_119] : memref<16x180x2x120xi32, #tpu.memory_space<hbm>> -> memref<1x1x2x120xi32, #tpu.memory_space<hbm>>
      %dma_wait3A_121 = tpu.memref_squeeze %dma_wait3A_120 : memref<1x1x2x120xi32, #tpu.memory_space<hbm>> -> memref<2x120xi32, #tpu.memory_space<hbm>>
      tpu.wait_dma2 semaphore(%run_scoped3A_105 : memref<!tpu.dma_semaphore, #tpu.memory_space<semaphore_mem>>) src(%dma_wait3A_121 : memref<2x120xi32, #tpu.memory_space<hbm>>) dst(%arg8 : memref<2x120xi32, #tpu.memory_space<vmem>>)
      tpu.yield
    }) : () -> ()
    %run_scoped3A_9 = arith.constant 2 : i32
    "tpu.region"() ({
      %run_scoped3A_105 = tpu.sem_alloc : memref<!tpu.dma_semaphore, #tpu.memory_space<semaphore_mem>>
      %dma_start3A_106 = arith.constant 0 : i32
      %dma_start3A_107 = arith.constant 0 : i32
      %dma_start3A_108 = tpu.memref_slice %arg4[%arg1, %run_scoped3A_9, %dma_start3A_106, %dma_start3A_107] : memref<16x180x2x120xi32, #tpu.memory_space<hbm>> -> memref<1x1x2x120xi32, #tpu.memory_space<hbm>>
      %dma_start3A_109 = tpu.memref_squeeze %dma_start3A_108 : memref<1x1x2x120xi32, #tpu.memory_space<hbm>> -> memref<2x120xi32, #tpu.memory_space<hbm>>
      %dma_start3A_110 = arith.constant 0 : i32
      %dma_start3A_111 = arith.constant 0 : i32
      %dma_start3A_112 = tpu.memref_slice %arg4[%arg1, %run_scoped3A_9, %dma_start3A_110, %dma_start3A_111] : memref<16x180x2x120xi32, #tpu.memory_space<hbm>> -> memref<1x1x2x120xi32, #tpu.memory_space<hbm>>
      %dma_start3A_113 = tpu.memref_squeeze %dma_start3A_112 : memref<1x1x2x120xi32, #tpu.memory_space<hbm>> -> memref<2x120xi32, #tpu.memory_space<hbm>>
      tpu.enqueue_dma source(%dma_start3A_113 : memref<2x120xi32, #tpu.memory_space<hbm>>) target(%arg9 : memref<2x120xi32, #tpu.memory_space<vmem>>) target_semaphore(%run_scoped3A_105 : memref<!tpu.dma_semaphore, #tpu.memory_space<semaphore_mem>>)
      %dma_wait3A_114 = arith.constant 0 : i32
      %dma_wait3A_115 = arith.constant 0 : i32
      %dma_wait3A_116 = tpu.memref_slice %arg4[%arg1, %run_scoped3A_9, %dma_wait3A_114, %dma_wait3A_115] : memref<16x180x2x120xi32, #tpu.memory_space<hbm>> -> memref<1x1x2x120xi32, #tpu.memory_space<hbm>>
      %dma_wait3A_117 = tpu.memref_squeeze %dma_wait3A_116 : memref<1x1x2x120xi32, #tpu.memory_space<hbm>> -> memref<2x120xi32, #tpu.memory_space<hbm>>
      %dma_wait3A_118 = arith.constant 0 : i32
      %dma_wait3A_119 = arith.constant 0 : i32
      %dma_wait3A_120 = tpu.memref_slice %arg4[%arg1, %run_scoped3A_9, %dma_wait3A_118, %dma_wait3A_119] : memref<16x180x2x120xi32, #tpu.memory_space<hbm>> -> memref<1x1x2x120xi32, #tpu.memory_space<hbm>>
      %dma_wait3A_121 = tpu.memref_squeeze %dma_wait3A_120 : memref<1x1x2x120xi32, #tpu.memory_space<hbm>> -> memref<2x120xi32, #tpu.memory_space<hbm>>
      tpu.wait_dma2 semaphore(%run_scoped3A_105 : memref<!tpu.dma_semaphore, #tpu.memory_space<semaphore_mem>>) src(%dma_wait3A_121 : memref<2x120xi32, #tpu.memory_space<hbm>>) dst(%arg9 : memref<2x120xi32, #tpu.memory_space<vmem>>)
      tpu.yield
    }) : () -> ()
    %run_scoped3A_10 = arith.constant 3 : i32
    "tpu.region"() ({
      %run_scoped3A_105 = tpu.sem_alloc : memref<!tpu.dma_semaphore, #tpu.memory_space<semaphore_mem>>
      %dma_start3A_106 = arith.constant 0 : i32
      %dma_start3A_107 = arith.constant 0 : i32
      %dma_start3A_108 = tpu.memref_slice %arg4[%arg1, %run_scoped3A_10, %dma_start3A_106, %dma_start3A_107] : memref<16x180x2x120xi32, #tpu.memory_space<hbm>> -> memref<1x1x2x120xi32, #tpu.memory_space<hbm>>
      %dma_start3A_109 = tpu.memref_squeeze %dma_start3A_108 : memref<1x1x2x120xi32, #tpu.memory_space<hbm>> -> memref<2x120xi32, #tpu.memory_space<hbm>>
      %dma_start3A_110 = arith.constant 0 : i32
      %dma_start3A_111 = arith.constant 0 : i32
      %dma_start3A_112 = tpu.memref_slice %arg4[%arg1, %run_scoped3A_10, %dma_start3A_110, %dma_start3A_111] : memref<16x180x2x120xi32, #tpu.memory_space<hbm>> -> memref<1x1x2x120xi32, #tpu.memory_space<hbm>>
      %dma_start3A_113 = tpu.memref_squeeze %dma_start3A_112 : memref<1x1x2x120xi32, #tpu.memory_space<hbm>> -> memref<2x120xi32, #tpu.memory_space<hbm>>
      tpu.enqueue_dma source(%dma_start3A_113 : memref<2x120xi32, #tpu.memory_space<hbm>>) target(%arg10 : memref<2x120xi32, #tpu.memory_space<vmem>>) target_semaphore(%run_scoped3A_105 : memref<!tpu.dma_semaphore, #tpu.memory_space<semaphore_mem>>)
      %dma_wait3A_114 = arith.constant 0 : i32
      %dma_wait3A_115 = arith.constant 0 : i32
      %dma_wait3A_116 = tpu.memref_slice %arg4[%arg1, %run_scoped3A_10, %dma_wait3A_114, %dma_wait3A_115] : memref<16x180x2x120xi32, #tpu.memory_space<hbm>> -> memref<1x1x2x120xi32, #tpu.memory_space<hbm>>
      %dma_wait3A_117 = tpu.memref_squeeze %dma_wait3A_116 : memref<1x1x2x120xi32, #tpu.memory_space<hbm>> -> memref<2x120xi32, #tpu.memory_space<hbm>>
      %dma_wait3A_118 = arith.constant 0 : i32
      %dma_wait3A_119 = arith.constant 0 : i32
      %dma_wait3A_120 = tpu.memref_slice %arg4[%arg1, %run_scoped3A_10, %dma_wait3A_118, %dma_wait3A_119] : memref<16x180x2x120xi32, #tpu.memory_space<hbm>> -> memref<1x1x2x120xi32, #tpu.memory_space<hbm>>
      %dma_wait3A_121 = tpu.memref_squeeze %dma_wait3A_120 : memref<1x1x2x120xi32, #tpu.memory_space<hbm>> -> memref<2x120xi32, #tpu.memory_space<hbm>>
      tpu.wait_dma2 semaphore(%run_scoped3A_105 : memref<!tpu.dma_semaphore, #tpu.memory_space<semaphore_mem>>) src(%dma_wait3A_121 : memref<2x120xi32, #tpu.memory_space<hbm>>) dst(%arg10 : memref<2x120xi32, #tpu.memory_space<vmem>>)
      tpu.yield
    }) : () -> ()
    %run_scoped3A_11 = arith.constant 4 : i32
    "tpu.region"() ({
      %run_scoped3A_105 = tpu.sem_alloc : memref<!tpu.dma_semaphore, #tpu.memory_space<semaphore_mem>>
      %dma_start3A_106 = arith.constant 0 : i32
      %dma_start3A_107 = arith.constant 0 : i32
      %dma_start3A_108 = tpu.memref_slice %arg4[%arg1, %run_scoped3A_11, %dma_start3A_106, %dma_start3A_107] : memref<16x180x2x120xi32, #tpu.memory_space<hbm>> -> memref<1x1x2x120xi32, #tpu.memory_space<hbm>>
      %dma_start3A_109 = tpu.memref_squeeze %dma_start3A_108 : memref<1x1x2x120xi32, #tpu.memory_space<hbm>> -> memref<2x120xi32, #tpu.memory_space<hbm>>
      %dma_start3A_110 = arith.constant 0 : i32
      %dma_start3A_111 = arith.constant 0 : i32
      %dma_start3A_112 = tpu.memref_slice %arg4[%arg1, %run_scoped3A_11, %dma_start3A_110, %dma_start3A_111] : memref<16x180x2x120xi32, #tpu.memory_space<hbm>> -> memref<1x1x2x120xi32, #tpu.memory_space<hbm>>
      %dma_start3A_113 = tpu.memref_squeeze %dma_start3A_112 : memref<1x1x2x120xi32, #tpu.memory_space<hbm>> -> memref<2x120xi32, #tpu.memory_space<hbm>>
      tpu.enqueue_dma source(%dma_start3A_113 : memref<2x120xi32, #tpu.memory_space<hbm>>) target(%arg11 : memref<2x120xi32, #tpu.memory_space<vmem>>) target_semaphore(%run_scoped3A_105 : memref<!tpu.dma_semaphore, #tpu.memory_space<semaphore_mem>>)
      %dma_wait3A_114 = arith.constant 0 : i32
      %dma_wait3A_115 = arith.constant 0 : i32
      %dma_wait3A_116 = tpu.memref_slice %arg4[%arg1, %run_scoped3A_11, %dma_wait3A_114, %dma_wait3A_115] : memref<16x180x2x120xi32, #tpu.memory_space<hbm>> -> memref<1x1x2x120xi32, #tpu.memory_space<hbm>>
      %dma_wait3A_117 = tpu.memref_squeeze %dma_wait3A_116 : memref<1x1x2x120xi32, #tpu.memory_space<hbm>> -> memref<2x120xi32, #tpu.memory_space<hbm>>
      %dma_wait3A_118 = arith.constant 0 : i32
      %dma_wait3A_119 = arith.constant 0 : i32
      %dma_wait3A_120 = tpu.memref_slice %arg4[%arg1, %run_scoped3A_11, %dma_wait3A_118, %dma_wait3A_119] : memref<16x180x2x120xi32, #tpu.memory_space<hbm>> -> memref<1x1x2x120xi32, #tpu.memory_space<hbm>>
      %dma_wait3A_121 = tpu.memref_squeeze %dma_wait3A_120 : memref<1x1x2x120xi32, #tpu.memory_space<hbm>> -> memref<2x120xi32, #tpu.memory_space<hbm>>
      tpu.wait_dma2 semaphore(%run_scoped3A_105 : memref<!tpu.dma_semaphore, #tpu.memory_space<semaphore_mem>>) src(%dma_wait3A_121 : memref<2x120xi32, #tpu.memory_space<hbm>>) dst(%arg11 : memref<2x120xi32, #tpu.memory_space<vmem>>)
      tpu.yield
    }) : () -> ()
    %run_scoped3A_12 = arith.constant 5 : i32
    "tpu.region"() ({
      %run_scoped3A_105 = tpu.sem_alloc : memref<!tpu.dma_semaphore, #tpu.memory_space<semaphore_mem>>
      %dma_start3A_106 = arith.constant 0 : i32
      %dma_start3A_107 = arith.constant 0 : i32
      %dma_start3A_108 = tpu.memref_slice %arg4[%arg1, %run_scoped3A_12, %dma_start3A_106, %dma_start3A_107] : memref<16x180x2x120xi32, #tpu.memory_space<hbm>> -> memref<1x1x2x120xi32, #tpu.memory_space<hbm>>
      %dma_start3A_109 = tpu.memref_squeeze %dma_start3A_108 : memref<1x1x2x120xi32, #tpu.memory_space<hbm>> -> memref<2x120xi32, #tpu.memory_space<hbm>>
      %dma_start3A_110 = arith.constant 0 : i32
      %dma_start3A_111 = arith.constant 0 : i32
      %dma_start3A_112 = tpu.memref_slice %arg4[%arg1, %run_scoped3A_12, %dma_start3A_110, %dma_start3A_111] : memref<16x180x2x120xi32, #tpu.memory_space<hbm>> -> memref<1x1x2x120xi32, #tpu.memory_space<hbm>>
      %dma_start3A_113 = tpu.memref_squeeze %dma_start3A_112 : memref<1x1x2x120xi32, #tpu.memory_space<hbm>> -> memref<2x120xi32, #tpu.memory_space<hbm>>
      tpu.enqueue_dma source(%dma_start3A_113 : memref<2x120xi32, #tpu.memory_space<hbm>>) target(%arg12 : memref<2x120xi32, #tpu.memory_space<vmem>>) target_semaphore(%run_scoped3A_105 : memref<!tpu.dma_semaphore, #tpu.memory_space<semaphore_mem>>)
      %dma_wait3A_114 = arith.constant 0 : i32
      %dma_wait3A_115 = arith.constant 0 : i32
      %dma_wait3A_116 = tpu.memref_slice %arg4[%arg1, %run_scoped3A_12, %dma_wait3A_114, %dma_wait3A_115] : memref<16x180x2x120xi32, #tpu.memory_space<hbm>> -> memref<1x1x2x120xi32, #tpu.memory_space<hbm>>
      %dma_wait3A_117 = tpu.memref_squeeze %dma_wait3A_116 : memref<1x1x2x120xi32, #tpu.memory_space<hbm>> -> memref<2x120xi32, #tpu.memory_space<hbm>>
      %dma_wait3A_118 = arith.constant 0 : i32
      %dma_wait3A_119 = arith.constant 0 : i32
      %dma_wait3A_120 = tpu.memref_slice %arg4[%arg1, %run_scoped3A_12, %dma_wait3A_118, %dma_wait3A_119] : memref<16x180x2x120xi32, #tpu.memory_space<hbm>> -> memref<1x1x2x120xi32, #tpu.memory_space<hbm>>
      %dma_wait3A_121 = tpu.memref_squeeze %dma_wait3A_120 : memref<1x1x2x120xi32, #tpu.memory_space<hbm>> -> memref<2x120xi32, #tpu.memory_space<hbm>>
      tpu.wait_dma2 semaphore(%run_scoped3A_105 : memref<!tpu.dma_semaphore, #tpu.memory_space<semaphore_mem>>) src(%dma_wait3A_121 : memref<2x120xi32, #tpu.memory_space<hbm>>) dst(%arg12 : memref<2x120xi32, #tpu.memory_space<vmem>>)
      tpu.yield
    }) : () -> ()
    %barrier3A = arith.constant 0 : index
    tpu.barrier barrier_id(%barrier3A)
    %dma_start3A = arith.constant 0 : i32
    %dma_start3A_13 = arith.constant 0 : i32
    %dma_start3A_14 = tpu.memref_slice %arg7[%dma_start3A, %dma_start3A_13] : memref<2x120xi32, #tpu.memory_space<vmem>> -> memref<1x120xi32, #tpu.memory_space<vmem>>
    %dma_start3A_15 = tpu.memref_squeeze %dma_start3A_14 : memref<1x120xi32, #tpu.memory_space<vmem>> -> memref<120xi32, #tpu.memory_space<vmem>>
    %dma_start3A_16 = arith.constant 0 : i32
    %dma_start3A_17 = arith.constant 0 : i32
    %dma_start3A_18 = tpu.memref_slice %arg20[%dma_start3A_16, %dma_start3A_17] : memref<10000x64xf32, #tpu.memory_space<vmem_shared>> -> memref<10000x64xf32, #tpu.memory_space<vmem_shared>>
    tpu.enqueue_indirect_dma source(%dma_start3A_18 : memref<10000x64xf32, #tpu.memory_space<vmem_shared>>) target(%arg13 : memref<120x64xf32, #tpu.memory_space<vmem>>) offsets(%dma_start3A_15 : memref<120xi32, #tpu.memory_space<vmem>>) semaphore(%arg21 : memref<!tpu.dma_semaphore, #tpu.memory_space<semaphore_mem>>)
    %dma_start3A_19 = arith.constant 0 : i32
    %dma_start3A_20 = arith.constant 0 : i32
    %dma_start3A_21 = tpu.memref_slice %arg8[%dma_start3A_19, %dma_start3A_20] : memref<2x120xi32, #tpu.memory_space<vmem>> -> memref<1x120xi32, #tpu.memory_space<vmem>>
    %dma_start3A_22 = tpu.memref_squeeze %dma_start3A_21 : memref<1x120xi32, #tpu.memory_space<vmem>> -> memref<120xi32, #tpu.memory_space<vmem>>
    %dma_start3A_23 = arith.constant 0 : i32
    %dma_start3A_24 = arith.constant 0 : i32
    %dma_start3A_25 = tpu.memref_slice %arg20[%dma_start3A_23, %dma_start3A_24] : memref<10000x64xf32, #tpu.memory_space<vmem_shared>> -> memref<10000x64xf32, #tpu.memory_space<vmem_shared>>
    tpu.enqueue_indirect_dma source(%dma_start3A_25 : memref<10000x64xf32, #tpu.memory_space<vmem_shared>>) target(%arg14 : memref<120x64xf32, #tpu.memory_space<vmem>>) offsets(%dma_start3A_22 : memref<120xi32, #tpu.memory_space<vmem>>) semaphore(%arg22 : memref<!tpu.dma_semaphore, #tpu.memory_space<semaphore_mem>>)
    %dma_start3A_26 = arith.constant 0 : i32
    %dma_start3A_27 = arith.constant 0 : i32
    %dma_start3A_28 = tpu.memref_slice %arg9[%dma_start3A_26, %dma_start3A_27] : memref<2x120xi32, #tpu.memory_space<vmem>> -> memref<1x120xi32, #tpu.memory_space<vmem>>
    %dma_start3A_29 = tpu.memref_squeeze %dma_start3A_28 : memref<1x120xi32, #tpu.memory_space<vmem>> -> memref<120xi32, #tpu.memory_space<vmem>>
    %dma_start3A_30 = arith.constant 0 : i32
    %dma_start3A_31 = arith.constant 0 : i32
    %dma_start3A_32 = tpu.memref_slice %arg20[%dma_start3A_30, %dma_start3A_31] : memref<10000x64xf32, #tpu.memory_space<vmem_shared>> -> memref<10000x64xf32, #tpu.memory_space<vmem_shared>>
    tpu.enqueue_indirect_dma source(%dma_start3A_32 : memref<10000x64xf32, #tpu.memory_space<vmem_shared>>) target(%arg15 : memref<120x64xf32, #tpu.memory_space<vmem>>) offsets(%dma_start3A_29 : memref<120xi32, #tpu.memory_space<vmem>>) semaphore(%arg23 : memref<!tpu.dma_semaphore, #tpu.memory_space<semaphore_mem>>)
    %dma_start3A_33 = arith.constant 0 : i32
    %dma_start3A_34 = arith.constant 0 : i32
    %dma_start3A_35 = tpu.memref_slice %arg10[%dma_start3A_33, %dma_start3A_34] : memref<2x120xi32, #tpu.memory_space<vmem>> -> memref<1x120xi32, #tpu.memory_space<vmem>>
    %dma_start3A_36 = tpu.memref_squeeze %dma_start3A_35 : memref<1x120xi32, #tpu.memory_space<vmem>> -> memref<120xi32, #tpu.memory_space<vmem>>
    %dma_start3A_37 = arith.constant 0 : i32
    %dma_start3A_38 = arith.constant 0 : i32
    %dma_start3A_39 = tpu.memref_slice %arg20[%dma_start3A_37, %dma_start3A_38] : memref<10000x64xf32, #tpu.memory_space<vmem_shared>> -> memref<10000x64xf32, #tpu.memory_space<vmem_shared>>
    tpu.enqueue_indirect_dma source(%dma_start3A_39 : memref<10000x64xf32, #tpu.memory_space<vmem_shared>>) target(%arg16 : memref<120x64xf32, #tpu.memory_space<vmem>>) offsets(%dma_start3A_36 : memref<120xi32, #tpu.memory_space<vmem>>) semaphore(%arg24 : memref<!tpu.dma_semaphore, #tpu.memory_space<semaphore_mem>>)
    %dma_start3A_40 = arith.constant 0 : i32
    %dma_start3A_41 = arith.constant 0 : i32
    %dma_start3A_42 = tpu.memref_slice %arg11[%dma_start3A_40, %dma_start3A_41] : memref<2x120xi32, #tpu.memory_space<vmem>> -> memref<1x120xi32, #tpu.memory_space<vmem>>
    %dma_start3A_43 = tpu.memref_squeeze %dma_start3A_42 : memref<1x120xi32, #tpu.memory_space<vmem>> -> memref<120xi32, #tpu.memory_space<vmem>>
    %dma_start3A_44 = arith.constant 0 : i32
    %dma_start3A_45 = arith.constant 0 : i32
    %dma_start3A_46 = tpu.memref_slice %arg20[%dma_start3A_44, %dma_start3A_45] : memref<10000x64xf32, #tpu.memory_space<vmem_shared>> -> memref<10000x64xf32, #tpu.memory_space<vmem_shared>>
    tpu.enqueue_indirect_dma source(%dma_start3A_46 : memref<10000x64xf32, #tpu.memory_space<vmem_shared>>) target(%arg17 : memref<120x64xf32, #tpu.memory_space<vmem>>) offsets(%dma_start3A_43 : memref<120xi32, #tpu.memory_space<vmem>>) semaphore(%arg25 : memref<!tpu.dma_semaphore, #tpu.memory_space<semaphore_mem>>)
    %dma_start3A_47 = arith.constant 0 : i32
    %dma_start3A_48 = arith.constant 0 : i32
    %dma_start3A_49 = tpu.memref_slice %arg12[%dma_start3A_47, %dma_start3A_48] : memref<2x120xi32, #tpu.memory_space<vmem>> -> memref<1x120xi32, #tpu.memory_space<vmem>>
    %dma_start3A_50 = tpu.memref_squeeze %dma_start3A_49 : memref<1x120xi32, #tpu.memory_space<vmem>> -> memref<120xi32, #tpu.memory_space<vmem>>
    %dma_start3A_51 = arith.constant 0 : i32
    %dma_start3A_52 = arith.constant 0 : i32
    %dma_start3A_53 = tpu.memref_slice %arg20[%dma_start3A_51, %dma_start3A_52] : memref<10000x64xf32, #tpu.memory_space<vmem_shared>> -> memref<10000x64xf32, #tpu.memory_space<vmem_shared>>
    tpu.enqueue_indirect_dma source(%dma_start3A_53 : memref<10000x64xf32, #tpu.memory_space<vmem_shared>>) target(%arg18 : memref<120x64xf32, #tpu.memory_space<vmem>>) offsets(%dma_start3A_50 : memref<120xi32, #tpu.memory_space<vmem>>) semaphore(%arg26 : memref<!tpu.dma_semaphore, #tpu.memory_space<semaphore_mem>>)
    %scan3A = arith.constant 0 : i32
    %scan3A_54 = arith.constant 0 : i32
    %scan3A_55 = arith.constant 29 : i32
    %scan3A_56 = arith.addi %scan3A_54, %scan3A_55 : i32
    %scan3A_57 = arith.constant 1 : i32
    scf.for %scan3A_105 = %scan3A_54 to %scan3A_56 step %scan3A_57  : i32 {
      %mul3A_106 = arith.constant 6 : i32
      %mul3A_107 = arith.muli %mul3A_106, %scan3A_105 : i32
      %dma_wait3A_108 = arith.constant 0 : i32
      %dma_wait3A_109 = arith.constant 0 : i32
      %dma_wait3A_110 = tpu.memref_slice %arg7[%dma_wait3A_108, %dma_wait3A_109] : memref<2x120xi32, #tpu.memory_space<vmem>> -> memref<1x120xi32, #tpu.memory_space<vmem>>
      %dma_wait3A_111 = tpu.memref_squeeze %dma_wait3A_110 : memref<1x120xi32, #tpu.memory_space<vmem>> -> memref<120xi32, #tpu.memory_space<vmem>>
      %dma_wait3A_112 = arith.constant 0 : i32
      %dma_wait3A_113 = arith.constant 0 : i32
      %dma_wait3A_114 = tpu.memref_slice %arg20[%dma_wait3A_112, %dma_wait3A_113] : memref<10000x64xf32, #tpu.memory_space<vmem_shared>> -> memref<10000x64xf32, #tpu.memory_space<vmem_shared>>
      tpu.wait_indirect_dma semaphore(%arg21 : memref<!tpu.dma_semaphore, #tpu.memory_space<semaphore_mem>>) src(%dma_wait3A_114 : memref<10000x64xf32, #tpu.memory_space<vmem_shared>>) dst(%arg13 : memref<120x64xf32, #tpu.memory_space<vmem>>)
      %dma_start3A_115 = arith.constant 1 : i32
      %dma_start3A_116 = arith.constant 0 : i32
      %dma_start3A_117 = tpu.memref_slice %arg7[%dma_start3A_115, %dma_start3A_116] : memref<2x120xi32, #tpu.memory_space<vmem>> -> memref<1x120xi32, #tpu.memory_space<vmem>>
      %dma_start3A_118 = tpu.memref_squeeze %dma_start3A_117 : memref<1x120xi32, #tpu.memory_space<vmem>> -> memref<120xi32, #tpu.memory_space<vmem>>
      %dma_start3A_119 = arith.constant 0 : i32
      %dma_start3A_120 = arith.constant 0 : i32
      %dma_start3A_121 = tpu.memref_slice %arg19[%dma_start3A_119, %dma_start3A_120] : memref<10240x64xf32, #tpu.memory_space<vmem_shared>> -> memref<10240x64xf32, #tpu.memory_space<vmem_shared>>
      tpu.enqueue_indirect_dma source(%arg13 : memref<120x64xf32, #tpu.memory_space<vmem>>) target(%dma_start3A_121 : memref<10240x64xf32, #tpu.memory_space<vmem_shared>>) offsets(%dma_start3A_118 : memref<120xi32, #tpu.memory_space<vmem>>) semaphore(%arg27 : memref<!tpu.dma_semaphore, #tpu.memory_space<semaphore_mem>>) {add = true}
      %dma_wait3A_122 = arith.constant 0 : i32
      %dma_wait3A_123 = arith.constant 0 : i32
      %dma_wait3A_124 = tpu.memref_slice %arg8[%dma_wait3A_122, %dma_wait3A_123] : memref<2x120xi32, #tpu.memory_space<vmem>> -> memref<1x120xi32, #tpu.memory_space<vmem>>
      %dma_wait3A_125 = tpu.memref_squeeze %dma_wait3A_124 : memref<1x120xi32, #tpu.memory_space<vmem>> -> memref<120xi32, #tpu.memory_space<vmem>>
      %dma_wait3A_126 = arith.constant 0 : i32
      %dma_wait3A_127 = arith.constant 0 : i32
      %dma_wait3A_128 = tpu.memref_slice %arg20[%dma_wait3A_126, %dma_wait3A_127] : memref<10000x64xf32, #tpu.memory_space<vmem_shared>> -> memref<10000x64xf32, #tpu.memory_space<vmem_shared>>
      tpu.wait_indirect_dma semaphore(%arg22 : memref<!tpu.dma_semaphore, #tpu.memory_space<semaphore_mem>>) src(%dma_wait3A_128 : memref<10000x64xf32, #tpu.memory_space<vmem_shared>>) dst(%arg14 : memref<120x64xf32, #tpu.memory_space<vmem>>)
      %dma_start3A_129 = arith.constant 1 : i32
      %dma_start3A_130 = arith.constant 0 : i32
      %dma_start3A_131 = tpu.memref_slice %arg8[%dma_start3A_129, %dma_start3A_130] : memref<2x120xi32, #tpu.memory_space<vmem>> -> memref<1x120xi32, #tpu.memory_space<vmem>>
      %dma_start3A_132 = tpu.memref_squeeze %dma_start3A_131 : memref<1x120xi32, #tpu.memory_space<vmem>> -> memref<120xi32, #tpu.memory_space<vmem>>
      %dma_start3A_133 = arith.constant 0 : i32
      %dma_start3A_134 = arith.constant 0 : i32
      %dma_start3A_135 = tpu.memref_slice %arg19[%dma_start3A_133, %dma_start3A_134] : memref<10240x64xf32, #tpu.memory_space<vmem_shared>> -> memref<10240x64xf32, #tpu.memory_space<vmem_shared>>
      tpu.enqueue_indirect_dma source(%arg14 : memref<120x64xf32, #tpu.memory_space<vmem>>) target(%dma_start3A_135 : memref<10240x64xf32, #tpu.memory_space<vmem_shared>>) offsets(%dma_start3A_132 : memref<120xi32, #tpu.memory_space<vmem>>) semaphore(%arg28 : memref<!tpu.dma_semaphore, #tpu.memory_space<semaphore_mem>>) {add = true}
      %dma_wait3A_136 = arith.constant 0 : i32
      %dma_wait3A_137 = arith.constant 0 : i32
      %dma_wait3A_138 = tpu.memref_slice %arg9[%dma_wait3A_136, %dma_wait3A_137] : memref<2x120xi32, #tpu.memory_space<vmem>> -> memref<1x120xi32, #tpu.memory_space<vmem>>
      %dma_wait3A_139 = tpu.memref_squeeze %dma_wait3A_138 : memref<1x120xi32, #tpu.memory_space<vmem>> -> memref<120xi32, #tpu.memory_space<vmem>>
      %dma_wait3A_140 = arith.constant 0 : i32
      %dma_wait3A_141 = arith.constant 0 : i32
      %dma_wait3A_142 = tpu.memref_slice %arg20[%dma_wait3A_140, %dma_wait3A_141] : memref<10000x64xf32, #tpu.memory_space<vmem_shared>> -> memref<10000x64xf32, #tpu.memory_space<vmem_shared>>
      tpu.wait_indirect_dma semaphore(%arg23 : memref<!tpu.dma_semaphore, #tpu.memory_space<semaphore_mem>>) src(%dma_wait3A_142 : memref<10000x64xf32, #tpu.memory_space<vmem_shared>>) dst(%arg15 : memref<120x64xf32, #tpu.memory_space<vmem>>)
      %dma_start3A_143 = arith.constant 1 : i32
      %dma_start3A_144 = arith.constant 0 : i32
      %dma_start3A_145 = tpu.memref_slice %arg9[%dma_start3A_143, %dma_start3A_144] : memref<2x120xi32, #tpu.memory_space<vmem>> -> memref<1x120xi32, #tpu.memory_space<vmem>>
      %dma_start3A_146 = tpu.memref_squeeze %dma_start3A_145 : memref<1x120xi32, #tpu.memory_space<vmem>> -> memref<120xi32, #tpu.memory_space<vmem>>
      %dma_start3A_147 = arith.constant 0 : i32
      %dma_start3A_148 = arith.constant 0 : i32
      %dma_start3A_149 = tpu.memref_slice %arg19[%dma_start3A_147, %dma_start3A_148] : memref<10240x64xf32, #tpu.memory_space<vmem_shared>> -> memref<10240x64xf32, #tpu.memory_space<vmem_shared>>
      tpu.enqueue_indirect_dma source(%arg15 : memref<120x64xf32, #tpu.memory_space<vmem>>) target(%dma_start3A_149 : memref<10240x64xf32, #tpu.memory_space<vmem_shared>>) offsets(%dma_start3A_146 : memref<120xi32, #tpu.memory_space<vmem>>) semaphore(%arg29 : memref<!tpu.dma_semaphore, #tpu.memory_space<semaphore_mem>>) {add = true}
      %dma_wait3A_150 = arith.constant 0 : i32
      %dma_wait3A_151 = arith.constant 0 : i32
      %dma_wait3A_152 = tpu.memref_slice %arg10[%dma_wait3A_150, %dma_wait3A_151] : memref<2x120xi32, #tpu.memory_space<vmem>> -> memref<1x120xi32, #tpu.memory_space<vmem>>
      %dma_wait3A_153 = tpu.memref_squeeze %dma_wait3A_152 : memref<1x120xi32, #tpu.memory_space<vmem>> -> memref<120xi32, #tpu.memory_space<vmem>>
      %dma_wait3A_154 = arith.constant 0 : i32
      %dma_wait3A_155 = arith.constant 0 : i32
      %dma_wait3A_156 = tpu.memref_slice %arg20[%dma_wait3A_154, %dma_wait3A_155] : memref<10000x64xf32, #tpu.memory_space<vmem_shared>> -> memref<10000x64xf32, #tpu.memory_space<vmem_shared>>
      tpu.wait_indirect_dma semaphore(%arg24 : memref<!tpu.dma_semaphore, #tpu.memory_space<semaphore_mem>>) src(%dma_wait3A_156 : memref<10000x64xf32, #tpu.memory_space<vmem_shared>>) dst(%arg16 : memref<120x64xf32, #tpu.memory_space<vmem>>)
      %dma_start3A_157 = arith.constant 1 : i32
      %dma_start3A_158 = arith.constant 0 : i32
      %dma_start3A_159 = tpu.memref_slice %arg10[%dma_start3A_157, %dma_start3A_158] : memref<2x120xi32, #tpu.memory_space<vmem>> -> memref<1x120xi32, #tpu.memory_space<vmem>>
      %dma_start3A_160 = tpu.memref_squeeze %dma_start3A_159 : memref<1x120xi32, #tpu.memory_space<vmem>> -> memref<120xi32, #tpu.memory_space<vmem>>
      %dma_start3A_161 = arith.constant 0 : i32
      %dma_start3A_162 = arith.constant 0 : i32
      %dma_start3A_163 = tpu.memref_slice %arg19[%dma_start3A_161, %dma_start3A_162] : memref<10240x64xf32, #tpu.memory_space<vmem_shared>> -> memref<10240x64xf32, #tpu.memory_space<vmem_shared>>
      tpu.enqueue_indirect_dma source(%arg16 : memref<120x64xf32, #tpu.memory_space<vmem>>) target(%dma_start3A_163 : memref<10240x64xf32, #tpu.memory_space<vmem_shared>>) offsets(%dma_start3A_160 : memref<120xi32, #tpu.memory_space<vmem>>) semaphore(%arg30 : memref<!tpu.dma_semaphore, #tpu.memory_space<semaphore_mem>>) {add = true}
      %dma_wait3A_164 = arith.constant 0 : i32
      %dma_wait3A_165 = arith.constant 0 : i32
      %dma_wait3A_166 = tpu.memref_slice %arg11[%dma_wait3A_164, %dma_wait3A_165] : memref<2x120xi32, #tpu.memory_space<vmem>> -> memref<1x120xi32, #tpu.memory_space<vmem>>
      %dma_wait3A_167 = tpu.memref_squeeze %dma_wait3A_166 : memref<1x120xi32, #tpu.memory_space<vmem>> -> memref<120xi32, #tpu.memory_space<vmem>>
      %dma_wait3A_168 = arith.constant 0 : i32
      %dma_wait3A_169 = arith.constant 0 : i32
      %dma_wait3A_170 = tpu.memref_slice %arg20[%dma_wait3A_168, %dma_wait3A_169] : memref<10000x64xf32, #tpu.memory_space<vmem_shared>> -> memref<10000x64xf32, #tpu.memory_space<vmem_shared>>
      tpu.wait_indirect_dma semaphore(%arg25 : memref<!tpu.dma_semaphore, #tpu.memory_space<semaphore_mem>>) src(%dma_wait3A_170 : memref<10000x64xf32, #tpu.memory_space<vmem_shared>>) dst(%arg17 : memref<120x64xf32, #tpu.memory_space<vmem>>)
      %dma_start3A_171 = arith.constant 1 : i32
      %dma_start3A_172 = arith.constant 0 : i32
      %dma_start3A_173 = tpu.memref_slice %arg11[%dma_start3A_171, %dma_start3A_172] : memref<2x120xi32, #tpu.memory_space<vmem>> -> memref<1x120xi32, #tpu.memory_space<vmem>>
      %dma_start3A_174 = tpu.memref_squeeze %dma_start3A_173 : memref<1x120xi32, #tpu.memory_space<vmem>> -> memref<120xi32, #tpu.memory_space<vmem>>
      %dma_start3A_175 = arith.constant 0 : i32
      %dma_start3A_176 = arith.constant 0 : i32
      %dma_start3A_177 = tpu.memref_slice %arg19[%dma_start3A_175, %dma_start3A_176] : memref<10240x64xf32, #tpu.memory_space<vmem_shared>> -> memref<10240x64xf32, #tpu.memory_space<vmem_shared>>
      tpu.enqueue_indirect_dma source(%arg17 : memref<120x64xf32, #tpu.memory_space<vmem>>) target(%dma_start3A_177 : memref<10240x64xf32, #tpu.memory_space<vmem_shared>>) offsets(%dma_start3A_174 : memref<120xi32, #tpu.memory_space<vmem>>) semaphore(%arg31 : memref<!tpu.dma_semaphore, #tpu.memory_space<semaphore_mem>>) {add = true}
      %dma_wait3A_178 = arith.constant 0 : i32
      %dma_wait3A_179 = arith.constant 0 : i32
      %dma_wait3A_180 = tpu.memref_slice %arg12[%dma_wait3A_178, %dma_wait3A_179] : memref<2x120xi32, #tpu.memory_space<vmem>> -> memref<1x120xi32, #tpu.memory_space<vmem>>
      %dma_wait3A_181 = tpu.memref_squeeze %dma_wait3A_180 : memref<1x120xi32, #tpu.memory_space<vmem>> -> memref<120xi32, #tpu.memory_space<vmem>>
      %dma_wait3A_182 = arith.constant 0 : i32
      %dma_wait3A_183 = arith.constant 0 : i32
      %dma_wait3A_184 = tpu.memref_slice %arg20[%dma_wait3A_182, %dma_wait3A_183] : memref<10000x64xf32, #tpu.memory_space<vmem_shared>> -> memref<10000x64xf32, #tpu.memory_space<vmem_shared>>
      tpu.wait_indirect_dma semaphore(%arg26 : memref<!tpu.dma_semaphore, #tpu.memory_space<semaphore_mem>>) src(%dma_wait3A_184 : memref<10000x64xf32, #tpu.memory_space<vmem_shared>>) dst(%arg18 : memref<120x64xf32, #tpu.memory_space<vmem>>)
      %dma_start3A_185 = arith.constant 1 : i32
      %dma_start3A_186 = arith.constant 0 : i32
      %dma_start3A_187 = tpu.memref_slice %arg12[%dma_start3A_185, %dma_start3A_186] : memref<2x120xi32, #tpu.memory_space<vmem>> -> memref<1x120xi32, #tpu.memory_space<vmem>>
      %dma_start3A_188 = tpu.memref_squeeze %dma_start3A_187 : memref<1x120xi32, #tpu.memory_space<vmem>> -> memref<120xi32, #tpu.memory_space<vmem>>
      %dma_start3A_189 = arith.constant 0 : i32
      %dma_start3A_190 = arith.constant 0 : i32
      %dma_start3A_191 = tpu.memref_slice %arg19[%dma_start3A_189, %dma_start3A_190] : memref<10240x64xf32, #tpu.memory_space<vmem_shared>> -> memref<10240x64xf32, #tpu.memory_space<vmem_shared>>
      tpu.enqueue_indirect_dma source(%arg18 : memref<120x64xf32, #tpu.memory_space<vmem>>) target(%dma_start3A_191 : memref<10240x64xf32, #tpu.memory_space<vmem_shared>>) offsets(%dma_start3A_188 : memref<120xi32, #tpu.memory_space<vmem>>) semaphore(%arg32 : memref<!tpu.dma_semaphore, #tpu.memory_space<semaphore_mem>>) {add = true}
      %add3A = arith.constant 0 : i32
      %add3A_192 = arith.addi %mul3A_107, %add3A : i32
      %dma_wait3A_193 = arith.constant 1 : i32
      %dma_wait3A_194 = arith.constant 0 : i32
      %dma_wait3A_195 = tpu.memref_slice %arg7[%dma_wait3A_193, %dma_wait3A_194] : memref<2x120xi32, #tpu.memory_space<vmem>> -> memref<1x120xi32, #tpu.memory_space<vmem>>
      %dma_wait3A_196 = tpu.memref_squeeze %dma_wait3A_195 : memref<1x120xi32, #tpu.memory_space<vmem>> -> memref<120xi32, #tpu.memory_space<vmem>>
      %dma_wait3A_197 = arith.constant 0 : i32
      %dma_wait3A_198 = arith.constant 0 : i32
      %dma_wait3A_199 = tpu.memref_slice %arg19[%dma_wait3A_197, %dma_wait3A_198] : memref<10240x64xf32, #tpu.memory_space<vmem_shared>> -> memref<10240x64xf32, #tpu.memory_space<vmem_shared>>
      tpu.wait_indirect_dma semaphore(%arg27 : memref<!tpu.dma_semaphore, #tpu.memory_space<semaphore_mem>>) src(%arg13 : memref<120x64xf32, #tpu.memory_space<vmem>>) dst(%dma_wait3A_199 : memref<10240x64xf32, #tpu.memory_space<vmem_shared>>)
      %add3A_200 = arith.constant 6 : i32
      %add3A_201 = arith.addi %add3A_192, %add3A_200 : i32
      %dma_start3A_202 = arith.constant 0 : i32
      %dma_start3A_203 = arith.constant 0 : i32
      %dma_start3A_204 = tpu.memref_slice %arg4[%arg1, %add3A_201, %dma_start3A_202, %dma_start3A_203] : memref<16x180x2x120xi32, #tpu.memory_space<hbm>> -> memref<1x1x2x120xi32, #tpu.memory_space<hbm>>
      %dma_start3A_205 = tpu.memref_squeeze %dma_start3A_204 : memref<1x1x2x120xi32, #tpu.memory_space<hbm>> -> memref<2x120xi32, #tpu.memory_space<hbm>>
      %dma_start3A_206 = arith.constant 0 : i32
      %dma_start3A_207 = arith.constant 0 : i32
      %dma_start3A_208 = tpu.memref_slice %arg4[%arg1, %add3A_201, %dma_start3A_206, %dma_start3A_207] : memref<16x180x2x120xi32, #tpu.memory_space<hbm>> -> memref<1x1x2x120xi32, #tpu.memory_space<hbm>>
      %dma_start3A_209 = tpu.memref_squeeze %dma_start3A_208 : memref<1x1x2x120xi32, #tpu.memory_space<hbm>> -> memref<2x120xi32, #tpu.memory_space<hbm>>
      tpu.enqueue_dma source(%dma_start3A_209 : memref<2x120xi32, #tpu.memory_space<hbm>>) target(%arg7 : memref<2x120xi32, #tpu.memory_space<vmem>>) target_semaphore(%arg33 : memref<!tpu.dma_semaphore, #tpu.memory_space<semaphore_mem>>)
      %add3A_210 = arith.constant 1 : i32
      %add3A_211 = arith.addi %mul3A_107, %add3A_210 : i32
      %dma_wait3A_212 = arith.constant 1 : i32
      %dma_wait3A_213 = arith.constant 0 : i32
      %dma_wait3A_214 = tpu.memref_slice %arg8[%dma_wait3A_212, %dma_wait3A_213] : memref<2x120xi32, #tpu.memory_space<vmem>> -> memref<1x120xi32, #tpu.memory_space<vmem>>
      %dma_wait3A_215 = tpu.memref_squeeze %dma_wait3A_214 : memref<1x120xi32, #tpu.memory_space<vmem>> -> memref<120xi32, #tpu.memory_space<vmem>>
      %dma_wait3A_216 = arith.constant 0 : i32
      %dma_wait3A_217 = arith.constant 0 : i32
      %dma_wait3A_218 = tpu.memref_slice %arg19[%dma_wait3A_216, %dma_wait3A_217] : memref<10240x64xf32, #tpu.memory_space<vmem_shared>> -> memref<10240x64xf32, #tpu.memory_space<vmem_shared>>
      tpu.wait_indirect_dma semaphore(%arg28 : memref<!tpu.dma_semaphore, #tpu.memory_space<semaphore_mem>>) src(%arg14 : memref<120x64xf32, #tpu.memory_space<vmem>>) dst(%dma_wait3A_218 : memref<10240x64xf32, #tpu.memory_space<vmem_shared>>)
      %add3A_219 = arith.constant 6 : i32
      %add3A_220 = arith.addi %add3A_211, %add3A_219 : i32
      %dma_start3A_221 = arith.constant 0 : i32
      %dma_start3A_222 = arith.constant 0 : i32
      %dma_start3A_223 = tpu.memref_slice %arg4[%arg1, %add3A_220, %dma_start3A_221, %dma_start3A_222] : memref<16x180x2x120xi32, #tpu.memory_space<hbm>> -> memref<1x1x2x120xi32, #tpu.memory_space<hbm>>
      %dma_start3A_224 = tpu.memref_squeeze %dma_start3A_223 : memref<1x1x2x120xi32, #tpu.memory_space<hbm>> -> memref<2x120xi32, #tpu.memory_space<hbm>>
      %dma_start3A_225 = arith.constant 0 : i32
      %dma_start3A_226 = arith.constant 0 : i32
      %dma_start3A_227 = tpu.memref_slice %arg4[%arg1, %add3A_220, %dma_start3A_225, %dma_start3A_226] : memref<16x180x2x120xi32, #tpu.memory_space<hbm>> -> memref<1x1x2x120xi32, #tpu.memory_space<hbm>>
      %dma_start3A_228 = tpu.memref_squeeze %dma_start3A_227 : memref<1x1x2x120xi32, #tpu.memory_space<hbm>> -> memref<2x120xi32, #tpu.memory_space<hbm>>
      tpu.enqueue_dma source(%dma_start3A_228 : memref<2x120xi32, #tpu.memory_space<hbm>>) target(%arg8 : memref<2x120xi32, #tpu.memory_space<vmem>>) target_semaphore(%arg34 : memref<!tpu.dma_semaphore, #tpu.memory_space<semaphore_mem>>)
      %add3A_229 = arith.constant 2 : i32
      %add3A_230 = arith.addi %mul3A_107, %add3A_229 : i32
      %dma_wait3A_231 = arith.constant 1 : i32
      %dma_wait3A_232 = arith.constant 0 : i32
      %dma_wait3A_233 = tpu.memref_slice %arg9[%dma_wait3A_231, %dma_wait3A_232] : memref<2x120xi32, #tpu.memory_space<vmem>> -> memref<1x120xi32, #tpu.memory_space<vmem>>
      %dma_wait3A_234 = tpu.memref_squeeze %dma_wait3A_233 : memref<1x120xi32, #tpu.memory_space<vmem>> -> memref<120xi32, #tpu.memory_space<vmem>>
      %dma_wait3A_235 = arith.constant 0 : i32
      %dma_wait3A_236 = arith.constant 0 : i32
      %dma_wait3A_237 = tpu.memref_slice %arg19[%dma_wait3A_235, %dma_wait3A_236] : memref<10240x64xf32, #tpu.memory_space<vmem_shared>> -> memref<10240x64xf32, #tpu.memory_space<vmem_shared>>
      tpu.wait_indirect_dma semaphore(%arg29 : memref<!tpu.dma_semaphore, #tpu.memory_space<semaphore_mem>>) src(%arg15 : memref<120x64xf32, #tpu.memory_space<vmem>>) dst(%dma_wait3A_237 : memref<10240x64xf32, #tpu.memory_space<vmem_shared>>)
      %add3A_238 = arith.constant 6 : i32
      %add3A_239 = arith.addi %add3A_230, %add3A_238 : i32
      %dma_start3A_240 = arith.constant 0 : i32
      %dma_start3A_241 = arith.constant 0 : i32
      %dma_start3A_242 = tpu.memref_slice %arg4[%arg1, %add3A_239, %dma_start3A_240, %dma_start3A_241] : memref<16x180x2x120xi32, #tpu.memory_space<hbm>> -> memref<1x1x2x120xi32, #tpu.memory_space<hbm>>
      %dma_start3A_243 = tpu.memref_squeeze %dma_start3A_242 : memref<1x1x2x120xi32, #tpu.memory_space<hbm>> -> memref<2x120xi32, #tpu.memory_space<hbm>>
      %dma_start3A_244 = arith.constant 0 : i32
      %dma_start3A_245 = arith.constant 0 : i32
      %dma_start3A_246 = tpu.memref_slice %arg4[%arg1, %add3A_239, %dma_start3A_244, %dma_start3A_245] : memref<16x180x2x120xi32, #tpu.memory_space<hbm>> -> memref<1x1x2x120xi32, #tpu.memory_space<hbm>>
      %dma_start3A_247 = tpu.memref_squeeze %dma_start3A_246 : memref<1x1x2x120xi32, #tpu.memory_space<hbm>> -> memref<2x120xi32, #tpu.memory_space<hbm>>
      tpu.enqueue_dma source(%dma_start3A_247 : memref<2x120xi32, #tpu.memory_space<hbm>>) target(%arg9 : memref<2x120xi32, #tpu.memory_space<vmem>>) target_semaphore(%arg35 : memref<!tpu.dma_semaphore, #tpu.memory_space<semaphore_mem>>)
      %add3A_248 = arith.constant 3 : i32
      %add3A_249 = arith.addi %mul3A_107, %add3A_248 : i32
      %dma_wait3A_250 = arith.constant 1 : i32
      %dma_wait3A_251 = arith.constant 0 : i32
      %dma_wait3A_252 = tpu.memref_slice %arg10[%dma_wait3A_250, %dma_wait3A_251] : memref<2x120xi32, #tpu.memory_space<vmem>> -> memref<1x120xi32, #tpu.memory_space<vmem>>
      %dma_wait3A_253 = tpu.memref_squeeze %dma_wait3A_252 : memref<1x120xi32, #tpu.memory_space<vmem>> -> memref<120xi32, #tpu.memory_space<vmem>>
      %dma_wait3A_254 = arith.constant 0 : i32
      %dma_wait3A_255 = arith.constant 0 : i32
      %dma_wait3A_256 = tpu.memref_slice %arg19[%dma_wait3A_254, %dma_wait3A_255] : memref<10240x64xf32, #tpu.memory_space<vmem_shared>> -> memref<10240x64xf32, #tpu.memory_space<vmem_shared>>
      tpu.wait_indirect_dma semaphore(%arg30 : memref<!tpu.dma_semaphore, #tpu.memory_space<semaphore_mem>>) src(%arg16 : memref<120x64xf32, #tpu.memory_space<vmem>>) dst(%dma_wait3A_256 : memref<10240x64xf32, #tpu.memory_space<vmem_shared>>)
      %add3A_257 = arith.constant 6 : i32
      %add3A_258 = arith.addi %add3A_249, %add3A_257 : i32
      %dma_start3A_259 = arith.constant 0 : i32
      %dma_start3A_260 = arith.constant 0 : i32
      %dma_start3A_261 = tpu.memref_slice %arg4[%arg1, %add3A_258, %dma_start3A_259, %dma_start3A_260] : memref<16x180x2x120xi32, #tpu.memory_space<hbm>> -> memref<1x1x2x120xi32, #tpu.memory_space<hbm>>
      %dma_start3A_262 = tpu.memref_squeeze %dma_start3A_261 : memref<1x1x2x120xi32, #tpu.memory_space<hbm>> -> memref<2x120xi32, #tpu.memory_space<hbm>>
      %dma_start3A_263 = arith.constant 0 : i32
      %dma_start3A_264 = arith.constant 0 : i32
      %dma_start3A_265 = tpu.memref_slice %arg4[%arg1, %add3A_258, %dma_start3A_263, %dma_start3A_264] : memref<16x180x2x120xi32, #tpu.memory_space<hbm>> -> memref<1x1x2x120xi32, #tpu.memory_space<hbm>>
      %dma_start3A_266 = tpu.memref_squeeze %dma_start3A_265 : memref<1x1x2x120xi32, #tpu.memory_space<hbm>> -> memref<2x120xi32, #tpu.memory_space<hbm>>
      tpu.enqueue_dma source(%dma_start3A_266 : memref<2x120xi32, #tpu.memory_space<hbm>>) target(%arg10 : memref<2x120xi32, #tpu.memory_space<vmem>>) target_semaphore(%arg36 : memref<!tpu.dma_semaphore, #tpu.memory_space<semaphore_mem>>)
      %add3A_267 = arith.constant 4 : i32
      %add3A_268 = arith.addi %mul3A_107, %add3A_267 : i32
      %dma_wait3A_269 = arith.constant 1 : i32
      %dma_wait3A_270 = arith.constant 0 : i32
      %dma_wait3A_271 = tpu.memref_slice %arg11[%dma_wait3A_269, %dma_wait3A_270] : memref<2x120xi32, #tpu.memory_space<vmem>> -> memref<1x120xi32, #tpu.memory_space<vmem>>
      %dma_wait3A_272 = tpu.memref_squeeze %dma_wait3A_271 : memref<1x120xi32, #tpu.memory_space<vmem>> -> memref<120xi32, #tpu.memory_space<vmem>>
      %dma_wait3A_273 = arith.constant 0 : i32
      %dma_wait3A_274 = arith.constant 0 : i32
      %dma_wait3A_275 = tpu.memref_slice %arg19[%dma_wait3A_273, %dma_wait3A_274] : memref<10240x64xf32, #tpu.memory_space<vmem_shared>> -> memref<10240x64xf32, #tpu.memory_space<vmem_shared>>
      tpu.wait_indirect_dma semaphore(%arg31 : memref<!tpu.dma_semaphore, #tpu.memory_space<semaphore_mem>>) src(%arg17 : memref<120x64xf32, #tpu.memory_space<vmem>>) dst(%dma_wait3A_275 : memref<10240x64xf32, #tpu.memory_space<vmem_shared>>)
      %add3A_276 = arith.constant 6 : i32
      %add3A_277 = arith.addi %add3A_268, %add3A_276 : i32
      %dma_start3A_278 = arith.constant 0 : i32
      %dma_start3A_279 = arith.constant 0 : i32
      %dma_start3A_280 = tpu.memref_slice %arg4[%arg1, %add3A_277, %dma_start3A_278, %dma_start3A_279] : memref<16x180x2x120xi32, #tpu.memory_space<hbm>> -> memref<1x1x2x120xi32, #tpu.memory_space<hbm>>
      %dma_start3A_281 = tpu.memref_squeeze %dma_start3A_280 : memref<1x1x2x120xi32, #tpu.memory_space<hbm>> -> memref<2x120xi32, #tpu.memory_space<hbm>>
      %dma_start3A_282 = arith.constant 0 : i32
      %dma_start3A_283 = arith.constant 0 : i32
      %dma_start3A_284 = tpu.memref_slice %arg4[%arg1, %add3A_277, %dma_start3A_282, %dma_start3A_283] : memref<16x180x2x120xi32, #tpu.memory_space<hbm>> -> memref<1x1x2x120xi32, #tpu.memory_space<hbm>>
      %dma_start3A_285 = tpu.memref_squeeze %dma_start3A_284 : memref<1x1x2x120xi32, #tpu.memory_space<hbm>> -> memref<2x120xi32, #tpu.memory_space<hbm>>
      tpu.enqueue_dma source(%dma_start3A_285 : memref<2x120xi32, #tpu.memory_space<hbm>>) target(%arg11 : memref<2x120xi32, #tpu.memory_space<vmem>>) target_semaphore(%arg37 : memref<!tpu.dma_semaphore, #tpu.memory_space<semaphore_mem>>)
      %add3A_286 = arith.constant 5 : i32
      %add3A_287 = arith.addi %mul3A_107, %add3A_286 : i32
      %dma_wait3A_288 = arith.constant 1 : i32
      %dma_wait3A_289 = arith.constant 0 : i32
      %dma_wait3A_290 = tpu.memref_slice %arg12[%dma_wait3A_288, %dma_wait3A_289] : memref<2x120xi32, #tpu.memory_space<vmem>> -> memref<1x120xi32, #tpu.memory_space<vmem>>
      %dma_wait3A_291 = tpu.memref_squeeze %dma_wait3A_290 : memref<1x120xi32, #tpu.memory_space<vmem>> -> memref<120xi32, #tpu.memory_space<vmem>>
      %dma_wait3A_292 = arith.constant 0 : i32
      %dma_wait3A_293 = arith.constant 0 : i32
      %dma_wait3A_294 = tpu.memref_slice %arg19[%dma_wait3A_292, %dma_wait3A_293] : memref<10240x64xf32, #tpu.memory_space<vmem_shared>> -> memref<10240x64xf32, #tpu.memory_space<vmem_shared>>
      tpu.wait_indirect_dma semaphore(%arg32 : memref<!tpu.dma_semaphore, #tpu.memory_space<semaphore_mem>>) src(%arg18 : memref<120x64xf32, #tpu.memory_space<vmem>>) dst(%dma_wait3A_294 : memref<10240x64xf32, #tpu.memory_space<vmem_shared>>)
      %add3A_295 = arith.constant 6 : i32
      %add3A_296 = arith.addi %add3A_287, %add3A_295 : i32
      %dma_start3A_297 = arith.constant 0 : i32
      %dma_start3A_298 = arith.constant 0 : i32
      %dma_start3A_299 = tpu.memref_slice %arg4[%arg1, %add3A_296, %dma_start3A_297, %dma_start3A_298] : memref<16x180x2x120xi32, #tpu.memory_space<hbm>> -> memref<1x1x2x120xi32, #tpu.memory_space<hbm>>
      %dma_start3A_300 = tpu.memref_squeeze %dma_start3A_299 : memref<1x1x2x120xi32, #tpu.memory_space<hbm>> -> memref<2x120xi32, #tpu.memory_space<hbm>>
      %dma_start3A_301 = arith.constant 0 : i32
      %dma_start3A_302 = arith.constant 0 : i32
      %dma_start3A_303 = tpu.memref_slice %arg4[%arg1, %add3A_296, %dma_start3A_301, %dma_start3A_302] : memref<16x180x2x120xi32, #tpu.memory_space<hbm>> -> memref<1x1x2x120xi32, #tpu.memory_space<hbm>>
      %dma_start3A_304 = tpu.memref_squeeze %dma_start3A_303 : memref<1x1x2x120xi32, #tpu.memory_space<hbm>> -> memref<2x120xi32, #tpu.memory_space<hbm>>
      tpu.enqueue_dma source(%dma_start3A_304 : memref<2x120xi32, #tpu.memory_space<hbm>>) target(%arg12 : memref<2x120xi32, #tpu.memory_space<vmem>>) target_semaphore(%arg38 : memref<!tpu.dma_semaphore, #tpu.memory_space<semaphore_mem>>)
      %add3A_305 = arith.constant 0 : i32
      %add3A_306 = arith.addi %mul3A_107, %add3A_305 : i32
      %add3A_307 = arith.constant 6 : i32
      %add3A_308 = arith.addi %add3A_306, %add3A_307 : i32
      %dma_wait3A_309 = arith.constant 0 : i32
      %dma_wait3A_310 = arith.constant 0 : i32
      %dma_wait3A_311 = tpu.memref_slice %arg4[%arg1, %add3A_308, %dma_wait3A_309, %dma_wait3A_310] : memref<16x180x2x120xi32, #tpu.memory_space<hbm>> -> memref<1x1x2x120xi32, #tpu.memory_space<hbm>>
      %dma_wait3A_312 = tpu.memref_squeeze %dma_wait3A_311 : memref<1x1x2x120xi32, #tpu.memory_space<hbm>> -> memref<2x120xi32, #tpu.memory_space<hbm>>
      %dma_wait3A_313 = arith.constant 0 : i32
      %dma_wait3A_314 = arith.constant 0 : i32
      %dma_wait3A_315 = tpu.memref_slice %arg4[%arg1, %add3A_308, %dma_wait3A_313, %dma_wait3A_314] : memref<16x180x2x120xi32, #tpu.memory_space<hbm>> -> memref<1x1x2x120xi32, #tpu.memory_space<hbm>>
      %dma_wait3A_316 = tpu.memref_squeeze %dma_wait3A_315 : memref<1x1x2x120xi32, #tpu.memory_space<hbm>> -> memref<2x120xi32, #tpu.memory_space<hbm>>
      tpu.wait_dma2 semaphore(%arg33 : memref<!tpu.dma_semaphore, #tpu.memory_space<semaphore_mem>>) src(%dma_wait3A_316 : memref<2x120xi32, #tpu.memory_space<hbm>>) dst(%arg7 : memref<2x120xi32, #tpu.memory_space<vmem>>)
      %dma_start3A_317 = arith.constant 0 : i32
      %dma_start3A_318 = arith.constant 0 : i32
      %dma_start3A_319 = tpu.memref_slice %arg7[%dma_start3A_317, %dma_start3A_318] : memref<2x120xi32, #tpu.memory_space<vmem>> -> memref<1x120xi32, #tpu.memory_space<vmem>>
      %dma_start3A_320 = tpu.memref_squeeze %dma_start3A_319 : memref<1x120xi32, #tpu.memory_space<vmem>> -> memref<120xi32, #tpu.memory_space<vmem>>
      %dma_start3A_321 = arith.constant 0 : i32
      %dma_start3A_322 = arith.constant 0 : i32
      %dma_start3A_323 = tpu.memref_slice %arg20[%dma_start3A_321, %dma_start3A_322] : memref<10000x64xf32, #tpu.memory_space<vmem_shared>> -> memref<10000x64xf32, #tpu.memory_space<vmem_shared>>
      tpu.enqueue_indirect_dma source(%dma_start3A_323 : memref<10000x64xf32, #tpu.memory_space<vmem_shared>>) target(%arg13 : memref<120x64xf32, #tpu.memory_space<vmem>>) offsets(%dma_start3A_320 : memref<120xi32, #tpu.memory_space<vmem>>) semaphore(%arg21 : memref<!tpu.dma_semaphore, #tpu.memory_space<semaphore_mem>>)
      %add3A_324 = arith.constant 1 : i32
      %add3A_325 = arith.addi %mul3A_107, %add3A_324 : i32
      %add3A_326 = arith.constant 6 : i32
      %add3A_327 = arith.addi %add3A_325, %add3A_326 : i32
      %dma_wait3A_328 = arith.constant 0 : i32
      %dma_wait3A_329 = arith.constant 0 : i32
      %dma_wait3A_330 = tpu.memref_slice %arg4[%arg1, %add3A_327, %dma_wait3A_328, %dma_wait3A_329] : memref<16x180x2x120xi32, #tpu.memory_space<hbm>> -> memref<1x1x2x120xi32, #tpu.memory_space<hbm>>
      %dma_wait3A_331 = tpu.memref_squeeze %dma_wait3A_330 : memref<1x1x2x120xi32, #tpu.memory_space<hbm>> -> memref<2x120xi32, #tpu.memory_space<hbm>>
      %dma_wait3A_332 = arith.constant 0 : i32
      %dma_wait3A_333 = arith.constant 0 : i32
      %dma_wait3A_334 = tpu.memref_slice %arg4[%arg1, %add3A_327, %dma_wait3A_332, %dma_wait3A_333] : memref<16x180x2x120xi32, #tpu.memory_space<hbm>> -> memref<1x1x2x120xi32, #tpu.memory_space<hbm>>
      %dma_wait3A_335 = tpu.memref_squeeze %dma_wait3A_334 : memref<1x1x2x120xi32, #tpu.memory_space<hbm>> -> memref<2x120xi32, #tpu.memory_space<hbm>>
      tpu.wait_dma2 semaphore(%arg34 : memref<!tpu.dma_semaphore, #tpu.memory_space<semaphore_mem>>) src(%dma_wait3A_335 : memref<2x120xi32, #tpu.memory_space<hbm>>) dst(%arg8 : memref<2x120xi32, #tpu.memory_space<vmem>>)
      %dma_start3A_336 = arith.constant 0 : i32
      %dma_start3A_337 = arith.constant 0 : i32
      %dma_start3A_338 = tpu.memref_slice %arg8[%dma_start3A_336, %dma_start3A_337] : memref<2x120xi32, #tpu.memory_space<vmem>> -> memref<1x120xi32, #tpu.memory_space<vmem>>
      %dma_start3A_339 = tpu.memref_squeeze %dma_start3A_338 : memref<1x120xi32, #tpu.memory_space<vmem>> -> memref<120xi32, #tpu.memory_space<vmem>>
      %dma_start3A_340 = arith.constant 0 : i32
      %dma_start3A_341 = arith.constant 0 : i32
      %dma_start3A_342 = tpu.memref_slice %arg20[%dma_start3A_340, %dma_start3A_341] : memref<10000x64xf32, #tpu.memory_space<vmem_shared>> -> memref<10000x64xf32, #tpu.memory_space<vmem_shared>>
      tpu.enqueue_indirect_dma source(%dma_start3A_342 : memref<10000x64xf32, #tpu.memory_space<vmem_shared>>) target(%arg14 : memref<120x64xf32, #tpu.memory_space<vmem>>) offsets(%dma_start3A_339 : memref<120xi32, #tpu.memory_space<vmem>>) semaphore(%arg22 : memref<!tpu.dma_semaphore, #tpu.memory_space<semaphore_mem>>)
      %add3A_343 = arith.constant 2 : i32
      %add3A_344 = arith.addi %mul3A_107, %add3A_343 : i32
      %add3A_345 = arith.constant 6 : i32
      %add3A_346 = arith.addi %add3A_344, %add3A_345 : i32
      %dma_wait3A_347 = arith.constant 0 : i32
      %dma_wait3A_348 = arith.constant 0 : i32
      %dma_wait3A_349 = tpu.memref_slice %arg4[%arg1, %add3A_346, %dma_wait3A_347, %dma_wait3A_348] : memref<16x180x2x120xi32, #tpu.memory_space<hbm>> -> memref<1x1x2x120xi32, #tpu.memory_space<hbm>>
      %dma_wait3A_350 = tpu.memref_squeeze %dma_wait3A_349 : memref<1x1x2x120xi32, #tpu.memory_space<hbm>> -> memref<2x120xi32, #tpu.memory_space<hbm>>
      %dma_wait3A_351 = arith.constant 0 : i32
      %dma_wait3A_352 = arith.constant 0 : i32
      %dma_wait3A_353 = tpu.memref_slice %arg4[%arg1, %add3A_346, %dma_wait3A_351, %dma_wait3A_352] : memref<16x180x2x120xi32, #tpu.memory_space<hbm>> -> memref<1x1x2x120xi32, #tpu.memory_space<hbm>>
      %dma_wait3A_354 = tpu.memref_squeeze %dma_wait3A_353 : memref<1x1x2x120xi32, #tpu.memory_space<hbm>> -> memref<2x120xi32, #tpu.memory_space<hbm>>
      tpu.wait_dma2 semaphore(%arg35 : memref<!tpu.dma_semaphore, #tpu.memory_space<semaphore_mem>>) src(%dma_wait3A_354 : memref<2x120xi32, #tpu.memory_space<hbm>>) dst(%arg9 : memref<2x120xi32, #tpu.memory_space<vmem>>)
      %dma_start3A_355 = arith.constant 0 : i32
      %dma_start3A_356 = arith.constant 0 : i32
      %dma_start3A_357 = tpu.memref_slice %arg9[%dma_start3A_355, %dma_start3A_356] : memref<2x120xi32, #tpu.memory_space<vmem>> -> memref<1x120xi32, #tpu.memory_space<vmem>>
      %dma_start3A_358 = tpu.memref_squeeze %dma_start3A_357 : memref<1x120xi32, #tpu.memory_space<vmem>> -> memref<120xi32, #tpu.memory_space<vmem>>
      %dma_start3A_359 = arith.constant 0 : i32
      %dma_start3A_360 = arith.constant 0 : i32
      %dma_start3A_361 = tpu.memref_slice %arg20[%dma_start3A_359, %dma_start3A_360] : memref<10000x64xf32, #tpu.memory_space<vmem_shared>> -> memref<10000x64xf32, #tpu.memory_space<vmem_shared>>
      tpu.enqueue_indirect_dma source(%dma_start3A_361 : memref<10000x64xf32, #tpu.memory_space<vmem_shared>>) target(%arg15 : memref<120x64xf32, #tpu.memory_space<vmem>>) offsets(%dma_start3A_358 : memref<120xi32, #tpu.memory_space<vmem>>) semaphore(%arg23 : memref<!tpu.dma_semaphore, #tpu.memory_space<semaphore_mem>>)
      %add3A_362 = arith.constant 3 : i32
      %add3A_363 = arith.addi %mul3A_107, %add3A_362 : i32
      %add3A_364 = arith.constant 6 : i32
      %add3A_365 = arith.addi %add3A_363, %add3A_364 : i32
      %dma_wait3A_366 = arith.constant 0 : i32
      %dma_wait3A_367 = arith.constant 0 : i32
      %dma_wait3A_368 = tpu.memref_slice %arg4[%arg1, %add3A_365, %dma_wait3A_366, %dma_wait3A_367] : memref<16x180x2x120xi32, #tpu.memory_space<hbm>> -> memref<1x1x2x120xi32, #tpu.memory_space<hbm>>
      %dma_wait3A_369 = tpu.memref_squeeze %dma_wait3A_368 : memref<1x1x2x120xi32, #tpu.memory_space<hbm>> -> memref<2x120xi32, #tpu.memory_space<hbm>>
      %dma_wait3A_370 = arith.constant 0 : i32
      %dma_wait3A_371 = arith.constant 0 : i32
      %dma_wait3A_372 = tpu.memref_slice %arg4[%arg1, %add3A_365, %dma_wait3A_370, %dma_wait3A_371] : memref<16x180x2x120xi32, #tpu.memory_space<hbm>> -> memref<1x1x2x120xi32, #tpu.memory_space<hbm>>
      %dma_wait3A_373 = tpu.memref_squeeze %dma_wait3A_372 : memref<1x1x2x120xi32, #tpu.memory_space<hbm>> -> memref<2x120xi32, #tpu.memory_space<hbm>>
      tpu.wait_dma2 semaphore(%arg36 : memref<!tpu.dma_semaphore, #tpu.memory_space<semaphore_mem>>) src(%dma_wait3A_373 : memref<2x120xi32, #tpu.memory_space<hbm>>) dst(%arg10 : memref<2x120xi32, #tpu.memory_space<vmem>>)
      %dma_start3A_374 = arith.constant 0 : i32
      %dma_start3A_375 = arith.constant 0 : i32
      %dma_start3A_376 = tpu.memref_slice %arg10[%dma_start3A_374, %dma_start3A_375] : memref<2x120xi32, #tpu.memory_space<vmem>> -> memref<1x120xi32, #tpu.memory_space<vmem>>
      %dma_start3A_377 = tpu.memref_squeeze %dma_start3A_376 : memref<1x120xi32, #tpu.memory_space<vmem>> -> memref<120xi32, #tpu.memory_space<vmem>>
      %dma_start3A_378 = arith.constant 0 : i32
      %dma_start3A_379 = arith.constant 0 : i32
      %dma_start3A_380 = tpu.memref_slice %arg20[%dma_start3A_378, %dma_start3A_379] : memref<10000x64xf32, #tpu.memory_space<vmem_shared>> -> memref<10000x64xf32, #tpu.memory_space<vmem_shared>>
      tpu.enqueue_indirect_dma source(%dma_start3A_380 : memref<10000x64xf32, #tpu.memory_space<vmem_shared>>) target(%arg16 : memref<120x64xf32, #tpu.memory_space<vmem>>) offsets(%dma_start3A_377 : memref<120xi32, #tpu.memory_space<vmem>>) semaphore(%arg24 : memref<!tpu.dma_semaphore, #tpu.memory_space<semaphore_mem>>)
      %add3A_381 = arith.constant 4 : i32
      %add3A_382 = arith.addi %mul3A_107, %add3A_381 : i32
      %add3A_383 = arith.constant 6 : i32
      %add3A_384 = arith.addi %add3A_382, %add3A_383 : i32
      %dma_wait3A_385 = arith.constant 0 : i32
      %dma_wait3A_386 = arith.constant 0 : i32
      %dma_wait3A_387 = tpu.memref_slice %arg4[%arg1, %add3A_384, %dma_wait3A_385, %dma_wait3A_386] : memref<16x180x2x120xi32, #tpu.memory_space<hbm>> -> memref<1x1x2x120xi32, #tpu.memory_space<hbm>>
      %dma_wait3A_388 = tpu.memref_squeeze %dma_wait3A_387 : memref<1x1x2x120xi32, #tpu.memory_space<hbm>> -> memref<2x120xi32, #tpu.memory_space<hbm>>
      %dma_wait3A_389 = arith.constant 0 : i32
      %dma_wait3A_390 = arith.constant 0 : i32
      %dma_wait3A_391 = tpu.memref_slice %arg4[%arg1, %add3A_384, %dma_wait3A_389, %dma_wait3A_390] : memref<16x180x2x120xi32, #tpu.memory_space<hbm>> -> memref<1x1x2x120xi32, #tpu.memory_space<hbm>>
      %dma_wait3A_392 = tpu.memref_squeeze %dma_wait3A_391 : memref<1x1x2x120xi32, #tpu.memory_space<hbm>> -> memref<2x120xi32, #tpu.memory_space<hbm>>
      tpu.wait_dma2 semaphore(%arg37 : memref<!tpu.dma_semaphore, #tpu.memory_space<semaphore_mem>>) src(%dma_wait3A_392 : memref<2x120xi32, #tpu.memory_space<hbm>>) dst(%arg11 : memref<2x120xi32, #tpu.memory_space<vmem>>)
      %dma_start3A_393 = arith.constant 0 : i32
      %dma_start3A_394 = arith.constant 0 : i32
      %dma_start3A_395 = tpu.memref_slice %arg11[%dma_start3A_393, %dma_start3A_394] : memref<2x120xi32, #tpu.memory_space<vmem>> -> memref<1x120xi32, #tpu.memory_space<vmem>>
      %dma_start3A_396 = tpu.memref_squeeze %dma_start3A_395 : memref<1x120xi32, #tpu.memory_space<vmem>> -> memref<120xi32, #tpu.memory_space<vmem>>
      %dma_start3A_397 = arith.constant 0 : i32
      %dma_start3A_398 = arith.constant 0 : i32
      %dma_start3A_399 = tpu.memref_slice %arg20[%dma_start3A_397, %dma_start3A_398] : memref<10000x64xf32, #tpu.memory_space<vmem_shared>> -> memref<10000x64xf32, #tpu.memory_space<vmem_shared>>
      tpu.enqueue_indirect_dma source(%dma_start3A_399 : memref<10000x64xf32, #tpu.memory_space<vmem_shared>>) target(%arg17 : memref<120x64xf32, #tpu.memory_space<vmem>>) offsets(%dma_start3A_396 : memref<120xi32, #tpu.memory_space<vmem>>) semaphore(%arg25 : memref<!tpu.dma_semaphore, #tpu.memory_space<semaphore_mem>>)
      %add3A_400 = arith.constant 5 : i32
      %add3A_401 = arith.addi %mul3A_107, %add3A_400 : i32
      %add3A_402 = arith.constant 6 : i32
      %add3A_403 = arith.addi %add3A_401, %add3A_402 : i32
      %dma_wait3A_404 = arith.constant 0 : i32
      %dma_wait3A_405 = arith.constant 0 : i32
      %dma_wait3A_406 = tpu.memref_slice %arg4[%arg1, %add3A_403, %dma_wait3A_404, %dma_wait3A_405] : memref<16x180x2x120xi32, #tpu.memory_space<hbm>> -> memref<1x1x2x120xi32, #tpu.memory_space<hbm>>
      %dma_wait3A_407 = tpu.memref_squeeze %dma_wait3A_406 : memref<1x1x2x120xi32, #tpu.memory_space<hbm>> -> memref<2x120xi32, #tpu.memory_space<hbm>>
      %dma_wait3A_408 = arith.constant 0 : i32
      %dma_wait3A_409 = arith.constant 0 : i32
      %dma_wait3A_410 = tpu.memref_slice %arg4[%arg1, %add3A_403, %dma_wait3A_408, %dma_wait3A_409] : memref<16x180x2x120xi32, #tpu.memory_space<hbm>> -> memref<1x1x2x120xi32, #tpu.memory_space<hbm>>
      %dma_wait3A_411 = tpu.memref_squeeze %dma_wait3A_410 : memref<1x1x2x120xi32, #tpu.memory_space<hbm>> -> memref<2x120xi32, #tpu.memory_space<hbm>>
      tpu.wait_dma2 semaphore(%arg38 : memref<!tpu.dma_semaphore, #tpu.memory_space<semaphore_mem>>) src(%dma_wait3A_411 : memref<2x120xi32, #tpu.memory_space<hbm>>) dst(%arg12 : memref<2x120xi32, #tpu.memory_space<vmem>>)
      %dma_start3A_412 = arith.constant 0 : i32
      %dma_start3A_413 = arith.constant 0 : i32
      %dma_start3A_414 = tpu.memref_slice %arg12[%dma_start3A_412, %dma_start3A_413] : memref<2x120xi32, #tpu.memory_space<vmem>> -> memref<1x120xi32, #tpu.memory_space<vmem>>
      %dma_start3A_415 = tpu.memref_squeeze %dma_start3A_414 : memref<1x120xi32, #tpu.memory_space<vmem>> -> memref<120xi32, #tpu.memory_space<vmem>>
      %dma_start3A_416 = arith.constant 0 : i32
      %dma_start3A_417 = arith.constant 0 : i32
      %dma_start3A_418 = tpu.memref_slice %arg20[%dma_start3A_416, %dma_start3A_417] : memref<10000x64xf32, #tpu.memory_space<vmem_shared>> -> memref<10000x64xf32, #tpu.memory_space<vmem_shared>>
      tpu.enqueue_indirect_dma source(%dma_start3A_418 : memref<10000x64xf32, #tpu.memory_space<vmem_shared>>) target(%arg18 : memref<120x64xf32, #tpu.memory_space<vmem>>) offsets(%dma_start3A_415 : memref<120xi32, #tpu.memory_space<vmem>>) semaphore(%arg26 : memref<!tpu.dma_semaphore, #tpu.memory_space<semaphore_mem>>)
    }
    %scan3A_58 = arith.constant 29 : i32
    %dma_wait3A = arith.constant 0 : i32
    %dma_wait3A_59 = arith.constant 0 : i32
    %dma_wait3A_60 = tpu.memref_slice %arg7[%dma_wait3A, %dma_wait3A_59] : memref<2x120xi32, #tpu.memory_space<vmem>> -> memref<1x120xi32, #tpu.memory_space<vmem>>
    %dma_wait3A_61 = tpu.memref_squeeze %dma_wait3A_60 : memref<1x120xi32, #tpu.memory_space<vmem>> -> memref<120xi32, #tpu.memory_space<vmem>>
    %dma_wait3A_62 = arith.constant 0 : i32
    %dma_wait3A_63 = arith.constant 0 : i32
    %dma_wait3A_64 = tpu.memref_slice %arg20[%dma_wait3A_62, %dma_wait3A_63] : memref<10000x64xf32, #tpu.memory_space<vmem_shared>> -> memref<10000x64xf32, #tpu.memory_space<vmem_shared>>
    tpu.wait_indirect_dma semaphore(%arg21 : memref<!tpu.dma_semaphore, #tpu.memory_space<semaphore_mem>>) src(%dma_wait3A_64 : memref<10000x64xf32, #tpu.memory_space<vmem_shared>>) dst(%arg13 : memref<120x64xf32, #tpu.memory_space<vmem>>)
    %dma_wait3A_65 = arith.constant 0 : i32
    %dma_wait3A_66 = arith.constant 0 : i32
    %dma_wait3A_67 = tpu.memref_slice %arg8[%dma_wait3A_65, %dma_wait3A_66] : memref<2x120xi32, #tpu.memory_space<vmem>> -> memref<1x120xi32, #tpu.memory_space<vmem>>
    %dma_wait3A_68 = tpu.memref_squeeze %dma_wait3A_67 : memref<1x120xi32, #tpu.memory_space<vmem>> -> memref<120xi32, #tpu.memory_space<vmem>>
    %dma_wait3A_69 = arith.constant 0 : i32
    %dma_wait3A_70 = arith.constant 0 : i32
    %dma_wait3A_71 = tpu.memref_slice %arg20[%dma_wait3A_69, %dma_wait3A_70] : memref<10000x64xf32, #tpu.memory_space<vmem_shared>> -> memref<10000x64xf32, #tpu.memory_space<vmem_shared>>
    tpu.wait_indirect_dma semaphore(%arg22 : memref<!tpu.dma_semaphore, #tpu.memory_space<semaphore_mem>>) src(%dma_wait3A_71 : memref<10000x64xf32, #tpu.memory_space<vmem_shared>>) dst(%arg14 : memref<120x64xf32, #tpu.memory_space<vmem>>)
    %dma_wait3A_72 = arith.constant 0 : i32
    %dma_wait3A_73 = arith.constant 0 : i32
    %dma_wait3A_74 = tpu.memref_slice %arg9[%dma_wait3A_72, %dma_wait3A_73] : memref<2x120xi32, #tpu.memory_space<vmem>> -> memref<1x120xi32, #tpu.memory_space<vmem>>
    %dma_wait3A_75 = tpu.memref_squeeze %dma_wait3A_74 : memref<1x120xi32, #tpu.memory_space<vmem>> -> memref<120xi32, #tpu.memory_space<vmem>>
    %dma_wait3A_76 = arith.constant 0 : i32
    %dma_wait3A_77 = arith.constant 0 : i32
    %dma_wait3A_78 = tpu.memref_slice %arg20[%dma_wait3A_76, %dma_wait3A_77] : memref<10000x64xf32, #tpu.memory_space<vmem_shared>> -> memref<10000x64xf32, #tpu.memory_space<vmem_shared>>
    tpu.wait_indirect_dma semaphore(%arg23 : memref<!tpu.dma_semaphore, #tpu.memory_space<semaphore_mem>>) src(%dma_wait3A_78 : memref<10000x64xf32, #tpu.memory_space<vmem_shared>>) dst(%arg15 : memref<120x64xf32, #tpu.memory_space<vmem>>)
    %dma_wait3A_79 = arith.constant 0 : i32
    %dma_wait3A_80 = arith.constant 0 : i32
    %dma_wait3A_81 = tpu.memref_slice %arg10[%dma_wait3A_79, %dma_wait3A_80] : memref<2x120xi32, #tpu.memory_space<vmem>> -> memref<1x120xi32, #tpu.memory_space<vmem>>
    %dma_wait3A_82 = tpu.memref_squeeze %dma_wait3A_81 : memref<1x120xi32, #tpu.memory_space<vmem>> -> memref<120xi32, #tpu.memory_space<vmem>>
    %dma_wait3A_83 = arith.constant 0 : i32
    %dma_wait3A_84 = arith.constant 0 : i32
    %dma_wait3A_85 = tpu.memref_slice %arg20[%dma_wait3A_83, %dma_wait3A_84] : memref<10000x64xf32, #tpu.memory_space<vmem_shared>> -> memref<10000x64xf32, #tpu.memory_space<vmem_shared>>
    tpu.wait_indirect_dma semaphore(%arg24 : memref<!tpu.dma_semaphore, #tpu.memory_space<semaphore_mem>>) src(%dma_wait3A_85 : memref<10000x64xf32, #tpu.memory_space<vmem_shared>>) dst(%arg16 : memref<120x64xf32, #tpu.memory_space<vmem>>)
    %dma_wait3A_86 = arith.constant 0 : i32
    %dma_wait3A_87 = arith.constant 0 : i32
    %dma_wait3A_88 = tpu.memref_slice %arg11[%dma_wait3A_86, %dma_wait3A_87] : memref<2x120xi32, #tpu.memory_space<vmem>> -> memref<1x120xi32, #tpu.memory_space<vmem>>
    %dma_wait3A_89 = tpu.memref_squeeze %dma_wait3A_88 : memref<1x120xi32, #tpu.memory_space<vmem>> -> memref<120xi32, #tpu.memory_space<vmem>>
    %dma_wait3A_90 = arith.constant 0 : i32
    %dma_wait3A_91 = arith.constant 0 : i32
    %dma_wait3A_92 = tpu.memref_slice %arg20[%dma_wait3A_90, %dma_wait3A_91] : memref<10000x64xf32, #tpu.memory_space<vmem_shared>> -> memref<10000x64xf32, #tpu.memory_space<vmem_shared>>
    tpu.wait_indirect_dma semaphore(%arg25 : memref<!tpu.dma_semaphore, #tpu.memory_space<semaphore_mem>>) src(%dma_wait3A_92 : memref<10000x64xf32, #tpu.memory_space<vmem_shared>>) dst(%arg17 : memref<120x64xf32, #tpu.memory_space<vmem>>)
    %dma_wait3A_93 = arith.constant 0 : i32
    %dma_wait3A_94 = arith.constant 0 : i32
    %dma_wait3A_95 = tpu.memref_slice %arg12[%dma_wait3A_93, %dma_wait3A_94] : memref<2x120xi32, #tpu.memory_space<vmem>> -> memref<1x120xi32, #tpu.memory_space<vmem>>
    %dma_wait3A_96 = tpu.memref_squeeze %dma_wait3A_95 : memref<1x120xi32, #tpu.memory_space<vmem>> -> memref<120xi32, #tpu.memory_space<vmem>>
    %dma_wait3A_97 = arith.constant 0 : i32
    %dma_wait3A_98 = arith.constant 0 : i32
    %dma_wait3A_99 = tpu.memref_slice %arg20[%dma_wait3A_97, %dma_wait3A_98] : memref<10000x64xf32, #tpu.memory_space<vmem_shared>> -> memref<10000x64xf32, #tpu.memory_space<vmem_shared>>
    tpu.wait_indirect_dma semaphore(%arg26 : memref<!tpu.dma_semaphore, #tpu.memory_space<semaphore_mem>>) src(%dma_wait3A_99 : memref<10000x64xf32, #tpu.memory_space<vmem_shared>>) dst(%arg18 : memref<120x64xf32, #tpu.memory_space<vmem>>)
    %barrier3A_100 = arith.constant 0 : index
    tpu.barrier barrier_id(%barrier3A_100)
    %mul3A_101 = arith.constant 640 : i32
    %mul3A_102 = arith.muli %arg1, %mul3A_101 : i32
    %mul3A_103 = arith.constant 640 : i32
    %mul3A_104 = arith.muli %arg1, %mul3A_103 : i32
    "tpu.region"() ({
      %run_scoped3A_105 = tpu.sem_alloc : memref<!tpu.dma_semaphore, #tpu.memory_space<semaphore_mem>>
      %dma_start3A_106 = arith.constant 0 : i32
      %dma_start3A_107 = tpu.memref_slice %arg6[%arg0, %mul3A_104, %dma_start3A_106] : memref<2x10240x64xf32, #tpu.memory_space<hbm>> -> memref<1x640x64xf32, #tpu.memory_space<hbm>>
      %dma_start3A_108 = tpu.memref_squeeze %dma_start3A_107 : memref<1x640x64xf32, #tpu.memory_space<hbm>> -> memref<640x64xf32, #tpu.memory_space<hbm>>
      %dma_start3A_109 = arith.constant 0 : i32
      %dma_start3A_110 = tpu.memref_slice %arg19[%mul3A_102, %dma_start3A_109] : memref<10240x64xf32, #tpu.memory_space<vmem_shared>> -> memref<640x64xf32, #tpu.memory_space<vmem_shared>>
      tpu.enqueue_dma source(%dma_start3A_110 : memref<640x64xf32, #tpu.memory_space<vmem_shared>>) target(%dma_start3A_108 : memref<640x64xf32, #tpu.memory_space<hbm>>) target_semaphore(%run_scoped3A_105 : memref<!tpu.dma_semaphore, #tpu.memory_space<semaphore_mem>>)
      %dma_wait3A_111 = arith.constant 0 : i32
      %dma_wait3A_112 = tpu.memref_slice %arg6[%arg0, %mul3A_104, %dma_wait3A_111] : memref<2x10240x64xf32, #tpu.memory_space<hbm>> -> memref<1x640x64xf32, #tpu.memory_space<hbm>>
      %dma_wait3A_113 = tpu.memref_squeeze %dma_wait3A_112 : memref<1x640x64xf32, #tpu.memory_space<hbm>> -> memref<640x64xf32, #tpu.memory_space<hbm>>
      %dma_wait3A_114 = arith.constant 0 : i32
      %dma_wait3A_115 = tpu.memref_slice %arg19[%mul3A_102, %dma_wait3A_114] : memref<10240x64xf32, #tpu.memory_space<vmem_shared>> -> memref<640x64xf32, #tpu.memory_space<vmem_shared>>
      tpu.wait_dma2 semaphore(%run_scoped3A_105 : memref<!tpu.dma_semaphore, #tpu.memory_space<semaphore_mem>>) src(%dma_wait3A_115 : memref<640x64xf32, #tpu.memory_space<vmem_shared>>) dst(%dma_wait3A_113 : memref<640x64xf32, #tpu.memory_space<hbm>>)
      tpu.yield
    }) : () -> ()
    return
  }
}

#map = affine_map<(d0, d1) -> (0, 0)>
#map1 = affine_map<(d0, d1) -> (0, 0, 0, 0)>
#map2 = affine_map<(d0, d1) -> (0, 0, 0)>
module attributes {stable_mosaic.version = 14 : i64} {
  func.func @_sc_scatter(%arg0: i32, %arg1: i32, %arg2: memref<10000x64xf32, #tpu.memory_space<hbm>>, %arg3: memref<10000x64xf32, #tpu.memory_space<hbm>>, %arg4: memref<16x180x2x120xi32, #tpu.memory_space<hbm>>, %arg5: memref<640x64xf32, #tpu.memory_space<hbm>>, %arg6: memref<2x10240x64xf32, #tpu.memory_space<hbm>>, %arg7: memref<2x120xi32, #tpu.memory_space<vmem>>, %arg8: memref<2x120xi32, #tpu.memory_space<vmem>>, %arg9: memref<2x120xi32, #tpu.memory_space<vmem>>, %arg10: memref<2x120xi32, #tpu.memory_space<vmem>>, %arg11: memref<2x120xi32, #tpu.memory_space<vmem>>, %arg12: memref<2x120xi32, #tpu.memory_space<vmem>>, %arg13: memref<120x64xf32, #tpu.memory_space<vmem>>, %arg14: memref<120x64xf32, #tpu.memory_space<vmem>>, %arg15: memref<120x64xf32, #tpu.memory_space<vmem>>, %arg16: memref<120x64xf32, #tpu.memory_space<vmem>>, %arg17: memref<120x64xf32, #tpu.memory_space<vmem>>, %arg18: memref<120x64xf32, #tpu.memory_space<vmem>>, %arg19: memref<10240x64xf32, #tpu.memory_space<vmem_shared>>, %arg20: memref<10000x64xf32, #tpu.memory_space<vmem_shared>>, %arg21: memref<!tpu.dma_semaphore, #tpu.memory_space<semaphore_mem>>, %arg22: memref<!tpu.dma_semaphore, #tpu.memory_space<semaphore_mem>>, %arg23: memref<!tpu.dma_semaphore, #tpu.memory_space<semaphore_mem>>, %arg24: memref<!tpu.dma_semaphore, #tpu.memory_space<semaphore_mem>>, %arg25: memref<!tpu.dma_semaphore, #tpu.memory_space<semaphore_mem>>, %arg26: memref<!tpu.dma_semaphore, #tpu.memory_space<semaphore_mem>>, %arg27: memref<!tpu.dma_semaphore, #tpu.memory_space<semaphore_mem>>, %arg28: memref<!tpu.dma_semaphore, #tpu.memory_space<semaphore_mem>>, %arg29: memref<!tpu.dma_semaphore, #tpu.memory_space<semaphore_mem>>, %arg30: memref<!tpu.dma_semaphore, #tpu.memory_space<semaphore_mem>>, %arg31: memref<!tpu.dma_semaphore, #tpu.memory_space<semaphore_mem>>, %arg32: memref<!tpu.dma_semaphore, #tpu.memory_space<semaphore_mem>>, %arg33: memref<!tpu.dma_semaphore, #tpu.memory_space<semaphore_mem>>, %arg34: memref<!tpu.dma_semaphore, #tpu.memory_space<semaphore_mem>>, %arg35: memref<!tpu.dma_semaphore, #tpu.memory_space<semaphore_mem>>, %arg36: memref<!tpu.dma_semaphore, #tpu.memory_space<semaphore_mem>>, %arg37: memref<!tpu.dma_semaphore, #tpu.memory_space<semaphore_mem>>, %arg38: memref<!tpu.dma_semaphore, #tpu.memory_space<semaphore_mem>>) attributes {dimension_semantics = [#tpu.dimension_semantics<core_parallel>, #tpu.dimension_semantics<subcore_parallel>], iteration_bounds = array<i64: 2, 16>, scalar_prefetch = 0 : i64, scratch_operands = 32 : i64, tpu.core_type = #tpu.core_type<sc_vector_subcore>, window_params = [{transform_indices = #map}, {transform_indices = #map}, {transform_indices = #map1}, {transform_indices = #map}, {transform_indices = #map2}]} {
    %mul3A = arith.constant 640 : i32
    %mul3A_0 = arith.muli %arg1, %mul3A : i32
    "tpu.region"() ({
      %run_scoped3A_105 = tpu.sem_alloc : memref<!tpu.dma_semaphore, #tpu.memory_space<semaphore_mem>>
      %dma_start3A_106 = arith.constant 0 : i32
      %dma_start3A_107 = tpu.memref_slice %arg19[%mul3A_0, %dma_start3A_106] : memref<10240x64xf32, #tpu.memory_space<vmem_shared>> -> memref<640x64xf32, #tpu.memory_space<vmem_shared>>
      tpu.enqueue_dma source(%arg5 : memref<640x64xf32, #tpu.memory_space<hbm>>) target(%dma_start3A_107 : memref<640x64xf32, #tpu.memory_space<vmem_shared>>) target_semaphore(%run_scoped3A_105 : memref<!tpu.dma_semaphore, #tpu.memory_space<semaphore_mem>>)
      %dma_wait3A_108 = arith.constant 0 : i32
      %dma_wait3A_109 = tpu.memref_slice %arg19[%mul3A_0, %dma_wait3A_108] : memref<10240x64xf32, #tpu.memory_space<vmem_shared>> -> memref<640x64xf32, #tpu.memory_space<vmem_shared>>
      tpu.wait_dma2 semaphore(%run_scoped3A_105 : memref<!tpu.dma_semaphore, #tpu.memory_space<semaphore_mem>>) src(%arg5 : memref<640x64xf32, #tpu.memory_space<hbm>>) dst(%dma_wait3A_109 : memref<640x64xf32, #tpu.memory_space<vmem_shared>>)
      tpu.yield
    }) : () -> ()
    %eq3A = arith.constant 0 : i32
    %eq3A_1 = arith.cmpi eq, %arg0, %eq3A : i32
    %convert_element_type3A = arith.extui %eq3A_1 : i1 to i32
    %cond3A = arith.constant 0 : i32
    %cond3A_2 = arith.cmpi ne, %convert_element_type3A, %cond3A : i32
    scf.if %cond3A_2 {
      %mul3A_105 = arith.constant 625 : i32
      %mul3A_106 = arith.muli %arg1, %mul3A_105 : i32
      %mul3A_107 = arith.constant 625 : i32
      %mul3A_108 = arith.muli %arg1, %mul3A_107 : i32
      "tpu.region"() ({
        %run_scoped3A_109 = tpu.sem_alloc : memref<!tpu.dma_semaphore, #tpu.memory_space<semaphore_mem>>
        %dma_start3A_110 = arith.constant 0 : i32
        %dma_start3A_111 = tpu.memref_slice %arg20[%mul3A_108, %dma_start3A_110] : memref<10000x64xf32, #tpu.memory_space<vmem_shared>> -> memref<625x64xf32, #tpu.memory_space<vmem_shared>>
        %dma_start3A_112 = arith.constant 0 : i32
        %dma_start3A_113 = tpu.memref_slice %arg2[%mul3A_106, %dma_start3A_112] : memref<10000x64xf32, #tpu.memory_space<hbm>> -> memref<625x64xf32, #tpu.memory_space<hbm>>
        tpu.enqueue_dma source(%dma_start3A_113 : memref<625x64xf32, #tpu.memory_space<hbm>>) target(%dma_start3A_111 : memref<625x64xf32, #tpu.memory_space<vmem_shared>>) target_semaphore(%run_scoped3A_109 : memref<!tpu.dma_semaphore, #tpu.memory_space<semaphore_mem>>)
        %dma_wait3A_114 = arith.constant 0 : i32
        %dma_wait3A_115 = tpu.memref_slice %arg20[%mul3A_108, %dma_wait3A_114] : memref<10000x64xf32, #tpu.memory_space<vmem_shared>> -> memref<625x64xf32, #tpu.memory_space<vmem_shared>>
        %dma_wait3A_116 = arith.constant 0 : i32
        %dma_wait3A_117 = tpu.memref_slice %arg2[%mul3A_106, %dma_wait3A_116] : memref<10000x64xf32, #tpu.memory_space<hbm>> -> memref<625x64xf32, #tpu.memory_space<hbm>>
        tpu.wait_dma2 semaphore(%run_scoped3A_109 : memref<!tpu.dma_semaphore, #tpu.memory_space<semaphore_mem>>) src(%dma_wait3A_117 : memref<625x64xf32, #tpu.memory_space<hbm>>) dst(%dma_wait3A_115 : memref<625x64xf32, #tpu.memory_space<vmem_shared>>)
        tpu.yield
      }) : () -> ()
    } else {
    }
    %eq3A_3 = arith.constant 1 : i32
    %eq3A_4 = arith.cmpi eq, %arg0, %eq3A_3 : i32
    %convert_element_type3A_5 = arith.extui %eq3A_4 : i1 to i32
    %cond3A_6 = arith.constant 0 : i32
    %cond3A_7 = arith.cmpi ne, %convert_element_type3A_5, %cond3A_6 : i32
    scf.if %cond3A_7 {
      %mul3A_105 = arith.constant 625 : i32
      %mul3A_106 = arith.muli %arg1, %mul3A_105 : i32
      %mul3A_107 = arith.constant 625 : i32
      %mul3A_108 = arith.muli %arg1, %mul3A_107 : i32
      "tpu.region"() ({
        %run_scoped3A_109 = tpu.sem_alloc : memref<!tpu.dma_semaphore, #tpu.memory_space<semaphore_mem>>
        %dma_start3A_110 = arith.constant 0 : i32
        %dma_start3A_111 = tpu.memref_slice %arg20[%mul3A_108, %dma_start3A_110] : memref<10000x64xf32, #tpu.memory_space<vmem_shared>> -> memref<625x64xf32, #tpu.memory_space<vmem_shared>>
        %dma_start3A_112 = arith.constant 0 : i32
        %dma_start3A_113 = tpu.memref_slice %arg3[%mul3A_106, %dma_start3A_112] : memref<10000x64xf32, #tpu.memory_space<hbm>> -> memref<625x64xf32, #tpu.memory_space<hbm>>
        tpu.enqueue_dma source(%dma_start3A_113 : memref<625x64xf32, #tpu.memory_space<hbm>>) target(%dma_start3A_111 : memref<625x64xf32, #tpu.memory_space<vmem_shared>>) target_semaphore(%run_scoped3A_109 : memref<!tpu.dma_semaphore, #tpu.memory_space<semaphore_mem>>)
        %dma_wait3A_114 = arith.constant 0 : i32
        %dma_wait3A_115 = tpu.memref_slice %arg20[%mul3A_108, %dma_wait3A_114] : memref<10000x64xf32, #tpu.memory_space<vmem_shared>> -> memref<625x64xf32, #tpu.memory_space<vmem_shared>>
        %dma_wait3A_116 = arith.constant 0 : i32
        %dma_wait3A_117 = tpu.memref_slice %arg3[%mul3A_106, %dma_wait3A_116] : memref<10000x64xf32, #tpu.memory_space<hbm>> -> memref<625x64xf32, #tpu.memory_space<hbm>>
        tpu.wait_dma2 semaphore(%run_scoped3A_109 : memref<!tpu.dma_semaphore, #tpu.memory_space<semaphore_mem>>) src(%dma_wait3A_117 : memref<625x64xf32, #tpu.memory_space<hbm>>) dst(%dma_wait3A_115 : memref<625x64xf32, #tpu.memory_space<vmem_shared>>)
        tpu.yield
      }) : () -> ()
    } else {
    }
    %run_scoped3A = arith.constant 0 : i32
    "tpu.region"() ({
      %run_scoped3A_105 = tpu.sem_alloc : memref<!tpu.dma_semaphore, #tpu.memory_space<semaphore_mem>>
      %dma_start3A_106 = arith.constant 0 : i32
      %dma_start3A_107 = arith.constant 0 : i32
      %dma_start3A_108 = tpu.memref_slice %arg4[%arg1, %run_scoped3A, %dma_start3A_106, %dma_start3A_107] : memref<16x180x2x120xi32, #tpu.memory_space<hbm>> -> memref<1x1x2x120xi32, #tpu.memory_space<hbm>>
      %dma_start3A_109 = tpu.memref_squeeze %dma_start3A_108 : memref<1x1x2x120xi32, #tpu.memory_space<hbm>> -> memref<2x120xi32, #tpu.memory_space<hbm>>
      %dma_start3A_110 = arith.constant 0 : i32
      %dma_start3A_111 = arith.constant 0 : i32
      %dma_start3A_112 = tpu.memref_slice %arg4[%arg1, %run_scoped3A, %dma_start3A_110, %dma_start3A_111] : memref<16x180x2x120xi32, #tpu.memory_space<hbm>> -> memref<1x1x2x120xi32, #tpu.memory_space<hbm>>
      %dma_start3A_113 = tpu.memref_squeeze %dma_start3A_112 : memref<1x1x2x120xi32, #tpu.memory_space<hbm>> -> memref<2x120xi32, #tpu.memory_space<hbm>>
      tpu.enqueue_dma source(%dma_start3A_113 : memref<2x120xi32, #tpu.memory_space<hbm>>) target(%arg7 : memref<2x120xi32, #tpu.memory_space<vmem>>) target_semaphore(%run_scoped3A_105 : memref<!tpu.dma_semaphore, #tpu.memory_space<semaphore_mem>>)
      %dma_wait3A_114 = arith.constant 0 : i32
      %dma_wait3A_115 = arith.constant 0 : i32
      %dma_wait3A_116 = tpu.memref_slice %arg4[%arg1, %run_scoped3A, %dma_wait3A_114, %dma_wait3A_115] : memref<16x180x2x120xi32, #tpu.memory_space<hbm>> -> memref<1x1x2x120xi32, #tpu.memory_space<hbm>>
      %dma_wait3A_117 = tpu.memref_squeeze %dma_wait3A_116 : memref<1x1x2x120xi32, #tpu.memory_space<hbm>> -> memref<2x120xi32, #tpu.memory_space<hbm>>
      %dma_wait3A_118 = arith.constant 0 : i32
      %dma_wait3A_119 = arith.constant 0 : i32
      %dma_wait3A_120 = tpu.memref_slice %arg4[%arg1, %run_scoped3A, %dma_wait3A_118, %dma_wait3A_119] : memref<16x180x2x120xi32, #tpu.memory_space<hbm>> -> memref<1x1x2x120xi32, #tpu.memory_space<hbm>>
      %dma_wait3A_121 = tpu.memref_squeeze %dma_wait3A_120 : memref<1x1x2x120xi32, #tpu.memory_space<hbm>> -> memref<2x120xi32, #tpu.memory_space<hbm>>
      tpu.wait_dma2 semaphore(%run_scoped3A_105 : memref<!tpu.dma_semaphore, #tpu.memory_space<semaphore_mem>>) src(%dma_wait3A_121 : memref<2x120xi32, #tpu.memory_space<hbm>>) dst(%arg7 : memref<2x120xi32, #tpu.memory_space<vmem>>)
      tpu.yield
    }) : () -> ()
    %run_scoped3A_8 = arith.constant 1 : i32
    "tpu.region"() ({
      %run_scoped3A_105 = tpu.sem_alloc : memref<!tpu.dma_semaphore, #tpu.memory_space<semaphore_mem>>
      %dma_start3A_106 = arith.constant 0 : i32
      %dma_start3A_107 = arith.constant 0 : i32
      %dma_start3A_108 = tpu.memref_slice %arg4[%arg1, %run_scoped3A_8, %dma_start3A_106, %dma_start3A_107] : memref<16x180x2x120xi32, #tpu.memory_space<hbm>> -> memref<1x1x2x120xi32, #tpu.memory_space<hbm>>
      %dma_start3A_109 = tpu.memref_squeeze %dma_start3A_108 : memref<1x1x2x120xi32, #tpu.memory_space<hbm>> -> memref<2x120xi32, #tpu.memory_space<hbm>>
      %dma_start3A_110 = arith.constant 0 : i32
      %dma_start3A_111 = arith.constant 0 : i32
      %dma_start3A_112 = tpu.memref_slice %arg4[%arg1, %run_scoped3A_8, %dma_start3A_110, %dma_start3A_111] : memref<16x180x2x120xi32, #tpu.memory_space<hbm>> -> memref<1x1x2x120xi32, #tpu.memory_space<hbm>>
      %dma_start3A_113 = tpu.memref_squeeze %dma_start3A_112 : memref<1x1x2x120xi32, #tpu.memory_space<hbm>> -> memref<2x120xi32, #tpu.memory_space<hbm>>
      tpu.enqueue_dma source(%dma_start3A_113 : memref<2x120xi32, #tpu.memory_space<hbm>>) target(%arg8 : memref<2x120xi32, #tpu.memory_space<vmem>>) target_semaphore(%run_scoped3A_105 : memref<!tpu.dma_semaphore, #tpu.memory_space<semaphore_mem>>)
      %dma_wait3A_114 = arith.constant 0 : i32
      %dma_wait3A_115 = arith.constant 0 : i32
      %dma_wait3A_116 = tpu.memref_slice %arg4[%arg1, %run_scoped3A_8, %dma_wait3A_114, %dma_wait3A_115] : memref<16x180x2x120xi32, #tpu.memory_space<hbm>> -> memref<1x1x2x120xi32, #tpu.memory_space<hbm>>
      %dma_wait3A_117 = tpu.memref_squeeze %dma_wait3A_116 : memref<1x1x2x120xi32, #tpu.memory_space<hbm>> -> memref<2x120xi32, #tpu.memory_space<hbm>>
      %dma_wait3A_118 = arith.constant 0 : i32
      %dma_wait3A_119 = arith.constant 0 : i32
      %dma_wait3A_120 = tpu.memref_slice %arg4[%arg1, %run_scoped3A_8, %dma_wait3A_118, %dma_wait3A_119] : memref<16x180x2x120xi32, #tpu.memory_space<hbm>> -> memref<1x1x2x120xi32, #tpu.memory_space<hbm>>
      %dma_wait3A_121 = tpu.memref_squeeze %dma_wait3A_120 : memref<1x1x2x120xi32, #tpu.memory_space<hbm>> -> memref<2x120xi32, #tpu.memory_space<hbm>>
      tpu.wait_dma2 semaphore(%run_scoped3A_105 : memref<!tpu.dma_semaphore, #tpu.memory_space<semaphore_mem>>) src(%dma_wait3A_121 : memref<2x120xi32, #tpu.memory_space<hbm>>) dst(%arg8 : memref<2x120xi32, #tpu.memory_space<vmem>>)
      tpu.yield
    }) : () -> ()
    %run_scoped3A_9 = arith.constant 2 : i32
    "tpu.region"() ({
      %run_scoped3A_105 = tpu.sem_alloc : memref<!tpu.dma_semaphore, #tpu.memory_space<semaphore_mem>>
      %dma_start3A_106 = arith.constant 0 : i32
      %dma_start3A_107 = arith.constant 0 : i32
      %dma_start3A_108 = tpu.memref_slice %arg4[%arg1, %run_scoped3A_9, %dma_start3A_106, %dma_start3A_107] : memref<16x180x2x120xi32, #tpu.memory_space<hbm>> -> memref<1x1x2x120xi32, #tpu.memory_space<hbm>>
      %dma_start3A_109 = tpu.memref_squeeze %dma_start3A_108 : memref<1x1x2x120xi32, #tpu.memory_space<hbm>> -> memref<2x120xi32, #tpu.memory_space<hbm>>
      %dma_start3A_110 = arith.constant 0 : i32
      %dma_start3A_111 = arith.constant 0 : i32
      %dma_start3A_112 = tpu.memref_slice %arg4[%arg1, %run_scoped3A_9, %dma_start3A_110, %dma_start3A_111] : memref<16x180x2x120xi32, #tpu.memory_space<hbm>> -> memref<1x1x2x120xi32, #tpu.memory_space<hbm>>
      %dma_start3A_113 = tpu.memref_squeeze %dma_start3A_112 : memref<1x1x2x120xi32, #tpu.memory_space<hbm>> -> memref<2x120xi32, #tpu.memory_space<hbm>>
      tpu.enqueue_dma source(%dma_start3A_113 : memref<2x120xi32, #tpu.memory_space<hbm>>) target(%arg9 : memref<2x120xi32, #tpu.memory_space<vmem>>) target_semaphore(%run_scoped3A_105 : memref<!tpu.dma_semaphore, #tpu.memory_space<semaphore_mem>>)
      %dma_wait3A_114 = arith.constant 0 : i32
      %dma_wait3A_115 = arith.constant 0 : i32
      %dma_wait3A_116 = tpu.memref_slice %arg4[%arg1, %run_scoped3A_9, %dma_wait3A_114, %dma_wait3A_115] : memref<16x180x2x120xi32, #tpu.memory_space<hbm>> -> memref<1x1x2x120xi32, #tpu.memory_space<hbm>>
      %dma_wait3A_117 = tpu.memref_squeeze %dma_wait3A_116 : memref<1x1x2x120xi32, #tpu.memory_space<hbm>> -> memref<2x120xi32, #tpu.memory_space<hbm>>
      %dma_wait3A_118 = arith.constant 0 : i32
      %dma_wait3A_119 = arith.constant 0 : i32
      %dma_wait3A_120 = tpu.memref_slice %arg4[%arg1, %run_scoped3A_9, %dma_wait3A_118, %dma_wait3A_119] : memref<16x180x2x120xi32, #tpu.memory_space<hbm>> -> memref<1x1x2x120xi32, #tpu.memory_space<hbm>>
      %dma_wait3A_121 = tpu.memref_squeeze %dma_wait3A_120 : memref<1x1x2x120xi32, #tpu.memory_space<hbm>> -> memref<2x120xi32, #tpu.memory_space<hbm>>
      tpu.wait_dma2 semaphore(%run_scoped3A_105 : memref<!tpu.dma_semaphore, #tpu.memory_space<semaphore_mem>>) src(%dma_wait3A_121 : memref<2x120xi32, #tpu.memory_space<hbm>>) dst(%arg9 : memref<2x120xi32, #tpu.memory_space<vmem>>)
      tpu.yield
    }) : () -> ()
    %run_scoped3A_10 = arith.constant 3 : i32
    "tpu.region"() ({
      %run_scoped3A_105 = tpu.sem_alloc : memref<!tpu.dma_semaphore, #tpu.memory_space<semaphore_mem>>
      %dma_start3A_106 = arith.constant 0 : i32
      %dma_start3A_107 = arith.constant 0 : i32
      %dma_start3A_108 = tpu.memref_slice %arg4[%arg1, %run_scoped3A_10, %dma_start3A_106, %dma_start3A_107] : memref<16x180x2x120xi32, #tpu.memory_space<hbm>> -> memref<1x1x2x120xi32, #tpu.memory_space<hbm>>
      %dma_start3A_109 = tpu.memref_squeeze %dma_start3A_108 : memref<1x1x2x120xi32, #tpu.memory_space<hbm>> -> memref<2x120xi32, #tpu.memory_space<hbm>>
      %dma_start3A_110 = arith.constant 0 : i32
      %dma_start3A_111 = arith.constant 0 : i32
      %dma_start3A_112 = tpu.memref_slice %arg4[%arg1, %run_scoped3A_10, %dma_start3A_110, %dma_start3A_111] : memref<16x180x2x120xi32, #tpu.memory_space<hbm>> -> memref<1x1x2x120xi32, #tpu.memory_space<hbm>>
      %dma_start3A_113 = tpu.memref_squeeze %dma_start3A_112 : memref<1x1x2x120xi32, #tpu.memory_space<hbm>> -> memref<2x120xi32, #tpu.memory_space<hbm>>
      tpu.enqueue_dma source(%dma_start3A_113 : memref<2x120xi32, #tpu.memory_space<hbm>>) target(%arg10 : memref<2x120xi32, #tpu.memory_space<vmem>>) target_semaphore(%run_scoped3A_105 : memref<!tpu.dma_semaphore, #tpu.memory_space<semaphore_mem>>)
      %dma_wait3A_114 = arith.constant 0 : i32
      %dma_wait3A_115 = arith.constant 0 : i32
      %dma_wait3A_116 = tpu.memref_slice %arg4[%arg1, %run_scoped3A_10, %dma_wait3A_114, %dma_wait3A_115] : memref<16x180x2x120xi32, #tpu.memory_space<hbm>> -> memref<1x1x2x120xi32, #tpu.memory_space<hbm>>
      %dma_wait3A_117 = tpu.memref_squeeze %dma_wait3A_116 : memref<1x1x2x120xi32, #tpu.memory_space<hbm>> -> memref<2x120xi32, #tpu.memory_space<hbm>>
      %dma_wait3A_118 = arith.constant 0 : i32
      %dma_wait3A_119 = arith.constant 0 : i32
      %dma_wait3A_120 = tpu.memref_slice %arg4[%arg1, %run_scoped3A_10, %dma_wait3A_118, %dma_wait3A_119] : memref<16x180x2x120xi32, #tpu.memory_space<hbm>> -> memref<1x1x2x120xi32, #tpu.memory_space<hbm>>
      %dma_wait3A_121 = tpu.memref_squeeze %dma_wait3A_120 : memref<1x1x2x120xi32, #tpu.memory_space<hbm>> -> memref<2x120xi32, #tpu.memory_space<hbm>>
      tpu.wait_dma2 semaphore(%run_scoped3A_105 : memref<!tpu.dma_semaphore, #tpu.memory_space<semaphore_mem>>) src(%dma_wait3A_121 : memref<2x120xi32, #tpu.memory_space<hbm>>) dst(%arg10 : memref<2x120xi32, #tpu.memory_space<vmem>>)
      tpu.yield
    }) : () -> ()
    %run_scoped3A_11 = arith.constant 4 : i32
    "tpu.region"() ({
      %run_scoped3A_105 = tpu.sem_alloc : memref<!tpu.dma_semaphore, #tpu.memory_space<semaphore_mem>>
      %dma_start3A_106 = arith.constant 0 : i32
      %dma_start3A_107 = arith.constant 0 : i32
      %dma_start3A_108 = tpu.memref_slice %arg4[%arg1, %run_scoped3A_11, %dma_start3A_106, %dma_start3A_107] : memref<16x180x2x120xi32, #tpu.memory_space<hbm>> -> memref<1x1x2x120xi32, #tpu.memory_space<hbm>>
      %dma_start3A_109 = tpu.memref_squeeze %dma_start3A_108 : memref<1x1x2x120xi32, #tpu.memory_space<hbm>> -> memref<2x120xi32, #tpu.memory_space<hbm>>
      %dma_start3A_110 = arith.constant 0 : i32
      %dma_start3A_111 = arith.constant 0 : i32
      %dma_start3A_112 = tpu.memref_slice %arg4[%arg1, %run_scoped3A_11, %dma_start3A_110, %dma_start3A_111] : memref<16x180x2x120xi32, #tpu.memory_space<hbm>> -> memref<1x1x2x120xi32, #tpu.memory_space<hbm>>
      %dma_start3A_113 = tpu.memref_squeeze %dma_start3A_112 : memref<1x1x2x120xi32, #tpu.memory_space<hbm>> -> memref<2x120xi32, #tpu.memory_space<hbm>>
      tpu.enqueue_dma source(%dma_start3A_113 : memref<2x120xi32, #tpu.memory_space<hbm>>) target(%arg11 : memref<2x120xi32, #tpu.memory_space<vmem>>) target_semaphore(%run_scoped3A_105 : memref<!tpu.dma_semaphore, #tpu.memory_space<semaphore_mem>>)
      %dma_wait3A_114 = arith.constant 0 : i32
      %dma_wait3A_115 = arith.constant 0 : i32
      %dma_wait3A_116 = tpu.memref_slice %arg4[%arg1, %run_scoped3A_11, %dma_wait3A_114, %dma_wait3A_115] : memref<16x180x2x120xi32, #tpu.memory_space<hbm>> -> memref<1x1x2x120xi32, #tpu.memory_space<hbm>>
      %dma_wait3A_117 = tpu.memref_squeeze %dma_wait3A_116 : memref<1x1x2x120xi32, #tpu.memory_space<hbm>> -> memref<2x120xi32, #tpu.memory_space<hbm>>
      %dma_wait3A_118 = arith.constant 0 : i32
      %dma_wait3A_119 = arith.constant 0 : i32
      %dma_wait3A_120 = tpu.memref_slice %arg4[%arg1, %run_scoped3A_11, %dma_wait3A_118, %dma_wait3A_119] : memref<16x180x2x120xi32, #tpu.memory_space<hbm>> -> memref<1x1x2x120xi32, #tpu.memory_space<hbm>>
      %dma_wait3A_121 = tpu.memref_squeeze %dma_wait3A_120 : memref<1x1x2x120xi32, #tpu.memory_space<hbm>> -> memref<2x120xi32, #tpu.memory_space<hbm>>
      tpu.wait_dma2 semaphore(%run_scoped3A_105 : memref<!tpu.dma_semaphore, #tpu.memory_space<semaphore_mem>>) src(%dma_wait3A_121 : memref<2x120xi32, #tpu.memory_space<hbm>>) dst(%arg11 : memref<2x120xi32, #tpu.memory_space<vmem>>)
      tpu.yield
    }) : () -> ()
    %run_scoped3A_12 = arith.constant 5 : i32
    "tpu.region"() ({
      %run_scoped3A_105 = tpu.sem_alloc : memref<!tpu.dma_semaphore, #tpu.memory_space<semaphore_mem>>
      %dma_start3A_106 = arith.constant 0 : i32
      %dma_start3A_107 = arith.constant 0 : i32
      %dma_start3A_108 = tpu.memref_slice %arg4[%arg1, %run_scoped3A_12, %dma_start3A_106, %dma_start3A_107] : memref<16x180x2x120xi32, #tpu.memory_space<hbm>> -> memref<1x1x2x120xi32, #tpu.memory_space<hbm>>
      %dma_start3A_109 = tpu.memref_squeeze %dma_start3A_108 : memref<1x1x2x120xi32, #tpu.memory_space<hbm>> -> memref<2x120xi32, #tpu.memory_space<hbm>>
      %dma_start3A_110 = arith.constant 0 : i32
      %dma_start3A_111 = arith.constant 0 : i32
      %dma_start3A_112 = tpu.memref_slice %arg4[%arg1, %run_scoped3A_12, %dma_start3A_110, %dma_start3A_111] : memref<16x180x2x120xi32, #tpu.memory_space<hbm>> -> memref<1x1x2x120xi32, #tpu.memory_space<hbm>>
      %dma_start3A_113 = tpu.memref_squeeze %dma_start3A_112 : memref<1x1x2x120xi32, #tpu.memory_space<hbm>> -> memref<2x120xi32, #tpu.memory_space<hbm>>
      tpu.enqueue_dma source(%dma_start3A_113 : memref<2x120xi32, #tpu.memory_space<hbm>>) target(%arg12 : memref<2x120xi32, #tpu.memory_space<vmem>>) target_semaphore(%run_scoped3A_105 : memref<!tpu.dma_semaphore, #tpu.memory_space<semaphore_mem>>)
      %dma_wait3A_114 = arith.constant 0 : i32
      %dma_wait3A_115 = arith.constant 0 : i32
      %dma_wait3A_116 = tpu.memref_slice %arg4[%arg1, %run_scoped3A_12, %dma_wait3A_114, %dma_wait3A_115] : memref<16x180x2x120xi32, #tpu.memory_space<hbm>> -> memref<1x1x2x120xi32, #tpu.memory_space<hbm>>
      %dma_wait3A_117 = tpu.memref_squeeze %dma_wait3A_116 : memref<1x1x2x120xi32, #tpu.memory_space<hbm>> -> memref<2x120xi32, #tpu.memory_space<hbm>>
      %dma_wait3A_118 = arith.constant 0 : i32
      %dma_wait3A_119 = arith.constant 0 : i32
      %dma_wait3A_120 = tpu.memref_slice %arg4[%arg1, %run_scoped3A_12, %dma_wait3A_118, %dma_wait3A_119] : memref<16x180x2x120xi32, #tpu.memory_space<hbm>> -> memref<1x1x2x120xi32, #tpu.memory_space<hbm>>
      %dma_wait3A_121 = tpu.memref_squeeze %dma_wait3A_120 : memref<1x1x2x120xi32, #tpu.memory_space<hbm>> -> memref<2x120xi32, #tpu.memory_space<hbm>>
      tpu.wait_dma2 semaphore(%run_scoped3A_105 : memref<!tpu.dma_semaphore, #tpu.memory_space<semaphore_mem>>) src(%dma_wait3A_121 : memref<2x120xi32, #tpu.memory_space<hbm>>) dst(%arg12 : memref<2x120xi32, #tpu.memory_space<vmem>>)
      tpu.yield
    }) : () -> ()
    %barrier3A = arith.constant 0 : index
    tpu.barrier barrier_id(%barrier3A)
    %dma_start3A = arith.constant 0 : i32
    %dma_start3A_13 = arith.constant 0 : i32
    %dma_start3A_14 = tpu.memref_slice %arg7[%dma_start3A, %dma_start3A_13] : memref<2x120xi32, #tpu.memory_space<vmem>> -> memref<1x120xi32, #tpu.memory_space<vmem>>
    %dma_start3A_15 = tpu.memref_squeeze %dma_start3A_14 : memref<1x120xi32, #tpu.memory_space<vmem>> -> memref<120xi32, #tpu.memory_space<vmem>>
    %dma_start3A_16 = arith.constant 0 : i32
    %dma_start3A_17 = arith.constant 0 : i32
    %dma_start3A_18 = tpu.memref_slice %arg20[%dma_start3A_16, %dma_start3A_17] : memref<10000x64xf32, #tpu.memory_space<vmem_shared>> -> memref<10000x64xf32, #tpu.memory_space<vmem_shared>>
    tpu.enqueue_indirect_dma source(%dma_start3A_18 : memref<10000x64xf32, #tpu.memory_space<vmem_shared>>) target(%arg13 : memref<120x64xf32, #tpu.memory_space<vmem>>) offsets(%dma_start3A_15 : memref<120xi32, #tpu.memory_space<vmem>>) semaphore(%arg21 : memref<!tpu.dma_semaphore, #tpu.memory_space<semaphore_mem>>)
    %dma_start3A_19 = arith.constant 0 : i32
    %dma_start3A_20 = arith.constant 0 : i32
    %dma_start3A_21 = tpu.memref_slice %arg8[%dma_start3A_19, %dma_start3A_20] : memref<2x120xi32, #tpu.memory_space<vmem>> -> memref<1x120xi32, #tpu.memory_space<vmem>>
    %dma_start3A_22 = tpu.memref_squeeze %dma_start3A_21 : memref<1x120xi32, #tpu.memory_space<vmem>> -> memref<120xi32, #tpu.memory_space<vmem>>
    %dma_start3A_23 = arith.constant 0 : i32
    %dma_start3A_24 = arith.constant 0 : i32
    %dma_start3A_25 = tpu.memref_slice %arg20[%dma_start3A_23, %dma_start3A_24] : memref<10000x64xf32, #tpu.memory_space<vmem_shared>> -> memref<10000x64xf32, #tpu.memory_space<vmem_shared>>
    tpu.enqueue_indirect_dma source(%dma_start3A_25 : memref<10000x64xf32, #tpu.memory_space<vmem_shared>>) target(%arg14 : memref<120x64xf32, #tpu.memory_space<vmem>>) offsets(%dma_start3A_22 : memref<120xi32, #tpu.memory_space<vmem>>) semaphore(%arg22 : memref<!tpu.dma_semaphore, #tpu.memory_space<semaphore_mem>>)
    %dma_start3A_26 = arith.constant 0 : i32
    %dma_start3A_27 = arith.constant 0 : i32
    %dma_start3A_28 = tpu.memref_slice %arg9[%dma_start3A_26, %dma_start3A_27] : memref<2x120xi32, #tpu.memory_space<vmem>> -> memref<1x120xi32, #tpu.memory_space<vmem>>
    %dma_start3A_29 = tpu.memref_squeeze %dma_start3A_28 : memref<1x120xi32, #tpu.memory_space<vmem>> -> memref<120xi32, #tpu.memory_space<vmem>>
    %dma_start3A_30 = arith.constant 0 : i32
    %dma_start3A_31 = arith.constant 0 : i32
    %dma_start3A_32 = tpu.memref_slice %arg20[%dma_start3A_30, %dma_start3A_31] : memref<10000x64xf32, #tpu.memory_space<vmem_shared>> -> memref<10000x64xf32, #tpu.memory_space<vmem_shared>>
    tpu.enqueue_indirect_dma source(%dma_start3A_32 : memref<10000x64xf32, #tpu.memory_space<vmem_shared>>) target(%arg15 : memref<120x64xf32, #tpu.memory_space<vmem>>) offsets(%dma_start3A_29 : memref<120xi32, #tpu.memory_space<vmem>>) semaphore(%arg23 : memref<!tpu.dma_semaphore, #tpu.memory_space<semaphore_mem>>)
    %dma_start3A_33 = arith.constant 0 : i32
    %dma_start3A_34 = arith.constant 0 : i32
    %dma_start3A_35 = tpu.memref_slice %arg10[%dma_start3A_33, %dma_start3A_34] : memref<2x120xi32, #tpu.memory_space<vmem>> -> memref<1x120xi32, #tpu.memory_space<vmem>>
    %dma_start3A_36 = tpu.memref_squeeze %dma_start3A_35 : memref<1x120xi32, #tpu.memory_space<vmem>> -> memref<120xi32, #tpu.memory_space<vmem>>
    %dma_start3A_37 = arith.constant 0 : i32
    %dma_start3A_38 = arith.constant 0 : i32
    %dma_start3A_39 = tpu.memref_slice %arg20[%dma_start3A_37, %dma_start3A_38] : memref<10000x64xf32, #tpu.memory_space<vmem_shared>> -> memref<10000x64xf32, #tpu.memory_space<vmem_shared>>
    tpu.enqueue_indirect_dma source(%dma_start3A_39 : memref<10000x64xf32, #tpu.memory_space<vmem_shared>>) target(%arg16 : memref<120x64xf32, #tpu.memory_space<vmem>>) offsets(%dma_start3A_36 : memref<120xi32, #tpu.memory_space<vmem>>) semaphore(%arg24 : memref<!tpu.dma_semaphore, #tpu.memory_space<semaphore_mem>>)
    %dma_start3A_40 = arith.constant 0 : i32
    %dma_start3A_41 = arith.constant 0 : i32
    %dma_start3A_42 = tpu.memref_slice %arg11[%dma_start3A_40, %dma_start3A_41] : memref<2x120xi32, #tpu.memory_space<vmem>> -> memref<1x120xi32, #tpu.memory_space<vmem>>
    %dma_start3A_43 = tpu.memref_squeeze %dma_start3A_42 : memref<1x120xi32, #tpu.memory_space<vmem>> -> memref<120xi32, #tpu.memory_space<vmem>>
    %dma_start3A_44 = arith.constant 0 : i32
    %dma_start3A_45 = arith.constant 0 : i32
    %dma_start3A_46 = tpu.memref_slice %arg20[%dma_start3A_44, %dma_start3A_45] : memref<10000x64xf32, #tpu.memory_space<vmem_shared>> -> memref<10000x64xf32, #tpu.memory_space<vmem_shared>>
    tpu.enqueue_indirect_dma source(%dma_start3A_46 : memref<10000x64xf32, #tpu.memory_space<vmem_shared>>) target(%arg17 : memref<120x64xf32, #tpu.memory_space<vmem>>) offsets(%dma_start3A_43 : memref<120xi32, #tpu.memory_space<vmem>>) semaphore(%arg25 : memref<!tpu.dma_semaphore, #tpu.memory_space<semaphore_mem>>)
    %dma_start3A_47 = arith.constant 0 : i32
    %dma_start3A_48 = arith.constant 0 : i32
    %dma_start3A_49 = tpu.memref_slice %arg12[%dma_start3A_47, %dma_start3A_48] : memref<2x120xi32, #tpu.memory_space<vmem>> -> memref<1x120xi32, #tpu.memory_space<vmem>>
    %dma_start3A_50 = tpu.memref_squeeze %dma_start3A_49 : memref<1x120xi32, #tpu.memory_space<vmem>> -> memref<120xi32, #tpu.memory_space<vmem>>
    %dma_start3A_51 = arith.constant 0 : i32
    %dma_start3A_52 = arith.constant 0 : i32
    %dma_start3A_53 = tpu.memref_slice %arg20[%dma_start3A_51, %dma_start3A_52] : memref<10000x64xf32, #tpu.memory_space<vmem_shared>> -> memref<10000x64xf32, #tpu.memory_space<vmem_shared>>
    tpu.enqueue_indirect_dma source(%dma_start3A_53 : memref<10000x64xf32, #tpu.memory_space<vmem_shared>>) target(%arg18 : memref<120x64xf32, #tpu.memory_space<vmem>>) offsets(%dma_start3A_50 : memref<120xi32, #tpu.memory_space<vmem>>) semaphore(%arg26 : memref<!tpu.dma_semaphore, #tpu.memory_space<semaphore_mem>>)
    %scan3A = arith.constant 0 : i32
    %scan3A_54 = arith.constant 0 : i32
    %scan3A_55 = arith.constant 29 : i32
    %scan3A_56 = arith.addi %scan3A_54, %scan3A_55 : i32
    %scan3A_57 = arith.constant 1 : i32
    scf.for %scan3A_105 = %scan3A_54 to %scan3A_56 step %scan3A_57  : i32 {
      %mul3A_106 = arith.constant 6 : i32
      %mul3A_107 = arith.muli %mul3A_106, %scan3A_105 : i32
      %dma_wait3A_108 = arith.constant 0 : i32
      %dma_wait3A_109 = arith.constant 0 : i32
      %dma_wait3A_110 = tpu.memref_slice %arg7[%dma_wait3A_108, %dma_wait3A_109] : memref<2x120xi32, #tpu.memory_space<vmem>> -> memref<1x120xi32, #tpu.memory_space<vmem>>
      %dma_wait3A_111 = tpu.memref_squeeze %dma_wait3A_110 : memref<1x120xi32, #tpu.memory_space<vmem>> -> memref<120xi32, #tpu.memory_space<vmem>>
      %dma_wait3A_112 = arith.constant 0 : i32
      %dma_wait3A_113 = arith.constant 0 : i32
      %dma_wait3A_114 = tpu.memref_slice %arg20[%dma_wait3A_112, %dma_wait3A_113] : memref<10000x64xf32, #tpu.memory_space<vmem_shared>> -> memref<10000x64xf32, #tpu.memory_space<vmem_shared>>
      tpu.wait_indirect_dma semaphore(%arg21 : memref<!tpu.dma_semaphore, #tpu.memory_space<semaphore_mem>>) src(%dma_wait3A_114 : memref<10000x64xf32, #tpu.memory_space<vmem_shared>>) dst(%arg13 : memref<120x64xf32, #tpu.memory_space<vmem>>)
      %dma_start3A_115 = arith.constant 1 : i32
      %dma_start3A_116 = arith.constant 0 : i32
      %dma_start3A_117 = tpu.memref_slice %arg7[%dma_start3A_115, %dma_start3A_116] : memref<2x120xi32, #tpu.memory_space<vmem>> -> memref<1x120xi32, #tpu.memory_space<vmem>>
      %dma_start3A_118 = tpu.memref_squeeze %dma_start3A_117 : memref<1x120xi32, #tpu.memory_space<vmem>> -> memref<120xi32, #tpu.memory_space<vmem>>
      %dma_start3A_119 = arith.constant 0 : i32
      %dma_start3A_120 = arith.constant 0 : i32
      %dma_start3A_121 = tpu.memref_slice %arg19[%dma_start3A_119, %dma_start3A_120] : memref<10240x64xf32, #tpu.memory_space<vmem_shared>> -> memref<10240x64xf32, #tpu.memory_space<vmem_shared>>
      tpu.enqueue_indirect_dma source(%arg13 : memref<120x64xf32, #tpu.memory_space<vmem>>) target(%dma_start3A_121 : memref<10240x64xf32, #tpu.memory_space<vmem_shared>>) offsets(%dma_start3A_118 : memref<120xi32, #tpu.memory_space<vmem>>) semaphore(%arg27 : memref<!tpu.dma_semaphore, #tpu.memory_space<semaphore_mem>>) {add = true}
      %dma_wait3A_122 = arith.constant 0 : i32
      %dma_wait3A_123 = arith.constant 0 : i32
      %dma_wait3A_124 = tpu.memref_slice %arg8[%dma_wait3A_122, %dma_wait3A_123] : memref<2x120xi32, #tpu.memory_space<vmem>> -> memref<1x120xi32, #tpu.memory_space<vmem>>
      %dma_wait3A_125 = tpu.memref_squeeze %dma_wait3A_124 : memref<1x120xi32, #tpu.memory_space<vmem>> -> memref<120xi32, #tpu.memory_space<vmem>>
      %dma_wait3A_126 = arith.constant 0 : i32
      %dma_wait3A_127 = arith.constant 0 : i32
      %dma_wait3A_128 = tpu.memref_slice %arg20[%dma_wait3A_126, %dma_wait3A_127] : memref<10000x64xf32, #tpu.memory_space<vmem_shared>> -> memref<10000x64xf32, #tpu.memory_space<vmem_shared>>
      tpu.wait_indirect_dma semaphore(%arg22 : memref<!tpu.dma_semaphore, #tpu.memory_space<semaphore_mem>>) src(%dma_wait3A_128 : memref<10000x64xf32, #tpu.memory_space<vmem_shared>>) dst(%arg14 : memref<120x64xf32, #tpu.memory_space<vmem>>)
      %dma_start3A_129 = arith.constant 1 : i32
      %dma_start3A_130 = arith.constant 0 : i32
      %dma_start3A_131 = tpu.memref_slice %arg8[%dma_start3A_129, %dma_start3A_130] : memref<2x120xi32, #tpu.memory_space<vmem>> -> memref<1x120xi32, #tpu.memory_space<vmem>>
      %dma_start3A_132 = tpu.memref_squeeze %dma_start3A_131 : memref<1x120xi32, #tpu.memory_space<vmem>> -> memref<120xi32, #tpu.memory_space<vmem>>
      %dma_start3A_133 = arith.constant 0 : i32
      %dma_start3A_134 = arith.constant 0 : i32
      %dma_start3A_135 = tpu.memref_slice %arg19[%dma_start3A_133, %dma_start3A_134] : memref<10240x64xf32, #tpu.memory_space<vmem_shared>> -> memref<10240x64xf32, #tpu.memory_space<vmem_shared>>
      tpu.enqueue_indirect_dma source(%arg14 : memref<120x64xf32, #tpu.memory_space<vmem>>) target(%dma_start3A_135 : memref<10240x64xf32, #tpu.memory_space<vmem_shared>>) offsets(%dma_start3A_132 : memref<120xi32, #tpu.memory_space<vmem>>) semaphore(%arg28 : memref<!tpu.dma_semaphore, #tpu.memory_space<semaphore_mem>>) {add = true}
      %dma_wait3A_136 = arith.constant 0 : i32
      %dma_wait3A_137 = arith.constant 0 : i32
      %dma_wait3A_138 = tpu.memref_slice %arg9[%dma_wait3A_136, %dma_wait3A_137] : memref<2x120xi32, #tpu.memory_space<vmem>> -> memref<1x120xi32, #tpu.memory_space<vmem>>
      %dma_wait3A_139 = tpu.memref_squeeze %dma_wait3A_138 : memref<1x120xi32, #tpu.memory_space<vmem>> -> memref<120xi32, #tpu.memory_space<vmem>>
      %dma_wait3A_140 = arith.constant 0 : i32
      %dma_wait3A_141 = arith.constant 0 : i32
      %dma_wait3A_142 = tpu.memref_slice %arg20[%dma_wait3A_140, %dma_wait3A_141] : memref<10000x64xf32, #tpu.memory_space<vmem_shared>> -> memref<10000x64xf32, #tpu.memory_space<vmem_shared>>
      tpu.wait_indirect_dma semaphore(%arg23 : memref<!tpu.dma_semaphore, #tpu.memory_space<semaphore_mem>>) src(%dma_wait3A_142 : memref<10000x64xf32, #tpu.memory_space<vmem_shared>>) dst(%arg15 : memref<120x64xf32, #tpu.memory_space<vmem>>)
      %dma_start3A_143 = arith.constant 1 : i32
      %dma_start3A_144 = arith.constant 0 : i32
      %dma_start3A_145 = tpu.memref_slice %arg9[%dma_start3A_143, %dma_start3A_144] : memref<2x120xi32, #tpu.memory_space<vmem>> -> memref<1x120xi32, #tpu.memory_space<vmem>>
      %dma_start3A_146 = tpu.memref_squeeze %dma_start3A_145 : memref<1x120xi32, #tpu.memory_space<vmem>> -> memref<120xi32, #tpu.memory_space<vmem>>
      %dma_start3A_147 = arith.constant 0 : i32
      %dma_start3A_148 = arith.constant 0 : i32
      %dma_start3A_149 = tpu.memref_slice %arg19[%dma_start3A_147, %dma_start3A_148] : memref<10240x64xf32, #tpu.memory_space<vmem_shared>> -> memref<10240x64xf32, #tpu.memory_space<vmem_shared>>
      tpu.enqueue_indirect_dma source(%arg15 : memref<120x64xf32, #tpu.memory_space<vmem>>) target(%dma_start3A_149 : memref<10240x64xf32, #tpu.memory_space<vmem_shared>>) offsets(%dma_start3A_146 : memref<120xi32, #tpu.memory_space<vmem>>) semaphore(%arg29 : memref<!tpu.dma_semaphore, #tpu.memory_space<semaphore_mem>>) {add = true}
      %dma_wait3A_150 = arith.constant 0 : i32
      %dma_wait3A_151 = arith.constant 0 : i32
      %dma_wait3A_152 = tpu.memref_slice %arg10[%dma_wait3A_150, %dma_wait3A_151] : memref<2x120xi32, #tpu.memory_space<vmem>> -> memref<1x120xi32, #tpu.memory_space<vmem>>
      %dma_wait3A_153 = tpu.memref_squeeze %dma_wait3A_152 : memref<1x120xi32, #tpu.memory_space<vmem>> -> memref<120xi32, #tpu.memory_space<vmem>>
      %dma_wait3A_154 = arith.constant 0 : i32
      %dma_wait3A_155 = arith.constant 0 : i32
      %dma_wait3A_156 = tpu.memref_slice %arg20[%dma_wait3A_154, %dma_wait3A_155] : memref<10000x64xf32, #tpu.memory_space<vmem_shared>> -> memref<10000x64xf32, #tpu.memory_space<vmem_shared>>
      tpu.wait_indirect_dma semaphore(%arg24 : memref<!tpu.dma_semaphore, #tpu.memory_space<semaphore_mem>>) src(%dma_wait3A_156 : memref<10000x64xf32, #tpu.memory_space<vmem_shared>>) dst(%arg16 : memref<120x64xf32, #tpu.memory_space<vmem>>)
      %dma_start3A_157 = arith.constant 1 : i32
      %dma_start3A_158 = arith.constant 0 : i32
      %dma_start3A_159 = tpu.memref_slice %arg10[%dma_start3A_157, %dma_start3A_158] : memref<2x120xi32, #tpu.memory_space<vmem>> -> memref<1x120xi32, #tpu.memory_space<vmem>>
      %dma_start3A_160 = tpu.memref_squeeze %dma_start3A_159 : memref<1x120xi32, #tpu.memory_space<vmem>> -> memref<120xi32, #tpu.memory_space<vmem>>
      %dma_start3A_161 = arith.constant 0 : i32
      %dma_start3A_162 = arith.constant 0 : i32
      %dma_start3A_163 = tpu.memref_slice %arg19[%dma_start3A_161, %dma_start3A_162] : memref<10240x64xf32, #tpu.memory_space<vmem_shared>> -> memref<10240x64xf32, #tpu.memory_space<vmem_shared>>
      tpu.enqueue_indirect_dma source(%arg16 : memref<120x64xf32, #tpu.memory_space<vmem>>) target(%dma_start3A_163 : memref<10240x64xf32, #tpu.memory_space<vmem_shared>>) offsets(%dma_start3A_160 : memref<120xi32, #tpu.memory_space<vmem>>) semaphore(%arg30 : memref<!tpu.dma_semaphore, #tpu.memory_space<semaphore_mem>>) {add = true}
      %dma_wait3A_164 = arith.constant 0 : i32
      %dma_wait3A_165 = arith.constant 0 : i32
      %dma_wait3A_166 = tpu.memref_slice %arg11[%dma_wait3A_164, %dma_wait3A_165] : memref<2x120xi32, #tpu.memory_space<vmem>> -> memref<1x120xi32, #tpu.memory_space<vmem>>
      %dma_wait3A_167 = tpu.memref_squeeze %dma_wait3A_166 : memref<1x120xi32, #tpu.memory_space<vmem>> -> memref<120xi32, #tpu.memory_space<vmem>>
      %dma_wait3A_168 = arith.constant 0 : i32
      %dma_wait3A_169 = arith.constant 0 : i32
      %dma_wait3A_170 = tpu.memref_slice %arg20[%dma_wait3A_168, %dma_wait3A_169] : memref<10000x64xf32, #tpu.memory_space<vmem_shared>> -> memref<10000x64xf32, #tpu.memory_space<vmem_shared>>
      tpu.wait_indirect_dma semaphore(%arg25 : memref<!tpu.dma_semaphore, #tpu.memory_space<semaphore_mem>>) src(%dma_wait3A_170 : memref<10000x64xf32, #tpu.memory_space<vmem_shared>>) dst(%arg17 : memref<120x64xf32, #tpu.memory_space<vmem>>)
      %dma_start3A_171 = arith.constant 1 : i32
      %dma_start3A_172 = arith.constant 0 : i32
      %dma_start3A_173 = tpu.memref_slice %arg11[%dma_start3A_171, %dma_start3A_172] : memref<2x120xi32, #tpu.memory_space<vmem>> -> memref<1x120xi32, #tpu.memory_space<vmem>>
      %dma_start3A_174 = tpu.memref_squeeze %dma_start3A_173 : memref<1x120xi32, #tpu.memory_space<vmem>> -> memref<120xi32, #tpu.memory_space<vmem>>
      %dma_start3A_175 = arith.constant 0 : i32
      %dma_start3A_176 = arith.constant 0 : i32
      %dma_start3A_177 = tpu.memref_slice %arg19[%dma_start3A_175, %dma_start3A_176] : memref<10240x64xf32, #tpu.memory_space<vmem_shared>> -> memref<10240x64xf32, #tpu.memory_space<vmem_shared>>
      tpu.enqueue_indirect_dma source(%arg17 : memref<120x64xf32, #tpu.memory_space<vmem>>) target(%dma_start3A_177 : memref<10240x64xf32, #tpu.memory_space<vmem_shared>>) offsets(%dma_start3A_174 : memref<120xi32, #tpu.memory_space<vmem>>) semaphore(%arg31 : memref<!tpu.dma_semaphore, #tpu.memory_space<semaphore_mem>>) {add = true}
      %dma_wait3A_178 = arith.constant 0 : i32
      %dma_wait3A_179 = arith.constant 0 : i32
      %dma_wait3A_180 = tpu.memref_slice %arg12[%dma_wait3A_178, %dma_wait3A_179] : memref<2x120xi32, #tpu.memory_space<vmem>> -> memref<1x120xi32, #tpu.memory_space<vmem>>
      %dma_wait3A_181 = tpu.memref_squeeze %dma_wait3A_180 : memref<1x120xi32, #tpu.memory_space<vmem>> -> memref<120xi32, #tpu.memory_space<vmem>>
      %dma_wait3A_182 = arith.constant 0 : i32
      %dma_wait3A_183 = arith.constant 0 : i32
      %dma_wait3A_184 = tpu.memref_slice %arg20[%dma_wait3A_182, %dma_wait3A_183] : memref<10000x64xf32, #tpu.memory_space<vmem_shared>> -> memref<10000x64xf32, #tpu.memory_space<vmem_shared>>
      tpu.wait_indirect_dma semaphore(%arg26 : memref<!tpu.dma_semaphore, #tpu.memory_space<semaphore_mem>>) src(%dma_wait3A_184 : memref<10000x64xf32, #tpu.memory_space<vmem_shared>>) dst(%arg18 : memref<120x64xf32, #tpu.memory_space<vmem>>)
      %dma_start3A_185 = arith.constant 1 : i32
      %dma_start3A_186 = arith.constant 0 : i32
      %dma_start3A_187 = tpu.memref_slice %arg12[%dma_start3A_185, %dma_start3A_186] : memref<2x120xi32, #tpu.memory_space<vmem>> -> memref<1x120xi32, #tpu.memory_space<vmem>>
      %dma_start3A_188 = tpu.memref_squeeze %dma_start3A_187 : memref<1x120xi32, #tpu.memory_space<vmem>> -> memref<120xi32, #tpu.memory_space<vmem>>
      %dma_start3A_189 = arith.constant 0 : i32
      %dma_start3A_190 = arith.constant 0 : i32
      %dma_start3A_191 = tpu.memref_slice %arg19[%dma_start3A_189, %dma_start3A_190] : memref<10240x64xf32, #tpu.memory_space<vmem_shared>> -> memref<10240x64xf32, #tpu.memory_space<vmem_shared>>
      tpu.enqueue_indirect_dma source(%arg18 : memref<120x64xf32, #tpu.memory_space<vmem>>) target(%dma_start3A_191 : memref<10240x64xf32, #tpu.memory_space<vmem_shared>>) offsets(%dma_start3A_188 : memref<120xi32, #tpu.memory_space<vmem>>) semaphore(%arg32 : memref<!tpu.dma_semaphore, #tpu.memory_space<semaphore_mem>>) {add = true}
      %add3A = arith.constant 0 : i32
      %add3A_192 = arith.addi %mul3A_107, %add3A : i32
      %dma_wait3A_193 = arith.constant 1 : i32
      %dma_wait3A_194 = arith.constant 0 : i32
      %dma_wait3A_195 = tpu.memref_slice %arg7[%dma_wait3A_193, %dma_wait3A_194] : memref<2x120xi32, #tpu.memory_space<vmem>> -> memref<1x120xi32, #tpu.memory_space<vmem>>
      %dma_wait3A_196 = tpu.memref_squeeze %dma_wait3A_195 : memref<1x120xi32, #tpu.memory_space<vmem>> -> memref<120xi32, #tpu.memory_space<vmem>>
      %dma_wait3A_197 = arith.constant 0 : i32
      %dma_wait3A_198 = arith.constant 0 : i32
      %dma_wait3A_199 = tpu.memref_slice %arg19[%dma_wait3A_197, %dma_wait3A_198] : memref<10240x64xf32, #tpu.memory_space<vmem_shared>> -> memref<10240x64xf32, #tpu.memory_space<vmem_shared>>
      tpu.wait_indirect_dma semaphore(%arg27 : memref<!tpu.dma_semaphore, #tpu.memory_space<semaphore_mem>>) src(%arg13 : memref<120x64xf32, #tpu.memory_space<vmem>>) dst(%dma_wait3A_199 : memref<10240x64xf32, #tpu.memory_space<vmem_shared>>)
      %add3A_200 = arith.constant 6 : i32
      %add3A_201 = arith.addi %add3A_192, %add3A_200 : i32
      %dma_start3A_202 = arith.constant 0 : i32
      %dma_start3A_203 = arith.constant 0 : i32
      %dma_start3A_204 = tpu.memref_slice %arg4[%arg1, %add3A_201, %dma_start3A_202, %dma_start3A_203] : memref<16x180x2x120xi32, #tpu.memory_space<hbm>> -> memref<1x1x2x120xi32, #tpu.memory_space<hbm>>
      %dma_start3A_205 = tpu.memref_squeeze %dma_start3A_204 : memref<1x1x2x120xi32, #tpu.memory_space<hbm>> -> memref<2x120xi32, #tpu.memory_space<hbm>>
      %dma_start3A_206 = arith.constant 0 : i32
      %dma_start3A_207 = arith.constant 0 : i32
      %dma_start3A_208 = tpu.memref_slice %arg4[%arg1, %add3A_201, %dma_start3A_206, %dma_start3A_207] : memref<16x180x2x120xi32, #tpu.memory_space<hbm>> -> memref<1x1x2x120xi32, #tpu.memory_space<hbm>>
      %dma_start3A_209 = tpu.memref_squeeze %dma_start3A_208 : memref<1x1x2x120xi32, #tpu.memory_space<hbm>> -> memref<2x120xi32, #tpu.memory_space<hbm>>
      tpu.enqueue_dma source(%dma_start3A_209 : memref<2x120xi32, #tpu.memory_space<hbm>>) target(%arg7 : memref<2x120xi32, #tpu.memory_space<vmem>>) target_semaphore(%arg33 : memref<!tpu.dma_semaphore, #tpu.memory_space<semaphore_mem>>)
      %add3A_210 = arith.constant 1 : i32
      %add3A_211 = arith.addi %mul3A_107, %add3A_210 : i32
      %dma_wait3A_212 = arith.constant 1 : i32
      %dma_wait3A_213 = arith.constant 0 : i32
      %dma_wait3A_214 = tpu.memref_slice %arg8[%dma_wait3A_212, %dma_wait3A_213] : memref<2x120xi32, #tpu.memory_space<vmem>> -> memref<1x120xi32, #tpu.memory_space<vmem>>
      %dma_wait3A_215 = tpu.memref_squeeze %dma_wait3A_214 : memref<1x120xi32, #tpu.memory_space<vmem>> -> memref<120xi32, #tpu.memory_space<vmem>>
      %dma_wait3A_216 = arith.constant 0 : i32
      %dma_wait3A_217 = arith.constant 0 : i32
      %dma_wait3A_218 = tpu.memref_slice %arg19[%dma_wait3A_216, %dma_wait3A_217] : memref<10240x64xf32, #tpu.memory_space<vmem_shared>> -> memref<10240x64xf32, #tpu.memory_space<vmem_shared>>
      tpu.wait_indirect_dma semaphore(%arg28 : memref<!tpu.dma_semaphore, #tpu.memory_space<semaphore_mem>>) src(%arg14 : memref<120x64xf32, #tpu.memory_space<vmem>>) dst(%dma_wait3A_218 : memref<10240x64xf32, #tpu.memory_space<vmem_shared>>)
      %add3A_219 = arith.constant 6 : i32
      %add3A_220 = arith.addi %add3A_211, %add3A_219 : i32
      %dma_start3A_221 = arith.constant 0 : i32
      %dma_start3A_222 = arith.constant 0 : i32
      %dma_start3A_223 = tpu.memref_slice %arg4[%arg1, %add3A_220, %dma_start3A_221, %dma_start3A_222] : memref<16x180x2x120xi32, #tpu.memory_space<hbm>> -> memref<1x1x2x120xi32, #tpu.memory_space<hbm>>
      %dma_start3A_224 = tpu.memref_squeeze %dma_start3A_223 : memref<1x1x2x120xi32, #tpu.memory_space<hbm>> -> memref<2x120xi32, #tpu.memory_space<hbm>>
      %dma_start3A_225 = arith.constant 0 : i32
      %dma_start3A_226 = arith.constant 0 : i32
      %dma_start3A_227 = tpu.memref_slice %arg4[%arg1, %add3A_220, %dma_start3A_225, %dma_start3A_226] : memref<16x180x2x120xi32, #tpu.memory_space<hbm>> -> memref<1x1x2x120xi32, #tpu.memory_space<hbm>>
      %dma_start3A_228 = tpu.memref_squeeze %dma_start3A_227 : memref<1x1x2x120xi32, #tpu.memory_space<hbm>> -> memref<2x120xi32, #tpu.memory_space<hbm>>
      tpu.enqueue_dma source(%dma_start3A_228 : memref<2x120xi32, #tpu.memory_space<hbm>>) target(%arg8 : memref<2x120xi32, #tpu.memory_space<vmem>>) target_semaphore(%arg34 : memref<!tpu.dma_semaphore, #tpu.memory_space<semaphore_mem>>)
      %add3A_229 = arith.constant 2 : i32
      %add3A_230 = arith.addi %mul3A_107, %add3A_229 : i32
      %dma_wait3A_231 = arith.constant 1 : i32
      %dma_wait3A_232 = arith.constant 0 : i32
      %dma_wait3A_233 = tpu.memref_slice %arg9[%dma_wait3A_231, %dma_wait3A_232] : memref<2x120xi32, #tpu.memory_space<vmem>> -> memref<1x120xi32, #tpu.memory_space<vmem>>
      %dma_wait3A_234 = tpu.memref_squeeze %dma_wait3A_233 : memref<1x120xi32, #tpu.memory_space<vmem>> -> memref<120xi32, #tpu.memory_space<vmem>>
      %dma_wait3A_235 = arith.constant 0 : i32
      %dma_wait3A_236 = arith.constant 0 : i32
      %dma_wait3A_237 = tpu.memref_slice %arg19[%dma_wait3A_235, %dma_wait3A_236] : memref<10240x64xf32, #tpu.memory_space<vmem_shared>> -> memref<10240x64xf32, #tpu.memory_space<vmem_shared>>
      tpu.wait_indirect_dma semaphore(%arg29 : memref<!tpu.dma_semaphore, #tpu.memory_space<semaphore_mem>>) src(%arg15 : memref<120x64xf32, #tpu.memory_space<vmem>>) dst(%dma_wait3A_237 : memref<10240x64xf32, #tpu.memory_space<vmem_shared>>)
      %add3A_238 = arith.constant 6 : i32
      %add3A_239 = arith.addi %add3A_230, %add3A_238 : i32
      %dma_start3A_240 = arith.constant 0 : i32
      %dma_start3A_241 = arith.constant 0 : i32
      %dma_start3A_242 = tpu.memref_slice %arg4[%arg1, %add3A_239, %dma_start3A_240, %dma_start3A_241] : memref<16x180x2x120xi32, #tpu.memory_space<hbm>> -> memref<1x1x2x120xi32, #tpu.memory_space<hbm>>
      %dma_start3A_243 = tpu.memref_squeeze %dma_start3A_242 : memref<1x1x2x120xi32, #tpu.memory_space<hbm>> -> memref<2x120xi32, #tpu.memory_space<hbm>>
      %dma_start3A_244 = arith.constant 0 : i32
      %dma_start3A_245 = arith.constant 0 : i32
      %dma_start3A_246 = tpu.memref_slice %arg4[%arg1, %add3A_239, %dma_start3A_244, %dma_start3A_245] : memref<16x180x2x120xi32, #tpu.memory_space<hbm>> -> memref<1x1x2x120xi32, #tpu.memory_space<hbm>>
      %dma_start3A_247 = tpu.memref_squeeze %dma_start3A_246 : memref<1x1x2x120xi32, #tpu.memory_space<hbm>> -> memref<2x120xi32, #tpu.memory_space<hbm>>
      tpu.enqueue_dma source(%dma_start3A_247 : memref<2x120xi32, #tpu.memory_space<hbm>>) target(%arg9 : memref<2x120xi32, #tpu.memory_space<vmem>>) target_semaphore(%arg35 : memref<!tpu.dma_semaphore, #tpu.memory_space<semaphore_mem>>)
      %add3A_248 = arith.constant 3 : i32
      %add3A_249 = arith.addi %mul3A_107, %add3A_248 : i32
      %dma_wait3A_250 = arith.constant 1 : i32
      %dma_wait3A_251 = arith.constant 0 : i32
      %dma_wait3A_252 = tpu.memref_slice %arg10[%dma_wait3A_250, %dma_wait3A_251] : memref<2x120xi32, #tpu.memory_space<vmem>> -> memref<1x120xi32, #tpu.memory_space<vmem>>
      %dma_wait3A_253 = tpu.memref_squeeze %dma_wait3A_252 : memref<1x120xi32, #tpu.memory_space<vmem>> -> memref<120xi32, #tpu.memory_space<vmem>>
      %dma_wait3A_254 = arith.constant 0 : i32
      %dma_wait3A_255 = arith.constant 0 : i32
      %dma_wait3A_256 = tpu.memref_slice %arg19[%dma_wait3A_254, %dma_wait3A_255] : memref<10240x64xf32, #tpu.memory_space<vmem_shared>> -> memref<10240x64xf32, #tpu.memory_space<vmem_shared>>
      tpu.wait_indirect_dma semaphore(%arg30 : memref<!tpu.dma_semaphore, #tpu.memory_space<semaphore_mem>>) src(%arg16 : memref<120x64xf32, #tpu.memory_space<vmem>>) dst(%dma_wait3A_256 : memref<10240x64xf32, #tpu.memory_space<vmem_shared>>)
      %add3A_257 = arith.constant 6 : i32
      %add3A_258 = arith.addi %add3A_249, %add3A_257 : i32
      %dma_start3A_259 = arith.constant 0 : i32
      %dma_start3A_260 = arith.constant 0 : i32
      %dma_start3A_261 = tpu.memref_slice %arg4[%arg1, %add3A_258, %dma_start3A_259, %dma_start3A_260] : memref<16x180x2x120xi32, #tpu.memory_space<hbm>> -> memref<1x1x2x120xi32, #tpu.memory_space<hbm>>
      %dma_start3A_262 = tpu.memref_squeeze %dma_start3A_261 : memref<1x1x2x120xi32, #tpu.memory_space<hbm>> -> memref<2x120xi32, #tpu.memory_space<hbm>>
      %dma_start3A_263 = arith.constant 0 : i32
      %dma_start3A_264 = arith.constant 0 : i32
      %dma_start3A_265 = tpu.memref_slice %arg4[%arg1, %add3A_258, %dma_start3A_263, %dma_start3A_264] : memref<16x180x2x120xi32, #tpu.memory_space<hbm>> -> memref<1x1x2x120xi32, #tpu.memory_space<hbm>>
      %dma_start3A_266 = tpu.memref_squeeze %dma_start3A_265 : memref<1x1x2x120xi32, #tpu.memory_space<hbm>> -> memref<2x120xi32, #tpu.memory_space<hbm>>
      tpu.enqueue_dma source(%dma_start3A_266 : memref<2x120xi32, #tpu.memory_space<hbm>>) target(%arg10 : memref<2x120xi32, #tpu.memory_space<vmem>>) target_semaphore(%arg36 : memref<!tpu.dma_semaphore, #tpu.memory_space<semaphore_mem>>)
      %add3A_267 = arith.constant 4 : i32
      %add3A_268 = arith.addi %mul3A_107, %add3A_267 : i32
      %dma_wait3A_269 = arith.constant 1 : i32
      %dma_wait3A_270 = arith.constant 0 : i32
      %dma_wait3A_271 = tpu.memref_slice %arg11[%dma_wait3A_269, %dma_wait3A_270] : memref<2x120xi32, #tpu.memory_space<vmem>> -> memref<1x120xi32, #tpu.memory_space<vmem>>
      %dma_wait3A_272 = tpu.memref_squeeze %dma_wait3A_271 : memref<1x120xi32, #tpu.memory_space<vmem>> -> memref<120xi32, #tpu.memory_space<vmem>>
      %dma_wait3A_273 = arith.constant 0 : i32
      %dma_wait3A_274 = arith.constant 0 : i32
      %dma_wait3A_275 = tpu.memref_slice %arg19[%dma_wait3A_273, %dma_wait3A_274] : memref<10240x64xf32, #tpu.memory_space<vmem_shared>> -> memref<10240x64xf32, #tpu.memory_space<vmem_shared>>
      tpu.wait_indirect_dma semaphore(%arg31 : memref<!tpu.dma_semaphore, #tpu.memory_space<semaphore_mem>>) src(%arg17 : memref<120x64xf32, #tpu.memory_space<vmem>>) dst(%dma_wait3A_275 : memref<10240x64xf32, #tpu.memory_space<vmem_shared>>)
      %add3A_276 = arith.constant 6 : i32
      %add3A_277 = arith.addi %add3A_268, %add3A_276 : i32
      %dma_start3A_278 = arith.constant 0 : i32
      %dma_start3A_279 = arith.constant 0 : i32
      %dma_start3A_280 = tpu.memref_slice %arg4[%arg1, %add3A_277, %dma_start3A_278, %dma_start3A_279] : memref<16x180x2x120xi32, #tpu.memory_space<hbm>> -> memref<1x1x2x120xi32, #tpu.memory_space<hbm>>
      %dma_start3A_281 = tpu.memref_squeeze %dma_start3A_280 : memref<1x1x2x120xi32, #tpu.memory_space<hbm>> -> memref<2x120xi32, #tpu.memory_space<hbm>>
      %dma_start3A_282 = arith.constant 0 : i32
      %dma_start3A_283 = arith.constant 0 : i32
      %dma_start3A_284 = tpu.memref_slice %arg4[%arg1, %add3A_277, %dma_start3A_282, %dma_start3A_283] : memref<16x180x2x120xi32, #tpu.memory_space<hbm>> -> memref<1x1x2x120xi32, #tpu.memory_space<hbm>>
      %dma_start3A_285 = tpu.memref_squeeze %dma_start3A_284 : memref<1x1x2x120xi32, #tpu.memory_space<hbm>> -> memref<2x120xi32, #tpu.memory_space<hbm>>
      tpu.enqueue_dma source(%dma_start3A_285 : memref<2x120xi32, #tpu.memory_space<hbm>>) target(%arg11 : memref<2x120xi32, #tpu.memory_space<vmem>>) target_semaphore(%arg37 : memref<!tpu.dma_semaphore, #tpu.memory_space<semaphore_mem>>)
      %add3A_286 = arith.constant 5 : i32
      %add3A_287 = arith.addi %mul3A_107, %add3A_286 : i32
      %dma_wait3A_288 = arith.constant 1 : i32
      %dma_wait3A_289 = arith.constant 0 : i32
      %dma_wait3A_290 = tpu.memref_slice %arg12[%dma_wait3A_288, %dma_wait3A_289] : memref<2x120xi32, #tpu.memory_space<vmem>> -> memref<1x120xi32, #tpu.memory_space<vmem>>
      %dma_wait3A_291 = tpu.memref_squeeze %dma_wait3A_290 : memref<1x120xi32, #tpu.memory_space<vmem>> -> memref<120xi32, #tpu.memory_space<vmem>>
      %dma_wait3A_292 = arith.constant 0 : i32
      %dma_wait3A_293 = arith.constant 0 : i32
      %dma_wait3A_294 = tpu.memref_slice %arg19[%dma_wait3A_292, %dma_wait3A_293] : memref<10240x64xf32, #tpu.memory_space<vmem_shared>> -> memref<10240x64xf32, #tpu.memory_space<vmem_shared>>
      tpu.wait_indirect_dma semaphore(%arg32 : memref<!tpu.dma_semaphore, #tpu.memory_space<semaphore_mem>>) src(%arg18 : memref<120x64xf32, #tpu.memory_space<vmem>>) dst(%dma_wait3A_294 : memref<10240x64xf32, #tpu.memory_space<vmem_shared>>)
      %add3A_295 = arith.constant 6 : i32
      %add3A_296 = arith.addi %add3A_287, %add3A_295 : i32
      %dma_start3A_297 = arith.constant 0 : i32
      %dma_start3A_298 = arith.constant 0 : i32
      %dma_start3A_299 = tpu.memref_slice %arg4[%arg1, %add3A_296, %dma_start3A_297, %dma_start3A_298] : memref<16x180x2x120xi32, #tpu.memory_space<hbm>> -> memref<1x1x2x120xi32, #tpu.memory_space<hbm>>
      %dma_start3A_300 = tpu.memref_squeeze %dma_start3A_299 : memref<1x1x2x120xi32, #tpu.memory_space<hbm>> -> memref<2x120xi32, #tpu.memory_space<hbm>>
      %dma_start3A_301 = arith.constant 0 : i32
      %dma_start3A_302 = arith.constant 0 : i32
      %dma_start3A_303 = tpu.memref_slice %arg4[%arg1, %add3A_296, %dma_start3A_301, %dma_start3A_302] : memref<16x180x2x120xi32, #tpu.memory_space<hbm>> -> memref<1x1x2x120xi32, #tpu.memory_space<hbm>>
      %dma_start3A_304 = tpu.memref_squeeze %dma_start3A_303 : memref<1x1x2x120xi32, #tpu.memory_space<hbm>> -> memref<2x120xi32, #tpu.memory_space<hbm>>
      tpu.enqueue_dma source(%dma_start3A_304 : memref<2x120xi32, #tpu.memory_space<hbm>>) target(%arg12 : memref<2x120xi32, #tpu.memory_space<vmem>>) target_semaphore(%arg38 : memref<!tpu.dma_semaphore, #tpu.memory_space<semaphore_mem>>)
      %add3A_305 = arith.constant 0 : i32
      %add3A_306 = arith.addi %mul3A_107, %add3A_305 : i32
      %add3A_307 = arith.constant 6 : i32
      %add3A_308 = arith.addi %add3A_306, %add3A_307 : i32
      %dma_wait3A_309 = arith.constant 0 : i32
      %dma_wait3A_310 = arith.constant 0 : i32
      %dma_wait3A_311 = tpu.memref_slice %arg4[%arg1, %add3A_308, %dma_wait3A_309, %dma_wait3A_310] : memref<16x180x2x120xi32, #tpu.memory_space<hbm>> -> memref<1x1x2x120xi32, #tpu.memory_space<hbm>>
      %dma_wait3A_312 = tpu.memref_squeeze %dma_wait3A_311 : memref<1x1x2x120xi32, #tpu.memory_space<hbm>> -> memref<2x120xi32, #tpu.memory_space<hbm>>
      %dma_wait3A_313 = arith.constant 0 : i32
      %dma_wait3A_314 = arith.constant 0 : i32
      %dma_wait3A_315 = tpu.memref_slice %arg4[%arg1, %add3A_308, %dma_wait3A_313, %dma_wait3A_314] : memref<16x180x2x120xi32, #tpu.memory_space<hbm>> -> memref<1x1x2x120xi32, #tpu.memory_space<hbm>>
      %dma_wait3A_316 = tpu.memref_squeeze %dma_wait3A_315 : memref<1x1x2x120xi32, #tpu.memory_space<hbm>> -> memref<2x120xi32, #tpu.memory_space<hbm>>
      tpu.wait_dma2 semaphore(%arg33 : memref<!tpu.dma_semaphore, #tpu.memory_space<semaphore_mem>>) src(%dma_wait3A_316 : memref<2x120xi32, #tpu.memory_space<hbm>>) dst(%arg7 : memref<2x120xi32, #tpu.memory_space<vmem>>)
      %dma_start3A_317 = arith.constant 0 : i32
      %dma_start3A_318 = arith.constant 0 : i32
      %dma_start3A_319 = tpu.memref_slice %arg7[%dma_start3A_317, %dma_start3A_318] : memref<2x120xi32, #tpu.memory_space<vmem>> -> memref<1x120xi32, #tpu.memory_space<vmem>>
      %dma_start3A_320 = tpu.memref_squeeze %dma_start3A_319 : memref<1x120xi32, #tpu.memory_space<vmem>> -> memref<120xi32, #tpu.memory_space<vmem>>
      %dma_start3A_321 = arith.constant 0 : i32
      %dma_start3A_322 = arith.constant 0 : i32
      %dma_start3A_323 = tpu.memref_slice %arg20[%dma_start3A_321, %dma_start3A_322] : memref<10000x64xf32, #tpu.memory_space<vmem_shared>> -> memref<10000x64xf32, #tpu.memory_space<vmem_shared>>
      tpu.enqueue_indirect_dma source(%dma_start3A_323 : memref<10000x64xf32, #tpu.memory_space<vmem_shared>>) target(%arg13 : memref<120x64xf32, #tpu.memory_space<vmem>>) offsets(%dma_start3A_320 : memref<120xi32, #tpu.memory_space<vmem>>) semaphore(%arg21 : memref<!tpu.dma_semaphore, #tpu.memory_space<semaphore_mem>>)
      %add3A_324 = arith.constant 1 : i32
      %add3A_325 = arith.addi %mul3A_107, %add3A_324 : i32
      %add3A_326 = arith.constant 6 : i32
      %add3A_327 = arith.addi %add3A_325, %add3A_326 : i32
      %dma_wait3A_328 = arith.constant 0 : i32
      %dma_wait3A_329 = arith.constant 0 : i32
      %dma_wait3A_330 = tpu.memref_slice %arg4[%arg1, %add3A_327, %dma_wait3A_328, %dma_wait3A_329] : memref<16x180x2x120xi32, #tpu.memory_space<hbm>> -> memref<1x1x2x120xi32, #tpu.memory_space<hbm>>
      %dma_wait3A_331 = tpu.memref_squeeze %dma_wait3A_330 : memref<1x1x2x120xi32, #tpu.memory_space<hbm>> -> memref<2x120xi32, #tpu.memory_space<hbm>>
      %dma_wait3A_332 = arith.constant 0 : i32
      %dma_wait3A_333 = arith.constant 0 : i32
      %dma_wait3A_334 = tpu.memref_slice %arg4[%arg1, %add3A_327, %dma_wait3A_332, %dma_wait3A_333] : memref<16x180x2x120xi32, #tpu.memory_space<hbm>> -> memref<1x1x2x120xi32, #tpu.memory_space<hbm>>
      %dma_wait3A_335 = tpu.memref_squeeze %dma_wait3A_334 : memref<1x1x2x120xi32, #tpu.memory_space<hbm>> -> memref<2x120xi32, #tpu.memory_space<hbm>>
      tpu.wait_dma2 semaphore(%arg34 : memref<!tpu.dma_semaphore, #tpu.memory_space<semaphore_mem>>) src(%dma_wait3A_335 : memref<2x120xi32, #tpu.memory_space<hbm>>) dst(%arg8 : memref<2x120xi32, #tpu.memory_space<vmem>>)
      %dma_start3A_336 = arith.constant 0 : i32
      %dma_start3A_337 = arith.constant 0 : i32
      %dma_start3A_338 = tpu.memref_slice %arg8[%dma_start3A_336, %dma_start3A_337] : memref<2x120xi32, #tpu.memory_space<vmem>> -> memref<1x120xi32, #tpu.memory_space<vmem>>
      %dma_start3A_339 = tpu.memref_squeeze %dma_start3A_338 : memref<1x120xi32, #tpu.memory_space<vmem>> -> memref<120xi32, #tpu.memory_space<vmem>>
      %dma_start3A_340 = arith.constant 0 : i32
      %dma_start3A_341 = arith.constant 0 : i32
      %dma_start3A_342 = tpu.memref_slice %arg20[%dma_start3A_340, %dma_start3A_341] : memref<10000x64xf32, #tpu.memory_space<vmem_shared>> -> memref<10000x64xf32, #tpu.memory_space<vmem_shared>>
      tpu.enqueue_indirect_dma source(%dma_start3A_342 : memref<10000x64xf32, #tpu.memory_space<vmem_shared>>) target(%arg14 : memref<120x64xf32, #tpu.memory_space<vmem>>) offsets(%dma_start3A_339 : memref<120xi32, #tpu.memory_space<vmem>>) semaphore(%arg22 : memref<!tpu.dma_semaphore, #tpu.memory_space<semaphore_mem>>)
      %add3A_343 = arith.constant 2 : i32
      %add3A_344 = arith.addi %mul3A_107, %add3A_343 : i32
      %add3A_345 = arith.constant 6 : i32
      %add3A_346 = arith.addi %add3A_344, %add3A_345 : i32
      %dma_wait3A_347 = arith.constant 0 : i32
      %dma_wait3A_348 = arith.constant 0 : i32
      %dma_wait3A_349 = tpu.memref_slice %arg4[%arg1, %add3A_346, %dma_wait3A_347, %dma_wait3A_348] : memref<16x180x2x120xi32, #tpu.memory_space<hbm>> -> memref<1x1x2x120xi32, #tpu.memory_space<hbm>>
      %dma_wait3A_350 = tpu.memref_squeeze %dma_wait3A_349 : memref<1x1x2x120xi32, #tpu.memory_space<hbm>> -> memref<2x120xi32, #tpu.memory_space<hbm>>
      %dma_wait3A_351 = arith.constant 0 : i32
      %dma_wait3A_352 = arith.constant 0 : i32
      %dma_wait3A_353 = tpu.memref_slice %arg4[%arg1, %add3A_346, %dma_wait3A_351, %dma_wait3A_352] : memref<16x180x2x120xi32, #tpu.memory_space<hbm>> -> memref<1x1x2x120xi32, #tpu.memory_space<hbm>>
      %dma_wait3A_354 = tpu.memref_squeeze %dma_wait3A_353 : memref<1x1x2x120xi32, #tpu.memory_space<hbm>> -> memref<2x120xi32, #tpu.memory_space<hbm>>
      tpu.wait_dma2 semaphore(%arg35 : memref<!tpu.dma_semaphore, #tpu.memory_space<semaphore_mem>>) src(%dma_wait3A_354 : memref<2x120xi32, #tpu.memory_space<hbm>>) dst(%arg9 : memref<2x120xi32, #tpu.memory_space<vmem>>)
      %dma_start3A_355 = arith.constant 0 : i32
      %dma_start3A_356 = arith.constant 0 : i32
      %dma_start3A_357 = tpu.memref_slice %arg9[%dma_start3A_355, %dma_start3A_356] : memref<2x120xi32, #tpu.memory_space<vmem>> -> memref<1x120xi32, #tpu.memory_space<vmem>>
      %dma_start3A_358 = tpu.memref_squeeze %dma_start3A_357 : memref<1x120xi32, #tpu.memory_space<vmem>> -> memref<120xi32, #tpu.memory_space<vmem>>
      %dma_start3A_359 = arith.constant 0 : i32
      %dma_start3A_360 = arith.constant 0 : i32
      %dma_start3A_361 = tpu.memref_slice %arg20[%dma_start3A_359, %dma_start3A_360] : memref<10000x64xf32, #tpu.memory_space<vmem_shared>> -> memref<10000x64xf32, #tpu.memory_space<vmem_shared>>
      tpu.enqueue_indirect_dma source(%dma_start3A_361 : memref<10000x64xf32, #tpu.memory_space<vmem_shared>>) target(%arg15 : memref<120x64xf32, #tpu.memory_space<vmem>>) offsets(%dma_start3A_358 : memref<120xi32, #tpu.memory_space<vmem>>) semaphore(%arg23 : memref<!tpu.dma_semaphore, #tpu.memory_space<semaphore_mem>>)
      %add3A_362 = arith.constant 3 : i32
      %add3A_363 = arith.addi %mul3A_107, %add3A_362 : i32
      %add3A_364 = arith.constant 6 : i32
      %add3A_365 = arith.addi %add3A_363, %add3A_364 : i32
      %dma_wait3A_366 = arith.constant 0 : i32
      %dma_wait3A_367 = arith.constant 0 : i32
      %dma_wait3A_368 = tpu.memref_slice %arg4[%arg1, %add3A_365, %dma_wait3A_366, %dma_wait3A_367] : memref<16x180x2x120xi32, #tpu.memory_space<hbm>> -> memref<1x1x2x120xi32, #tpu.memory_space<hbm>>
      %dma_wait3A_369 = tpu.memref_squeeze %dma_wait3A_368 : memref<1x1x2x120xi32, #tpu.memory_space<hbm>> -> memref<2x120xi32, #tpu.memory_space<hbm>>
      %dma_wait3A_370 = arith.constant 0 : i32
      %dma_wait3A_371 = arith.constant 0 : i32
      %dma_wait3A_372 = tpu.memref_slice %arg4[%arg1, %add3A_365, %dma_wait3A_370, %dma_wait3A_371] : memref<16x180x2x120xi32, #tpu.memory_space<hbm>> -> memref<1x1x2x120xi32, #tpu.memory_space<hbm>>
      %dma_wait3A_373 = tpu.memref_squeeze %dma_wait3A_372 : memref<1x1x2x120xi32, #tpu.memory_space<hbm>> -> memref<2x120xi32, #tpu.memory_space<hbm>>
      tpu.wait_dma2 semaphore(%arg36 : memref<!tpu.dma_semaphore, #tpu.memory_space<semaphore_mem>>) src(%dma_wait3A_373 : memref<2x120xi32, #tpu.memory_space<hbm>>) dst(%arg10 : memref<2x120xi32, #tpu.memory_space<vmem>>)
      %dma_start3A_374 = arith.constant 0 : i32
      %dma_start3A_375 = arith.constant 0 : i32
      %dma_start3A_376 = tpu.memref_slice %arg10[%dma_start3A_374, %dma_start3A_375] : memref<2x120xi32, #tpu.memory_space<vmem>> -> memref<1x120xi32, #tpu.memory_space<vmem>>
      %dma_start3A_377 = tpu.memref_squeeze %dma_start3A_376 : memref<1x120xi32, #tpu.memory_space<vmem>> -> memref<120xi32, #tpu.memory_space<vmem>>
      %dma_start3A_378 = arith.constant 0 : i32
      %dma_start3A_379 = arith.constant 0 : i32
      %dma_start3A_380 = tpu.memref_slice %arg20[%dma_start3A_378, %dma_start3A_379] : memref<10000x64xf32, #tpu.memory_space<vmem_shared>> -> memref<10000x64xf32, #tpu.memory_space<vmem_shared>>
      tpu.enqueue_indirect_dma source(%dma_start3A_380 : memref<10000x64xf32, #tpu.memory_space<vmem_shared>>) target(%arg16 : memref<120x64xf32, #tpu.memory_space<vmem>>) offsets(%dma_start3A_377 : memref<120xi32, #tpu.memory_space<vmem>>) semaphore(%arg24 : memref<!tpu.dma_semaphore, #tpu.memory_space<semaphore_mem>>)
      %add3A_381 = arith.constant 4 : i32
      %add3A_382 = arith.addi %mul3A_107, %add3A_381 : i32
      %add3A_383 = arith.constant 6 : i32
      %add3A_384 = arith.addi %add3A_382, %add3A_383 : i32
      %dma_wait3A_385 = arith.constant 0 : i32
      %dma_wait3A_386 = arith.constant 0 : i32
      %dma_wait3A_387 = tpu.memref_slice %arg4[%arg1, %add3A_384, %dma_wait3A_385, %dma_wait3A_386] : memref<16x180x2x120xi32, #tpu.memory_space<hbm>> -> memref<1x1x2x120xi32, #tpu.memory_space<hbm>>
      %dma_wait3A_388 = tpu.memref_squeeze %dma_wait3A_387 : memref<1x1x2x120xi32, #tpu.memory_space<hbm>> -> memref<2x120xi32, #tpu.memory_space<hbm>>
      %dma_wait3A_389 = arith.constant 0 : i32
      %dma_wait3A_390 = arith.constant 0 : i32
      %dma_wait3A_391 = tpu.memref_slice %arg4[%arg1, %add3A_384, %dma_wait3A_389, %dma_wait3A_390] : memref<16x180x2x120xi32, #tpu.memory_space<hbm>> -> memref<1x1x2x120xi32, #tpu.memory_space<hbm>>
      %dma_wait3A_392 = tpu.memref_squeeze %dma_wait3A_391 : memref<1x1x2x120xi32, #tpu.memory_space<hbm>> -> memref<2x120xi32, #tpu.memory_space<hbm>>
      tpu.wait_dma2 semaphore(%arg37 : memref<!tpu.dma_semaphore, #tpu.memory_space<semaphore_mem>>) src(%dma_wait3A_392 : memref<2x120xi32, #tpu.memory_space<hbm>>) dst(%arg11 : memref<2x120xi32, #tpu.memory_space<vmem>>)
      %dma_start3A_393 = arith.constant 0 : i32
      %dma_start3A_394 = arith.constant 0 : i32
      %dma_start3A_395 = tpu.memref_slice %arg11[%dma_start3A_393, %dma_start3A_394] : memref<2x120xi32, #tpu.memory_space<vmem>> -> memref<1x120xi32, #tpu.memory_space<vmem>>
      %dma_start3A_396 = tpu.memref_squeeze %dma_start3A_395 : memref<1x120xi32, #tpu.memory_space<vmem>> -> memref<120xi32, #tpu.memory_space<vmem>>
      %dma_start3A_397 = arith.constant 0 : i32
      %dma_start3A_398 = arith.constant 0 : i32
      %dma_start3A_399 = tpu.memref_slice %arg20[%dma_start3A_397, %dma_start3A_398] : memref<10000x64xf32, #tpu.memory_space<vmem_shared>> -> memref<10000x64xf32, #tpu.memory_space<vmem_shared>>
      tpu.enqueue_indirect_dma source(%dma_start3A_399 : memref<10000x64xf32, #tpu.memory_space<vmem_shared>>) target(%arg17 : memref<120x64xf32, #tpu.memory_space<vmem>>) offsets(%dma_start3A_396 : memref<120xi32, #tpu.memory_space<vmem>>) semaphore(%arg25 : memref<!tpu.dma_semaphore, #tpu.memory_space<semaphore_mem>>)
      %add3A_400 = arith.constant 5 : i32
      %add3A_401 = arith.addi %mul3A_107, %add3A_400 : i32
      %add3A_402 = arith.constant 6 : i32
      %add3A_403 = arith.addi %add3A_401, %add3A_402 : i32
      %dma_wait3A_404 = arith.constant 0 : i32
      %dma_wait3A_405 = arith.constant 0 : i32
      %dma_wait3A_406 = tpu.memref_slice %arg4[%arg1, %add3A_403, %dma_wait3A_404, %dma_wait3A_405] : memref<16x180x2x120xi32, #tpu.memory_space<hbm>> -> memref<1x1x2x120xi32, #tpu.memory_space<hbm>>
      %dma_wait3A_407 = tpu.memref_squeeze %dma_wait3A_406 : memref<1x1x2x120xi32, #tpu.memory_space<hbm>> -> memref<2x120xi32, #tpu.memory_space<hbm>>
      %dma_wait3A_408 = arith.constant 0 : i32
      %dma_wait3A_409 = arith.constant 0 : i32
      %dma_wait3A_410 = tpu.memref_slice %arg4[%arg1, %add3A_403, %dma_wait3A_408, %dma_wait3A_409] : memref<16x180x2x120xi32, #tpu.memory_space<hbm>> -> memref<1x1x2x120xi32, #tpu.memory_space<hbm>>
      %dma_wait3A_411 = tpu.memref_squeeze %dma_wait3A_410 : memref<1x1x2x120xi32, #tpu.memory_space<hbm>> -> memref<2x120xi32, #tpu.memory_space<hbm>>
      tpu.wait_dma2 semaphore(%arg38 : memref<!tpu.dma_semaphore, #tpu.memory_space<semaphore_mem>>) src(%dma_wait3A_411 : memref<2x120xi32, #tpu.memory_space<hbm>>) dst(%arg12 : memref<2x120xi32, #tpu.memory_space<vmem>>)
      %dma_start3A_412 = arith.constant 0 : i32
      %dma_start3A_413 = arith.constant 0 : i32
      %dma_start3A_414 = tpu.memref_slice %arg12[%dma_start3A_412, %dma_start3A_413] : memref<2x120xi32, #tpu.memory_space<vmem>> -> memref<1x120xi32, #tpu.memory_space<vmem>>
      %dma_start3A_415 = tpu.memref_squeeze %dma_start3A_414 : memref<1x120xi32, #tpu.memory_space<vmem>> -> memref<120xi32, #tpu.memory_space<vmem>>
      %dma_start3A_416 = arith.constant 0 : i32
      %dma_start3A_417 = arith.constant 0 : i32
      %dma_start3A_418 = tpu.memref_slice %arg20[%dma_start3A_416, %dma_start3A_417] : memref<10000x64xf32, #tpu.memory_space<vmem_shared>> -> memref<10000x64xf32, #tpu.memory_space<vmem_shared>>
      tpu.enqueue_indirect_dma source(%dma_start3A_418 : memref<10000x64xf32, #tpu.memory_space<vmem_shared>>) target(%arg18 : memref<120x64xf32, #tpu.memory_space<vmem>>) offsets(%dma_start3A_415 : memref<120xi32, #tpu.memory_space<vmem>>) semaphore(%arg26 : memref<!tpu.dma_semaphore, #tpu.memory_space<semaphore_mem>>)
    }
    %scan3A_58 = arith.constant 29 : i32
    %dma_wait3A = arith.constant 0 : i32
    %dma_wait3A_59 = arith.constant 0 : i32
    %dma_wait3A_60 = tpu.memref_slice %arg7[%dma_wait3A, %dma_wait3A_59] : memref<2x120xi32, #tpu.memory_space<vmem>> -> memref<1x120xi32, #tpu.memory_space<vmem>>
    %dma_wait3A_61 = tpu.memref_squeeze %dma_wait3A_60 : memref<1x120xi32, #tpu.memory_space<vmem>> -> memref<120xi32, #tpu.memory_space<vmem>>
    %dma_wait3A_62 = arith.constant 0 : i32
    %dma_wait3A_63 = arith.constant 0 : i32
    %dma_wait3A_64 = tpu.memref_slice %arg20[%dma_wait3A_62, %dma_wait3A_63] : memref<10000x64xf32, #tpu.memory_space<vmem_shared>> -> memref<10000x64xf32, #tpu.memory_space<vmem_shared>>
    tpu.wait_indirect_dma semaphore(%arg21 : memref<!tpu.dma_semaphore, #tpu.memory_space<semaphore_mem>>) src(%dma_wait3A_64 : memref<10000x64xf32, #tpu.memory_space<vmem_shared>>) dst(%arg13 : memref<120x64xf32, #tpu.memory_space<vmem>>)
    %dma_wait3A_65 = arith.constant 0 : i32
    %dma_wait3A_66 = arith.constant 0 : i32
    %dma_wait3A_67 = tpu.memref_slice %arg8[%dma_wait3A_65, %dma_wait3A_66] : memref<2x120xi32, #tpu.memory_space<vmem>> -> memref<1x120xi32, #tpu.memory_space<vmem>>
    %dma_wait3A_68 = tpu.memref_squeeze %dma_wait3A_67 : memref<1x120xi32, #tpu.memory_space<vmem>> -> memref<120xi32, #tpu.memory_space<vmem>>
    %dma_wait3A_69 = arith.constant 0 : i32
    %dma_wait3A_70 = arith.constant 0 : i32
    %dma_wait3A_71 = tpu.memref_slice %arg20[%dma_wait3A_69, %dma_wait3A_70] : memref<10000x64xf32, #tpu.memory_space<vmem_shared>> -> memref<10000x64xf32, #tpu.memory_space<vmem_shared>>
    tpu.wait_indirect_dma semaphore(%arg22 : memref<!tpu.dma_semaphore, #tpu.memory_space<semaphore_mem>>) src(%dma_wait3A_71 : memref<10000x64xf32, #tpu.memory_space<vmem_shared>>) dst(%arg14 : memref<120x64xf32, #tpu.memory_space<vmem>>)
    %dma_wait3A_72 = arith.constant 0 : i32
    %dma_wait3A_73 = arith.constant 0 : i32
    %dma_wait3A_74 = tpu.memref_slice %arg9[%dma_wait3A_72, %dma_wait3A_73] : memref<2x120xi32, #tpu.memory_space<vmem>> -> memref<1x120xi32, #tpu.memory_space<vmem>>
    %dma_wait3A_75 = tpu.memref_squeeze %dma_wait3A_74 : memref<1x120xi32, #tpu.memory_space<vmem>> -> memref<120xi32, #tpu.memory_space<vmem>>
    %dma_wait3A_76 = arith.constant 0 : i32
    %dma_wait3A_77 = arith.constant 0 : i32
    %dma_wait3A_78 = tpu.memref_slice %arg20[%dma_wait3A_76, %dma_wait3A_77] : memref<10000x64xf32, #tpu.memory_space<vmem_shared>> -> memref<10000x64xf32, #tpu.memory_space<vmem_shared>>
    tpu.wait_indirect_dma semaphore(%arg23 : memref<!tpu.dma_semaphore, #tpu.memory_space<semaphore_mem>>) src(%dma_wait3A_78 : memref<10000x64xf32, #tpu.memory_space<vmem_shared>>) dst(%arg15 : memref<120x64xf32, #tpu.memory_space<vmem>>)
    %dma_wait3A_79 = arith.constant 0 : i32
    %dma_wait3A_80 = arith.constant 0 : i32
    %dma_wait3A_81 = tpu.memref_slice %arg10[%dma_wait3A_79, %dma_wait3A_80] : memref<2x120xi32, #tpu.memory_space<vmem>> -> memref<1x120xi32, #tpu.memory_space<vmem>>
    %dma_wait3A_82 = tpu.memref_squeeze %dma_wait3A_81 : memref<1x120xi32, #tpu.memory_space<vmem>> -> memref<120xi32, #tpu.memory_space<vmem>>
    %dma_wait3A_83 = arith.constant 0 : i32
    %dma_wait3A_84 = arith.constant 0 : i32
    %dma_wait3A_85 = tpu.memref_slice %arg20[%dma_wait3A_83, %dma_wait3A_84] : memref<10000x64xf32, #tpu.memory_space<vmem_shared>> -> memref<10000x64xf32, #tpu.memory_space<vmem_shared>>
    tpu.wait_indirect_dma semaphore(%arg24 : memref<!tpu.dma_semaphore, #tpu.memory_space<semaphore_mem>>) src(%dma_wait3A_85 : memref<10000x64xf32, #tpu.memory_space<vmem_shared>>) dst(%arg16 : memref<120x64xf32, #tpu.memory_space<vmem>>)
    %dma_wait3A_86 = arith.constant 0 : i32
    %dma_wait3A_87 = arith.constant 0 : i32
    %dma_wait3A_88 = tpu.memref_slice %arg11[%dma_wait3A_86, %dma_wait3A_87] : memref<2x120xi32, #tpu.memory_space<vmem>> -> memref<1x120xi32, #tpu.memory_space<vmem>>
    %dma_wait3A_89 = tpu.memref_squeeze %dma_wait3A_88 : memref<1x120xi32, #tpu.memory_space<vmem>> -> memref<120xi32, #tpu.memory_space<vmem>>
    %dma_wait3A_90 = arith.constant 0 : i32
    %dma_wait3A_91 = arith.constant 0 : i32
    %dma_wait3A_92 = tpu.memref_slice %arg20[%dma_wait3A_90, %dma_wait3A_91] : memref<10000x64xf32, #tpu.memory_space<vmem_shared>> -> memref<10000x64xf32, #tpu.memory_space<vmem_shared>>
    tpu.wait_indirect_dma semaphore(%arg25 : memref<!tpu.dma_semaphore, #tpu.memory_space<semaphore_mem>>) src(%dma_wait3A_92 : memref<10000x64xf32, #tpu.memory_space<vmem_shared>>) dst(%arg17 : memref<120x64xf32, #tpu.memory_space<vmem>>)
    %dma_wait3A_93 = arith.constant 0 : i32
    %dma_wait3A_94 = arith.constant 0 : i32
    %dma_wait3A_95 = tpu.memref_slice %arg12[%dma_wait3A_93, %dma_wait3A_94] : memref<2x120xi32, #tpu.memory_space<vmem>> -> memref<1x120xi32, #tpu.memory_space<vmem>>
    %dma_wait3A_96 = tpu.memref_squeeze %dma_wait3A_95 : memref<1x120xi32, #tpu.memory_space<vmem>> -> memref<120xi32, #tpu.memory_space<vmem>>
    %dma_wait3A_97 = arith.constant 0 : i32
    %dma_wait3A_98 = arith.constant 0 : i32
    %dma_wait3A_99 = tpu.memref_slice %arg20[%dma_wait3A_97, %dma_wait3A_98] : memref<10000x64xf32, #tpu.memory_space<vmem_shared>> -> memref<10000x64xf32, #tpu.memory_space<vmem_shared>>
    tpu.wait_indirect_dma semaphore(%arg26 : memref<!tpu.dma_semaphore, #tpu.memory_space<semaphore_mem>>) src(%dma_wait3A_99 : memref<10000x64xf32, #tpu.memory_space<vmem_shared>>) dst(%arg18 : memref<120x64xf32, #tpu.memory_space<vmem>>)
    %barrier3A_100 = arith.constant 0 : index
    tpu.barrier barrier_id(%barrier3A_100)
    %mul3A_101 = arith.constant 640 : i32
    %mul3A_102 = arith.muli %arg1, %mul3A_101 : i32
    %mul3A_103 = arith.constant 640 : i32
    %mul3A_104 = arith.muli %arg1, %mul3A_103 : i32
    "tpu.region"() ({
      %run_scoped3A_105 = tpu.sem_alloc : memref<!tpu.dma_semaphore, #tpu.memory_space<semaphore_mem>>
      %dma_start3A_106 = arith.constant 0 : i32
      %dma_start3A_107 = tpu.memref_slice %arg6[%arg0, %mul3A_104, %dma_start3A_106] : memref<2x10240x64xf32, #tpu.memory_space<hbm>> -> memref<1x640x64xf32, #tpu.memory_space<hbm>>
      %dma_start3A_108 = tpu.memref_squeeze %dma_start3A_107 : memref<1x640x64xf32, #tpu.memory_space<hbm>> -> memref<640x64xf32, #tpu.memory_space<hbm>>
      %dma_start3A_109 = arith.constant 0 : i32
      %dma_start3A_110 = tpu.memref_slice %arg19[%mul3A_102, %dma_start3A_109] : memref<10240x64xf32, #tpu.memory_space<vmem_shared>> -> memref<640x64xf32, #tpu.memory_space<vmem_shared>>
      tpu.enqueue_dma source(%dma_start3A_110 : memref<640x64xf32, #tpu.memory_space<vmem_shared>>) target(%dma_start3A_108 : memref<640x64xf32, #tpu.memory_space<hbm>>) target_semaphore(%run_scoped3A_105 : memref<!tpu.dma_semaphore, #tpu.memory_space<semaphore_mem>>)
      %dma_wait3A_111 = arith.constant 0 : i32
      %dma_wait3A_112 = tpu.memref_slice %arg6[%arg0, %mul3A_104, %dma_wait3A_111] : memref<2x10240x64xf32, #tpu.memory_space<hbm>> -> memref<1x640x64xf32, #tpu.memory_space<hbm>>
      %dma_wait3A_113 = tpu.memref_squeeze %dma_wait3A_112 : memref<1x640x64xf32, #tpu.memory_space<hbm>> -> memref<640x64xf32, #tpu.memory_space<hbm>>
      %dma_wait3A_114 = arith.constant 0 : i32
      %dma_wait3A_115 = tpu.memref_slice %arg19[%mul3A_102, %dma_wait3A_114] : memref<10240x64xf32, #tpu.memory_space<vmem_shared>> -> memref<640x64xf32, #tpu.memory_space<vmem_shared>>
      tpu.wait_dma2 semaphore(%run_scoped3A_105 : memref<!tpu.dma_semaphore, #tpu.memory_space<semaphore_mem>>) src(%dma_wait3A_115 : memref<640x64xf32, #tpu.memory_space<vmem_shared>>) dst(%dma_wait3A_113 : memref<640x64xf32, #tpu.memory_space<hbm>>)
      tpu.yield
    }) : () -> ()
    return
  }
}

#map = affine_map<(d0, d1) -> (0, 0, 0)>
#map1 = affine_map<(d0, d1) -> (0, 0)>
module attributes {stable_mosaic.version = 14 : i64} {
  func.func @_sc_degree(%arg0: i32, %arg1: i32, %arg2: memref<16x180x120xi32, #tpu.memory_space<hbm>>, %arg3: memref<120x16xf32, #tpu.memory_space<hbm>>, %arg4: memref<640x16xf32, #tpu.memory_space<hbm>>, %arg5: memref<2x10240x16xf32, #tpu.memory_space<hbm>>, %arg6: memref<180x120xi32, #tpu.memory_space<vmem>>, %arg7: memref<120x16xf32, #tpu.memory_space<vmem>>, %arg8: memref<10240x16xf32, #tpu.memory_space<vmem_shared>>) attributes {dimension_semantics = [#tpu.dimension_semantics<core_parallel>, #tpu.dimension_semantics<subcore_parallel>], iteration_bounds = array<i64: 2, 16>, scalar_prefetch = 0 : i64, scratch_operands = 3 : i64, tpu.core_type = #tpu.core_type<sc_vector_subcore>, window_params = [{transform_indices = #map}, {transform_indices = #map1}, {transform_indices = #map1}, {transform_indices = #map}]} {
    %mul3A = arith.constant 640 : i32
    %mul3A_0 = arith.muli %arg1, %mul3A : i32
    "tpu.region"() ({
      %run_scoped3A = tpu.sem_alloc : memref<!tpu.dma_semaphore, #tpu.memory_space<semaphore_mem>>
      %dma_start3A = arith.constant 0 : i32
      %dma_start3A_19 = tpu.memref_slice %arg8[%mul3A_0, %dma_start3A] : memref<10240x16xf32, #tpu.memory_space<vmem_shared>> -> memref<640x16xf32, #tpu.memory_space<vmem_shared>>
      tpu.enqueue_dma source(%arg4 : memref<640x16xf32, #tpu.memory_space<hbm>>) target(%dma_start3A_19 : memref<640x16xf32, #tpu.memory_space<vmem_shared>>) target_semaphore(%run_scoped3A : memref<!tpu.dma_semaphore, #tpu.memory_space<semaphore_mem>>)
      %dma_wait3A = arith.constant 0 : i32
      %dma_wait3A_20 = tpu.memref_slice %arg8[%mul3A_0, %dma_wait3A] : memref<10240x16xf32, #tpu.memory_space<vmem_shared>> -> memref<640x16xf32, #tpu.memory_space<vmem_shared>>
      tpu.wait_dma2 semaphore(%run_scoped3A : memref<!tpu.dma_semaphore, #tpu.memory_space<semaphore_mem>>) src(%arg4 : memref<640x16xf32, #tpu.memory_space<hbm>>) dst(%dma_wait3A_20 : memref<640x16xf32, #tpu.memory_space<vmem_shared>>)
      tpu.yield
    }) : () -> ()
    "tpu.region"() ({
      %run_scoped3A = tpu.sem_alloc : memref<!tpu.dma_semaphore, #tpu.memory_space<semaphore_mem>>
      %dma_start3A = arith.constant 0 : i32
      %dma_start3A_19 = arith.constant 0 : i32
      %dma_start3A_20 = tpu.memref_slice %arg2[%arg1, %dma_start3A, %dma_start3A_19] : memref<16x180x120xi32, #tpu.memory_space<hbm>> -> memref<1x180x120xi32, #tpu.memory_space<hbm>>
      %dma_start3A_21 = tpu.memref_squeeze %dma_start3A_20 : memref<1x180x120xi32, #tpu.memory_space<hbm>> -> memref<180x120xi32, #tpu.memory_space<hbm>>
      %dma_start3A_22 = arith.constant 0 : i32
      %dma_start3A_23 = arith.constant 0 : i32
      %dma_start3A_24 = tpu.memref_slice %arg2[%arg1, %dma_start3A_22, %dma_start3A_23] : memref<16x180x120xi32, #tpu.memory_space<hbm>> -> memref<1x180x120xi32, #tpu.memory_space<hbm>>
      %dma_start3A_25 = tpu.memref_squeeze %dma_start3A_24 : memref<1x180x120xi32, #tpu.memory_space<hbm>> -> memref<180x120xi32, #tpu.memory_space<hbm>>
      tpu.enqueue_dma source(%dma_start3A_25 : memref<180x120xi32, #tpu.memory_space<hbm>>) target(%arg6 : memref<180x120xi32, #tpu.memory_space<vmem>>) target_semaphore(%run_scoped3A : memref<!tpu.dma_semaphore, #tpu.memory_space<semaphore_mem>>)
      %dma_wait3A = arith.constant 0 : i32
      %dma_wait3A_26 = arith.constant 0 : i32
      %dma_wait3A_27 = tpu.memref_slice %arg2[%arg1, %dma_wait3A, %dma_wait3A_26] : memref<16x180x120xi32, #tpu.memory_space<hbm>> -> memref<1x180x120xi32, #tpu.memory_space<hbm>>
      %dma_wait3A_28 = tpu.memref_squeeze %dma_wait3A_27 : memref<1x180x120xi32, #tpu.memory_space<hbm>> -> memref<180x120xi32, #tpu.memory_space<hbm>>
      %dma_wait3A_29 = arith.constant 0 : i32
      %dma_wait3A_30 = arith.constant 0 : i32
      %dma_wait3A_31 = tpu.memref_slice %arg2[%arg1, %dma_wait3A_29, %dma_wait3A_30] : memref<16x180x120xi32, #tpu.memory_space<hbm>> -> memref<1x180x120xi32, #tpu.memory_space<hbm>>
      %dma_wait3A_32 = tpu.memref_squeeze %dma_wait3A_31 : memref<1x180x120xi32, #tpu.memory_space<hbm>> -> memref<180x120xi32, #tpu.memory_space<hbm>>
      tpu.wait_dma2 semaphore(%run_scoped3A : memref<!tpu.dma_semaphore, #tpu.memory_space<semaphore_mem>>) src(%dma_wait3A_32 : memref<180x120xi32, #tpu.memory_space<hbm>>) dst(%arg6 : memref<180x120xi32, #tpu.memory_space<vmem>>)
      tpu.yield
    }) : () -> ()
    "tpu.region"() ({
      %run_scoped3A = tpu.sem_alloc : memref<!tpu.dma_semaphore, #tpu.memory_space<semaphore_mem>>
      tpu.enqueue_dma source(%arg3 : memref<120x16xf32, #tpu.memory_space<hbm>>) target(%arg7 : memref<120x16xf32, #tpu.memory_space<vmem>>) target_semaphore(%run_scoped3A : memref<!tpu.dma_semaphore, #tpu.memory_space<semaphore_mem>>)
      tpu.wait_dma2 semaphore(%run_scoped3A : memref<!tpu.dma_semaphore, #tpu.memory_space<semaphore_mem>>) src(%arg3 : memref<120x16xf32, #tpu.memory_space<hbm>>) dst(%arg7 : memref<120x16xf32, #tpu.memory_space<vmem>>)
      tpu.yield
    }) : () -> ()
    %barrier3A = arith.constant 0 : index
    tpu.barrier barrier_id(%barrier3A)
    %mul3A_1 = arith.constant 87 : i32
    %mul3A_2 = arith.muli %arg0, %mul3A_1 : i32
    %mul3A_3 = arith.constant 87 : i32
    %mul3A_4 = arith.muli %arg0, %mul3A_3 : i32
    %add3A = arith.constant 87 : i32
    %add3A_5 = arith.addi %mul3A_4, %add3A : i32
    %while3A = arith.constant 0 : i32
    %while3A_6 = arith.subi %add3A_5, %mul3A_2 : i32
    %while3A_7 = arith.addi %mul3A_2, %while3A_6 : i32
    %while3A_8 = arith.constant 1 : i32
    %while3A_9 = arith.divsi %while3A_6, %while3A_8 : i32
    %while3A_10 = arith.muli %while3A_9, %while3A_8 : i32
    %while3A_11 = arith.addi %mul3A_2, %while3A_10 : i32
    %while3A_12 = arith.constant 1 : i32
    scf.for %while3A_19 = %mul3A_2 to %while3A_11 step %while3A_12  : i32 {
      "tpu.region"() ({
        %run_scoped3A = tpu.sem_alloc : memref<!tpu.dma_semaphore, #tpu.memory_space<semaphore_mem>>
        %dma_start3A = arith.constant 0 : i32
        %dma_start3A_20 = tpu.memref_slice %arg6[%while3A_19, %dma_start3A] : memref<180x120xi32, #tpu.memory_space<vmem>> -> memref<1x120xi32, #tpu.memory_space<vmem>>
        %dma_start3A_21 = tpu.memref_squeeze %dma_start3A_20 : memref<1x120xi32, #tpu.memory_space<vmem>> -> memref<120xi32, #tpu.memory_space<vmem>>
        %dma_start3A_22 = arith.constant 0 : i32
        %dma_start3A_23 = arith.constant 0 : i32
        %dma_start3A_24 = tpu.memref_slice %arg8[%dma_start3A_22, %dma_start3A_23] : memref<10240x16xf32, #tpu.memory_space<vmem_shared>> -> memref<10240x16xf32, #tpu.memory_space<vmem_shared>>
        tpu.enqueue_indirect_dma source(%arg7 : memref<120x16xf32, #tpu.memory_space<vmem>>) target(%dma_start3A_24 : memref<10240x16xf32, #tpu.memory_space<vmem_shared>>) offsets(%dma_start3A_21 : memref<120xi32, #tpu.memory_space<vmem>>) semaphore(%run_scoped3A : memref<!tpu.dma_semaphore, #tpu.memory_space<semaphore_mem>>) {add = true}
        %dma_wait3A = arith.constant 0 : i32
        %dma_wait3A_25 = tpu.memref_slice %arg6[%while3A_19, %dma_wait3A] : memref<180x120xi32, #tpu.memory_space<vmem>> -> memref<1x120xi32, #tpu.memory_space<vmem>>
        %dma_wait3A_26 = tpu.memref_squeeze %dma_wait3A_25 : memref<1x120xi32, #tpu.memory_space<vmem>> -> memref<120xi32, #tpu.memory_space<vmem>>
        %dma_wait3A_27 = arith.constant 0 : i32
        %dma_wait3A_28 = arith.constant 0 : i32
        %dma_wait3A_29 = tpu.memref_slice %arg8[%dma_wait3A_27, %dma_wait3A_28] : memref<10240x16xf32, #tpu.memory_space<vmem_shared>> -> memref<10240x16xf32, #tpu.memory_space<vmem_shared>>
        tpu.wait_indirect_dma semaphore(%run_scoped3A : memref<!tpu.dma_semaphore, #tpu.memory_space<semaphore_mem>>) src(%arg7 : memref<120x16xf32, #tpu.memory_space<vmem>>) dst(%dma_wait3A_29 : memref<10240x16xf32, #tpu.memory_space<vmem_shared>>)
        tpu.yield
      }) : () -> ()
    }
    %while3A_13 = arith.constant 1 : i32
    scf.for %while3A_19 = %while3A_11 to %while3A_7 step %while3A_13  : i32 {
      "tpu.region"() ({
        %run_scoped3A = tpu.sem_alloc : memref<!tpu.dma_semaphore, #tpu.memory_space<semaphore_mem>>
        %dma_start3A = arith.constant 0 : i32
        %dma_start3A_20 = tpu.memref_slice %arg6[%while3A_19, %dma_start3A] : memref<180x120xi32, #tpu.memory_space<vmem>> -> memref<1x120xi32, #tpu.memory_space<vmem>>
        %dma_start3A_21 = tpu.memref_squeeze %dma_start3A_20 : memref<1x120xi32, #tpu.memory_space<vmem>> -> memref<120xi32, #tpu.memory_space<vmem>>
        %dma_start3A_22 = arith.constant 0 : i32
        %dma_start3A_23 = arith.constant 0 : i32
        %dma_start3A_24 = tpu.memref_slice %arg8[%dma_start3A_22, %dma_start3A_23] : memref<10240x16xf32, #tpu.memory_space<vmem_shared>> -> memref<10240x16xf32, #tpu.memory_space<vmem_shared>>
        tpu.enqueue_indirect_dma source(%arg7 : memref<120x16xf32, #tpu.memory_space<vmem>>) target(%dma_start3A_24 : memref<10240x16xf32, #tpu.memory_space<vmem_shared>>) offsets(%dma_start3A_21 : memref<120xi32, #tpu.memory_space<vmem>>) semaphore(%run_scoped3A : memref<!tpu.dma_semaphore, #tpu.memory_space<semaphore_mem>>) {add = true}
        %dma_wait3A = arith.constant 0 : i32
        %dma_wait3A_25 = tpu.memref_slice %arg6[%while3A_19, %dma_wait3A] : memref<180x120xi32, #tpu.memory_space<vmem>> -> memref<1x120xi32, #tpu.memory_space<vmem>>
        %dma_wait3A_26 = tpu.memref_squeeze %dma_wait3A_25 : memref<1x120xi32, #tpu.memory_space<vmem>> -> memref<120xi32, #tpu.memory_space<vmem>>
        %dma_wait3A_27 = arith.constant 0 : i32
        %dma_wait3A_28 = arith.constant 0 : i32
        %dma_wait3A_29 = tpu.memref_slice %arg8[%dma_wait3A_27, %dma_wait3A_28] : memref<10240x16xf32, #tpu.memory_space<vmem_shared>> -> memref<10240x16xf32, #tpu.memory_space<vmem_shared>>
        tpu.wait_indirect_dma semaphore(%run_scoped3A : memref<!tpu.dma_semaphore, #tpu.memory_space<semaphore_mem>>) src(%arg7 : memref<120x16xf32, #tpu.memory_space<vmem>>) dst(%dma_wait3A_29 : memref<10240x16xf32, #tpu.memory_space<vmem_shared>>)
        tpu.yield
      }) : () -> ()
    }
    %barrier3A_14 = arith.constant 0 : index
    tpu.barrier barrier_id(%barrier3A_14)
    %mul3A_15 = arith.constant 640 : i32
    %mul3A_16 = arith.muli %arg1, %mul3A_15 : i32
    %mul3A_17 = arith.constant 640 : i32
    %mul3A_18 = arith.muli %arg1, %mul3A_17 : i32
    "tpu.region"() ({
      %run_scoped3A = tpu.sem_alloc : memref<!tpu.dma_semaphore, #tpu.memory_space<semaphore_mem>>
      %dma_start3A = arith.constant 0 : i32
      %dma_start3A_19 = tpu.memref_slice %arg5[%arg0, %mul3A_18, %dma_start3A] : memref<2x10240x16xf32, #tpu.memory_space<hbm>> -> memref<1x640x16xf32, #tpu.memory_space<hbm>>
      %dma_start3A_20 = tpu.memref_squeeze %dma_start3A_19 : memref<1x640x16xf32, #tpu.memory_space<hbm>> -> memref<640x16xf32, #tpu.memory_space<hbm>>
      %dma_start3A_21 = arith.constant 0 : i32
      %dma_start3A_22 = tpu.memref_slice %arg8[%mul3A_16, %dma_start3A_21] : memref<10240x16xf32, #tpu.memory_space<vmem_shared>> -> memref<640x16xf32, #tpu.memory_space<vmem_shared>>
      tpu.enqueue_dma source(%dma_start3A_22 : memref<640x16xf32, #tpu.memory_space<vmem_shared>>) target(%dma_start3A_20 : memref<640x16xf32, #tpu.memory_space<hbm>>) target_semaphore(%run_scoped3A : memref<!tpu.dma_semaphore, #tpu.memory_space<semaphore_mem>>)
      %dma_wait3A = arith.constant 0 : i32
      %dma_wait3A_23 = tpu.memref_slice %arg5[%arg0, %mul3A_18, %dma_wait3A] : memref<2x10240x16xf32, #tpu.memory_space<hbm>> -> memref<1x640x16xf32, #tpu.memory_space<hbm>>
      %dma_wait3A_24 = tpu.memref_squeeze %dma_wait3A_23 : memref<1x640x16xf32, #tpu.memory_space<hbm>> -> memref<640x16xf32, #tpu.memory_space<hbm>>
      %dma_wait3A_25 = arith.constant 0 : i32
      %dma_wait3A_26 = tpu.memref_slice %arg8[%mul3A_16, %dma_wait3A_25] : memref<10240x16xf32, #tpu.memory_space<vmem_shared>> -> memref<640x16xf32, #tpu.memory_space<vmem_shared>>
      tpu.wait_dma2 semaphore(%run_scoped3A : memref<!tpu.dma_semaphore, #tpu.memory_space<semaphore_mem>>) src(%dma_wait3A_26 : memref<640x16xf32, #tpu.memory_space<vmem_shared>>) dst(%dma_wait3A_24 : memref<640x16xf32, #tpu.memory_space<hbm>>)
      tpu.yield
    }) : () -> ()
    return
  }
}

#map = affine_map<(d0, d1) -> (0, 0)>
#map1 = affine_map<(d0, d1) -> (0, 0, 0, 0)>
#map2 = affine_map<(d0, d1) -> (0, 0, 0)>
module attributes {stable_mosaic.version = 14 : i64} {
  func.func @_sc_scatter(%arg0: i32, %arg1: i32, %arg2: memref<10000x64xf32, #tpu.memory_space<hbm>>, %arg3: memref<10000x64xf32, #tpu.memory_space<hbm>>, %arg4: memref<16x180x2x120xi32, #tpu.memory_space<hbm>>, %arg5: memref<640x64xf32, #tpu.memory_space<hbm>>, %arg6: memref<2x10240x64xf32, #tpu.memory_space<hbm>>, %arg7: memref<2x120xi32, #tpu.memory_space<vmem>>, %arg8: memref<2x120xi32, #tpu.memory_space<vmem>>, %arg9: memref<2x120xi32, #tpu.memory_space<vmem>>, %arg10: memref<2x120xi32, #tpu.memory_space<vmem>>, %arg11: memref<2x120xi32, #tpu.memory_space<vmem>>, %arg12: memref<2x120xi32, #tpu.memory_space<vmem>>, %arg13: memref<120x64xf32, #tpu.memory_space<vmem>>, %arg14: memref<120x64xf32, #tpu.memory_space<vmem>>, %arg15: memref<120x64xf32, #tpu.memory_space<vmem>>, %arg16: memref<120x64xf32, #tpu.memory_space<vmem>>, %arg17: memref<120x64xf32, #tpu.memory_space<vmem>>, %arg18: memref<120x64xf32, #tpu.memory_space<vmem>>, %arg19: memref<10240x64xf32, #tpu.memory_space<vmem_shared>>, %arg20: memref<10000x64xf32, #tpu.memory_space<vmem_shared>>, %arg21: memref<!tpu.dma_semaphore, #tpu.memory_space<semaphore_mem>>, %arg22: memref<!tpu.dma_semaphore, #tpu.memory_space<semaphore_mem>>, %arg23: memref<!tpu.dma_semaphore, #tpu.memory_space<semaphore_mem>>, %arg24: memref<!tpu.dma_semaphore, #tpu.memory_space<semaphore_mem>>, %arg25: memref<!tpu.dma_semaphore, #tpu.memory_space<semaphore_mem>>, %arg26: memref<!tpu.dma_semaphore, #tpu.memory_space<semaphore_mem>>, %arg27: memref<!tpu.dma_semaphore, #tpu.memory_space<semaphore_mem>>, %arg28: memref<!tpu.dma_semaphore, #tpu.memory_space<semaphore_mem>>, %arg29: memref<!tpu.dma_semaphore, #tpu.memory_space<semaphore_mem>>, %arg30: memref<!tpu.dma_semaphore, #tpu.memory_space<semaphore_mem>>, %arg31: memref<!tpu.dma_semaphore, #tpu.memory_space<semaphore_mem>>, %arg32: memref<!tpu.dma_semaphore, #tpu.memory_space<semaphore_mem>>, %arg33: memref<!tpu.dma_semaphore, #tpu.memory_space<semaphore_mem>>, %arg34: memref<!tpu.dma_semaphore, #tpu.memory_space<semaphore_mem>>, %arg35: memref<!tpu.dma_semaphore, #tpu.memory_space<semaphore_mem>>, %arg36: memref<!tpu.dma_semaphore, #tpu.memory_space<semaphore_mem>>, %arg37: memref<!tpu.dma_semaphore, #tpu.memory_space<semaphore_mem>>, %arg38: memref<!tpu.dma_semaphore, #tpu.memory_space<semaphore_mem>>) attributes {dimension_semantics = [#tpu.dimension_semantics<core_parallel>, #tpu.dimension_semantics<subcore_parallel>], iteration_bounds = array<i64: 2, 16>, scalar_prefetch = 0 : i64, scratch_operands = 32 : i64, tpu.core_type = #tpu.core_type<sc_vector_subcore>, window_params = [{transform_indices = #map}, {transform_indices = #map}, {transform_indices = #map1}, {transform_indices = #map}, {transform_indices = #map2}]} {
    %mul3A = arith.constant 640 : i32
    %mul3A_0 = arith.muli %arg1, %mul3A : i32
    "tpu.region"() ({
      %run_scoped3A_105 = tpu.sem_alloc : memref<!tpu.dma_semaphore, #tpu.memory_space<semaphore_mem>>
      %dma_start3A_106 = arith.constant 0 : i32
      %dma_start3A_107 = tpu.memref_slice %arg19[%mul3A_0, %dma_start3A_106] : memref<10240x64xf32, #tpu.memory_space<vmem_shared>> -> memref<640x64xf32, #tpu.memory_space<vmem_shared>>
      tpu.enqueue_dma source(%arg5 : memref<640x64xf32, #tpu.memory_space<hbm>>) target(%dma_start3A_107 : memref<640x64xf32, #tpu.memory_space<vmem_shared>>) target_semaphore(%run_scoped3A_105 : memref<!tpu.dma_semaphore, #tpu.memory_space<semaphore_mem>>)
      %dma_wait3A_108 = arith.constant 0 : i32
      %dma_wait3A_109 = tpu.memref_slice %arg19[%mul3A_0, %dma_wait3A_108] : memref<10240x64xf32, #tpu.memory_space<vmem_shared>> -> memref<640x64xf32, #tpu.memory_space<vmem_shared>>
      tpu.wait_dma2 semaphore(%run_scoped3A_105 : memref<!tpu.dma_semaphore, #tpu.memory_space<semaphore_mem>>) src(%arg5 : memref<640x64xf32, #tpu.memory_space<hbm>>) dst(%dma_wait3A_109 : memref<640x64xf32, #tpu.memory_space<vmem_shared>>)
      tpu.yield
    }) : () -> ()
    %eq3A = arith.constant 0 : i32
    %eq3A_1 = arith.cmpi eq, %arg0, %eq3A : i32
    %convert_element_type3A = arith.extui %eq3A_1 : i1 to i32
    %cond3A = arith.constant 0 : i32
    %cond3A_2 = arith.cmpi ne, %convert_element_type3A, %cond3A : i32
    scf.if %cond3A_2 {
      %mul3A_105 = arith.constant 625 : i32
      %mul3A_106 = arith.muli %arg1, %mul3A_105 : i32
      %mul3A_107 = arith.constant 625 : i32
      %mul3A_108 = arith.muli %arg1, %mul3A_107 : i32
      "tpu.region"() ({
        %run_scoped3A_109 = tpu.sem_alloc : memref<!tpu.dma_semaphore, #tpu.memory_space<semaphore_mem>>
        %dma_start3A_110 = arith.constant 0 : i32
        %dma_start3A_111 = tpu.memref_slice %arg20[%mul3A_108, %dma_start3A_110] : memref<10000x64xf32, #tpu.memory_space<vmem_shared>> -> memref<625x64xf32, #tpu.memory_space<vmem_shared>>
        %dma_start3A_112 = arith.constant 0 : i32
        %dma_start3A_113 = tpu.memref_slice %arg2[%mul3A_106, %dma_start3A_112] : memref<10000x64xf32, #tpu.memory_space<hbm>> -> memref<625x64xf32, #tpu.memory_space<hbm>>
        tpu.enqueue_dma source(%dma_start3A_113 : memref<625x64xf32, #tpu.memory_space<hbm>>) target(%dma_start3A_111 : memref<625x64xf32, #tpu.memory_space<vmem_shared>>) target_semaphore(%run_scoped3A_109 : memref<!tpu.dma_semaphore, #tpu.memory_space<semaphore_mem>>)
        %dma_wait3A_114 = arith.constant 0 : i32
        %dma_wait3A_115 = tpu.memref_slice %arg20[%mul3A_108, %dma_wait3A_114] : memref<10000x64xf32, #tpu.memory_space<vmem_shared>> -> memref<625x64xf32, #tpu.memory_space<vmem_shared>>
        %dma_wait3A_116 = arith.constant 0 : i32
        %dma_wait3A_117 = tpu.memref_slice %arg2[%mul3A_106, %dma_wait3A_116] : memref<10000x64xf32, #tpu.memory_space<hbm>> -> memref<625x64xf32, #tpu.memory_space<hbm>>
        tpu.wait_dma2 semaphore(%run_scoped3A_109 : memref<!tpu.dma_semaphore, #tpu.memory_space<semaphore_mem>>) src(%dma_wait3A_117 : memref<625x64xf32, #tpu.memory_space<hbm>>) dst(%dma_wait3A_115 : memref<625x64xf32, #tpu.memory_space<vmem_shared>>)
        tpu.yield
      }) : () -> ()
    } else {
    }
    %eq3A_3 = arith.constant 1 : i32
    %eq3A_4 = arith.cmpi eq, %arg0, %eq3A_3 : i32
    %convert_element_type3A_5 = arith.extui %eq3A_4 : i1 to i32
    %cond3A_6 = arith.constant 0 : i32
    %cond3A_7 = arith.cmpi ne, %convert_element_type3A_5, %cond3A_6 : i32
    scf.if %cond3A_7 {
      %mul3A_105 = arith.constant 625 : i32
      %mul3A_106 = arith.muli %arg1, %mul3A_105 : i32
      %mul3A_107 = arith.constant 625 : i32
      %mul3A_108 = arith.muli %arg1, %mul3A_107 : i32
      "tpu.region"() ({
        %run_scoped3A_109 = tpu.sem_alloc : memref<!tpu.dma_semaphore, #tpu.memory_space<semaphore_mem>>
        %dma_start3A_110 = arith.constant 0 : i32
        %dma_start3A_111 = tpu.memref_slice %arg20[%mul3A_108, %dma_start3A_110] : memref<10000x64xf32, #tpu.memory_space<vmem_shared>> -> memref<625x64xf32, #tpu.memory_space<vmem_shared>>
        %dma_start3A_112 = arith.constant 0 : i32
        %dma_start3A_113 = tpu.memref_slice %arg3[%mul3A_106, %dma_start3A_112] : memref<10000x64xf32, #tpu.memory_space<hbm>> -> memref<625x64xf32, #tpu.memory_space<hbm>>
        tpu.enqueue_dma source(%dma_start3A_113 : memref<625x64xf32, #tpu.memory_space<hbm>>) target(%dma_start3A_111 : memref<625x64xf32, #tpu.memory_space<vmem_shared>>) target_semaphore(%run_scoped3A_109 : memref<!tpu.dma_semaphore, #tpu.memory_space<semaphore_mem>>)
        %dma_wait3A_114 = arith.constant 0 : i32
        %dma_wait3A_115 = tpu.memref_slice %arg20[%mul3A_108, %dma_wait3A_114] : memref<10000x64xf32, #tpu.memory_space<vmem_shared>> -> memref<625x64xf32, #tpu.memory_space<vmem_shared>>
        %dma_wait3A_116 = arith.constant 0 : i32
        %dma_wait3A_117 = tpu.memref_slice %arg3[%mul3A_106, %dma_wait3A_116] : memref<10000x64xf32, #tpu.memory_space<hbm>> -> memref<625x64xf32, #tpu.memory_space<hbm>>
        tpu.wait_dma2 semaphore(%run_scoped3A_109 : memref<!tpu.dma_semaphore, #tpu.memory_space<semaphore_mem>>) src(%dma_wait3A_117 : memref<625x64xf32, #tpu.memory_space<hbm>>) dst(%dma_wait3A_115 : memref<625x64xf32, #tpu.memory_space<vmem_shared>>)
        tpu.yield
      }) : () -> ()
    } else {
    }
    %run_scoped3A = arith.constant 0 : i32
    "tpu.region"() ({
      %run_scoped3A_105 = tpu.sem_alloc : memref<!tpu.dma_semaphore, #tpu.memory_space<semaphore_mem>>
      %dma_start3A_106 = arith.constant 0 : i32
      %dma_start3A_107 = arith.constant 0 : i32
      %dma_start3A_108 = tpu.memref_slice %arg4[%arg1, %run_scoped3A, %dma_start3A_106, %dma_start3A_107] : memref<16x180x2x120xi32, #tpu.memory_space<hbm>> -> memref<1x1x2x120xi32, #tpu.memory_space<hbm>>
      %dma_start3A_109 = tpu.memref_squeeze %dma_start3A_108 : memref<1x1x2x120xi32, #tpu.memory_space<hbm>> -> memref<2x120xi32, #tpu.memory_space<hbm>>
      %dma_start3A_110 = arith.constant 0 : i32
      %dma_start3A_111 = arith.constant 0 : i32
      %dma_start3A_112 = tpu.memref_slice %arg4[%arg1, %run_scoped3A, %dma_start3A_110, %dma_start3A_111] : memref<16x180x2x120xi32, #tpu.memory_space<hbm>> -> memref<1x1x2x120xi32, #tpu.memory_space<hbm>>
      %dma_start3A_113 = tpu.memref_squeeze %dma_start3A_112 : memref<1x1x2x120xi32, #tpu.memory_space<hbm>> -> memref<2x120xi32, #tpu.memory_space<hbm>>
      tpu.enqueue_dma source(%dma_start3A_113 : memref<2x120xi32, #tpu.memory_space<hbm>>) target(%arg7 : memref<2x120xi32, #tpu.memory_space<vmem>>) target_semaphore(%run_scoped3A_105 : memref<!tpu.dma_semaphore, #tpu.memory_space<semaphore_mem>>)
      %dma_wait3A_114 = arith.constant 0 : i32
      %dma_wait3A_115 = arith.constant 0 : i32
      %dma_wait3A_116 = tpu.memref_slice %arg4[%arg1, %run_scoped3A, %dma_wait3A_114, %dma_wait3A_115] : memref<16x180x2x120xi32, #tpu.memory_space<hbm>> -> memref<1x1x2x120xi32, #tpu.memory_space<hbm>>
      %dma_wait3A_117 = tpu.memref_squeeze %dma_wait3A_116 : memref<1x1x2x120xi32, #tpu.memory_space<hbm>> -> memref<2x120xi32, #tpu.memory_space<hbm>>
      %dma_wait3A_118 = arith.constant 0 : i32
      %dma_wait3A_119 = arith.constant 0 : i32
      %dma_wait3A_120 = tpu.memref_slice %arg4[%arg1, %run_scoped3A, %dma_wait3A_118, %dma_wait3A_119] : memref<16x180x2x120xi32, #tpu.memory_space<hbm>> -> memref<1x1x2x120xi32, #tpu.memory_space<hbm>>
      %dma_wait3A_121 = tpu.memref_squeeze %dma_wait3A_120 : memref<1x1x2x120xi32, #tpu.memory_space<hbm>> -> memref<2x120xi32, #tpu.memory_space<hbm>>
      tpu.wait_dma2 semaphore(%run_scoped3A_105 : memref<!tpu.dma_semaphore, #tpu.memory_space<semaphore_mem>>) src(%dma_wait3A_121 : memref<2x120xi32, #tpu.memory_space<hbm>>) dst(%arg7 : memref<2x120xi32, #tpu.memory_space<vmem>>)
      tpu.yield
    }) : () -> ()
    %run_scoped3A_8 = arith.constant 1 : i32
    "tpu.region"() ({
      %run_scoped3A_105 = tpu.sem_alloc : memref<!tpu.dma_semaphore, #tpu.memory_space<semaphore_mem>>
      %dma_start3A_106 = arith.constant 0 : i32
      %dma_start3A_107 = arith.constant 0 : i32
      %dma_start3A_108 = tpu.memref_slice %arg4[%arg1, %run_scoped3A_8, %dma_start3A_106, %dma_start3A_107] : memref<16x180x2x120xi32, #tpu.memory_space<hbm>> -> memref<1x1x2x120xi32, #tpu.memory_space<hbm>>
      %dma_start3A_109 = tpu.memref_squeeze %dma_start3A_108 : memref<1x1x2x120xi32, #tpu.memory_space<hbm>> -> memref<2x120xi32, #tpu.memory_space<hbm>>
      %dma_start3A_110 = arith.constant 0 : i32
      %dma_start3A_111 = arith.constant 0 : i32
      %dma_start3A_112 = tpu.memref_slice %arg4[%arg1, %run_scoped3A_8, %dma_start3A_110, %dma_start3A_111] : memref<16x180x2x120xi32, #tpu.memory_space<hbm>> -> memref<1x1x2x120xi32, #tpu.memory_space<hbm>>
      %dma_start3A_113 = tpu.memref_squeeze %dma_start3A_112 : memref<1x1x2x120xi32, #tpu.memory_space<hbm>> -> memref<2x120xi32, #tpu.memory_space<hbm>>
      tpu.enqueue_dma source(%dma_start3A_113 : memref<2x120xi32, #tpu.memory_space<hbm>>) target(%arg8 : memref<2x120xi32, #tpu.memory_space<vmem>>) target_semaphore(%run_scoped3A_105 : memref<!tpu.dma_semaphore, #tpu.memory_space<semaphore_mem>>)
      %dma_wait3A_114 = arith.constant 0 : i32
      %dma_wait3A_115 = arith.constant 0 : i32
      %dma_wait3A_116 = tpu.memref_slice %arg4[%arg1, %run_scoped3A_8, %dma_wait3A_114, %dma_wait3A_115] : memref<16x180x2x120xi32, #tpu.memory_space<hbm>> -> memref<1x1x2x120xi32, #tpu.memory_space<hbm>>
      %dma_wait3A_117 = tpu.memref_squeeze %dma_wait3A_116 : memref<1x1x2x120xi32, #tpu.memory_space<hbm>> -> memref<2x120xi32, #tpu.memory_space<hbm>>
      %dma_wait3A_118 = arith.constant 0 : i32
      %dma_wait3A_119 = arith.constant 0 : i32
      %dma_wait3A_120 = tpu.memref_slice %arg4[%arg1, %run_scoped3A_8, %dma_wait3A_118, %dma_wait3A_119] : memref<16x180x2x120xi32, #tpu.memory_space<hbm>> -> memref<1x1x2x120xi32, #tpu.memory_space<hbm>>
      %dma_wait3A_121 = tpu.memref_squeeze %dma_wait3A_120 : memref<1x1x2x120xi32, #tpu.memory_space<hbm>> -> memref<2x120xi32, #tpu.memory_space<hbm>>
      tpu.wait_dma2 semaphore(%run_scoped3A_105 : memref<!tpu.dma_semaphore, #tpu.memory_space<semaphore_mem>>) src(%dma_wait3A_121 : memref<2x120xi32, #tpu.memory_space<hbm>>) dst(%arg8 : memref<2x120xi32, #tpu.memory_space<vmem>>)
      tpu.yield
    }) : () -> ()
    %run_scoped3A_9 = arith.constant 2 : i32
    "tpu.region"() ({
      %run_scoped3A_105 = tpu.sem_alloc : memref<!tpu.dma_semaphore, #tpu.memory_space<semaphore_mem>>
      %dma_start3A_106 = arith.constant 0 : i32
      %dma_start3A_107 = arith.constant 0 : i32
      %dma_start3A_108 = tpu.memref_slice %arg4[%arg1, %run_scoped3A_9, %dma_start3A_106, %dma_start3A_107] : memref<16x180x2x120xi32, #tpu.memory_space<hbm>> -> memref<1x1x2x120xi32, #tpu.memory_space<hbm>>
      %dma_start3A_109 = tpu.memref_squeeze %dma_start3A_108 : memref<1x1x2x120xi32, #tpu.memory_space<hbm>> -> memref<2x120xi32, #tpu.memory_space<hbm>>
      %dma_start3A_110 = arith.constant 0 : i32
      %dma_start3A_111 = arith.constant 0 : i32
      %dma_start3A_112 = tpu.memref_slice %arg4[%arg1, %run_scoped3A_9, %dma_start3A_110, %dma_start3A_111] : memref<16x180x2x120xi32, #tpu.memory_space<hbm>> -> memref<1x1x2x120xi32, #tpu.memory_space<hbm>>
      %dma_start3A_113 = tpu.memref_squeeze %dma_start3A_112 : memref<1x1x2x120xi32, #tpu.memory_space<hbm>> -> memref<2x120xi32, #tpu.memory_space<hbm>>
      tpu.enqueue_dma source(%dma_start3A_113 : memref<2x120xi32, #tpu.memory_space<hbm>>) target(%arg9 : memref<2x120xi32, #tpu.memory_space<vmem>>) target_semaphore(%run_scoped3A_105 : memref<!tpu.dma_semaphore, #tpu.memory_space<semaphore_mem>>)
      %dma_wait3A_114 = arith.constant 0 : i32
      %dma_wait3A_115 = arith.constant 0 : i32
      %dma_wait3A_116 = tpu.memref_slice %arg4[%arg1, %run_scoped3A_9, %dma_wait3A_114, %dma_wait3A_115] : memref<16x180x2x120xi32, #tpu.memory_space<hbm>> -> memref<1x1x2x120xi32, #tpu.memory_space<hbm>>
      %dma_wait3A_117 = tpu.memref_squeeze %dma_wait3A_116 : memref<1x1x2x120xi32, #tpu.memory_space<hbm>> -> memref<2x120xi32, #tpu.memory_space<hbm>>
      %dma_wait3A_118 = arith.constant 0 : i32
      %dma_wait3A_119 = arith.constant 0 : i32
      %dma_wait3A_120 = tpu.memref_slice %arg4[%arg1, %run_scoped3A_9, %dma_wait3A_118, %dma_wait3A_119] : memref<16x180x2x120xi32, #tpu.memory_space<hbm>> -> memref<1x1x2x120xi32, #tpu.memory_space<hbm>>
      %dma_wait3A_121 = tpu.memref_squeeze %dma_wait3A_120 : memref<1x1x2x120xi32, #tpu.memory_space<hbm>> -> memref<2x120xi32, #tpu.memory_space<hbm>>
      tpu.wait_dma2 semaphore(%run_scoped3A_105 : memref<!tpu.dma_semaphore, #tpu.memory_space<semaphore_mem>>) src(%dma_wait3A_121 : memref<2x120xi32, #tpu.memory_space<hbm>>) dst(%arg9 : memref<2x120xi32, #tpu.memory_space<vmem>>)
      tpu.yield
    }) : () -> ()
    %run_scoped3A_10 = arith.constant 3 : i32
    "tpu.region"() ({
      %run_scoped3A_105 = tpu.sem_alloc : memref<!tpu.dma_semaphore, #tpu.memory_space<semaphore_mem>>
      %dma_start3A_106 = arith.constant 0 : i32
      %dma_start3A_107 = arith.constant 0 : i32
      %dma_start3A_108 = tpu.memref_slice %arg4[%arg1, %run_scoped3A_10, %dma_start3A_106, %dma_start3A_107] : memref<16x180x2x120xi32, #tpu.memory_space<hbm>> -> memref<1x1x2x120xi32, #tpu.memory_space<hbm>>
      %dma_start3A_109 = tpu.memref_squeeze %dma_start3A_108 : memref<1x1x2x120xi32, #tpu.memory_space<hbm>> -> memref<2x120xi32, #tpu.memory_space<hbm>>
      %dma_start3A_110 = arith.constant 0 : i32
      %dma_start3A_111 = arith.constant 0 : i32
      %dma_start3A_112 = tpu.memref_slice %arg4[%arg1, %run_scoped3A_10, %dma_start3A_110, %dma_start3A_111] : memref<16x180x2x120xi32, #tpu.memory_space<hbm>> -> memref<1x1x2x120xi32, #tpu.memory_space<hbm>>
      %dma_start3A_113 = tpu.memref_squeeze %dma_start3A_112 : memref<1x1x2x120xi32, #tpu.memory_space<hbm>> -> memref<2x120xi32, #tpu.memory_space<hbm>>
      tpu.enqueue_dma source(%dma_start3A_113 : memref<2x120xi32, #tpu.memory_space<hbm>>) target(%arg10 : memref<2x120xi32, #tpu.memory_space<vmem>>) target_semaphore(%run_scoped3A_105 : memref<!tpu.dma_semaphore, #tpu.memory_space<semaphore_mem>>)
      %dma_wait3A_114 = arith.constant 0 : i32
      %dma_wait3A_115 = arith.constant 0 : i32
      %dma_wait3A_116 = tpu.memref_slice %arg4[%arg1, %run_scoped3A_10, %dma_wait3A_114, %dma_wait3A_115] : memref<16x180x2x120xi32, #tpu.memory_space<hbm>> -> memref<1x1x2x120xi32, #tpu.memory_space<hbm>>
      %dma_wait3A_117 = tpu.memref_squeeze %dma_wait3A_116 : memref<1x1x2x120xi32, #tpu.memory_space<hbm>> -> memref<2x120xi32, #tpu.memory_space<hbm>>
      %dma_wait3A_118 = arith.constant 0 : i32
      %dma_wait3A_119 = arith.constant 0 : i32
      %dma_wait3A_120 = tpu.memref_slice %arg4[%arg1, %run_scoped3A_10, %dma_wait3A_118, %dma_wait3A_119] : memref<16x180x2x120xi32, #tpu.memory_space<hbm>> -> memref<1x1x2x120xi32, #tpu.memory_space<hbm>>
      %dma_wait3A_121 = tpu.memref_squeeze %dma_wait3A_120 : memref<1x1x2x120xi32, #tpu.memory_space<hbm>> -> memref<2x120xi32, #tpu.memory_space<hbm>>
      tpu.wait_dma2 semaphore(%run_scoped3A_105 : memref<!tpu.dma_semaphore, #tpu.memory_space<semaphore_mem>>) src(%dma_wait3A_121 : memref<2x120xi32, #tpu.memory_space<hbm>>) dst(%arg10 : memref<2x120xi32, #tpu.memory_space<vmem>>)
      tpu.yield
    }) : () -> ()
    %run_scoped3A_11 = arith.constant 4 : i32
    "tpu.region"() ({
      %run_scoped3A_105 = tpu.sem_alloc : memref<!tpu.dma_semaphore, #tpu.memory_space<semaphore_mem>>
      %dma_start3A_106 = arith.constant 0 : i32
      %dma_start3A_107 = arith.constant 0 : i32
      %dma_start3A_108 = tpu.memref_slice %arg4[%arg1, %run_scoped3A_11, %dma_start3A_106, %dma_start3A_107] : memref<16x180x2x120xi32, #tpu.memory_space<hbm>> -> memref<1x1x2x120xi32, #tpu.memory_space<hbm>>
      %dma_start3A_109 = tpu.memref_squeeze %dma_start3A_108 : memref<1x1x2x120xi32, #tpu.memory_space<hbm>> -> memref<2x120xi32, #tpu.memory_space<hbm>>
      %dma_start3A_110 = arith.constant 0 : i32
      %dma_start3A_111 = arith.constant 0 : i32
      %dma_start3A_112 = tpu.memref_slice %arg4[%arg1, %run_scoped3A_11, %dma_start3A_110, %dma_start3A_111] : memref<16x180x2x120xi32, #tpu.memory_space<hbm>> -> memref<1x1x2x120xi32, #tpu.memory_space<hbm>>
      %dma_start3A_113 = tpu.memref_squeeze %dma_start3A_112 : memref<1x1x2x120xi32, #tpu.memory_space<hbm>> -> memref<2x120xi32, #tpu.memory_space<hbm>>
      tpu.enqueue_dma source(%dma_start3A_113 : memref<2x120xi32, #tpu.memory_space<hbm>>) target(%arg11 : memref<2x120xi32, #tpu.memory_space<vmem>>) target_semaphore(%run_scoped3A_105 : memref<!tpu.dma_semaphore, #tpu.memory_space<semaphore_mem>>)
      %dma_wait3A_114 = arith.constant 0 : i32
      %dma_wait3A_115 = arith.constant 0 : i32
      %dma_wait3A_116 = tpu.memref_slice %arg4[%arg1, %run_scoped3A_11, %dma_wait3A_114, %dma_wait3A_115] : memref<16x180x2x120xi32, #tpu.memory_space<hbm>> -> memref<1x1x2x120xi32, #tpu.memory_space<hbm>>
      %dma_wait3A_117 = tpu.memref_squeeze %dma_wait3A_116 : memref<1x1x2x120xi32, #tpu.memory_space<hbm>> -> memref<2x120xi32, #tpu.memory_space<hbm>>
      %dma_wait3A_118 = arith.constant 0 : i32
      %dma_wait3A_119 = arith.constant 0 : i32
      %dma_wait3A_120 = tpu.memref_slice %arg4[%arg1, %run_scoped3A_11, %dma_wait3A_118, %dma_wait3A_119] : memref<16x180x2x120xi32, #tpu.memory_space<hbm>> -> memref<1x1x2x120xi32, #tpu.memory_space<hbm>>
      %dma_wait3A_121 = tpu.memref_squeeze %dma_wait3A_120 : memref<1x1x2x120xi32, #tpu.memory_space<hbm>> -> memref<2x120xi32, #tpu.memory_space<hbm>>
      tpu.wait_dma2 semaphore(%run_scoped3A_105 : memref<!tpu.dma_semaphore, #tpu.memory_space<semaphore_mem>>) src(%dma_wait3A_121 : memref<2x120xi32, #tpu.memory_space<hbm>>) dst(%arg11 : memref<2x120xi32, #tpu.memory_space<vmem>>)
      tpu.yield
    }) : () -> ()
    %run_scoped3A_12 = arith.constant 5 : i32
    "tpu.region"() ({
      %run_scoped3A_105 = tpu.sem_alloc : memref<!tpu.dma_semaphore, #tpu.memory_space<semaphore_mem>>
      %dma_start3A_106 = arith.constant 0 : i32
      %dma_start3A_107 = arith.constant 0 : i32
      %dma_start3A_108 = tpu.memref_slice %arg4[%arg1, %run_scoped3A_12, %dma_start3A_106, %dma_start3A_107] : memref<16x180x2x120xi32, #tpu.memory_space<hbm>> -> memref<1x1x2x120xi32, #tpu.memory_space<hbm>>
      %dma_start3A_109 = tpu.memref_squeeze %dma_start3A_108 : memref<1x1x2x120xi32, #tpu.memory_space<hbm>> -> memref<2x120xi32, #tpu.memory_space<hbm>>
      %dma_start3A_110 = arith.constant 0 : i32
      %dma_start3A_111 = arith.constant 0 : i32
      %dma_start3A_112 = tpu.memref_slice %arg4[%arg1, %run_scoped3A_12, %dma_start3A_110, %dma_start3A_111] : memref<16x180x2x120xi32, #tpu.memory_space<hbm>> -> memref<1x1x2x120xi32, #tpu.memory_space<hbm>>
      %dma_start3A_113 = tpu.memref_squeeze %dma_start3A_112 : memref<1x1x2x120xi32, #tpu.memory_space<hbm>> -> memref<2x120xi32, #tpu.memory_space<hbm>>
      tpu.enqueue_dma source(%dma_start3A_113 : memref<2x120xi32, #tpu.memory_space<hbm>>) target(%arg12 : memref<2x120xi32, #tpu.memory_space<vmem>>) target_semaphore(%run_scoped3A_105 : memref<!tpu.dma_semaphore, #tpu.memory_space<semaphore_mem>>)
      %dma_wait3A_114 = arith.constant 0 : i32
      %dma_wait3A_115 = arith.constant 0 : i32
      %dma_wait3A_116 = tpu.memref_slice %arg4[%arg1, %run_scoped3A_12, %dma_wait3A_114, %dma_wait3A_115] : memref<16x180x2x120xi32, #tpu.memory_space<hbm>> -> memref<1x1x2x120xi32, #tpu.memory_space<hbm>>
      %dma_wait3A_117 = tpu.memref_squeeze %dma_wait3A_116 : memref<1x1x2x120xi32, #tpu.memory_space<hbm>> -> memref<2x120xi32, #tpu.memory_space<hbm>>
      %dma_wait3A_118 = arith.constant 0 : i32
      %dma_wait3A_119 = arith.constant 0 : i32
      %dma_wait3A_120 = tpu.memref_slice %arg4[%arg1, %run_scoped3A_12, %dma_wait3A_118, %dma_wait3A_119] : memref<16x180x2x120xi32, #tpu.memory_space<hbm>> -> memref<1x1x2x120xi32, #tpu.memory_space<hbm>>
      %dma_wait3A_121 = tpu.memref_squeeze %dma_wait3A_120 : memref<1x1x2x120xi32, #tpu.memory_space<hbm>> -> memref<2x120xi32, #tpu.memory_space<hbm>>
      tpu.wait_dma2 semaphore(%run_scoped3A_105 : memref<!tpu.dma_semaphore, #tpu.memory_space<semaphore_mem>>) src(%dma_wait3A_121 : memref<2x120xi32, #tpu.memory_space<hbm>>) dst(%arg12 : memref<2x120xi32, #tpu.memory_space<vmem>>)
      tpu.yield
    }) : () -> ()
    %barrier3A = arith.constant 0 : index
    tpu.barrier barrier_id(%barrier3A)
    %dma_start3A = arith.constant 0 : i32
    %dma_start3A_13 = arith.constant 0 : i32
    %dma_start3A_14 = tpu.memref_slice %arg7[%dma_start3A, %dma_start3A_13] : memref<2x120xi32, #tpu.memory_space<vmem>> -> memref<1x120xi32, #tpu.memory_space<vmem>>
    %dma_start3A_15 = tpu.memref_squeeze %dma_start3A_14 : memref<1x120xi32, #tpu.memory_space<vmem>> -> memref<120xi32, #tpu.memory_space<vmem>>
    %dma_start3A_16 = arith.constant 0 : i32
    %dma_start3A_17 = arith.constant 0 : i32
    %dma_start3A_18 = tpu.memref_slice %arg20[%dma_start3A_16, %dma_start3A_17] : memref<10000x64xf32, #tpu.memory_space<vmem_shared>> -> memref<10000x64xf32, #tpu.memory_space<vmem_shared>>
    tpu.enqueue_indirect_dma source(%dma_start3A_18 : memref<10000x64xf32, #tpu.memory_space<vmem_shared>>) target(%arg13 : memref<120x64xf32, #tpu.memory_space<vmem>>) offsets(%dma_start3A_15 : memref<120xi32, #tpu.memory_space<vmem>>) semaphore(%arg21 : memref<!tpu.dma_semaphore, #tpu.memory_space<semaphore_mem>>)
    %dma_start3A_19 = arith.constant 0 : i32
    %dma_start3A_20 = arith.constant 0 : i32
    %dma_start3A_21 = tpu.memref_slice %arg8[%dma_start3A_19, %dma_start3A_20] : memref<2x120xi32, #tpu.memory_space<vmem>> -> memref<1x120xi32, #tpu.memory_space<vmem>>
    %dma_start3A_22 = tpu.memref_squeeze %dma_start3A_21 : memref<1x120xi32, #tpu.memory_space<vmem>> -> memref<120xi32, #tpu.memory_space<vmem>>
    %dma_start3A_23 = arith.constant 0 : i32
    %dma_start3A_24 = arith.constant 0 : i32
    %dma_start3A_25 = tpu.memref_slice %arg20[%dma_start3A_23, %dma_start3A_24] : memref<10000x64xf32, #tpu.memory_space<vmem_shared>> -> memref<10000x64xf32, #tpu.memory_space<vmem_shared>>
    tpu.enqueue_indirect_dma source(%dma_start3A_25 : memref<10000x64xf32, #tpu.memory_space<vmem_shared>>) target(%arg14 : memref<120x64xf32, #tpu.memory_space<vmem>>) offsets(%dma_start3A_22 : memref<120xi32, #tpu.memory_space<vmem>>) semaphore(%arg22 : memref<!tpu.dma_semaphore, #tpu.memory_space<semaphore_mem>>)
    %dma_start3A_26 = arith.constant 0 : i32
    %dma_start3A_27 = arith.constant 0 : i32
    %dma_start3A_28 = tpu.memref_slice %arg9[%dma_start3A_26, %dma_start3A_27] : memref<2x120xi32, #tpu.memory_space<vmem>> -> memref<1x120xi32, #tpu.memory_space<vmem>>
    %dma_start3A_29 = tpu.memref_squeeze %dma_start3A_28 : memref<1x120xi32, #tpu.memory_space<vmem>> -> memref<120xi32, #tpu.memory_space<vmem>>
    %dma_start3A_30 = arith.constant 0 : i32
    %dma_start3A_31 = arith.constant 0 : i32
    %dma_start3A_32 = tpu.memref_slice %arg20[%dma_start3A_30, %dma_start3A_31] : memref<10000x64xf32, #tpu.memory_space<vmem_shared>> -> memref<10000x64xf32, #tpu.memory_space<vmem_shared>>
    tpu.enqueue_indirect_dma source(%dma_start3A_32 : memref<10000x64xf32, #tpu.memory_space<vmem_shared>>) target(%arg15 : memref<120x64xf32, #tpu.memory_space<vmem>>) offsets(%dma_start3A_29 : memref<120xi32, #tpu.memory_space<vmem>>) semaphore(%arg23 : memref<!tpu.dma_semaphore, #tpu.memory_space<semaphore_mem>>)
    %dma_start3A_33 = arith.constant 0 : i32
    %dma_start3A_34 = arith.constant 0 : i32
    %dma_start3A_35 = tpu.memref_slice %arg10[%dma_start3A_33, %dma_start3A_34] : memref<2x120xi32, #tpu.memory_space<vmem>> -> memref<1x120xi32, #tpu.memory_space<vmem>>
    %dma_start3A_36 = tpu.memref_squeeze %dma_start3A_35 : memref<1x120xi32, #tpu.memory_space<vmem>> -> memref<120xi32, #tpu.memory_space<vmem>>
    %dma_start3A_37 = arith.constant 0 : i32
    %dma_start3A_38 = arith.constant 0 : i32
    %dma_start3A_39 = tpu.memref_slice %arg20[%dma_start3A_37, %dma_start3A_38] : memref<10000x64xf32, #tpu.memory_space<vmem_shared>> -> memref<10000x64xf32, #tpu.memory_space<vmem_shared>>
    tpu.enqueue_indirect_dma source(%dma_start3A_39 : memref<10000x64xf32, #tpu.memory_space<vmem_shared>>) target(%arg16 : memref<120x64xf32, #tpu.memory_space<vmem>>) offsets(%dma_start3A_36 : memref<120xi32, #tpu.memory_space<vmem>>) semaphore(%arg24 : memref<!tpu.dma_semaphore, #tpu.memory_space<semaphore_mem>>)
    %dma_start3A_40 = arith.constant 0 : i32
    %dma_start3A_41 = arith.constant 0 : i32
    %dma_start3A_42 = tpu.memref_slice %arg11[%dma_start3A_40, %dma_start3A_41] : memref<2x120xi32, #tpu.memory_space<vmem>> -> memref<1x120xi32, #tpu.memory_space<vmem>>
    %dma_start3A_43 = tpu.memref_squeeze %dma_start3A_42 : memref<1x120xi32, #tpu.memory_space<vmem>> -> memref<120xi32, #tpu.memory_space<vmem>>
    %dma_start3A_44 = arith.constant 0 : i32
    %dma_start3A_45 = arith.constant 0 : i32
    %dma_start3A_46 = tpu.memref_slice %arg20[%dma_start3A_44, %dma_start3A_45] : memref<10000x64xf32, #tpu.memory_space<vmem_shared>> -> memref<10000x64xf32, #tpu.memory_space<vmem_shared>>
    tpu.enqueue_indirect_dma source(%dma_start3A_46 : memref<10000x64xf32, #tpu.memory_space<vmem_shared>>) target(%arg17 : memref<120x64xf32, #tpu.memory_space<vmem>>) offsets(%dma_start3A_43 : memref<120xi32, #tpu.memory_space<vmem>>) semaphore(%arg25 : memref<!tpu.dma_semaphore, #tpu.memory_space<semaphore_mem>>)
    %dma_start3A_47 = arith.constant 0 : i32
    %dma_start3A_48 = arith.constant 0 : i32
    %dma_start3A_49 = tpu.memref_slice %arg12[%dma_start3A_47, %dma_start3A_48] : memref<2x120xi32, #tpu.memory_space<vmem>> -> memref<1x120xi32, #tpu.memory_space<vmem>>
    %dma_start3A_50 = tpu.memref_squeeze %dma_start3A_49 : memref<1x120xi32, #tpu.memory_space<vmem>> -> memref<120xi32, #tpu.memory_space<vmem>>
    %dma_start3A_51 = arith.constant 0 : i32
    %dma_start3A_52 = arith.constant 0 : i32
    %dma_start3A_53 = tpu.memref_slice %arg20[%dma_start3A_51, %dma_start3A_52] : memref<10000x64xf32, #tpu.memory_space<vmem_shared>> -> memref<10000x64xf32, #tpu.memory_space<vmem_shared>>
    tpu.enqueue_indirect_dma source(%dma_start3A_53 : memref<10000x64xf32, #tpu.memory_space<vmem_shared>>) target(%arg18 : memref<120x64xf32, #tpu.memory_space<vmem>>) offsets(%dma_start3A_50 : memref<120xi32, #tpu.memory_space<vmem>>) semaphore(%arg26 : memref<!tpu.dma_semaphore, #tpu.memory_space<semaphore_mem>>)
    %scan3A = arith.constant 0 : i32
    %scan3A_54 = arith.constant 0 : i32
    %scan3A_55 = arith.constant 29 : i32
    %scan3A_56 = arith.addi %scan3A_54, %scan3A_55 : i32
    %scan3A_57 = arith.constant 1 : i32
    scf.for %scan3A_105 = %scan3A_54 to %scan3A_56 step %scan3A_57  : i32 {
      %mul3A_106 = arith.constant 6 : i32
      %mul3A_107 = arith.muli %mul3A_106, %scan3A_105 : i32
      %dma_wait3A_108 = arith.constant 0 : i32
      %dma_wait3A_109 = arith.constant 0 : i32
      %dma_wait3A_110 = tpu.memref_slice %arg7[%dma_wait3A_108, %dma_wait3A_109] : memref<2x120xi32, #tpu.memory_space<vmem>> -> memref<1x120xi32, #tpu.memory_space<vmem>>
      %dma_wait3A_111 = tpu.memref_squeeze %dma_wait3A_110 : memref<1x120xi32, #tpu.memory_space<vmem>> -> memref<120xi32, #tpu.memory_space<vmem>>
      %dma_wait3A_112 = arith.constant 0 : i32
      %dma_wait3A_113 = arith.constant 0 : i32
      %dma_wait3A_114 = tpu.memref_slice %arg20[%dma_wait3A_112, %dma_wait3A_113] : memref<10000x64xf32, #tpu.memory_space<vmem_shared>> -> memref<10000x64xf32, #tpu.memory_space<vmem_shared>>
      tpu.wait_indirect_dma semaphore(%arg21 : memref<!tpu.dma_semaphore, #tpu.memory_space<semaphore_mem>>) src(%dma_wait3A_114 : memref<10000x64xf32, #tpu.memory_space<vmem_shared>>) dst(%arg13 : memref<120x64xf32, #tpu.memory_space<vmem>>)
      %dma_start3A_115 = arith.constant 1 : i32
      %dma_start3A_116 = arith.constant 0 : i32
      %dma_start3A_117 = tpu.memref_slice %arg7[%dma_start3A_115, %dma_start3A_116] : memref<2x120xi32, #tpu.memory_space<vmem>> -> memref<1x120xi32, #tpu.memory_space<vmem>>
      %dma_start3A_118 = tpu.memref_squeeze %dma_start3A_117 : memref<1x120xi32, #tpu.memory_space<vmem>> -> memref<120xi32, #tpu.memory_space<vmem>>
      %dma_start3A_119 = arith.constant 0 : i32
      %dma_start3A_120 = arith.constant 0 : i32
      %dma_start3A_121 = tpu.memref_slice %arg19[%dma_start3A_119, %dma_start3A_120] : memref<10240x64xf32, #tpu.memory_space<vmem_shared>> -> memref<10240x64xf32, #tpu.memory_space<vmem_shared>>
      tpu.enqueue_indirect_dma source(%arg13 : memref<120x64xf32, #tpu.memory_space<vmem>>) target(%dma_start3A_121 : memref<10240x64xf32, #tpu.memory_space<vmem_shared>>) offsets(%dma_start3A_118 : memref<120xi32, #tpu.memory_space<vmem>>) semaphore(%arg27 : memref<!tpu.dma_semaphore, #tpu.memory_space<semaphore_mem>>) {add = true}
      %dma_wait3A_122 = arith.constant 0 : i32
      %dma_wait3A_123 = arith.constant 0 : i32
      %dma_wait3A_124 = tpu.memref_slice %arg8[%dma_wait3A_122, %dma_wait3A_123] : memref<2x120xi32, #tpu.memory_space<vmem>> -> memref<1x120xi32, #tpu.memory_space<vmem>>
      %dma_wait3A_125 = tpu.memref_squeeze %dma_wait3A_124 : memref<1x120xi32, #tpu.memory_space<vmem>> -> memref<120xi32, #tpu.memory_space<vmem>>
      %dma_wait3A_126 = arith.constant 0 : i32
      %dma_wait3A_127 = arith.constant 0 : i32
      %dma_wait3A_128 = tpu.memref_slice %arg20[%dma_wait3A_126, %dma_wait3A_127] : memref<10000x64xf32, #tpu.memory_space<vmem_shared>> -> memref<10000x64xf32, #tpu.memory_space<vmem_shared>>
      tpu.wait_indirect_dma semaphore(%arg22 : memref<!tpu.dma_semaphore, #tpu.memory_space<semaphore_mem>>) src(%dma_wait3A_128 : memref<10000x64xf32, #tpu.memory_space<vmem_shared>>) dst(%arg14 : memref<120x64xf32, #tpu.memory_space<vmem>>)
      %dma_start3A_129 = arith.constant 1 : i32
      %dma_start3A_130 = arith.constant 0 : i32
      %dma_start3A_131 = tpu.memref_slice %arg8[%dma_start3A_129, %dma_start3A_130] : memref<2x120xi32, #tpu.memory_space<vmem>> -> memref<1x120xi32, #tpu.memory_space<vmem>>
      %dma_start3A_132 = tpu.memref_squeeze %dma_start3A_131 : memref<1x120xi32, #tpu.memory_space<vmem>> -> memref<120xi32, #tpu.memory_space<vmem>>
      %dma_start3A_133 = arith.constant 0 : i32
      %dma_start3A_134 = arith.constant 0 : i32
      %dma_start3A_135 = tpu.memref_slice %arg19[%dma_start3A_133, %dma_start3A_134] : memref<10240x64xf32, #tpu.memory_space<vmem_shared>> -> memref<10240x64xf32, #tpu.memory_space<vmem_shared>>
      tpu.enqueue_indirect_dma source(%arg14 : memref<120x64xf32, #tpu.memory_space<vmem>>) target(%dma_start3A_135 : memref<10240x64xf32, #tpu.memory_space<vmem_shared>>) offsets(%dma_start3A_132 : memref<120xi32, #tpu.memory_space<vmem>>) semaphore(%arg28 : memref<!tpu.dma_semaphore, #tpu.memory_space<semaphore_mem>>) {add = true}
      %dma_wait3A_136 = arith.constant 0 : i32
      %dma_wait3A_137 = arith.constant 0 : i32
      %dma_wait3A_138 = tpu.memref_slice %arg9[%dma_wait3A_136, %dma_wait3A_137] : memref<2x120xi32, #tpu.memory_space<vmem>> -> memref<1x120xi32, #tpu.memory_space<vmem>>
      %dma_wait3A_139 = tpu.memref_squeeze %dma_wait3A_138 : memref<1x120xi32, #tpu.memory_space<vmem>> -> memref<120xi32, #tpu.memory_space<vmem>>
      %dma_wait3A_140 = arith.constant 0 : i32
      %dma_wait3A_141 = arith.constant 0 : i32
      %dma_wait3A_142 = tpu.memref_slice %arg20[%dma_wait3A_140, %dma_wait3A_141] : memref<10000x64xf32, #tpu.memory_space<vmem_shared>> -> memref<10000x64xf32, #tpu.memory_space<vmem_shared>>
      tpu.wait_indirect_dma semaphore(%arg23 : memref<!tpu.dma_semaphore, #tpu.memory_space<semaphore_mem>>) src(%dma_wait3A_142 : memref<10000x64xf32, #tpu.memory_space<vmem_shared>>) dst(%arg15 : memref<120x64xf32, #tpu.memory_space<vmem>>)
      %dma_start3A_143 = arith.constant 1 : i32
      %dma_start3A_144 = arith.constant 0 : i32
      %dma_start3A_145 = tpu.memref_slice %arg9[%dma_start3A_143, %dma_start3A_144] : memref<2x120xi32, #tpu.memory_space<vmem>> -> memref<1x120xi32, #tpu.memory_space<vmem>>
      %dma_start3A_146 = tpu.memref_squeeze %dma_start3A_145 : memref<1x120xi32, #tpu.memory_space<vmem>> -> memref<120xi32, #tpu.memory_space<vmem>>
      %dma_start3A_147 = arith.constant 0 : i32
      %dma_start3A_148 = arith.constant 0 : i32
      %dma_start3A_149 = tpu.memref_slice %arg19[%dma_start3A_147, %dma_start3A_148] : memref<10240x64xf32, #tpu.memory_space<vmem_shared>> -> memref<10240x64xf32, #tpu.memory_space<vmem_shared>>
      tpu.enqueue_indirect_dma source(%arg15 : memref<120x64xf32, #tpu.memory_space<vmem>>) target(%dma_start3A_149 : memref<10240x64xf32, #tpu.memory_space<vmem_shared>>) offsets(%dma_start3A_146 : memref<120xi32, #tpu.memory_space<vmem>>) semaphore(%arg29 : memref<!tpu.dma_semaphore, #tpu.memory_space<semaphore_mem>>) {add = true}
      %dma_wait3A_150 = arith.constant 0 : i32
      %dma_wait3A_151 = arith.constant 0 : i32
      %dma_wait3A_152 = tpu.memref_slice %arg10[%dma_wait3A_150, %dma_wait3A_151] : memref<2x120xi32, #tpu.memory_space<vmem>> -> memref<1x120xi32, #tpu.memory_space<vmem>>
      %dma_wait3A_153 = tpu.memref_squeeze %dma_wait3A_152 : memref<1x120xi32, #tpu.memory_space<vmem>> -> memref<120xi32, #tpu.memory_space<vmem>>
      %dma_wait3A_154 = arith.constant 0 : i32
      %dma_wait3A_155 = arith.constant 0 : i32
      %dma_wait3A_156 = tpu.memref_slice %arg20[%dma_wait3A_154, %dma_wait3A_155] : memref<10000x64xf32, #tpu.memory_space<vmem_shared>> -> memref<10000x64xf32, #tpu.memory_space<vmem_shared>>
      tpu.wait_indirect_dma semaphore(%arg24 : memref<!tpu.dma_semaphore, #tpu.memory_space<semaphore_mem>>) src(%dma_wait3A_156 : memref<10000x64xf32, #tpu.memory_space<vmem_shared>>) dst(%arg16 : memref<120x64xf32, #tpu.memory_space<vmem>>)
      %dma_start3A_157 = arith.constant 1 : i32
      %dma_start3A_158 = arith.constant 0 : i32
      %dma_start3A_159 = tpu.memref_slice %arg10[%dma_start3A_157, %dma_start3A_158] : memref<2x120xi32, #tpu.memory_space<vmem>> -> memref<1x120xi32, #tpu.memory_space<vmem>>
      %dma_start3A_160 = tpu.memref_squeeze %dma_start3A_159 : memref<1x120xi32, #tpu.memory_space<vmem>> -> memref<120xi32, #tpu.memory_space<vmem>>
      %dma_start3A_161 = arith.constant 0 : i32
      %dma_start3A_162 = arith.constant 0 : i32
      %dma_start3A_163 = tpu.memref_slice %arg19[%dma_start3A_161, %dma_start3A_162] : memref<10240x64xf32, #tpu.memory_space<vmem_shared>> -> memref<10240x64xf32, #tpu.memory_space<vmem_shared>>
      tpu.enqueue_indirect_dma source(%arg16 : memref<120x64xf32, #tpu.memory_space<vmem>>) target(%dma_start3A_163 : memref<10240x64xf32, #tpu.memory_space<vmem_shared>>) offsets(%dma_start3A_160 : memref<120xi32, #tpu.memory_space<vmem>>) semaphore(%arg30 : memref<!tpu.dma_semaphore, #tpu.memory_space<semaphore_mem>>) {add = true}
      %dma_wait3A_164 = arith.constant 0 : i32
      %dma_wait3A_165 = arith.constant 0 : i32
      %dma_wait3A_166 = tpu.memref_slice %arg11[%dma_wait3A_164, %dma_wait3A_165] : memref<2x120xi32, #tpu.memory_space<vmem>> -> memref<1x120xi32, #tpu.memory_space<vmem>>
      %dma_wait3A_167 = tpu.memref_squeeze %dma_wait3A_166 : memref<1x120xi32, #tpu.memory_space<vmem>> -> memref<120xi32, #tpu.memory_space<vmem>>
      %dma_wait3A_168 = arith.constant 0 : i32
      %dma_wait3A_169 = arith.constant 0 : i32
      %dma_wait3A_170 = tpu.memref_slice %arg20[%dma_wait3A_168, %dma_wait3A_169] : memref<10000x64xf32, #tpu.memory_space<vmem_shared>> -> memref<10000x64xf32, #tpu.memory_space<vmem_shared>>
      tpu.wait_indirect_dma semaphore(%arg25 : memref<!tpu.dma_semaphore, #tpu.memory_space<semaphore_mem>>) src(%dma_wait3A_170 : memref<10000x64xf32, #tpu.memory_space<vmem_shared>>) dst(%arg17 : memref<120x64xf32, #tpu.memory_space<vmem>>)
      %dma_start3A_171 = arith.constant 1 : i32
      %dma_start3A_172 = arith.constant 0 : i32
      %dma_start3A_173 = tpu.memref_slice %arg11[%dma_start3A_171, %dma_start3A_172] : memref<2x120xi32, #tpu.memory_space<vmem>> -> memref<1x120xi32, #tpu.memory_space<vmem>>
      %dma_start3A_174 = tpu.memref_squeeze %dma_start3A_173 : memref<1x120xi32, #tpu.memory_space<vmem>> -> memref<120xi32, #tpu.memory_space<vmem>>
      %dma_start3A_175 = arith.constant 0 : i32
      %dma_start3A_176 = arith.constant 0 : i32
      %dma_start3A_177 = tpu.memref_slice %arg19[%dma_start3A_175, %dma_start3A_176] : memref<10240x64xf32, #tpu.memory_space<vmem_shared>> -> memref<10240x64xf32, #tpu.memory_space<vmem_shared>>
      tpu.enqueue_indirect_dma source(%arg17 : memref<120x64xf32, #tpu.memory_space<vmem>>) target(%dma_start3A_177 : memref<10240x64xf32, #tpu.memory_space<vmem_shared>>) offsets(%dma_start3A_174 : memref<120xi32, #tpu.memory_space<vmem>>) semaphore(%arg31 : memref<!tpu.dma_semaphore, #tpu.memory_space<semaphore_mem>>) {add = true}
      %dma_wait3A_178 = arith.constant 0 : i32
      %dma_wait3A_179 = arith.constant 0 : i32
      %dma_wait3A_180 = tpu.memref_slice %arg12[%dma_wait3A_178, %dma_wait3A_179] : memref<2x120xi32, #tpu.memory_space<vmem>> -> memref<1x120xi32, #tpu.memory_space<vmem>>
      %dma_wait3A_181 = tpu.memref_squeeze %dma_wait3A_180 : memref<1x120xi32, #tpu.memory_space<vmem>> -> memref<120xi32, #tpu.memory_space<vmem>>
      %dma_wait3A_182 = arith.constant 0 : i32
      %dma_wait3A_183 = arith.constant 0 : i32
      %dma_wait3A_184 = tpu.memref_slice %arg20[%dma_wait3A_182, %dma_wait3A_183] : memref<10000x64xf32, #tpu.memory_space<vmem_shared>> -> memref<10000x64xf32, #tpu.memory_space<vmem_shared>>
      tpu.wait_indirect_dma semaphore(%arg26 : memref<!tpu.dma_semaphore, #tpu.memory_space<semaphore_mem>>) src(%dma_wait3A_184 : memref<10000x64xf32, #tpu.memory_space<vmem_shared>>) dst(%arg18 : memref<120x64xf32, #tpu.memory_space<vmem>>)
      %dma_start3A_185 = arith.constant 1 : i32
      %dma_start3A_186 = arith.constant 0 : i32
      %dma_start3A_187 = tpu.memref_slice %arg12[%dma_start3A_185, %dma_start3A_186] : memref<2x120xi32, #tpu.memory_space<vmem>> -> memref<1x120xi32, #tpu.memory_space<vmem>>
      %dma_start3A_188 = tpu.memref_squeeze %dma_start3A_187 : memref<1x120xi32, #tpu.memory_space<vmem>> -> memref<120xi32, #tpu.memory_space<vmem>>
      %dma_start3A_189 = arith.constant 0 : i32
      %dma_start3A_190 = arith.constant 0 : i32
      %dma_start3A_191 = tpu.memref_slice %arg19[%dma_start3A_189, %dma_start3A_190] : memref<10240x64xf32, #tpu.memory_space<vmem_shared>> -> memref<10240x64xf32, #tpu.memory_space<vmem_shared>>
      tpu.enqueue_indirect_dma source(%arg18 : memref<120x64xf32, #tpu.memory_space<vmem>>) target(%dma_start3A_191 : memref<10240x64xf32, #tpu.memory_space<vmem_shared>>) offsets(%dma_start3A_188 : memref<120xi32, #tpu.memory_space<vmem>>) semaphore(%arg32 : memref<!tpu.dma_semaphore, #tpu.memory_space<semaphore_mem>>) {add = true}
      %add3A = arith.constant 0 : i32
      %add3A_192 = arith.addi %mul3A_107, %add3A : i32
      %dma_wait3A_193 = arith.constant 1 : i32
      %dma_wait3A_194 = arith.constant 0 : i32
      %dma_wait3A_195 = tpu.memref_slice %arg7[%dma_wait3A_193, %dma_wait3A_194] : memref<2x120xi32, #tpu.memory_space<vmem>> -> memref<1x120xi32, #tpu.memory_space<vmem>>
      %dma_wait3A_196 = tpu.memref_squeeze %dma_wait3A_195 : memref<1x120xi32, #tpu.memory_space<vmem>> -> memref<120xi32, #tpu.memory_space<vmem>>
      %dma_wait3A_197 = arith.constant 0 : i32
      %dma_wait3A_198 = arith.constant 0 : i32
      %dma_wait3A_199 = tpu.memref_slice %arg19[%dma_wait3A_197, %dma_wait3A_198] : memref<10240x64xf32, #tpu.memory_space<vmem_shared>> -> memref<10240x64xf32, #tpu.memory_space<vmem_shared>>
      tpu.wait_indirect_dma semaphore(%arg27 : memref<!tpu.dma_semaphore, #tpu.memory_space<semaphore_mem>>) src(%arg13 : memref<120x64xf32, #tpu.memory_space<vmem>>) dst(%dma_wait3A_199 : memref<10240x64xf32, #tpu.memory_space<vmem_shared>>)
      %add3A_200 = arith.constant 6 : i32
      %add3A_201 = arith.addi %add3A_192, %add3A_200 : i32
      %dma_start3A_202 = arith.constant 0 : i32
      %dma_start3A_203 = arith.constant 0 : i32
      %dma_start3A_204 = tpu.memref_slice %arg4[%arg1, %add3A_201, %dma_start3A_202, %dma_start3A_203] : memref<16x180x2x120xi32, #tpu.memory_space<hbm>> -> memref<1x1x2x120xi32, #tpu.memory_space<hbm>>
      %dma_start3A_205 = tpu.memref_squeeze %dma_start3A_204 : memref<1x1x2x120xi32, #tpu.memory_space<hbm>> -> memref<2x120xi32, #tpu.memory_space<hbm>>
      %dma_start3A_206 = arith.constant 0 : i32
      %dma_start3A_207 = arith.constant 0 : i32
      %dma_start3A_208 = tpu.memref_slice %arg4[%arg1, %add3A_201, %dma_start3A_206, %dma_start3A_207] : memref<16x180x2x120xi32, #tpu.memory_space<hbm>> -> memref<1x1x2x120xi32, #tpu.memory_space<hbm>>
      %dma_start3A_209 = tpu.memref_squeeze %dma_start3A_208 : memref<1x1x2x120xi32, #tpu.memory_space<hbm>> -> memref<2x120xi32, #tpu.memory_space<hbm>>
      tpu.enqueue_dma source(%dma_start3A_209 : memref<2x120xi32, #tpu.memory_space<hbm>>) target(%arg7 : memref<2x120xi32, #tpu.memory_space<vmem>>) target_semaphore(%arg33 : memref<!tpu.dma_semaphore, #tpu.memory_space<semaphore_mem>>)
      %add3A_210 = arith.constant 1 : i32
      %add3A_211 = arith.addi %mul3A_107, %add3A_210 : i32
      %dma_wait3A_212 = arith.constant 1 : i32
      %dma_wait3A_213 = arith.constant 0 : i32
      %dma_wait3A_214 = tpu.memref_slice %arg8[%dma_wait3A_212, %dma_wait3A_213] : memref<2x120xi32, #tpu.memory_space<vmem>> -> memref<1x120xi32, #tpu.memory_space<vmem>>
      %dma_wait3A_215 = tpu.memref_squeeze %dma_wait3A_214 : memref<1x120xi32, #tpu.memory_space<vmem>> -> memref<120xi32, #tpu.memory_space<vmem>>
      %dma_wait3A_216 = arith.constant 0 : i32
      %dma_wait3A_217 = arith.constant 0 : i32
      %dma_wait3A_218 = tpu.memref_slice %arg19[%dma_wait3A_216, %dma_wait3A_217] : memref<10240x64xf32, #tpu.memory_space<vmem_shared>> -> memref<10240x64xf32, #tpu.memory_space<vmem_shared>>
      tpu.wait_indirect_dma semaphore(%arg28 : memref<!tpu.dma_semaphore, #tpu.memory_space<semaphore_mem>>) src(%arg14 : memref<120x64xf32, #tpu.memory_space<vmem>>) dst(%dma_wait3A_218 : memref<10240x64xf32, #tpu.memory_space<vmem_shared>>)
      %add3A_219 = arith.constant 6 : i32
      %add3A_220 = arith.addi %add3A_211, %add3A_219 : i32
      %dma_start3A_221 = arith.constant 0 : i32
      %dma_start3A_222 = arith.constant 0 : i32
      %dma_start3A_223 = tpu.memref_slice %arg4[%arg1, %add3A_220, %dma_start3A_221, %dma_start3A_222] : memref<16x180x2x120xi32, #tpu.memory_space<hbm>> -> memref<1x1x2x120xi32, #tpu.memory_space<hbm>>
      %dma_start3A_224 = tpu.memref_squeeze %dma_start3A_223 : memref<1x1x2x120xi32, #tpu.memory_space<hbm>> -> memref<2x120xi32, #tpu.memory_space<hbm>>
      %dma_start3A_225 = arith.constant 0 : i32
      %dma_start3A_226 = arith.constant 0 : i32
      %dma_start3A_227 = tpu.memref_slice %arg4[%arg1, %add3A_220, %dma_start3A_225, %dma_start3A_226] : memref<16x180x2x120xi32, #tpu.memory_space<hbm>> -> memref<1x1x2x120xi32, #tpu.memory_space<hbm>>
      %dma_start3A_228 = tpu.memref_squeeze %dma_start3A_227 : memref<1x1x2x120xi32, #tpu.memory_space<hbm>> -> memref<2x120xi32, #tpu.memory_space<hbm>>
      tpu.enqueue_dma source(%dma_start3A_228 : memref<2x120xi32, #tpu.memory_space<hbm>>) target(%arg8 : memref<2x120xi32, #tpu.memory_space<vmem>>) target_semaphore(%arg34 : memref<!tpu.dma_semaphore, #tpu.memory_space<semaphore_mem>>)
      %add3A_229 = arith.constant 2 : i32
      %add3A_230 = arith.addi %mul3A_107, %add3A_229 : i32
      %dma_wait3A_231 = arith.constant 1 : i32
      %dma_wait3A_232 = arith.constant 0 : i32
      %dma_wait3A_233 = tpu.memref_slice %arg9[%dma_wait3A_231, %dma_wait3A_232] : memref<2x120xi32, #tpu.memory_space<vmem>> -> memref<1x120xi32, #tpu.memory_space<vmem>>
      %dma_wait3A_234 = tpu.memref_squeeze %dma_wait3A_233 : memref<1x120xi32, #tpu.memory_space<vmem>> -> memref<120xi32, #tpu.memory_space<vmem>>
      %dma_wait3A_235 = arith.constant 0 : i32
      %dma_wait3A_236 = arith.constant 0 : i32
      %dma_wait3A_237 = tpu.memref_slice %arg19[%dma_wait3A_235, %dma_wait3A_236] : memref<10240x64xf32, #tpu.memory_space<vmem_shared>> -> memref<10240x64xf32, #tpu.memory_space<vmem_shared>>
      tpu.wait_indirect_dma semaphore(%arg29 : memref<!tpu.dma_semaphore, #tpu.memory_space<semaphore_mem>>) src(%arg15 : memref<120x64xf32, #tpu.memory_space<vmem>>) dst(%dma_wait3A_237 : memref<10240x64xf32, #tpu.memory_space<vmem_shared>>)
      %add3A_238 = arith.constant 6 : i32
      %add3A_239 = arith.addi %add3A_230, %add3A_238 : i32
      %dma_start3A_240 = arith.constant 0 : i32
      %dma_start3A_241 = arith.constant 0 : i32
      %dma_start3A_242 = tpu.memref_slice %arg4[%arg1, %add3A_239, %dma_start3A_240, %dma_start3A_241] : memref<16x180x2x120xi32, #tpu.memory_space<hbm>> -> memref<1x1x2x120xi32, #tpu.memory_space<hbm>>
      %dma_start3A_243 = tpu.memref_squeeze %dma_start3A_242 : memref<1x1x2x120xi32, #tpu.memory_space<hbm>> -> memref<2x120xi32, #tpu.memory_space<hbm>>
      %dma_start3A_244 = arith.constant 0 : i32
      %dma_start3A_245 = arith.constant 0 : i32
      %dma_start3A_246 = tpu.memref_slice %arg4[%arg1, %add3A_239, %dma_start3A_244, %dma_start3A_245] : memref<16x180x2x120xi32, #tpu.memory_space<hbm>> -> memref<1x1x2x120xi32, #tpu.memory_space<hbm>>
      %dma_start3A_247 = tpu.memref_squeeze %dma_start3A_246 : memref<1x1x2x120xi32, #tpu.memory_space<hbm>> -> memref<2x120xi32, #tpu.memory_space<hbm>>
      tpu.enqueue_dma source(%dma_start3A_247 : memref<2x120xi32, #tpu.memory_space<hbm>>) target(%arg9 : memref<2x120xi32, #tpu.memory_space<vmem>>) target_semaphore(%arg35 : memref<!tpu.dma_semaphore, #tpu.memory_space<semaphore_mem>>)
      %add3A_248 = arith.constant 3 : i32
      %add3A_249 = arith.addi %mul3A_107, %add3A_248 : i32
      %dma_wait3A_250 = arith.constant 1 : i32
      %dma_wait3A_251 = arith.constant 0 : i32
      %dma_wait3A_252 = tpu.memref_slice %arg10[%dma_wait3A_250, %dma_wait3A_251] : memref<2x120xi32, #tpu.memory_space<vmem>> -> memref<1x120xi32, #tpu.memory_space<vmem>>
      %dma_wait3A_253 = tpu.memref_squeeze %dma_wait3A_252 : memref<1x120xi32, #tpu.memory_space<vmem>> -> memref<120xi32, #tpu.memory_space<vmem>>
      %dma_wait3A_254 = arith.constant 0 : i32
      %dma_wait3A_255 = arith.constant 0 : i32
      %dma_wait3A_256 = tpu.memref_slice %arg19[%dma_wait3A_254, %dma_wait3A_255] : memref<10240x64xf32, #tpu.memory_space<vmem_shared>> -> memref<10240x64xf32, #tpu.memory_space<vmem_shared>>
      tpu.wait_indirect_dma semaphore(%arg30 : memref<!tpu.dma_semaphore, #tpu.memory_space<semaphore_mem>>) src(%arg16 : memref<120x64xf32, #tpu.memory_space<vmem>>) dst(%dma_wait3A_256 : memref<10240x64xf32, #tpu.memory_space<vmem_shared>>)
      %add3A_257 = arith.constant 6 : i32
      %add3A_258 = arith.addi %add3A_249, %add3A_257 : i32
      %dma_start3A_259 = arith.constant 0 : i32
      %dma_start3A_260 = arith.constant 0 : i32
      %dma_start3A_261 = tpu.memref_slice %arg4[%arg1, %add3A_258, %dma_start3A_259, %dma_start3A_260] : memref<16x180x2x120xi32, #tpu.memory_space<hbm>> -> memref<1x1x2x120xi32, #tpu.memory_space<hbm>>
      %dma_start3A_262 = tpu.memref_squeeze %dma_start3A_261 : memref<1x1x2x120xi32, #tpu.memory_space<hbm>> -> memref<2x120xi32, #tpu.memory_space<hbm>>
      %dma_start3A_263 = arith.constant 0 : i32
      %dma_start3A_264 = arith.constant 0 : i32
      %dma_start3A_265 = tpu.memref_slice %arg4[%arg1, %add3A_258, %dma_start3A_263, %dma_start3A_264] : memref<16x180x2x120xi32, #tpu.memory_space<hbm>> -> memref<1x1x2x120xi32, #tpu.memory_space<hbm>>
      %dma_start3A_266 = tpu.memref_squeeze %dma_start3A_265 : memref<1x1x2x120xi32, #tpu.memory_space<hbm>> -> memref<2x120xi32, #tpu.memory_space<hbm>>
      tpu.enqueue_dma source(%dma_start3A_266 : memref<2x120xi32, #tpu.memory_space<hbm>>) target(%arg10 : memref<2x120xi32, #tpu.memory_space<vmem>>) target_semaphore(%arg36 : memref<!tpu.dma_semaphore, #tpu.memory_space<semaphore_mem>>)
      %add3A_267 = arith.constant 4 : i32
      %add3A_268 = arith.addi %mul3A_107, %add3A_267 : i32
      %dma_wait3A_269 = arith.constant 1 : i32
      %dma_wait3A_270 = arith.constant 0 : i32
      %dma_wait3A_271 = tpu.memref_slice %arg11[%dma_wait3A_269, %dma_wait3A_270] : memref<2x120xi32, #tpu.memory_space<vmem>> -> memref<1x120xi32, #tpu.memory_space<vmem>>
      %dma_wait3A_272 = tpu.memref_squeeze %dma_wait3A_271 : memref<1x120xi32, #tpu.memory_space<vmem>> -> memref<120xi32, #tpu.memory_space<vmem>>
      %dma_wait3A_273 = arith.constant 0 : i32
      %dma_wait3A_274 = arith.constant 0 : i32
      %dma_wait3A_275 = tpu.memref_slice %arg19[%dma_wait3A_273, %dma_wait3A_274] : memref<10240x64xf32, #tpu.memory_space<vmem_shared>> -> memref<10240x64xf32, #tpu.memory_space<vmem_shared>>
      tpu.wait_indirect_dma semaphore(%arg31 : memref<!tpu.dma_semaphore, #tpu.memory_space<semaphore_mem>>) src(%arg17 : memref<120x64xf32, #tpu.memory_space<vmem>>) dst(%dma_wait3A_275 : memref<10240x64xf32, #tpu.memory_space<vmem_shared>>)
      %add3A_276 = arith.constant 6 : i32
      %add3A_277 = arith.addi %add3A_268, %add3A_276 : i32
      %dma_start3A_278 = arith.constant 0 : i32
      %dma_start3A_279 = arith.constant 0 : i32
      %dma_start3A_280 = tpu.memref_slice %arg4[%arg1, %add3A_277, %dma_start3A_278, %dma_start3A_279] : memref<16x180x2x120xi32, #tpu.memory_space<hbm>> -> memref<1x1x2x120xi32, #tpu.memory_space<hbm>>
      %dma_start3A_281 = tpu.memref_squeeze %dma_start3A_280 : memref<1x1x2x120xi32, #tpu.memory_space<hbm>> -> memref<2x120xi32, #tpu.memory_space<hbm>>
      %dma_start3A_282 = arith.constant 0 : i32
      %dma_start3A_283 = arith.constant 0 : i32
      %dma_start3A_284 = tpu.memref_slice %arg4[%arg1, %add3A_277, %dma_start3A_282, %dma_start3A_283] : memref<16x180x2x120xi32, #tpu.memory_space<hbm>> -> memref<1x1x2x120xi32, #tpu.memory_space<hbm>>
      %dma_start3A_285 = tpu.memref_squeeze %dma_start3A_284 : memref<1x1x2x120xi32, #tpu.memory_space<hbm>> -> memref<2x120xi32, #tpu.memory_space<hbm>>
      tpu.enqueue_dma source(%dma_start3A_285 : memref<2x120xi32, #tpu.memory_space<hbm>>) target(%arg11 : memref<2x120xi32, #tpu.memory_space<vmem>>) target_semaphore(%arg37 : memref<!tpu.dma_semaphore, #tpu.memory_space<semaphore_mem>>)
      %add3A_286 = arith.constant 5 : i32
      %add3A_287 = arith.addi %mul3A_107, %add3A_286 : i32
      %dma_wait3A_288 = arith.constant 1 : i32
      %dma_wait3A_289 = arith.constant 0 : i32
      %dma_wait3A_290 = tpu.memref_slice %arg12[%dma_wait3A_288, %dma_wait3A_289] : memref<2x120xi32, #tpu.memory_space<vmem>> -> memref<1x120xi32, #tpu.memory_space<vmem>>
      %dma_wait3A_291 = tpu.memref_squeeze %dma_wait3A_290 : memref<1x120xi32, #tpu.memory_space<vmem>> -> memref<120xi32, #tpu.memory_space<vmem>>
      %dma_wait3A_292 = arith.constant 0 : i32
      %dma_wait3A_293 = arith.constant 0 : i32
      %dma_wait3A_294 = tpu.memref_slice %arg19[%dma_wait3A_292, %dma_wait3A_293] : memref<10240x64xf32, #tpu.memory_space<vmem_shared>> -> memref<10240x64xf32, #tpu.memory_space<vmem_shared>>
      tpu.wait_indirect_dma semaphore(%arg32 : memref<!tpu.dma_semaphore, #tpu.memory_space<semaphore_mem>>) src(%arg18 : memref<120x64xf32, #tpu.memory_space<vmem>>) dst(%dma_wait3A_294 : memref<10240x64xf32, #tpu.memory_space<vmem_shared>>)
      %add3A_295 = arith.constant 6 : i32
      %add3A_296 = arith.addi %add3A_287, %add3A_295 : i32
      %dma_start3A_297 = arith.constant 0 : i32
      %dma_start3A_298 = arith.constant 0 : i32
      %dma_start3A_299 = tpu.memref_slice %arg4[%arg1, %add3A_296, %dma_start3A_297, %dma_start3A_298] : memref<16x180x2x120xi32, #tpu.memory_space<hbm>> -> memref<1x1x2x120xi32, #tpu.memory_space<hbm>>
      %dma_start3A_300 = tpu.memref_squeeze %dma_start3A_299 : memref<1x1x2x120xi32, #tpu.memory_space<hbm>> -> memref<2x120xi32, #tpu.memory_space<hbm>>
      %dma_start3A_301 = arith.constant 0 : i32
      %dma_start3A_302 = arith.constant 0 : i32
      %dma_start3A_303 = tpu.memref_slice %arg4[%arg1, %add3A_296, %dma_start3A_301, %dma_start3A_302] : memref<16x180x2x120xi32, #tpu.memory_space<hbm>> -> memref<1x1x2x120xi32, #tpu.memory_space<hbm>>
      %dma_start3A_304 = tpu.memref_squeeze %dma_start3A_303 : memref<1x1x2x120xi32, #tpu.memory_space<hbm>> -> memref<2x120xi32, #tpu.memory_space<hbm>>
      tpu.enqueue_dma source(%dma_start3A_304 : memref<2x120xi32, #tpu.memory_space<hbm>>) target(%arg12 : memref<2x120xi32, #tpu.memory_space<vmem>>) target_semaphore(%arg38 : memref<!tpu.dma_semaphore, #tpu.memory_space<semaphore_mem>>)
      %add3A_305 = arith.constant 0 : i32
      %add3A_306 = arith.addi %mul3A_107, %add3A_305 : i32
      %add3A_307 = arith.constant 6 : i32
      %add3A_308 = arith.addi %add3A_306, %add3A_307 : i32
      %dma_wait3A_309 = arith.constant 0 : i32
      %dma_wait3A_310 = arith.constant 0 : i32
      %dma_wait3A_311 = tpu.memref_slice %arg4[%arg1, %add3A_308, %dma_wait3A_309, %dma_wait3A_310] : memref<16x180x2x120xi32, #tpu.memory_space<hbm>> -> memref<1x1x2x120xi32, #tpu.memory_space<hbm>>
      %dma_wait3A_312 = tpu.memref_squeeze %dma_wait3A_311 : memref<1x1x2x120xi32, #tpu.memory_space<hbm>> -> memref<2x120xi32, #tpu.memory_space<hbm>>
      %dma_wait3A_313 = arith.constant 0 : i32
      %dma_wait3A_314 = arith.constant 0 : i32
      %dma_wait3A_315 = tpu.memref_slice %arg4[%arg1, %add3A_308, %dma_wait3A_313, %dma_wait3A_314] : memref<16x180x2x120xi32, #tpu.memory_space<hbm>> -> memref<1x1x2x120xi32, #tpu.memory_space<hbm>>
      %dma_wait3A_316 = tpu.memref_squeeze %dma_wait3A_315 : memref<1x1x2x120xi32, #tpu.memory_space<hbm>> -> memref<2x120xi32, #tpu.memory_space<hbm>>
      tpu.wait_dma2 semaphore(%arg33 : memref<!tpu.dma_semaphore, #tpu.memory_space<semaphore_mem>>) src(%dma_wait3A_316 : memref<2x120xi32, #tpu.memory_space<hbm>>) dst(%arg7 : memref<2x120xi32, #tpu.memory_space<vmem>>)
      %dma_start3A_317 = arith.constant 0 : i32
      %dma_start3A_318 = arith.constant 0 : i32
      %dma_start3A_319 = tpu.memref_slice %arg7[%dma_start3A_317, %dma_start3A_318] : memref<2x120xi32, #tpu.memory_space<vmem>> -> memref<1x120xi32, #tpu.memory_space<vmem>>
      %dma_start3A_320 = tpu.memref_squeeze %dma_start3A_319 : memref<1x120xi32, #tpu.memory_space<vmem>> -> memref<120xi32, #tpu.memory_space<vmem>>
      %dma_start3A_321 = arith.constant 0 : i32
      %dma_start3A_322 = arith.constant 0 : i32
      %dma_start3A_323 = tpu.memref_slice %arg20[%dma_start3A_321, %dma_start3A_322] : memref<10000x64xf32, #tpu.memory_space<vmem_shared>> -> memref<10000x64xf32, #tpu.memory_space<vmem_shared>>
      tpu.enqueue_indirect_dma source(%dma_start3A_323 : memref<10000x64xf32, #tpu.memory_space<vmem_shared>>) target(%arg13 : memref<120x64xf32, #tpu.memory_space<vmem>>) offsets(%dma_start3A_320 : memref<120xi32, #tpu.memory_space<vmem>>) semaphore(%arg21 : memref<!tpu.dma_semaphore, #tpu.memory_space<semaphore_mem>>)
      %add3A_324 = arith.constant 1 : i32
      %add3A_325 = arith.addi %mul3A_107, %add3A_324 : i32
      %add3A_326 = arith.constant 6 : i32
      %add3A_327 = arith.addi %add3A_325, %add3A_326 : i32
      %dma_wait3A_328 = arith.constant 0 : i32
      %dma_wait3A_329 = arith.constant 0 : i32
      %dma_wait3A_330 = tpu.memref_slice %arg4[%arg1, %add3A_327, %dma_wait3A_328, %dma_wait3A_329] : memref<16x180x2x120xi32, #tpu.memory_space<hbm>> -> memref<1x1x2x120xi32, #tpu.memory_space<hbm>>
      %dma_wait3A_331 = tpu.memref_squeeze %dma_wait3A_330 : memref<1x1x2x120xi32, #tpu.memory_space<hbm>> -> memref<2x120xi32, #tpu.memory_space<hbm>>
      %dma_wait3A_332 = arith.constant 0 : i32
      %dma_wait3A_333 = arith.constant 0 : i32
      %dma_wait3A_334 = tpu.memref_slice %arg4[%arg1, %add3A_327, %dma_wait3A_332, %dma_wait3A_333] : memref<16x180x2x120xi32, #tpu.memory_space<hbm>> -> memref<1x1x2x120xi32, #tpu.memory_space<hbm>>
      %dma_wait3A_335 = tpu.memref_squeeze %dma_wait3A_334 : memref<1x1x2x120xi32, #tpu.memory_space<hbm>> -> memref<2x120xi32, #tpu.memory_space<hbm>>
      tpu.wait_dma2 semaphore(%arg34 : memref<!tpu.dma_semaphore, #tpu.memory_space<semaphore_mem>>) src(%dma_wait3A_335 : memref<2x120xi32, #tpu.memory_space<hbm>>) dst(%arg8 : memref<2x120xi32, #tpu.memory_space<vmem>>)
      %dma_start3A_336 = arith.constant 0 : i32
      %dma_start3A_337 = arith.constant 0 : i32
      %dma_start3A_338 = tpu.memref_slice %arg8[%dma_start3A_336, %dma_start3A_337] : memref<2x120xi32, #tpu.memory_space<vmem>> -> memref<1x120xi32, #tpu.memory_space<vmem>>
      %dma_start3A_339 = tpu.memref_squeeze %dma_start3A_338 : memref<1x120xi32, #tpu.memory_space<vmem>> -> memref<120xi32, #tpu.memory_space<vmem>>
      %dma_start3A_340 = arith.constant 0 : i32
      %dma_start3A_341 = arith.constant 0 : i32
      %dma_start3A_342 = tpu.memref_slice %arg20[%dma_start3A_340, %dma_start3A_341] : memref<10000x64xf32, #tpu.memory_space<vmem_shared>> -> memref<10000x64xf32, #tpu.memory_space<vmem_shared>>
      tpu.enqueue_indirect_dma source(%dma_start3A_342 : memref<10000x64xf32, #tpu.memory_space<vmem_shared>>) target(%arg14 : memref<120x64xf32, #tpu.memory_space<vmem>>) offsets(%dma_start3A_339 : memref<120xi32, #tpu.memory_space<vmem>>) semaphore(%arg22 : memref<!tpu.dma_semaphore, #tpu.memory_space<semaphore_mem>>)
      %add3A_343 = arith.constant 2 : i32
      %add3A_344 = arith.addi %mul3A_107, %add3A_343 : i32
      %add3A_345 = arith.constant 6 : i32
      %add3A_346 = arith.addi %add3A_344, %add3A_345 : i32
      %dma_wait3A_347 = arith.constant 0 : i32
      %dma_wait3A_348 = arith.constant 0 : i32
      %dma_wait3A_349 = tpu.memref_slice %arg4[%arg1, %add3A_346, %dma_wait3A_347, %dma_wait3A_348] : memref<16x180x2x120xi32, #tpu.memory_space<hbm>> -> memref<1x1x2x120xi32, #tpu.memory_space<hbm>>
      %dma_wait3A_350 = tpu.memref_squeeze %dma_wait3A_349 : memref<1x1x2x120xi32, #tpu.memory_space<hbm>> -> memref<2x120xi32, #tpu.memory_space<hbm>>
      %dma_wait3A_351 = arith.constant 0 : i32
      %dma_wait3A_352 = arith.constant 0 : i32
      %dma_wait3A_353 = tpu.memref_slice %arg4[%arg1, %add3A_346, %dma_wait3A_351, %dma_wait3A_352] : memref<16x180x2x120xi32, #tpu.memory_space<hbm>> -> memref<1x1x2x120xi32, #tpu.memory_space<hbm>>
      %dma_wait3A_354 = tpu.memref_squeeze %dma_wait3A_353 : memref<1x1x2x120xi32, #tpu.memory_space<hbm>> -> memref<2x120xi32, #tpu.memory_space<hbm>>
      tpu.wait_dma2 semaphore(%arg35 : memref<!tpu.dma_semaphore, #tpu.memory_space<semaphore_mem>>) src(%dma_wait3A_354 : memref<2x120xi32, #tpu.memory_space<hbm>>) dst(%arg9 : memref<2x120xi32, #tpu.memory_space<vmem>>)
      %dma_start3A_355 = arith.constant 0 : i32
      %dma_start3A_356 = arith.constant 0 : i32
      %dma_start3A_357 = tpu.memref_slice %arg9[%dma_start3A_355, %dma_start3A_356] : memref<2x120xi32, #tpu.memory_space<vmem>> -> memref<1x120xi32, #tpu.memory_space<vmem>>
      %dma_start3A_358 = tpu.memref_squeeze %dma_start3A_357 : memref<1x120xi32, #tpu.memory_space<vmem>> -> memref<120xi32, #tpu.memory_space<vmem>>
      %dma_start3A_359 = arith.constant 0 : i32
      %dma_start3A_360 = arith.constant 0 : i32
      %dma_start3A_361 = tpu.memref_slice %arg20[%dma_start3A_359, %dma_start3A_360] : memref<10000x64xf32, #tpu.memory_space<vmem_shared>> -> memref<10000x64xf32, #tpu.memory_space<vmem_shared>>
      tpu.enqueue_indirect_dma source(%dma_start3A_361 : memref<10000x64xf32, #tpu.memory_space<vmem_shared>>) target(%arg15 : memref<120x64xf32, #tpu.memory_space<vmem>>) offsets(%dma_start3A_358 : memref<120xi32, #tpu.memory_space<vmem>>) semaphore(%arg23 : memref<!tpu.dma_semaphore, #tpu.memory_space<semaphore_mem>>)
      %add3A_362 = arith.constant 3 : i32
      %add3A_363 = arith.addi %mul3A_107, %add3A_362 : i32
      %add3A_364 = arith.constant 6 : i32
      %add3A_365 = arith.addi %add3A_363, %add3A_364 : i32
      %dma_wait3A_366 = arith.constant 0 : i32
      %dma_wait3A_367 = arith.constant 0 : i32
      %dma_wait3A_368 = tpu.memref_slice %arg4[%arg1, %add3A_365, %dma_wait3A_366, %dma_wait3A_367] : memref<16x180x2x120xi32, #tpu.memory_space<hbm>> -> memref<1x1x2x120xi32, #tpu.memory_space<hbm>>
      %dma_wait3A_369 = tpu.memref_squeeze %dma_wait3A_368 : memref<1x1x2x120xi32, #tpu.memory_space<hbm>> -> memref<2x120xi32, #tpu.memory_space<hbm>>
      %dma_wait3A_370 = arith.constant 0 : i32
      %dma_wait3A_371 = arith.constant 0 : i32
      %dma_wait3A_372 = tpu.memref_slice %arg4[%arg1, %add3A_365, %dma_wait3A_370, %dma_wait3A_371] : memref<16x180x2x120xi32, #tpu.memory_space<hbm>> -> memref<1x1x2x120xi32, #tpu.memory_space<hbm>>
      %dma_wait3A_373 = tpu.memref_squeeze %dma_wait3A_372 : memref<1x1x2x120xi32, #tpu.memory_space<hbm>> -> memref<2x120xi32, #tpu.memory_space<hbm>>
      tpu.wait_dma2 semaphore(%arg36 : memref<!tpu.dma_semaphore, #tpu.memory_space<semaphore_mem>>) src(%dma_wait3A_373 : memref<2x120xi32, #tpu.memory_space<hbm>>) dst(%arg10 : memref<2x120xi32, #tpu.memory_space<vmem>>)
      %dma_start3A_374 = arith.constant 0 : i32
      %dma_start3A_375 = arith.constant 0 : i32
      %dma_start3A_376 = tpu.memref_slice %arg10[%dma_start3A_374, %dma_start3A_375] : memref<2x120xi32, #tpu.memory_space<vmem>> -> memref<1x120xi32, #tpu.memory_space<vmem>>
      %dma_start3A_377 = tpu.memref_squeeze %dma_start3A_376 : memref<1x120xi32, #tpu.memory_space<vmem>> -> memref<120xi32, #tpu.memory_space<vmem>>
      %dma_start3A_378 = arith.constant 0 : i32
      %dma_start3A_379 = arith.constant 0 : i32
      %dma_start3A_380 = tpu.memref_slice %arg20[%dma_start3A_378, %dma_start3A_379] : memref<10000x64xf32, #tpu.memory_space<vmem_shared>> -> memref<10000x64xf32, #tpu.memory_space<vmem_shared>>
      tpu.enqueue_indirect_dma source(%dma_start3A_380 : memref<10000x64xf32, #tpu.memory_space<vmem_shared>>) target(%arg16 : memref<120x64xf32, #tpu.memory_space<vmem>>) offsets(%dma_start3A_377 : memref<120xi32, #tpu.memory_space<vmem>>) semaphore(%arg24 : memref<!tpu.dma_semaphore, #tpu.memory_space<semaphore_mem>>)
      %add3A_381 = arith.constant 4 : i32
      %add3A_382 = arith.addi %mul3A_107, %add3A_381 : i32
      %add3A_383 = arith.constant 6 : i32
      %add3A_384 = arith.addi %add3A_382, %add3A_383 : i32
      %dma_wait3A_385 = arith.constant 0 : i32
      %dma_wait3A_386 = arith.constant 0 : i32
      %dma_wait3A_387 = tpu.memref_slice %arg4[%arg1, %add3A_384, %dma_wait3A_385, %dma_wait3A_386] : memref<16x180x2x120xi32, #tpu.memory_space<hbm>> -> memref<1x1x2x120xi32, #tpu.memory_space<hbm>>
      %dma_wait3A_388 = tpu.memref_squeeze %dma_wait3A_387 : memref<1x1x2x120xi32, #tpu.memory_space<hbm>> -> memref<2x120xi32, #tpu.memory_space<hbm>>
      %dma_wait3A_389 = arith.constant 0 : i32
      %dma_wait3A_390 = arith.constant 0 : i32
      %dma_wait3A_391 = tpu.memref_slice %arg4[%arg1, %add3A_384, %dma_wait3A_389, %dma_wait3A_390] : memref<16x180x2x120xi32, #tpu.memory_space<hbm>> -> memref<1x1x2x120xi32, #tpu.memory_space<hbm>>
      %dma_wait3A_392 = tpu.memref_squeeze %dma_wait3A_391 : memref<1x1x2x120xi32, #tpu.memory_space<hbm>> -> memref<2x120xi32, #tpu.memory_space<hbm>>
      tpu.wait_dma2 semaphore(%arg37 : memref<!tpu.dma_semaphore, #tpu.memory_space<semaphore_mem>>) src(%dma_wait3A_392 : memref<2x120xi32, #tpu.memory_space<hbm>>) dst(%arg11 : memref<2x120xi32, #tpu.memory_space<vmem>>)
      %dma_start3A_393 = arith.constant 0 : i32
      %dma_start3A_394 = arith.constant 0 : i32
      %dma_start3A_395 = tpu.memref_slice %arg11[%dma_start3A_393, %dma_start3A_394] : memref<2x120xi32, #tpu.memory_space<vmem>> -> memref<1x120xi32, #tpu.memory_space<vmem>>
      %dma_start3A_396 = tpu.memref_squeeze %dma_start3A_395 : memref<1x120xi32, #tpu.memory_space<vmem>> -> memref<120xi32, #tpu.memory_space<vmem>>
      %dma_start3A_397 = arith.constant 0 : i32
      %dma_start3A_398 = arith.constant 0 : i32
      %dma_start3A_399 = tpu.memref_slice %arg20[%dma_start3A_397, %dma_start3A_398] : memref<10000x64xf32, #tpu.memory_space<vmem_shared>> -> memref<10000x64xf32, #tpu.memory_space<vmem_shared>>
      tpu.enqueue_indirect_dma source(%dma_start3A_399 : memref<10000x64xf32, #tpu.memory_space<vmem_shared>>) target(%arg17 : memref<120x64xf32, #tpu.memory_space<vmem>>) offsets(%dma_start3A_396 : memref<120xi32, #tpu.memory_space<vmem>>) semaphore(%arg25 : memref<!tpu.dma_semaphore, #tpu.memory_space<semaphore_mem>>)
      %add3A_400 = arith.constant 5 : i32
      %add3A_401 = arith.addi %mul3A_107, %add3A_400 : i32
      %add3A_402 = arith.constant 6 : i32
      %add3A_403 = arith.addi %add3A_401, %add3A_402 : i32
      %dma_wait3A_404 = arith.constant 0 : i32
      %dma_wait3A_405 = arith.constant 0 : i32
      %dma_wait3A_406 = tpu.memref_slice %arg4[%arg1, %add3A_403, %dma_wait3A_404, %dma_wait3A_405] : memref<16x180x2x120xi32, #tpu.memory_space<hbm>> -> memref<1x1x2x120xi32, #tpu.memory_space<hbm>>
      %dma_wait3A_407 = tpu.memref_squeeze %dma_wait3A_406 : memref<1x1x2x120xi32, #tpu.memory_space<hbm>> -> memref<2x120xi32, #tpu.memory_space<hbm>>
      %dma_wait3A_408 = arith.constant 0 : i32
      %dma_wait3A_409 = arith.constant 0 : i32
      %dma_wait3A_410 = tpu.memref_slice %arg4[%arg1, %add3A_403, %dma_wait3A_408, %dma_wait3A_409] : memref<16x180x2x120xi32, #tpu.memory_space<hbm>> -> memref<1x1x2x120xi32, #tpu.memory_space<hbm>>
      %dma_wait3A_411 = tpu.memref_squeeze %dma_wait3A_410 : memref<1x1x2x120xi32, #tpu.memory_space<hbm>> -> memref<2x120xi32, #tpu.memory_space<hbm>>
      tpu.wait_dma2 semaphore(%arg38 : memref<!tpu.dma_semaphore, #tpu.memory_space<semaphore_mem>>) src(%dma_wait3A_411 : memref<2x120xi32, #tpu.memory_space<hbm>>) dst(%arg12 : memref<2x120xi32, #tpu.memory_space<vmem>>)
      %dma_start3A_412 = arith.constant 0 : i32
      %dma_start3A_413 = arith.constant 0 : i32
      %dma_start3A_414 = tpu.memref_slice %arg12[%dma_start3A_412, %dma_start3A_413] : memref<2x120xi32, #tpu.memory_space<vmem>> -> memref<1x120xi32, #tpu.memory_space<vmem>>
      %dma_start3A_415 = tpu.memref_squeeze %dma_start3A_414 : memref<1x120xi32, #tpu.memory_space<vmem>> -> memref<120xi32, #tpu.memory_space<vmem>>
      %dma_start3A_416 = arith.constant 0 : i32
      %dma_start3A_417 = arith.constant 0 : i32
      %dma_start3A_418 = tpu.memref_slice %arg20[%dma_start3A_416, %dma_start3A_417] : memref<10000x64xf32, #tpu.memory_space<vmem_shared>> -> memref<10000x64xf32, #tpu.memory_space<vmem_shared>>
      tpu.enqueue_indirect_dma source(%dma_start3A_418 : memref<10000x64xf32, #tpu.memory_space<vmem_shared>>) target(%arg18 : memref<120x64xf32, #tpu.memory_space<vmem>>) offsets(%dma_start3A_415 : memref<120xi32, #tpu.memory_space<vmem>>) semaphore(%arg26 : memref<!tpu.dma_semaphore, #tpu.memory_space<semaphore_mem>>)
    }
    %scan3A_58 = arith.constant 29 : i32
    %dma_wait3A = arith.constant 0 : i32
    %dma_wait3A_59 = arith.constant 0 : i32
    %dma_wait3A_60 = tpu.memref_slice %arg7[%dma_wait3A, %dma_wait3A_59] : memref<2x120xi32, #tpu.memory_space<vmem>> -> memref<1x120xi32, #tpu.memory_space<vmem>>
    %dma_wait3A_61 = tpu.memref_squeeze %dma_wait3A_60 : memref<1x120xi32, #tpu.memory_space<vmem>> -> memref<120xi32, #tpu.memory_space<vmem>>
    %dma_wait3A_62 = arith.constant 0 : i32
    %dma_wait3A_63 = arith.constant 0 : i32
    %dma_wait3A_64 = tpu.memref_slice %arg20[%dma_wait3A_62, %dma_wait3A_63] : memref<10000x64xf32, #tpu.memory_space<vmem_shared>> -> memref<10000x64xf32, #tpu.memory_space<vmem_shared>>
    tpu.wait_indirect_dma semaphore(%arg21 : memref<!tpu.dma_semaphore, #tpu.memory_space<semaphore_mem>>) src(%dma_wait3A_64 : memref<10000x64xf32, #tpu.memory_space<vmem_shared>>) dst(%arg13 : memref<120x64xf32, #tpu.memory_space<vmem>>)
    %dma_wait3A_65 = arith.constant 0 : i32
    %dma_wait3A_66 = arith.constant 0 : i32
    %dma_wait3A_67 = tpu.memref_slice %arg8[%dma_wait3A_65, %dma_wait3A_66] : memref<2x120xi32, #tpu.memory_space<vmem>> -> memref<1x120xi32, #tpu.memory_space<vmem>>
    %dma_wait3A_68 = tpu.memref_squeeze %dma_wait3A_67 : memref<1x120xi32, #tpu.memory_space<vmem>> -> memref<120xi32, #tpu.memory_space<vmem>>
    %dma_wait3A_69 = arith.constant 0 : i32
    %dma_wait3A_70 = arith.constant 0 : i32
    %dma_wait3A_71 = tpu.memref_slice %arg20[%dma_wait3A_69, %dma_wait3A_70] : memref<10000x64xf32, #tpu.memory_space<vmem_shared>> -> memref<10000x64xf32, #tpu.memory_space<vmem_shared>>
    tpu.wait_indirect_dma semaphore(%arg22 : memref<!tpu.dma_semaphore, #tpu.memory_space<semaphore_mem>>) src(%dma_wait3A_71 : memref<10000x64xf32, #tpu.memory_space<vmem_shared>>) dst(%arg14 : memref<120x64xf32, #tpu.memory_space<vmem>>)
    %dma_wait3A_72 = arith.constant 0 : i32
    %dma_wait3A_73 = arith.constant 0 : i32
    %dma_wait3A_74 = tpu.memref_slice %arg9[%dma_wait3A_72, %dma_wait3A_73] : memref<2x120xi32, #tpu.memory_space<vmem>> -> memref<1x120xi32, #tpu.memory_space<vmem>>
    %dma_wait3A_75 = tpu.memref_squeeze %dma_wait3A_74 : memref<1x120xi32, #tpu.memory_space<vmem>> -> memref<120xi32, #tpu.memory_space<vmem>>
    %dma_wait3A_76 = arith.constant 0 : i32
    %dma_wait3A_77 = arith.constant 0 : i32
    %dma_wait3A_78 = tpu.memref_slice %arg20[%dma_wait3A_76, %dma_wait3A_77] : memref<10000x64xf32, #tpu.memory_space<vmem_shared>> -> memref<10000x64xf32, #tpu.memory_space<vmem_shared>>
    tpu.wait_indirect_dma semaphore(%arg23 : memref<!tpu.dma_semaphore, #tpu.memory_space<semaphore_mem>>) src(%dma_wait3A_78 : memref<10000x64xf32, #tpu.memory_space<vmem_shared>>) dst(%arg15 : memref<120x64xf32, #tpu.memory_space<vmem>>)
    %dma_wait3A_79 = arith.constant 0 : i32
    %dma_wait3A_80 = arith.constant 0 : i32
    %dma_wait3A_81 = tpu.memref_slice %arg10[%dma_wait3A_79, %dma_wait3A_80] : memref<2x120xi32, #tpu.memory_space<vmem>> -> memref<1x120xi32, #tpu.memory_space<vmem>>
    %dma_wait3A_82 = tpu.memref_squeeze %dma_wait3A_81 : memref<1x120xi32, #tpu.memory_space<vmem>> -> memref<120xi32, #tpu.memory_space<vmem>>
    %dma_wait3A_83 = arith.constant 0 : i32
    %dma_wait3A_84 = arith.constant 0 : i32
    %dma_wait3A_85 = tpu.memref_slice %arg20[%dma_wait3A_83, %dma_wait3A_84] : memref<10000x64xf32, #tpu.memory_space<vmem_shared>> -> memref<10000x64xf32, #tpu.memory_space<vmem_shared>>
    tpu.wait_indirect_dma semaphore(%arg24 : memref<!tpu.dma_semaphore, #tpu.memory_space<semaphore_mem>>) src(%dma_wait3A_85 : memref<10000x64xf32, #tpu.memory_space<vmem_shared>>) dst(%arg16 : memref<120x64xf32, #tpu.memory_space<vmem>>)
    %dma_wait3A_86 = arith.constant 0 : i32
    %dma_wait3A_87 = arith.constant 0 : i32
    %dma_wait3A_88 = tpu.memref_slice %arg11[%dma_wait3A_86, %dma_wait3A_87] : memref<2x120xi32, #tpu.memory_space<vmem>> -> memref<1x120xi32, #tpu.memory_space<vmem>>
    %dma_wait3A_89 = tpu.memref_squeeze %dma_wait3A_88 : memref<1x120xi32, #tpu.memory_space<vmem>> -> memref<120xi32, #tpu.memory_space<vmem>>
    %dma_wait3A_90 = arith.constant 0 : i32
    %dma_wait3A_91 = arith.constant 0 : i32
    %dma_wait3A_92 = tpu.memref_slice %arg20[%dma_wait3A_90, %dma_wait3A_91] : memref<10000x64xf32, #tpu.memory_space<vmem_shared>> -> memref<10000x64xf32, #tpu.memory_space<vmem_shared>>
    tpu.wait_indirect_dma semaphore(%arg25 : memref<!tpu.dma_semaphore, #tpu.memory_space<semaphore_mem>>) src(%dma_wait3A_92 : memref<10000x64xf32, #tpu.memory_space<vmem_shared>>) dst(%arg17 : memref<120x64xf32, #tpu.memory_space<vmem>>)
    %dma_wait3A_93 = arith.constant 0 : i32
    %dma_wait3A_94 = arith.constant 0 : i32
    %dma_wait3A_95 = tpu.memref_slice %arg12[%dma_wait3A_93, %dma_wait3A_94] : memref<2x120xi32, #tpu.memory_space<vmem>> -> memref<1x120xi32, #tpu.memory_space<vmem>>
    %dma_wait3A_96 = tpu.memref_squeeze %dma_wait3A_95 : memref<1x120xi32, #tpu.memory_space<vmem>> -> memref<120xi32, #tpu.memory_space<vmem>>
    %dma_wait3A_97 = arith.constant 0 : i32
    %dma_wait3A_98 = arith.constant 0 : i32
    %dma_wait3A_99 = tpu.memref_slice %arg20[%dma_wait3A_97, %dma_wait3A_98] : memref<10000x64xf32, #tpu.memory_space<vmem_shared>> -> memref<10000x64xf32, #tpu.memory_space<vmem_shared>>
    tpu.wait_indirect_dma semaphore(%arg26 : memref<!tpu.dma_semaphore, #tpu.memory_space<semaphore_mem>>) src(%dma_wait3A_99 : memref<10000x64xf32, #tpu.memory_space<vmem_shared>>) dst(%arg18 : memref<120x64xf32, #tpu.memory_space<vmem>>)
    %barrier3A_100 = arith.constant 0 : index
    tpu.barrier barrier_id(%barrier3A_100)
    %mul3A_101 = arith.constant 640 : i32
    %mul3A_102 = arith.muli %arg1, %mul3A_101 : i32
    %mul3A_103 = arith.constant 640 : i32
    %mul3A_104 = arith.muli %arg1, %mul3A_103 : i32
    "tpu.region"() ({
      %run_scoped3A_105 = tpu.sem_alloc : memref<!tpu.dma_semaphore, #tpu.memory_space<semaphore_mem>>
      %dma_start3A_106 = arith.constant 0 : i32
      %dma_start3A_107 = tpu.memref_slice %arg6[%arg0, %mul3A_104, %dma_start3A_106] : memref<2x10240x64xf32, #tpu.memory_space<hbm>> -> memref<1x640x64xf32, #tpu.memory_space<hbm>>
      %dma_start3A_108 = tpu.memref_squeeze %dma_start3A_107 : memref<1x640x64xf32, #tpu.memory_space<hbm>> -> memref<640x64xf32, #tpu.memory_space<hbm>>
      %dma_start3A_109 = arith.constant 0 : i32
      %dma_start3A_110 = tpu.memref_slice %arg19[%mul3A_102, %dma_start3A_109] : memref<10240x64xf32, #tpu.memory_space<vmem_shared>> -> memref<640x64xf32, #tpu.memory_space<vmem_shared>>
      tpu.enqueue_dma source(%dma_start3A_110 : memref<640x64xf32, #tpu.memory_space<vmem_shared>>) target(%dma_start3A_108 : memref<640x64xf32, #tpu.memory_space<hbm>>) target_semaphore(%run_scoped3A_105 : memref<!tpu.dma_semaphore, #tpu.memory_space<semaphore_mem>>)
      %dma_wait3A_111 = arith.constant 0 : i32
      %dma_wait3A_112 = tpu.memref_slice %arg6[%arg0, %mul3A_104, %dma_wait3A_111] : memref<2x10240x64xf32, #tpu.memory_space<hbm>> -> memref<1x640x64xf32, #tpu.memory_space<hbm>>
      %dma_wait3A_113 = tpu.memref_squeeze %dma_wait3A_112 : memref<1x640x64xf32, #tpu.memory_space<hbm>> -> memref<640x64xf32, #tpu.memory_space<hbm>>
      %dma_wait3A_114 = arith.constant 0 : i32
      %dma_wait3A_115 = tpu.memref_slice %arg19[%mul3A_102, %dma_wait3A_114] : memref<10240x64xf32, #tpu.memory_space<vmem_shared>> -> memref<640x64xf32, #tpu.memory_space<vmem_shared>>
      tpu.wait_dma2 semaphore(%run_scoped3A_105 : memref<!tpu.dma_semaphore, #tpu.memory_space<semaphore_mem>>) src(%dma_wait3A_115 : memref<640x64xf32, #tpu.memory_space<vmem_shared>>) dst(%dma_wait3A_113 : memref<640x64xf32, #tpu.memory_space<hbm>>)
      tpu.yield
    }) : () -> ()
    return
  }
}

module attributes {stable_mosaic.version = 14 : i64} {
  func.func @_tc_first_body(%arg0: i32, %arg1: memref<2000x128xf32, #tpu.memory_space<vmem>>, %arg2: memref<128x128xf32, #tpu.memory_space<vmem>>, %arg3: memref<2x2000x16xf32, #tpu.memory_space<vmem>>, %arg4: memref<2000x64xf32, #tpu.memory_space<vmem>>, %arg5: memref<2000x64xf32, #tpu.memory_space<vmem>>) attributes {dimension_semantics = [#tpu.dimension_semantics<arbitrary>], iteration_bounds = array<i64: 5>, scalar_prefetch = 0 : i64, scratch_operands = 0 : i64, tpu.core_type = #tpu.core_type<tc>, window_params = [{transform_indices = @transform_0, window_bounds = array<i64: 2000, 128>}, {pipeline_mode = #tpu.pipeline_mode<synchronous>, transform_indices = @transform_1, window_bounds = array<i64: 128, 128>}, {transform_indices = @transform_2, window_bounds = array<i64: 2, 2000, 16>}, {transform_indices = @transform_3, window_bounds = array<i64: 2000, 64>}, {transform_indices = @transform_4, window_bounds = array<i64: 2000, 64>}]} {
    %get3A = arith.constant 0 : index
    %get3A_0 = arith.constant 0 : index
    %get3A_1 = vector.load %arg1[%get3A, %get3A_0] : memref<2000x128xf32, #tpu.memory_space<vmem>>, vector<2000x128xf32>
    %get3A_2 = arith.constant 0 : index
    %get3A_3 = arith.constant 0 : index
    %get3A_4 = vector.load %arg2[%get3A_2, %get3A_3] : memref<128x128xf32, #tpu.memory_space<vmem>>, vector<128x128xf32>
    %dot_general3A = arith.constant dense<0.000000e+00> : vector<2000x128xf32>
    %dot_general3A_5 = tpu.matmul %get3A_1, %get3A_4, %dot_general3A {dimension_numbers = #tpu.dot_dimension_numbers<[1], [0], [0], [1], [0, 0, 1, 1], [], []>, transpose_lhs_hint = false} : vector<2000x128xf32>, vector<128x128xf32>, vector<2000x128xf32> -> vector<2000x128xf32>
    %get3A_6 = arith.constant 0 : index
    %get3A_7 = arith.constant 0 : index
    %get3A_8 = arith.constant 0 : index
    %get3A_9 = vector.load %arg3[%get3A_6, %get3A_7, %get3A_8] : memref<2x2000x16xf32, #tpu.memory_space<vmem>>, vector<2x2000x16xf32>
    %slice3A = vector.extract_strided_slice %get3A_9 {offsets = [0, 0, 0], sizes = [1, 2000, 1], strides = [1, 1, 1]} : vector<2x2000x16xf32> to vector<1x2000x1xf32>
    %squeeze3A = vector.shape_cast %slice3A : vector<1x2000x1xf32> to vector<2000x1xf32>
    %slice3A_10 = vector.extract_strided_slice %get3A_9 {offsets = [1, 0, 0], sizes = [1, 2000, 1], strides = [1, 1, 1]} : vector<2x2000x16xf32> to vector<1x2000x1xf32>
    %squeeze3A_11 = vector.shape_cast %slice3A_10 : vector<1x2000x1xf32> to vector<2000x1xf32>
    %add3A = arith.addf %squeeze3A, %squeeze3A_11 : vector<2000x1xf32>
    %rsqrt3A = math.rsqrt %add3A : vector<2000x1xf32>
    %mul3A = vector.broadcast %rsqrt3A : vector<2000x1xf32> to vector<2000x128xf32>
    %mul3A_12 = arith.mulf %mul3A, %dot_general3A_5 : vector<2000x128xf32>
    %slice3A_13 = vector.extract_strided_slice %mul3A_12 {offsets = [0, 0], sizes = [2000, 64], strides = [1, 1]} : vector<2000x128xf32> to vector<2000x64xf32>
    %swap3A = arith.constant 0 : index
    %swap3A_14 = arith.constant 0 : index
    %swap3A_15 = vector.load %arg4[%swap3A, %swap3A_14] : memref<2000x64xf32, #tpu.memory_space<vmem>>, vector<2000x64xf32>
    tpu.vector_store %arg4[%swap3A, %swap3A_14], %slice3A_13 {strides = array<i32>} : memref<2000x64xf32, #tpu.memory_space<vmem>>, vector<2000x64xf32>,
    %slice3A_16 = vector.extract_strided_slice %mul3A_12 {offsets = [0, 64], sizes = [2000, 64], strides = [1, 1]} : vector<2000x128xf32> to vector<2000x64xf32>
    %swap3A_17 = arith.constant 0 : index
    %swap3A_18 = arith.constant 0 : index
    %swap3A_19 = vector.load %arg5[%swap3A_17, %swap3A_18] : memref<2000x64xf32, #tpu.memory_space<vmem>>, vector<2000x64xf32>
    tpu.vector_store %arg5[%swap3A_17, %swap3A_18], %slice3A_16 {strides = array<i32>} : memref<2000x64xf32, #tpu.memory_space<vmem>>, vector<2000x64xf32>,
    return
  }
  func.func @transform_0(%arg0: i32) -> (i32, i32) {
    %c0_i32 = arith.constant 0 : i32
    %c0_i32_0 = arith.constant 0 : i32
    return %arg0, %c0_i32 : i32, i32
  }
  func.func @transform_1(%arg0: i32) -> (i32, i32) {
    %c0_i32 = arith.constant 0 : i32
    %c0_i32_0 = arith.constant 0 : i32
    %c0_i32_1 = arith.constant 0 : i32
    return %c0_i32, %c0_i32_0 : i32, i32
  }
  func.func @transform_2(%arg0: i32) -> (i32, i32, i32) {
    %c0_i32 = arith.constant 0 : i32
    %c0_i32_0 = arith.constant 0 : i32
    %c0_i32_1 = arith.constant 0 : i32
    return %c0_i32, %arg0, %c0_i32_0 : i32, i32, i32
  }
  func.func @transform_3(%arg0: i32) -> (i32, i32) {
    %c0_i32 = arith.constant 0 : i32
    %c0_i32_0 = arith.constant 0 : i32
    return %arg0, %c0_i32 : i32, i32
  }
  func.func @transform_4(%arg0: i32) -> (i32, i32) {
    %c0_i32 = arith.constant 0 : i32
    %c0_i32_0 = arith.constant 0 : i32
    return %arg0, %c0_i32 : i32, i32
  }
}

module attributes {stable_mosaic.version = 14 : i64} {
  func.func @_tc_mid_body(%arg0: i32, %arg1: memref<2x2000x64xf32, #tpu.memory_space<vmem>>, %arg2: memref<2x2000x16xf32, #tpu.memory_space<vmem>>, %arg3: memref<1x128xf32, #tpu.memory_space<vmem>>, %arg4: memref<128x128xf32, #tpu.memory_space<vmem>>, %arg5: memref<2000x64xf32, #tpu.memory_space<vmem>>, %arg6: memref<2000x64xf32, #tpu.memory_space<vmem>>) attributes {dimension_semantics = [#tpu.dimension_semantics<arbitrary>], iteration_bounds = array<i64: 5>, scalar_prefetch = 0 : i64, scratch_operands = 0 : i64, tpu.core_type = #tpu.core_type<tc>, window_params = [{transform_indices = @transform_0, window_bounds = array<i64: 2, 2000, 64>}, {transform_indices = @transform_1, window_bounds = array<i64: 2, 2000, 16>}, {pipeline_mode = #tpu.pipeline_mode<synchronous>, transform_indices = @transform_2, window_bounds = array<i64: 1, 128>}, {pipeline_mode = #tpu.pipeline_mode<synchronous>, transform_indices = @transform_3, window_bounds = array<i64: 128, 128>}, {transform_indices = @transform_4, window_bounds = array<i64: 2000, 64>}, {transform_indices = @transform_5, window_bounds = array<i64: 2000, 64>}]} {
    %get3A = arith.constant 0 : index
    %get3A_0 = arith.constant 0 : index
    %get3A_1 = arith.constant 0 : index
    %get3A_2 = vector.load %arg2[%get3A, %get3A_0, %get3A_1] : memref<2x2000x16xf32, #tpu.memory_space<vmem>>, vector<2x2000x16xf32>
    %slice3A = vector.extract_strided_slice %get3A_2 {offsets = [0, 0, 0], sizes = [1, 2000, 1], strides = [1, 1, 1]} : vector<2x2000x16xf32> to vector<1x2000x1xf32>
    %squeeze3A = vector.shape_cast %slice3A : vector<1x2000x1xf32> to vector<2000x1xf32>
    %slice3A_3 = vector.extract_strided_slice %get3A_2 {offsets = [1, 0, 0], sizes = [1, 2000, 1], strides = [1, 1, 1]} : vector<2x2000x16xf32> to vector<1x2000x1xf32>
    %squeeze3A_4 = vector.shape_cast %slice3A_3 : vector<1x2000x1xf32> to vector<2000x1xf32>
    %add3A = arith.addf %squeeze3A, %squeeze3A_4 : vector<2000x1xf32>
    %rsqrt3A = math.rsqrt %add3A : vector<2000x1xf32>
    %get3A_5 = arith.constant 0 : index
    %get3A_6 = arith.constant 0 : index
    %get3A_7 = arith.constant 0 : index
    %get3A_8 = vector.load %arg1[%get3A_5, %get3A_6, %get3A_7] : memref<2x2000x64xf32, #tpu.memory_space<vmem>>, vector<1x2000x64xf32>
    %get3A_9 = vector.shape_cast %get3A_8 : vector<1x2000x64xf32> to vector<2000x64xf32>
    %get3A_10 = arith.constant 1 : index
    %get3A_11 = arith.constant 0 : index
    %get3A_12 = arith.constant 0 : index
    %get3A_13 = vector.load %arg1[%get3A_10, %get3A_11, %get3A_12] : memref<2x2000x64xf32, #tpu.memory_space<vmem>>, vector<1x2000x64xf32>
    %get3A_14 = vector.shape_cast %get3A_13 : vector<1x2000x64xf32> to vector<2000x64xf32>
    %concatenate3A = tpu.concatenate %get3A_9, %get3A_14 in 1 : vector<2000x64xf32>, vector<2000x64xf32> -> vector<2000x128xf32>
    %mul3A = vector.broadcast %rsqrt3A : vector<2000x1xf32> to vector<2000x128xf32>
    %mul3A_15 = arith.mulf %mul3A, %concatenate3A : vector<2000x128xf32>
    %get3A_16 = arith.constant 0 : index
    %get3A_17 = arith.constant 0 : index
    %get3A_18 = vector.load %arg3[%get3A_16, %get3A_17] : memref<1x128xf32, #tpu.memory_space<vmem>>, vector<1x128xf32>
    %add3A_19 = vector.broadcast %get3A_18 : vector<1x128xf32> to vector<2000x128xf32>
    %add3A_20 = arith.addf %mul3A_15, %add3A_19 : vector<2000x128xf32>
    %max3A = arith.constant 0.000000e+00 : f32
    %max3A_21 = vector.broadcast %max3A : f32 to vector<2000x128xf32>
    %max3A_22 = arith.maximumf %add3A_20, %max3A_21 : vector<2000x128xf32>
    %get3A_23 = arith.constant 0 : index
    %get3A_24 = arith.constant 0 : index
    %get3A_25 = vector.load %arg4[%get3A_23, %get3A_24] : memref<128x128xf32, #tpu.memory_space<vmem>>, vector<128x128xf32>
    %dot_general3A = arith.constant dense<0.000000e+00> : vector<2000x128xf32>
    %dot_general3A_26 = tpu.matmul %max3A_22, %get3A_25, %dot_general3A {dimension_numbers = #tpu.dot_dimension_numbers<[1], [0], [0], [1], [0, 0, 1, 1], [], []>, transpose_lhs_hint = false} : vector<2000x128xf32>, vector<128x128xf32>, vector<2000x128xf32> -> vector<2000x128xf32>
    %mul3A_27 = vector.broadcast %rsqrt3A : vector<2000x1xf32> to vector<2000x128xf32>
    %mul3A_28 = arith.mulf %mul3A_27, %dot_general3A_26 : vector<2000x128xf32>
    %slice3A_29 = vector.extract_strided_slice %mul3A_28 {offsets = [0, 0], sizes = [2000, 64], strides = [1, 1]} : vector<2000x128xf32> to vector<2000x64xf32>
    %swap3A = arith.constant 0 : index
    %swap3A_30 = arith.constant 0 : index
    %swap3A_31 = vector.load %arg5[%swap3A, %swap3A_30] : memref<2000x64xf32, #tpu.memory_space<vmem>>, vector<2000x64xf32>
    tpu.vector_store %arg5[%swap3A, %swap3A_30], %slice3A_29 {strides = array<i32>} : memref<2000x64xf32, #tpu.memory_space<vmem>>, vector<2000x64xf32>,
    %slice3A_32 = vector.extract_strided_slice %mul3A_28 {offsets = [0, 64], sizes = [2000, 64], strides = [1, 1]} : vector<2000x128xf32> to vector<2000x64xf32>
    %swap3A_33 = arith.constant 0 : index
    %swap3A_34 = arith.constant 0 : index
    %swap3A_35 = vector.load %arg6[%swap3A_33, %swap3A_34] : memref<2000x64xf32, #tpu.memory_space<vmem>>, vector<2000x64xf32>
    tpu.vector_store %arg6[%swap3A_33, %swap3A_34], %slice3A_32 {strides = array<i32>} : memref<2000x64xf32, #tpu.memory_space<vmem>>, vector<2000x64xf32>,
    return
  }
  func.func @transform_0(%arg0: i32) -> (i32, i32, i32) {
    %c0_i32 = arith.constant 0 : i32
    %c0_i32_0 = arith.constant 0 : i32
    %c0_i32_1 = arith.constant 0 : i32
    return %c0_i32, %arg0, %c0_i32_0 : i32, i32, i32
  }
  func.func @transform_1(%arg0: i32) -> (i32, i32, i32) {
    %c0_i32 = arith.constant 0 : i32
    %c0_i32_0 = arith.constant 0 : i32
    %c0_i32_1 = arith.constant 0 : i32
    return %c0_i32, %arg0, %c0_i32_0 : i32, i32, i32
  }
  func.func @transform_2(%arg0: i32) -> (i32, i32) {
    %c0_i32 = arith.constant 0 : i32
    %c0_i32_0 = arith.constant 0 : i32
    %c0_i32_1 = arith.constant 0 : i32
    return %c0_i32, %c0_i32_0 : i32, i32
  }
  func.func @transform_3(%arg0: i32) -> (i32, i32) {
    %c0_i32 = arith.constant 0 : i32
    %c0_i32_0 = arith.constant 0 : i32
    %c0_i32_1 = arith.constant 0 : i32
    return %c0_i32, %c0_i32_0 : i32, i32
  }
  func.func @transform_4(%arg0: i32) -> (i32, i32) {
    %c0_i32 = arith.constant 0 : i32
    %c0_i32_0 = arith.constant 0 : i32
    return %arg0, %c0_i32 : i32, i32
  }
  func.func @transform_5(%arg0: i32) -> (i32, i32) {
    %c0_i32 = arith.constant 0 : i32
    %c0_i32_0 = arith.constant 0 : i32
    return %arg0, %c0_i32 : i32, i32
  }
}

module attributes {stable_mosaic.version = 14 : i64} {
  func.func @_tc_final_body(%arg0: i32, %arg1: memref<2x2000x64xf32, #tpu.memory_space<vmem>>, %arg2: memref<2x2000x16xf32, #tpu.memory_space<vmem>>, %arg3: memref<1x128xf32, #tpu.memory_space<vmem>>, %arg4: memref<2000x16xf32, #tpu.memory_space<vmem>>, %arg5: memref<16x4xf32, #tpu.memory_space<vmem>>, %arg6: memref<128x64xf32, #tpu.memory_space<vmem>>, %arg7: memref<4x64xf32, #tpu.memory_space<vmem>>, %arg8: memref<1x64xf32, #tpu.memory_space<vmem>>, %arg9: memref<64x1xf32, #tpu.memory_space<vmem>>, %arg10: memref<1x1xf32, #tpu.memory_space<vmem>>, %arg11: memref<16x1xf32, #tpu.memory_space<vmem>>, %arg12: memref<16x136xf32, #tpu.memory_space<vmem>>) attributes {dimension_semantics = [#tpu.dimension_semantics<arbitrary>], iteration_bounds = array<i64: 5>, scalar_prefetch = 0 : i64, scratch_operands = 1 : i64, tpu.core_type = #tpu.core_type<tc>, window_params = [{transform_indices = @transform_0, window_bounds = array<i64: 2, 2000, 64>}, {transform_indices = @transform_1, window_bounds = array<i64: 2, 2000, 16>}, {pipeline_mode = #tpu.pipeline_mode<synchronous>, transform_indices = @transform_2, window_bounds = array<i64: 1, 128>}, {transform_indices = @transform_3, window_bounds = array<i64: 2000, 16>}, {pipeline_mode = #tpu.pipeline_mode<synchronous>, transform_indices = @transform_4, window_bounds = array<i64: 16, 4>}, {pipeline_mode = #tpu.pipeline_mode<synchronous>, transform_indices = @transform_5, window_bounds = array<i64: 128, 64>}, {pipeline_mode = #tpu.pipeline_mode<synchronous>, transform_indices = @transform_6, window_bounds = array<i64: 4, 64>}, {pipeline_mode = #tpu.pipeline_mode<synchronous>, transform_indices = @transform_7, window_bounds = array<i64: 1, 64>}, {pipeline_mode = #tpu.pipeline_mode<synchronous>, transform_indices = @transform_8, window_bounds = array<i64: 64, 1>}, {pipeline_mode = #tpu.pipeline_mode<synchronous>, transform_indices = @transform_9, window_bounds = array<i64: 1, 1>}, {pipeline_mode = #tpu.pipeline_mode<synchronous>, transform_indices = @transform_10, window_bounds = array<i64: 16, 1>}]} {
    %eq3A = arith.constant 0 : i32
    %eq3A_0 = arith.cmpi eq, %arg0, %eq3A : i32
    %convert_element_type3A = arith.extui %eq3A_0 : i1 to i32
    %cond3A = arith.constant 0 : i32
    %cond3A_1 = arith.cmpi ne, %convert_element_type3A, %cond3A : i32
    scf.if %cond3A_1 {
      %broadcast_in_dim3A_42 = arith.constant 0.000000e+00 : f32
      %broadcast_in_dim3A_43 = vector.broadcast %broadcast_in_dim3A_42 : f32 to vector<16x136xf32>
      %swap3A_44 = arith.constant 0 : index
      %swap3A_45 = arith.constant 0 : index
      %swap3A_46 = vector.load %arg12[%swap3A_44, %swap3A_45] : memref<16x136xf32, #tpu.memory_space<vmem>>, vector<16x136xf32>
      tpu.vector_store %arg12[%swap3A_44, %swap3A_45], %broadcast_in_dim3A_43 {strides = array<i32>} : memref<16x136xf32, #tpu.memory_space<vmem>>, vector<16x136xf32>,
    } else {
    }
    %get3A = arith.constant 0 : index
    %get3A_2 = arith.constant 0 : index
    %get3A_3 = arith.constant 0 : index
    %get3A_4 = vector.load %arg2[%get3A, %get3A_2, %get3A_3] : memref<2x2000x16xf32, #tpu.memory_space<vmem>>, vector<2x2000x16xf32>
    %slice3A = vector.extract_strided_slice %get3A_4 {offsets = [0, 0, 0], sizes = [1, 2000, 1], strides = [1, 1, 1]} : vector<2x2000x16xf32> to vector<1x2000x1xf32>
    %squeeze3A = vector.shape_cast %slice3A : vector<1x2000x1xf32> to vector<2000x1xf32>
    %slice3A_5 = vector.extract_strided_slice %get3A_4 {offsets = [1, 0, 0], sizes = [1, 2000, 1], strides = [1, 1, 1]} : vector<2x2000x16xf32> to vector<1x2000x1xf32>
    %squeeze3A_6 = vector.shape_cast %slice3A_5 : vector<1x2000x1xf32> to vector<2000x1xf32>
    %add3A = arith.addf %squeeze3A, %squeeze3A_6 : vector<2000x1xf32>
    %rsqrt3A = math.rsqrt %add3A : vector<2000x1xf32>
    %get3A_7 = arith.constant 0 : index
    %get3A_8 = arith.constant 0 : index
    %get3A_9 = arith.constant 0 : index
    %get3A_10 = vector.load %arg1[%get3A_7, %get3A_8, %get3A_9] : memref<2x2000x64xf32, #tpu.memory_space<vmem>>, vector<1x2000x64xf32>
    %get3A_11 = vector.shape_cast %get3A_10 : vector<1x2000x64xf32> to vector<2000x64xf32>
    %get3A_12 = arith.constant 1 : index
    %get3A_13 = arith.constant 0 : index
    %get3A_14 = arith.constant 0 : index
    %get3A_15 = vector.load %arg1[%get3A_12, %get3A_13, %get3A_14] : memref<2x2000x64xf32, #tpu.memory_space<vmem>>, vector<1x2000x64xf32>
    %get3A_16 = vector.shape_cast %get3A_15 : vector<1x2000x64xf32> to vector<2000x64xf32>
    %concatenate3A = tpu.concatenate %get3A_11, %get3A_16 in 1 : vector<2000x64xf32>, vector<2000x64xf32> -> vector<2000x128xf32>
    %mul3A = vector.broadcast %rsqrt3A : vector<2000x1xf32> to vector<2000x128xf32>
    %mul3A_17 = arith.mulf %mul3A, %concatenate3A : vector<2000x128xf32>
    %get3A_18 = arith.constant 0 : index
    %get3A_19 = arith.constant 0 : index
    %get3A_20 = vector.load %arg3[%get3A_18, %get3A_19] : memref<1x128xf32, #tpu.memory_space<vmem>>, vector<1x128xf32>
    %add3A_21 = vector.broadcast %get3A_20 : vector<1x128xf32> to vector<2000x128xf32>
    %add3A_22 = arith.addf %mul3A_17, %add3A_21 : vector<2000x128xf32>
    %max3A = arith.constant 0.000000e+00 : f32
    %max3A_23 = vector.broadcast %max3A : f32 to vector<2000x128xf32>
    %max3A_24 = arith.maximumf %add3A_22, %max3A_23 : vector<2000x128xf32>
    %broadcast_in_dim3A = arith.constant 1.000000e+00 : f32
    %broadcast_in_dim3A_25 = vector.broadcast %broadcast_in_dim3A : f32 to vector<2000x8xf32>
    %concatenate3A_26 = tpu.concatenate %max3A_24, %broadcast_in_dim3A_25 in 1 : vector<2000x128xf32>, vector<2000x8xf32> -> vector<2000x136xf32>
    %get3A_27 = arith.constant 0 : index
    %get3A_28 = arith.constant 0 : index
    %get3A_29 = vector.load %arg12[%get3A_27, %get3A_28] : memref<16x136xf32, #tpu.memory_space<vmem>>, vector<16x136xf32>
    %get3A_30 = arith.constant 0 : index
    %get3A_31 = arith.constant 0 : index
    %get3A_32 = vector.load %arg4[%get3A_30, %get3A_31] : memref<2000x16xf32, #tpu.memory_space<vmem>>, vector<2000x16xf32>
    %dot_general3A = arith.constant dense<0.000000e+00> : vector<16x136xf32>
    %dot_general3A_33 = tpu.matmul %get3A_32, %concatenate3A_26, %dot_general3A {dimension_numbers = #tpu.dot_dimension_numbers<[0], [0], [1], [1], [0, 1, 1, 1], [], []>, transpose_lhs_hint = false} : vector<2000x16xf32>, vector<2000x136xf32>, vector<16x136xf32> -> vector<16x136xf32>
    %add3A_34 = arith.addf %get3A_29, %dot_general3A_33 : vector<16x136xf32>
    %swap3A = arith.constant 0 : index
    %swap3A_35 = arith.constant 0 : index
    %swap3A_36 = vector.load %arg12[%swap3A, %swap3A_35] : memref<16x136xf32, #tpu.memory_space<vmem>>, vector<16x136xf32>
    tpu.vector_store %arg12[%swap3A, %swap3A_35], %add3A_34 {strides = array<i32>} : memref<16x136xf32, #tpu.memory_space<vmem>>, vector<16x136xf32>,
    %eq3A_37 = arith.constant 4 : i32
    %eq3A_38 = arith.cmpi eq, %arg0, %eq3A_37 : i32
    %convert_element_type3A_39 = arith.extui %eq3A_38 : i1 to i32
    %cond3A_40 = arith.constant 0 : i32
    %cond3A_41 = arith.cmpi ne, %convert_element_type3A_39, %cond3A_40 : i32
    scf.if %cond3A_41 {
      %get3A_42 = arith.constant 0 : index
      %get3A_43 = arith.constant 0 : index
      %get3A_44 = vector.load %arg12[%get3A_42, %get3A_43] : memref<16x136xf32, #tpu.memory_space<vmem>>, vector<16x136xf32>
      %slice3A_45 = vector.extract_strided_slice %get3A_44 {offsets = [0, 0], sizes = [16, 128], strides = [1, 1]} : vector<16x136xf32> to vector<16x128xf32>
      %slice3A_46 = vector.extract_strided_slice %get3A_44 {offsets = [0, 128], sizes = [16, 1], strides = [1, 1]} : vector<16x136xf32> to vector<16x1xf32>
      %max3A_47 = arith.constant 1.000000e+00 : f32
      %max3A_48 = vector.broadcast %max3A_47 : f32 to vector<16x1xf32>
      %max3A_49 = arith.maximumf %slice3A_46, %max3A_48 : vector<16x1xf32>
      %div3A = vector.broadcast %max3A_49 : vector<16x1xf32> to vector<16x128xf32>
      %div3A_50 = arith.divf %slice3A_45, %div3A : vector<16x128xf32>
      %get3A_51 = arith.constant 0 : index
      %get3A_52 = arith.constant 0 : index
      %get3A_53 = vector.load %arg6[%get3A_51, %get3A_52] : memref<128x64xf32, #tpu.memory_space<vmem>>, vector<128x64xf32>
      %dot_general3A_54 = arith.constant dense<0.000000e+00> : vector<16x64xf32>
      %dot_general3A_55 = tpu.matmul %div3A_50, %get3A_53, %dot_general3A_54 {dimension_numbers = #tpu.dot_dimension_numbers<[1], [0], [0], [1], [0, 0, 1, 1], [], []>, transpose_lhs_hint = false} : vector<16x128xf32>, vector<128x64xf32>, vector<16x64xf32> -> vector<16x64xf32>
      %get3A_56 = arith.constant 0 : index
      %get3A_57 = arith.constant 0 : index
      %get3A_58 = vector.load %arg5[%get3A_56, %get3A_57] : memref<16x4xf32, #tpu.memory_space<vmem>>, vector<16x4xf32>
      %get3A_59 = arith.constant 0 : index
      %get3A_60 = arith.constant 0 : index
      %get3A_61 = vector.load %arg7[%get3A_59, %get3A_60] : memref<4x64xf32, #tpu.memory_space<vmem>>, vector<4x64xf32>
      %dot_general3A_62 = arith.constant dense<0.000000e+00> : vector<16x64xf32>
      %dot_general3A_63 = tpu.matmul %get3A_58, %get3A_61, %dot_general3A_62 {dimension_numbers = #tpu.dot_dimension_numbers<[1], [0], [0], [1], [0, 0, 1, 1], [], []>, transpose_lhs_hint = false} : vector<16x4xf32>, vector<4x64xf32>, vector<16x64xf32> -> vector<16x64xf32>
      %add3A_64 = arith.addf %dot_general3A_55, %dot_general3A_63 : vector<16x64xf32>
      %get3A_65 = arith.constant 0 : index
      %get3A_66 = arith.constant 0 : index
      %get3A_67 = vector.load %arg8[%get3A_65, %get3A_66] : memref<1x64xf32, #tpu.memory_space<vmem>>, vector<1x64xf32>
      %add3A_68 = vector.broadcast %get3A_67 : vector<1x64xf32> to vector<16x64xf32>
      %add3A_69 = arith.addf %add3A_64, %add3A_68 : vector<16x64xf32>
      %max3A_70 = arith.constant 0.000000e+00 : f32
      %max3A_71 = vector.broadcast %max3A_70 : f32 to vector<16x64xf32>
      %max3A_72 = arith.maximumf %add3A_69, %max3A_71 : vector<16x64xf32>
      %get3A_73 = arith.constant 0 : index
      %get3A_74 = arith.constant 0 : index
      %get3A_75 = vector.load %arg9[%get3A_73, %get3A_74] : memref<64x1xf32, #tpu.memory_space<vmem>>, vector<64x1xf32>
      %dot_general3A_76 = arith.constant dense<0.000000e+00> : vector<16x1xf32>
      %dot_general3A_77 = tpu.matmul %max3A_72, %get3A_75, %dot_general3A_76 {dimension_numbers = #tpu.dot_dimension_numbers<[1], [0], [0], [1], [0, 0, 1, 1], [], []>, transpose_lhs_hint = false} : vector<16x64xf32>, vector<64x1xf32>, vector<16x1xf32> -> vector<16x1xf32>
      %get3A_78 = arith.constant 0 : index
      %get3A_79 = arith.constant 0 : index
      %get3A_80 = vector.load %arg10[%get3A_78, %get3A_79] : memref<1x1xf32, #tpu.memory_space<vmem>>, vector<1x1xf32>
      %add3A_81 = vector.broadcast %get3A_80 : vector<1x1xf32> to vector<16x1xf32>
      %add3A_82 = arith.addf %dot_general3A_77, %add3A_81 : vector<16x1xf32>
      %swap3A_83 = arith.constant 0 : index
      %swap3A_84 = arith.constant 0 : index
      %swap3A_85 = vector.load %arg11[%swap3A_83, %swap3A_84] : memref<16x1xf32, #tpu.memory_space<vmem>>, vector<16x1xf32>
      tpu.vector_store %arg11[%swap3A_83, %swap3A_84], %add3A_82 {strides = array<i32>} : memref<16x1xf32, #tpu.memory_space<vmem>>, vector<16x1xf32>,
    } else {
    }
    return
  }
  func.func @transform_0(%arg0: i32) -> (i32, i32, i32) {
    %c0_i32 = arith.constant 0 : i32
    %c0_i32_0 = arith.constant 0 : i32
    %c0_i32_1 = arith.constant 0 : i32
    return %c0_i32, %arg0, %c0_i32_0 : i32, i32, i32
  }
  func.func @transform_1(%arg0: i32) -> (i32, i32, i32) {
    %c0_i32 = arith.constant 0 : i32
    %c0_i32_0 = arith.constant 0 : i32
    %c0_i32_1 = arith.constant 0 : i32
    return %c0_i32, %arg0, %c0_i32_0 : i32, i32, i32
  }
  func.func @transform_2(%arg0: i32) -> (i32, i32) {
    %c0_i32 = arith.constant 0 : i32
    %c0_i32_0 = arith.constant 0 : i32
    %c0_i32_1 = arith.constant 0 : i32
    return %c0_i32, %c0_i32_0 : i32, i32
  }
  func.func @transform_3(%arg0: i32) -> (i32, i32) {
    %c0_i32 = arith.constant 0 : i32
    %c0_i32_0 = arith.constant 0 : i32
    return %arg0, %c0_i32 : i32, i32
  }
  func.func @transform_4(%arg0: i32) -> (i32, i32) {
    %c0_i32 = arith.constant 0 : i32
    %c0_i32_0 = arith.constant 0 : i32
    %c0_i32_1 = arith.constant 0 : i32
    return %c0_i32, %c0_i32_0 : i32, i32
  }
  func.func @transform_5(%arg0: i32) -> (i32, i32) {
    %c0_i32 = arith.constant 0 : i32
    %c0_i32_0 = arith.constant 0 : i32
    %c0_i32_1 = arith.constant 0 : i32
    return %c0_i32, %c0_i32_0 : i32, i32
  }
  func.func @transform_6(%arg0: i32) -> (i32, i32) {
    %c0_i32 = arith.constant 0 : i32
    %c0_i32_0 = arith.constant 0 : i32
    %c0_i32_1 = arith.constant 0 : i32
    return %c0_i32, %c0_i32_0 : i32, i32
  }
  func.func @transform_7(%arg0: i32) -> (i32, i32) {
    %c0_i32 = arith.constant 0 : i32
    %c0_i32_0 = arith.constant 0 : i32
    %c0_i32_1 = arith.constant 0 : i32
    return %c0_i32, %c0_i32_0 : i32, i32
  }
  func.func @transform_8(%arg0: i32) -> (i32, i32) {
    %c0_i32 = arith.constant 0 : i32
    %c0_i32_0 = arith.constant 0 : i32
    %c0_i32_1 = arith.constant 0 : i32
    return %c0_i32, %c0_i32_0 : i32, i32
  }
  func.func @transform_9(%arg0: i32) -> (i32, i32) {
    %c0_i32 = arith.constant 0 : i32
    %c0_i32_0 = arith.constant 0 : i32
    %c0_i32_1 = arith.constant 0 : i32
    return %c0_i32, %c0_i32_0 : i32, i32
  }
  func.func @transform_10(%arg0: i32) -> (i32, i32) {
    %c0_i32 = arith.constant 0 : i32
    %c0_i32_0 = arith.constant 0 : i32
    %c0_i32_1 = arith.constant 0 : i32
    return %c0_i32, %c0_i32_0 : i32, i32
  }
}

</mosaic_0001>

<sc_bundles>
// kernel: kernel.12.cloned.1.call-start
scs
__scs_entry_jumppad:
0x0: {  	(pc) =	sbr.rel $0x88, $3  }
0x1: {  	(tag) =	ssettag $0x0;
	lr =	simm.s32 $0x1  }
0x2: {  	[smem:$0x3F91] =	sst lr;
	_ =	strace $0xD0000000  }
0x3: {  	_ = 	snop  }
0x4: {  	_ = 	snop  }
0x5: {  	_ = 	snop  }
0x6: {  	_ = 	snop  }
0x7: {  	_ = 	snop  }
__scs_overlays_trampoline_lowered:
0x8: {  	[smem:$0x3FA0] =	sst s0  }
0x9: {  	[smem:$0x3FA1] =	sst s1  }
0xa: {  	[smem:$0x3FA2] =	sst s2  }
0xb: {  	[smem:$0x3FA3] =	sst s3  }
0xc: {  	[smem:$0x3FA4] =	sst s4  }
0xd: {  	[smem:$0x3FA5] =	sst s5  }
0xe: {  	[smem:$0x3FA6] =	sst s6  }
0xf: {  	[smem:$0x3FA7] =	sst s7  }
0x10: {  	[smem:$0x3FA8] =	sst s8  }
0x11: {  	[smem:$0x3FA9] =	sst s9;
	s0 =	simm.s32 @!p0 $0x0  }
0x12: {  	s1 =	sld [smem:$0x3F8F];
	s0 =	simm.s32 @p0 $0x1  }
0x13: {  	[smem:$0x3FAA] =	sst s0;
	s0 =	simm.s32 @!p1 $0x0  }
0x14: {  	s2 =	sld [smem:$0x3F8E];
	s0 =	simm.s32 @p1 $0x1  }
0x15: {  	[smem:$0x3FAB] =	sst s0;
	s0 =	simm.s32 @!p2 $0x0  }
0x16: {  	s3 =	sld [smem:$0x3FDB];
	s0 =	simm.s32 @p2 $0x1  }
0x17: {  	s4 =	simm.s32 $0x1BF5;
	[smem:$0x3FAD] =	sst s0  }
0x18: {  	s0 =	sld [smem:$0x3F90];
	_ =	swait.ge [sflag:s4], $0x0  }
0x19: {  	s7 =	sld [smem:$0x3F91]  }
0x1a: {  	s8 =	sadd.s32 $0xFFFFE003, lr  }
0x1b: {  	s9 =	sadd.s32 $0xFFFFFEF7, lr;
	s5 =	simm.s32 $0xFFFFFFFF;
	p2 =	slt.u32 s8, $0xFFFFF086  }
0x1c: {  	p1 =	slt.u32 s9, $0xF7A;
	s5 =	simm.s32 @!p2 $0x0  }
0x1d: {  	s5 =	simm.s32 @p1 $0x1;
	p0 =	seq.s32 s7, s2  }
0x1e: {  	s7 =	smul.u32 @!p0 $0xF7A, s2;
	p2 =	seq.s32 @!p0 s5, $0x0  }
0x1f: {  	s9 =	smul.u32 $0xF7A, s1;
	s8 =	simm.s32 @!p0 $0x1BF5;
	p2 =	por !p2, p0  }
0x20: {  	[sflag:s8] =	ssyncset.s32 @!p0 $0xFFFFF086;
	s6 =	sadd.s32 @!p0 s3, s7;
	s7 =	simm.s32 @!p0 $0x108  }
0x21: {  	s3 =	sadd.s32 s3, s9;
	s6 =	sadd.s32 @!p0 $0x88, s6;
	s7 =	simm.s32 @p2 $0x1082  }
0x22: {  	[simem:s7], [sflag:s8] =	dma.local @!p0 [hbm:s6], $0xF7A  }
0x23: {  	s9 =	sor.u32 $0xD0000000, s2;
	s6 =	simm.s32 $0x108;
	_ =	swait.ge @!p0 [sflag:s8], $0x0  }
0x24: {  	s3 =	sadd.s32 $0x88, s3;
	s6 =	simm.s32 @!p1 $0x1082;
	[sflag:s4] =	ssyncset.s32 $0xFFFFF086  }
0x25: {  	[simem:s6], [sflag:s4] =	dma.local [hbm:s3], $0xF7A  }
0x26: {  	[smem:$0x3F91] =	sst s1;
	(tag) =	ssettag s2;
	_ =	strace s9  }
0x27: {  	s1 =	sld [smem:$0x3FA1]  }
0x28: {  	s2 =	sld [smem:$0x3FA2]  }
0x29: {  	s4 =	sld [smem:$0x3FA4]  }
0x2a: {  	p0 =	seq.s32 s5, $0x0;
	s5 =	sld [smem:$0x3FA5]  }
0x2b: {  	s6 =	sld [smem:$0x3FA6]  }
0x2c: {  	s7 =	sld [smem:$0x3FA7]  }
0x2d: {  	s3 =	simm.s32 $0x108;
	s8 =	sld [smem:$0x3FA8]  }
0x2e: {  	s3 =	simm.s32 @!p0 $0x1082;
	s9 =	sld [smem:$0x3FA9]  }
0x2f: {  	lr =	sadd.s32 s0, s3;
	s0 =	sld [smem:$0x3FA0]  }
0x30: {  	s3 =	sld [smem:$0x3FA3]  }
0x31: {  	[smem:$0x3FAC] =	sst s10  }
0x32: {  	s10 =	sld [smem:$0x3FAA];
	_ =	sdelay $0x3  }
0x33: {  	p0 =	seq.s32 s10, $0x1;
	s10 =	sld [smem:$0x3FAC];
	_ =	sdelay $0x3  }
0x34: {  	[smem:$0x3FAC] =	sst s10  }
0x35: {  	s10 =	sld [smem:$0x3FAB];
	_ =	sdelay $0x3  }
0x36: {  	p1 =	seq.s32 s10, $0x1;
	s10 =	sld [smem:$0x3FAC];
	_ =	sdelay $0x3  }
0x37: {  	[smem:$0x3FAC] =	sst s10  }
0x38: {  	s10 =	sld [smem:$0x3FAD]  }
0x39: {  	_ = 	snop;
	(pc) =	sbr.ind lr, $3  }
0x3a: {  	_ = 	snop  }
0x3b: {  	_ = 	snop  }
0x3c: {  	p2 =	seq.s32 s10, $0x1;
	s10 =	sld [smem:$0x3FAC]  }
0x3d: {  	_ =	shalt  }
0x3e: {  	_ =	shalt  }
0x3f: {  	_ =	shalt  }
0x40: {  	_ =	shalt  }
0x41: {  	_ =	shalt  }
0x42: {  	_ =	shalt  }
0x43: {  	_ =	shalt  }
0x44: {  	_ =	shalt  }
0x45: {  	_ =	shalt  }
0x46: {  	_ =	shalt  }
0x47: {  	_ =	shalt  }
0x48: {  	_ =	shalt  }
0x49: {  	_ =	shalt  }
0x4a: {  	_ =	shalt  }
0x4b: {  	_ =	shalt  }
0x4c: {  	_ =	shalt  }
0x4d: {  	_ =	shalt  }
0x4e: {  	_ =	shalt  }
0x4f: {  	_ =	shalt  }
0x50: {  	_ =	shalt  }
0x51: {  	_ =	shalt  }
0x52: {  	_ =	shalt  }
0x53: {  	_ =	shalt  }
0x54: {  	_ =	shalt  }
0x55: {  	_ =	shalt  }
0x56: {  	_ =	shalt  }
0x57: {  	_ =	shalt  }
0x58: {  	_ =	shalt  }
0x59: {  	_ =	shalt  }
0x5a: {  	_ =	shalt  }
0x5b: {  	_ =	shalt  }
0x5c: {  	_ =	shalt  }
0x5d: {  	_ =	shalt  }
0x5e: {  	_ =	shalt  }
0x5f: {  	_ =	shalt  }
0x60: {  	_ =	shalt  }
0x61: {  	_ =	shalt  }
0x62: {  	_ =	shalt  }
0x63: {  	_ =	shalt  }
0x64: {  	_ =	shalt  }
0x65: {  	_ =	shalt  }
0x66: {  	_ =	shalt  }
0x67: {  	_ =	shalt  }
0x68: {  	_ =	shalt  }
0x69: {  	_ =	shalt  }
0x6a: {  	_ =	shalt  }
0x6b: {  	_ =	shalt  }
0x6c: {  	_ =	shalt  }
0x6d: {  	_ =	shalt  }
0x6e: {  	_ =	shalt  }
0x6f: {  	_ =	shalt  }
0x70: {  	_ =	shalt  }
0x71: {  	_ =	shalt  }
0x72: {  	_ =	shalt  }
0x73: {  	_ =	shalt  }
0x74: {  	_ =	shalt  }
0x75: {  	_ =	shalt  }
0x76: {  	_ =	shalt  }
0x77: {  	_ =	shalt  }
0x78: {  	_ =	shalt  }
0x79: {  	_ =	shalt  }
0x7a: {  	_ =	shalt  }
0x7b: {  	_ =	shalt  }
0x7c: {  	_ =	shalt  }
0x7d: {  	_ =	shalt  }
0x7e: {  	_ =	shalt  }
0x7f: {  	_ =	shalt  }
0x80: {  	_ =	shalt  }
0x81: {  	_ =	shalt  }
0x82: {  	_ =	shalt  }
0x83: {  	_ =	shalt  }
0x84: {  	_ =	shalt  }
0x85: {  	_ =	shalt  }
0x86: {  	_ =	shalt  }
0x87: {  	_ =	shalt  }
.Lfunc_end0:
.L_simem_size_0:
called_computation_lowered:
.L_overlay_start_0:
0x88: {  	s2 =	sld [smem:$0x3FD9]  }
0x89: {  	s3 =	sld [smem:$0x3FFE];
	_ =	sdelay $0x1  }
0x8a: {  	s1 =	srdreg.scid  }
0x8b: {  	s0 =	sand.u32 $0x1, s1  }
0x8c: {  	s16 =	sshll.u32 s0, $0xA;
	s2 =	sadd.s32 s3, s2  }
0x8d: {  	s2 =	sadd.s32 s2, s16  }
0x8e: {  	[smem:$0x3FB8] =	sst s2  }
0x8f: {  	_ = 	snop  }
0x90: {  	(tm) =	ssettm $0x1  }
0x91: {  	s17 =	sld [smem:$0x3FFB];
	_ =	sdelay $0x3  }
0x92: {  	_ =	strace s17  }
0x93: {  	s2 =	sld [smem:$0x3FFC];
	_ =	sdelay $0x3  }
0x94: {  	_ =	strace s2  }
0x95: {  	s2 =	sld [smem:$0x3FFD];
	_ =	sdelay $0x3  }
0x96: {  	_ =	strace s2  }
0x97: {  	_ =	strace $0x8FFFFFFF  }
0x98: {  	s18 =	sld [smem:$0x3FDB];
	_ =	sdelay $0x1  }
0x99: {  	s19 =	simm.s32 $_scs_section_size  }
0x9a: {  	s4 =	simm.s32 $_size__tile_overlayer_lowered;
	s5 =	simm.s32 $_tile_overlayer_lowered  }
0x9b: {  	s22 =	simm.s32 $0x1BFF;
	s21 =	sshll.u32 s5, $0x1;
	s2 =	sadd.s32 s19, s18  }
0x9c: {  	s6 =	simm.s32 $0x0;
	s20 =	sshll.u32 s4, $0x1;
	s4 =	sadd.s32 s21, s2  }
0x9d: {  	[timem:s6], [sflag:s22] =	dma.local [hbm:s4], s20  }
0x9e: {  	_ =	swait.ge [sflag:s22], s20  }
0x9f: {  	s3 =	ssub.s32 $0x0, s20;
	[sflag:s22] =	ssyncset.done $0x0  }
0xa0: {  	[sflag:s22] =	ssyncadd.s32 s3;
	_ =	sdelay $0x1  }
0xa1: {  	s23 =	simm.s32 $0x1B8B  }
0xa2: {  	_ =	swait.ge [sflag:s23], $0x1  }
0xa3: {  	[sflag:s23] =	ssyncset.done $0x0  }
0xa4: {  	s25 =	simm.s32 $0x1B8E;
	s24 =	sld [smem:$0x3FFE];
	[sflag:s23] =	ssyncadd.s32 $0xFFFFFFFF  }
0xa5: {  	s26 =	simm.s32 $execute0_lowered;
	[smem:$0x3FD2] =	sst s25  }
0xa6: {  	s4 =	sshll.u32 s26, $0x1;
	_ =	strace $0x80000046;
	[dreg:$0x1] =	wrdreg $0xFFFFFFFF  }
0xa7: {  	s28 =	simm.s32 $_size_execute0_lowered;
	s2 =	sadd.s32 s2, s4;
	[dreg:$0x0] =	wrdreg $0x0  }
0xa8: {  	s4 =	sshll.u32 s28, $0x1;
	[dreg:$0x2] =	wrdreg s2  }
0xa9: {  	[dreg:$0x3] =	wrdreg s4  }
0xaa: {  	[dreg:$0x4] =	wrdreg $0xC0  }
0xab: {  	_ =	task [dreg:s6], $0x5FFFF  }
0xac: {  	[dreg:$0x1] =	wrdreg $0xFFFFFFFF  }
0xad: {  	[dreg:$0x0] =	wrdreg $0x60  }
0xae: {  	[dreg:$0x2] =	wrdreg s24  }
0xaf: {  	[dreg:$0x3] =	wrdreg $0x98000  }
0xb0: {  	[dreg:$0x4] =	wrdreg $0x9  }
0xb1: {  	_ =	task.clear_ibuf [dreg:s6], $0x5FFFF;
	_ =	strace $0x90000046  }
0xb2: {  	s29 =	simm.s32 $0x9;
	_ =	strace $0x80000048  }
0xb3: {  	_ =	swait.ge [sflag:s29], $0x1  }
0xb4: {  	[sflag:s29] =	ssyncadd.s32 $0xFFFFFFFF  }
0xb5: {  	_ =	strace $0x90000048  }
0xb6: {  	_ =	sfence  }
0xb7: {  	s30 =	sld [smem:$0x0];
	_ =	sdelay $0x2  }
0xb8: {  	s31 =	sshll.u32 s1, $0xD;
	s1 =	sshrl.u32 s1, $0x2  }
0xb9: {  	s3 =	sand.u32 $0x4000, s31;
	s1 =	sadd.s32 s1, s30  }
0xba: {  	s0 =	sor.u32 s3, s0;
	s1 =	sshll.u32 s1, $0x11  }
0xbb: {  	s0 =	sor.u32 s1, s0  }
0xbc: {  	s0 =	sadd.s32 $0x8F2B, s0  }
0xbd: {  	[sflag:s0] =	ssyncadd.remote.s32 $0x1  }
0xbe: {  	_ =	sfence.sel $0xFFFF  }
0xbf: {  	[dreg:$0x0] =	wrdreg $0xFFFFFFFF;
	(pc) =	sbr.abs _section_cstart, $3  }
0xc0: {  	[dreg:$0x1] =	wrdreg $0xFFFFFFFF  }
0xc1: {  	_ =	task.clear_ibuf [dreg:s6], $0x2FFFF;
	_ =	strace $0x9FFFFFFF  }
0xc2: {  	(tm) =	ssettm $0x7FFFFFFF  }
0xc3: {  	_ =	shalt  }
tec
execute0_lowered:
.L_overlay_start_1:
0x0: {  	(tag) =	ssettag $0x1  }
0x1: {  	s6 =	rddreg [dreg:$0x0]  }
0x2: {  	s0 =	stileid.u32;
	s1 =	srdreg.scid  }
0x3: {  	s2 =	rddreg [dreg:$0x1];
	s3 =	simm.s32 $0x0;
	s13 =	simm.s32 $0x5C00  }
0x4: {  	s14 =	simm.s32 $0x78;
	s15 =	simm.s32 $0x0;
	s4 =	smul.u32 $0xB80, s0  }
0x5: {  	s7 =	sand.u32 $0x1, s1;
	s1 =	rddreg [dreg:$0x2];
	s8 =	smul.u32 $0x14000, s0  }
0x6: {  	[smem:$0x7FF] =	sst s3;
	s11 =	smul.u32 $0x50000, s0;
	s30 =	sshll.u32 s0, $0x6  }
0x7: {  	s5 =	smul.u32 $0x140000, s7;
	_ =	strace $0x80000047;
	s10 =	ssub.s32 $0x2, s7  }
0x8: {  	s31 =	smul.u32 $0xAE00, s7;
	s9 =	sadd.s32 s4, s6;
	s4 =	sadd.s32 $0x11E00, s6  }
0x9: {  	s28 =	sshrl.u32 s10, $0x1;
	s29 =	sshrl.u32 s11, $0x2;
	s5 =	sadd.s32 s8, s5  }
0xa: {  	s10 =	ssub.s32 s10, s28;
	s12 =	sadd.s32 s29, s2;
	s7 =	sadd.s32 $0x3E00, s9  }
0xb: {  	s8 =	sshrl.u32 s5, $0x3;
	s5 =	sadd.s32 $0xF600, s6;
	s9 =	smax.u32 s10, $0x1  }
0xc: {  	s10 =	sshrl.u32 s31, $0x2;
	s11 =	sshrl.u32 s12, $0x3;
	s8 =	sadd.s32 s8, s6  }
0xd: {  	s12 =	simm.s32 $0x1;
	s6 =	sor.u32 $0x1C01, s30;
	s8 =	sadd.s32 $0x12600, s8  }
.LBB2_1:
0xe: {  	[spmem:s11], [sflag:s6] =	dma.local [hbm:s5], $0x2800  }
0xf: {  	_ =	swait.ge [sflag:s12], $0x2800  }
0x10: {  	[sflag:s12] =	ssyncset.done $0x0  }
0x11: {  	[sflag:s12] =	ssyncadd.s32 $0xFFFFD800  }
0x12: {  	[tilespmem:s3], [sflag:$0x1] =	stream.linear.gather [hbm4b:s7+s3], $0x5A00, $0x38;
	[tilespmem:$0xC000] =	vst v63  }
0x13: {  	_ =	swait.ge [sflag:s12], $0x5A00  }
0x14: {  	[sflag:s12] =	ssyncset.done $0x0  }
0x15: {  	[sflag:s12] =	ssyncadd.s32 $0xFFFFA600  }
0x16: {  	[tilespmem:s13], [sflag:$0x1] =	stream.linear.gather [hbm4b:s4+s3], $0x3C00, $0x38;
	[tilespmem:$0xC000] =	vst v63  }
0x17: {  	_ =	swait.ge [sflag:s12], $0x3C00  }
0x18: {  	[sflag:s12] =	ssyncset.done $0x0  }
0x19: {  	[sflag:s12] =	ssyncadd.s32 $0xFFFFC400  }
0x1a: {  	s16 =	sadd.s32 $0x0, s10;
	[bflag:$0x0] =	sbarrier.arrive $0xFFFF  }
0x1b: {  	[spmem:s2] =	stream.indirect.scatter.add.f32 [tilespmem:s13], [sflag:$0x1], $0x10, s16, s14, $0xb8;
	[tilespmem:$0xC000] =	vst v63  }
0x1c: {  	s16 =	simm.s32 $0x200;
	_ =	swait.ge [sflag:s12], $0x780  }
.LBB2_2:
0x1d: {  	s17 =	sshra.s32 s16, $0x2;
	[sflag:s12] =	ssyncset.done $0x0;
	p0 =	sne.s32 s16, $0xAC00  }
.Ltmp0:
0x1e: {  	s17 =	sadd.s32 s17, s10;
	[sflag:s12] =	ssyncadd.s32 $0xFFFFF880;
	(pc) =	sbr.rel @p0 .LBB2_2-.Ltmp0, $3  }
0x1f: {  	[spmem:s2] =	stream.indirect.scatter.add.f32 [tilespmem:s13], [sflag:$0x1], $0x10, s17, s14, $0xb8;
	[tilespmem:$0xC000] =	vst v63  }
0x20: {  	s16 =	sadd.s32 $0x200, s16;
	_ =	sdelay $0x1  }
0x21: {  	_ =	swait.ge [sflag:s12], $0x780  }
0x22: {  	[sflag:s12] =	ssyncset.done $0x0;
	s15 =	sadd.s32 $0x1, s15  }
0x23: {  	[sflag:s12] =	ssyncadd.s32 $0xFFFFF880;
	p0 =	sne.s32 s15, s9  }
.Ltmp1:
0x24: {  	[bflag:$0x0] =	sbarrier.arrive $0xFFFF;
	(pc) =	sbr.rel @p0 .LBB2_1-.Ltmp1, $4  }
0x25: {  	[hbm:s8], [sflag:s6] =	dma.local [spmem:s11], $0x2800  }
0x26: {  	_ =	swait.ge [sflag:s12], $0x2800  }
0x27: {  	[sflag:s12] =	ssyncset.done $0x0  }
0x28: {  	[sflag:s12] =	ssyncadd.s32 $0xFFFFD800  }
0x29: {  	_ =	sfence.sel $0x180000  }
0x2a: {  	[bflag:$0x0] =	sbarrier.arrive $0xFFFF  }
0x2b: {  	p0 =	sne.s32 s0, $0x0;
	_ =	strace $0x90000047  }
0x2c: {  	s0 =	sadd.s32 @!p0 $0x100000, s1;
	[bflag:$0x2] =	sbarrier.arrive $0xFFFF  }
0x2d: {  	[sflag:s0] =	ssyncadd.tile.s32 @!p0 $0x1;
	_ =	shalt  }
.Lfunc_end2:
_tile_overlayer_lowered:
.L_overlay_start_2:
0x2e: {  	(tag) =	ssettag $0x2  }
0x2f: {  	s0 =	rddreg [dreg:$0x0];
	s2 =	stileid.u32  }
0x30: {  	s1 =	rddreg [dreg:$0x1];
	p0 =	sne.s32 s2, $0x0  }
0x31: {  	s3 =	rddreg [dreg:$0x2];
	[bflag:$0x3] =	sbarrier.arrive $0xFFFF;
	s2 =	simm.s32 @!p0 $0x1C01  }
0x32: {  	[timem:s3], [sflag:s2] =	dma.local @!p0 [hbm:s0], s1  }
0x33: {  	s0 =	simm.s32 @!p0 $0x1  }
0x34: {  	_ =	swait.ge @!p0 [sflag:s0], s1  }
0x35: {  	s1 =	ssub.s32 @!p0 $0x0, s1;
	[sflag:s0] =	ssyncset.done @!p0 $0x0  }
0x36: {  	[sflag:s0] =	ssyncadd.s32 @!p0 s1  }
0x37: {  	[bflag:$0x3] =	sbarrier.arrive $0xFFFF  }
0x38: {  	_ =	shalt  }

// kernel: kernel.15.cloned.1.call-start
scs
__scs_entry_jumppad:
0x0: {  	(pc) =	sbr.rel $0x88, $3  }
0x1: {  	(tag) =	ssettag $0x0;
	lr =	simm.s32 $0x1  }
0x2: {  	[smem:$0x3F91] =	sst lr;
	_ =	strace $0xD0000000  }
0x3: {  	_ = 	snop  }
0x4: {  	_ = 	snop  }
0x5: {  	_ = 	snop  }
0x6: {  	_ = 	snop  }
0x7: {  	_ = 	snop  }
__scs_overlays_trampoline_lowered:
0x8: {  	[smem:$0x3FA0] =	sst s0  }
0x9: {  	[smem:$0x3FA1] =	sst s1  }
0xa: {  	[smem:$0x3FA2] =	sst s2  }
0xb: {  	[smem:$0x3FA3] =	sst s3  }
0xc: {  	[smem:$0x3FA4] =	sst s4  }
0xd: {  	[smem:$0x3FA5] =	sst s5  }
0xe: {  	[smem:$0x3FA6] =	sst s6  }
0xf: {  	[smem:$0x3FA7] =	sst s7  }
0x10: {  	[smem:$0x3FA8] =	sst s8  }
0x11: {  	[smem:$0x3FA9] =	sst s9;
	s0 =	simm.s32 @!p0 $0x0  }
0x12: {  	s1 =	sld [smem:$0x3F8F];
	s0 =	simm.s32 @p0 $0x1  }
0x13: {  	[smem:$0x3FAA] =	sst s0;
	s0 =	simm.s32 @!p1 $0x0  }
0x14: {  	s2 =	sld [smem:$0x3F8E];
	s0 =	simm.s32 @p1 $0x1  }
0x15: {  	[smem:$0x3FAB] =	sst s0;
	s0 =	simm.s32 @!p2 $0x0  }
0x16: {  	s3 =	sld [smem:$0x3FDB];
	s0 =	simm.s32 @p2 $0x1  }
0x17: {  	s4 =	simm.s32 $0x1BF5;
	[smem:$0x3FAD] =	sst s0  }
0x18: {  	s0 =	sld [smem:$0x3F90];
	_ =	swait.ge [sflag:s4], $0x0  }
0x19: {  	s7 =	sld [smem:$0x3F91]  }
0x1a: {  	s8 =	sadd.s32 $0xFFFFE003, lr  }
0x1b: {  	s9 =	sadd.s32 $0xFFFFFEF7, lr;
	s5 =	simm.s32 $0xFFFFFFFF;
	p2 =	slt.u32 s8, $0xFFFFF086  }
0x1c: {  	p1 =	slt.u32 s9, $0xF7A;
	s5 =	simm.s32 @!p2 $0x0  }
0x1d: {  	s5 =	simm.s32 @p1 $0x1;
	p0 =	seq.s32 s7, s2  }
0x1e: {  	s7 =	smul.u32 @!p0 $0xF7A, s2;
	p2 =	seq.s32 @!p0 s5, $0x0  }
0x1f: {  	s9 =	smul.u32 $0xF7A, s1;
	s8 =	simm.s32 @!p0 $0x1BF5;
	p2 =	por !p2, p0  }
0x20: {  	[sflag:s8] =	ssyncset.s32 @!p0 $0xFFFFF086;
	s6 =	sadd.s32 @!p0 s3, s7;
	s7 =	simm.s32 @!p0 $0x108  }
0x21: {  	s3 =	sadd.s32 s3, s9;
	s6 =	sadd.s32 @!p0 $0x88, s6;
	s7 =	simm.s32 @p2 $0x1082  }
0x22: {  	[simem:s7], [sflag:s8] =	dma.local @!p0 [hbm:s6], $0xF7A  }
0x23: {  	s9 =	sor.u32 $0xD0000000, s2;
	s6 =	simm.s32 $0x108;
	_ =	swait.ge @!p0 [sflag:s8], $0x0  }
0x24: {  	s3 =	sadd.s32 $0x88, s3;
	s6 =	simm.s32 @!p1 $0x1082;
	[sflag:s4] =	ssyncset.s32 $0xFFFFF086  }
0x25: {  	[simem:s6], [sflag:s4] =	dma.local [hbm:s3], $0xF7A  }
0x26: {  	[smem:$0x3F91] =	sst s1;
	(tag) =	ssettag s2;
	_ =	strace s9  }
0x27: {  	s1 =	sld [smem:$0x3FA1]  }
0x28: {  	s2 =	sld [smem:$0x3FA2]  }
0x29: {  	s4 =	sld [smem:$0x3FA4]  }
0x2a: {  	p0 =	seq.s32 s5, $0x0;
	s5 =	sld [smem:$0x3FA5]  }
0x2b: {  	s6 =	sld [smem:$0x3FA6]  }
0x2c: {  	s7 =	sld [smem:$0x3FA7]  }
0x2d: {  	s3 =	simm.s32 $0x108;
	s8 =	sld [smem:$0x3FA8]  }
0x2e: {  	s3 =	simm.s32 @!p0 $0x1082;
	s9 =	sld [smem:$0x3FA9]  }
0x2f: {  	lr =	sadd.s32 s0, s3;
	s0 =	sld [smem:$0x3FA0]  }
0x30: {  	s3 =	sld [smem:$0x3FA3]  }
0x31: {  	[smem:$0x3FAC] =	sst s10  }
0x32: {  	s10 =	sld [smem:$0x3FAA];
	_ =	sdelay $0x3  }
0x33: {  	p0 =	seq.s32 s10, $0x1;
	s10 =	sld [smem:$0x3FAC];
	_ =	sdelay $0x3  }
0x34: {  	[smem:$0x3FAC] =	sst s10  }
0x35: {  	s10 =	sld [smem:$0x3FAB];
	_ =	sdelay $0x3  }
0x36: {  	p1 =	seq.s32 s10, $0x1;
	s10 =	sld [smem:$0x3FAC];
	_ =	sdelay $0x3  }
0x37: {  	[smem:$0x3FAC] =	sst s10  }
0x38: {  	s10 =	sld [smem:$0x3FAD]  }
0x39: {  	_ = 	snop;
	(pc) =	sbr.ind lr, $3  }
0x3a: {  	_ = 	snop  }
0x3b: {  	_ = 	snop  }
0x3c: {  	p2 =	seq.s32 s10, $0x1;
	s10 =	sld [smem:$0x3FAC]  }
0x3d: {  	_ =	shalt  }
0x3e: {  	_ =	shalt  }
0x3f: {  	_ =	shalt  }
0x40: {  	_ =	shalt  }
0x41: {  	_ =	shalt  }
0x42: {  	_ =	shalt  }
0x43: {  	_ =	shalt  }
0x44: {  	_ =	shalt  }
0x45: {  	_ =	shalt  }
0x46: {  	_ =	shalt  }
0x47: {  	_ =	shalt  }
0x48: {  	_ =	shalt  }
0x49: {  	_ =	shalt  }
0x4a: {  	_ =	shalt  }
0x4b: {  	_ =	shalt  }
0x4c: {  	_ =	shalt  }
0x4d: {  	_ =	shalt  }
0x4e: {  	_ =	shalt  }
0x4f: {  	_ =	shalt  }
0x50: {  	_ =	shalt  }
0x51: {  	_ =	shalt  }
0x52: {  	_ =	shalt  }
0x53: {  	_ =	shalt  }
0x54: {  	_ =	shalt  }
0x55: {  	_ =	shalt  }
0x56: {  	_ =	shalt  }
0x57: {  	_ =	shalt  }
0x58: {  	_ =	shalt  }
0x59: {  	_ =	shalt  }
0x5a: {  	_ =	shalt  }
0x5b: {  	_ =	shalt  }
0x5c: {  	_ =	shalt  }
0x5d: {  	_ =	shalt  }
0x5e: {  	_ =	shalt  }
0x5f: {  	_ =	shalt  }
0x60: {  	_ =	shalt  }
0x61: {  	_ =	shalt  }
0x62: {  	_ =	shalt  }
0x63: {  	_ =	shalt  }
0x64: {  	_ =	shalt  }
0x65: {  	_ =	shalt  }
0x66: {  	_ =	shalt  }
0x67: {  	_ =	shalt  }
0x68: {  	_ =	shalt  }
0x69: {  	_ =	shalt  }
0x6a: {  	_ =	shalt  }
0x6b: {  	_ =	shalt  }
0x6c: {  	_ =	shalt  }
0x6d: {  	_ =	shalt  }
0x6e: {  	_ =	shalt  }
0x6f: {  	_ =	shalt  }
0x70: {  	_ =	shalt  }
0x71: {  	_ =	shalt  }
0x72: {  	_ =	shalt  }
0x73: {  	_ =	shalt  }
0x74: {  	_ =	shalt  }
0x75: {  	_ =	shalt  }
0x76: {  	_ =	shalt  }
0x77: {  	_ =	shalt  }
0x78: {  	_ =	shalt  }
0x79: {  	_ =	shalt  }
0x7a: {  	_ =	shalt  }
0x7b: {  	_ =	shalt  }
0x7c: {  	_ =	shalt  }
0x7d: {  	_ =	shalt  }
0x7e: {  	_ =	shalt  }
0x7f: {  	_ =	shalt  }
0x80: {  	_ =	shalt  }
0x81: {  	_ =	shalt  }
0x82: {  	_ =	shalt  }
0x83: {  	_ =	shalt  }
0x84: {  	_ =	shalt  }
0x85: {  	_ =	shalt  }
0x86: {  	_ =	shalt  }
0x87: {  	_ =	shalt  }
.Lfunc_end0:
.L_simem_size_0:
called_computation.1_lowered:
.L_overlay_start_0:
0x88: {  	s2 =	sld [smem:$0x3FD9]  }
0x89: {  	s3 =	sld [smem:$0x3FFE];
	_ =	sdelay $0x1  }
0x8a: {  	s1 =	srdreg.scid  }
0x8b: {  	s0 =	sand.u32 $0x1, s1  }
0x8c: {  	s16 =	sshll.u32 s0, $0xA;
	s2 =	sadd.s32 s3, s2  }
0x8d: {  	s2 =	sadd.s32 s2, s16  }
0x8e: {  	[smem:$0x3FB8] =	sst s2  }
0x8f: {  	_ = 	snop  }
0x90: {  	(tm) =	ssettm $0x1  }
0x91: {  	s17 =	sld [smem:$0x3FFB];
	_ =	sdelay $0x3  }
0x92: {  	_ =	strace s17  }
0x93: {  	s2 =	sld [smem:$0x3FFC];
	_ =	sdelay $0x3  }
0x94: {  	_ =	strace s2  }
0x95: {  	s2 =	sld [smem:$0x3FFD];
	_ =	sdelay $0x3  }
0x96: {  	_ =	strace s2  }
0x97: {  	_ =	strace $0x8FFFFFFF  }
0x98: {  	s18 =	sld [smem:$0x3FDB];
	_ =	sdelay $0x1  }
0x99: {  	s19 =	simm.s32 $_scs_section_size  }
0x9a: {  	s4 =	simm.s32 $_size__tile_overlayer_lowered;
	s5 =	simm.s32 $_tile_overlayer_lowered  }
0x9b: {  	s22 =	simm.s32 $0x1BFF;
	s21 =	sshll.u32 s5, $0x1;
	s2 =	sadd.s32 s19, s18  }
0x9c: {  	s6 =	simm.s32 $0x0;
	s20 =	sshll.u32 s4, $0x1;
	s4 =	sadd.s32 s21, s2  }
0x9d: {  	[timem:s6], [sflag:s22] =	dma.local [hbm:s4], s20  }
0x9e: {  	_ =	swait.ge [sflag:s22], s20  }
0x9f: {  	s3 =	ssub.s32 $0x0, s20;
	[sflag:s22] =	ssyncset.done $0x0  }
0xa0: {  	[sflag:s22] =	ssyncadd.s32 s3;
	_ =	sdelay $0x1  }
0xa1: {  	s23 =	simm.s32 $0x1B8B  }
0xa2: {  	_ =	swait.ge [sflag:s23], $0x1  }
0xa3: {  	[sflag:s23] =	ssyncset.done $0x0  }
0xa4: {  	s25 =	simm.s32 $0x1B8E;
	s24 =	sld [smem:$0x3FFE];
	[sflag:s23] =	ssyncadd.s32 $0xFFFFFFFF  }
0xa5: {  	s26 =	simm.s32 $execute0_lowered;
	[smem:$0x3FD2] =	sst s25  }
0xa6: {  	s4 =	sshll.u32 s26, $0x1;
	_ =	strace $0x80000049;
	[dreg:$0x1] =	wrdreg $0xFFFFFFFF  }
0xa7: {  	s28 =	simm.s32 $_size_execute0_lowered;
	s2 =	sadd.s32 s2, s4;
	[dreg:$0x0] =	wrdreg $0x0  }
0xa8: {  	s4 =	sshll.u32 s28, $0x1;
	[dreg:$0x2] =	wrdreg s2  }
0xa9: {  	[dreg:$0x3] =	wrdreg s4  }
0xaa: {  	[dreg:$0x4] =	wrdreg $0xC0  }
0xab: {  	_ =	task [dreg:s6], $0x5FFFF  }
0xac: {  	[dreg:$0x1] =	wrdreg $0xFFFFFFFF  }
0xad: {  	[dreg:$0x0] =	wrdreg $0x60  }
0xae: {  	[dreg:$0x2] =	wrdreg s24  }
0xaf: {  	[dreg:$0x3] =	wrdreg $0xB9A00  }
0xb0: {  	[dreg:$0x4] =	wrdreg $0x159A00  }
0xb1: {  	[dreg:$0x5] =	wrdreg $0x9  }
0xb2: {  	_ =	task.clear_ibuf [dreg:s6], $0x6FFFF;
	_ =	strace $0x90000049  }
0xb3: {  	s29 =	simm.s32 $0x9;
	_ =	strace $0x8000004B  }
0xb4: {  	_ =	swait.ge [sflag:s29], $0x1  }
0xb5: {  	[sflag:s29] =	ssyncadd.s32 $0xFFFFFFFF  }
0xb6: {  	_ =	strace $0x9000004B  }
0xb7: {  	_ =	sfence  }
0xb8: {  	s30 =	sld [smem:$0x0];
	_ =	sdelay $0x2  }
0xb9: {  	s31 =	sshll.u32 s1, $0xD;
	s1 =	sshrl.u32 s1, $0x2  }
0xba: {  	s3 =	sand.u32 $0x4000, s31;
	s1 =	sadd.s32 s1, s30  }
0xbb: {  	s0 =	sor.u32 s3, s0;
	s1 =	sshll.u32 s1, $0x11  }
0xbc: {  	s0 =	sor.u32 s1, s0  }
0xbd: {  	s0 =	sadd.s32 $0x8F2B, s0  }
0xbe: {  	[sflag:s0] =	ssyncadd.remote.s32 $0x1  }
0xbf: {  	_ =	sfence.sel $0xFFFF  }
0xc0: {  	[dreg:$0x0] =	wrdreg $0xFFFFFFFF;
	(pc) =	sbr.abs _section_cstart, $3  }
0xc1: {  	[dreg:$0x1] =	wrdreg $0xFFFFFFFF  }
0xc2: {  	_ =	task.clear_ibuf [dreg:s6], $0x2FFFF;
	_ =	strace $0x9FFFFFFF  }
0xc3: {  	(tm) =	ssettm $0x7FFFFFFF  }
tec
execute0_lowered:
.L_overlay_start_1:
0x0: {  	(tag) =	ssettag $0x1  }
0x1: {  	s0 =	rddreg [dreg:$0x0]  }
0x2: {  	s2 =	rddreg [dreg:$0x1]  }
0x3: {  	s3 =	rddreg [dreg:$0x2];
	s1 =	srdreg.scid  }
0x4: {  	s12 =	stileid.u32;
	s4 =	simm.s32 $0x0;
	s24 =	simm.s32 $0x168  }
0x5: {  	s26 =	simm.s32 $0x258;
	s30 =	simm.s32 $0x5A0;
	s5 =	smul.u32 $0xA000, s12  }
0x6: {  	s1 =	sand.u32 $0x1, s1;
	[smem:$0x7FF] =	sst s4;
	s10 =	smul.u32 $0xA8C0, s12  }
0x7: {  	s7 =	sadd.s32 $0x62600, s0;
	s8 =	sadd.s32 $0x3E00, s0;
	s11 =	smul.u32 $0x9C40, s12  }
0x8: {  	s29 =	sshll.u32 s12, $0x6;
	s18 =	smul.u32 $0x1518, s12;
	s12 =	simm.s32 $0x8  }
0x9: {  	s6 =	smul.u32 $0xA0000, s1;
	_ =	strace $0x8000004A;
	[dreg:$0xa] =	wrdreg s8  }
0xa: {  	s28 =	ssub.s32 $0x2, s1;
	s25 =	sor.u32 $0x1C13, s29;
	[dreg:$0x5] =	wrdreg s24  }
0xb: {  	p0 =	seq.s32 s1, $0x1;
	[dreg:$0x6] =	wrdreg s26;
	s29 =	simm.s32 $0x438  }
0xc: {  	s24 =	simm.s32 $0x78;
	s9 =	sshrl.u32 s28, $0x1;
	s10 =	sshrl.u32 s10, $0x3  }
0xd: {  	s31 =	sadd.s32 s11, s3;
	s14 =	sshrl.u32 s11, $0x3;
	[dreg:$0x8] =	wrdreg s29  }
0xe: {  	s21 =	sadd.s32 s18, s7;
	s11 =	simm.s32 $0x7;
	[dreg:$0xb] =	wrdreg s25  }
0xf: {  	s18 =	simm.s32 $0xC;
	s13 =	sadd.s32 s7, s10;
	[dreg:$0x4] =	wrdreg s21  }
0x10: {  	s6 =	sadd.s32 s5, s6;
	s22 =	sshrl.u32 s31, $0x3;
	[dreg:$0xc] =	wrdreg s13  }
0x11: {  	s8 =	ssub.s32 s28, s9;
	s28 =	simm.s32 $0x348;
	[dreg:$0x16] =	wrdreg s22  }
0x12: {  	s5 =	sadd.s32 s5, s2;
	s31 =	simm.s32 $0x528;
	[dreg:$0x7] =	wrdreg s28  }
0x13: {  	s9 =	simm.s32 $0x5;
	s10 =	sadd.s32 $0x1E, s13;
	[dreg:$0x9] =	wrdreg s31  }
0x14: {  	s7 =	simm.s32 $0xD;
	s15 =	sadd.s32 $0x3C, s13;
	[dreg:$0xd] =	wrdreg s10  }
0x15: {  	s6 =	sshrl.u32 s6, $0x3;
	s16 =	sadd.s32 $0x5A, s13;
	[dreg:$0xe] =	wrdreg s15  }
0x16: {  	s17 =	sadd.s32 $0x78, s13;
	s19 =	sadd.s32 $0x96, s13;
	[dreg:$0xf] =	wrdreg s16  }
0x17: {  	s20 =	smax.u32 s8, $0x1;
	s23 =	sshrl.u32 s5, $0x3;
	[dreg:$0x10] =	wrdreg s17  }
0x18: {  	s13 =	simm.s32 $0x9;
	s22 =	simm.s32 $0x0;
	[dreg:$0x11] =	wrdreg s19  }
0x19: {  	s6 =	sadd.s32 s6, s0;
	s10 =	simm.s32 $0x77800;
	[dreg:$0x13] =	wrdreg s20  }
0x1a: {  	s15 =	simm.s32 $0xB;
	s16 =	simm.s32 $0xE;
	s17 =	simm.s32 $0x10  }
0x1b: {  	s19 =	simm.s32 $0x11;
	s20 =	simm.s32 $0x12;
	s10 =	simm.s32 @!p0 $0x8B200  }
0x1c: {  	[dreg:$0x15] =	wrdreg s23;
	s6 =	sadd.s32 $0x9EC00, s6;
	s0 =	sadd.s32 s10, s0  }
0x1d: {  	[dreg:$0x12] =	wrdreg s6;
	s10 =	simm.s32 $0x6;
	s0 =	sadd.s32 s0, s14  }
0x1e: {  	s6 =	simm.s32 $0xF;
	s14 =	simm.s32 $0xA;
	[dreg:$0x14] =	wrdreg s0  }
.LBB2_1:
0x1f: {  	[dreg:$0x17] =	wrdreg s22  }
0x20: {  	s22 =	simm.s32 $0x13;
	s21 =	rddreg [dreg:$0xa]  }
0x21: {  	[spmem:s23], [sflag:s25] =	dma.local [hbm:s21], $0x1400  }
0x22: {  	_ =	swait.ge [sflag:s22], $0x1400  }
0x23: {  	[sflag:s22] =	ssyncset.done $0x0;
	s26 =	rddreg [dreg:$0x14]  }
0x24: {  	s28 =	rddreg [dreg:$0x16];
	[sflag:s22] =	ssyncadd.s32 $0xFFFFEC00  }
0x25: {  	[spmem:s28], [sflag:s25] =	dma.local [hbm:s26], $0x1388  }
0x26: {  	_ =	swait.ge [sflag:s22], $0x1388  }
0x27: {  	[sflag:s22] =	ssyncset.done $0x0  }
0x28: {  	s29 =	rddreg [dreg:$0xc];
	[sflag:s22] =	ssyncadd.s32 $0xFFFFEC78  }
0x29: {  	[tilespmem:s4], [sflag:$0x13] =	stream.linear.gather [hbm4b:s29+s4], $0xF0, $0x38;
	[tilespmem:$0x1F5E0] =	vst v63  }
0x2a: {  	_ =	swait.ge [sflag:s22], $0xF0  }
0x2b: {  	[sflag:s22] =	ssyncset.done $0x0  }
0x2c: {  	s29 =	simm.s32 $0xF0;
	s31 =	rddreg [dreg:$0xd];
	[sflag:s22] =	ssyncadd.s32 $0xFFFFFF10  }
0x2d: {  	[tilespmem:s29], [sflag:$0x13] =	stream.linear.gather [hbm4b:s31+s4], $0xF0, $0x38;
	[tilespmem:$0x1F5E0] =	vst v63  }
0x2e: {  	_ =	swait.ge [sflag:s22], $0xF0  }
0x2f: {  	[sflag:s22] =	ssyncset.done $0x0  }
0x30: {  	s31 =	simm.s32 $0x1E0;
	s0 =	rddreg [dreg:$0xe];
	[sflag:s22] =	ssyncadd.s32 $0xFFFFFF10  }
0x31: {  	[tilespmem:s31], [sflag:$0x13] =	stream.linear.gather [hbm4b:s0+s4], $0xF0, $0x38;
	[tilespmem:$0x1F5E0] =	vst v63  }
0x32: {  	_ =	swait.ge [sflag:s22], $0xF0  }
0x33: {  	[sflag:s22] =	ssyncset.done $0x0  }
0x34: {  	s25 =	simm.s32 $0x2D0;
	s1 =	rddreg [dreg:$0xf];
	[sflag:s22] =	ssyncadd.s32 $0xFFFFFF10  }
0x35: {  	[tilespmem:s25], [sflag:$0x13] =	stream.linear.gather [hbm4b:s1+s4], $0xF0, $0x38;
	[tilespmem:$0x1F5E0] =	vst v63  }
0x36: {  	_ =	swait.ge [sflag:s22], $0xF0  }
0x37: {  	[sflag:s22] =	ssyncset.done $0x0  }
0x38: {  	s26 =	simm.s32 $0x3C0;
	s5 =	rddreg [dreg:$0x10];
	[sflag:s22] =	ssyncadd.s32 $0xFFFFFF10  }
0x39: {  	[tilespmem:s26], [sflag:$0x13] =	stream.linear.gather [hbm4b:s5+s4], $0xF0, $0x38;
	[tilespmem:$0x1F5E0] =	vst v63  }
0x3a: {  	_ =	swait.ge [sflag:s22], $0xF0  }
0x3b: {  	[sflag:s22] =	ssyncset.done $0x0  }
0x3c: {  	s23 =	simm.s32 $0x4B0;
	s8 =	rddreg [dreg:$0x11];
	[sflag:s22] =	ssyncadd.s32 $0xFFFFFF10  }
0x3d: {  	[tilespmem:s23], [sflag:$0x13] =	stream.linear.gather [hbm4b:s8+s4], $0xF0, $0x38;
	[tilespmem:$0x1F5E0] =	vst v63  }
0x3e: {  	_ =	swait.ge [sflag:s22], $0xF0  }
0x3f: {  	[sflag:s22] =	ssyncset.done $0x0  }
0x40: {  	[sflag:s22] =	ssyncadd.s32 $0xFFFFFF10  }
0x41: {  	[bflag:$0x0] =	sbarrier.arrive $0xFFFF  }
0x42: {  	[tilespmem:s30], [sflag:$0x1] =	stream.indirect.gather [spmem:s3], $0x40, s4, s24, $0xb8;
	[tilespmem:$0x1F5E0] =	vst v63  }
0x43: {  	s0 =	simm.s32 $0x23A0  }
0x44: {  	[tilespmem:s0], [sflag:$0x2] =	stream.indirect.gather [spmem:s3], $0x40, s29, s24, $0xb8;
	[tilespmem:$0x1F5E0] =	vst v63  }
0x45: {  	s1 =	simm.s32 $0x41A0  }
0x46: {  	[tilespmem:s1], [sflag:$0x3] =	stream.indirect.gather [spmem:s3], $0x40, s31, s24, $0xb8;
	[tilespmem:$0x1F5E0] =	vst v63  }
0x47: {  	s5 =	simm.s32 $0x5FA0  }
0x48: {  	[tilespmem:s5], [sflag:$0x4] =	stream.indirect.gather [spmem:s3], $0x40, s25, s24, $0xb8;
	[tilespmem:$0x1F5E0] =	vst v63  }
0x49: {  	s8 =	simm.s32 $0x7DA0  }
0x4a: {  	[tilespmem:s8], [sflag:$0x5] =	stream.indirect.gather [spmem:s3], $0x40, s26, s24, $0xb8;
	[tilespmem:$0x1F5E0] =	vst v63  }
0x4b: {  	s28 =	simm.s32 $0x1;
	s22 =	simm.s32 $0x9BA0  }
0x4c: {  	[tilespmem:s22], [sflag:$0x6] =	stream.indirect.gather [spmem:s3], $0x40, s23, s24, $0xb8;
	[tilespmem:$0x1F5E0] =	vst v63  }
0x4d: {  	_ =	swait.ge [sflag:s28], $0x1E00  }
0x4e: {  	[sflag:s28] =	ssyncset.done $0x0  }
0x4f: {  	[sflag:s28] =	ssyncadd.s32 $0xFFFFE200;
	s28 =	simm.s32 $0x2  }
0x50: {  	[spmem:s2] =	stream.indirect.scatter.add.f32 [tilespmem:s30], [sflag:$0x7], $0x40, s24, s24, $0xb8;
	[tilespmem:$0x1F5E0] =	vst v63  }
0x51: {  	_ =	swait.ge [sflag:s28], $0x1E00  }
0x52: {  	[sflag:s28] =	ssyncset.done $0x0  }
0x53: {  	s21 =	rddreg [dreg:$0x5];
	[sflag:s28] =	ssyncadd.s32 $0xFFFFE200;
	s28 =	simm.s32 $0x3  }
0x54: {  	[spmem:s2] =	stream.indirect.scatter.add.f32 [tilespmem:s0], [sflag:$0x8], $0x40, s21, s24, $0xb8;
	[tilespmem:$0x1F5E0] =	vst v63  }
0x55: {  	_ =	swait.ge [sflag:s28], $0x1E00  }
0x56: {  	[sflag:s28] =	ssyncset.done $0x0  }
0x57: {  	s21 =	rddreg [dreg:$0x6];
	[sflag:s28] =	ssyncadd.s32 $0xFFFFE200;
	s28 =	simm.s32 $0x4  }
0x58: {  	[spmem:s2] =	stream.indirect.scatter.add.f32 [tilespmem:s1], [sflag:$0x9], $0x40, s21, s24, $0xb8;
	[tilespmem:$0x1F5E0] =	vst v63  }
0x59: {  	_ =	swait.ge [sflag:s28], $0x1E00  }
0x5a: {  	[sflag:s28] =	ssyncset.done $0x0  }
0x5b: {  	s21 =	rddreg [dreg:$0x7];
	[sflag:s28] =	ssyncadd.s32 $0xFFFFE200  }
0x5c: {  	[spmem:s2] =	stream.indirect.scatter.add.f32 [tilespmem:s5], [sflag:$0xA], $0x40, s21, s24, $0xb8;
	[tilespmem:$0x1F5E0] =	vst v63  }
0x5d: {  	_ =	swait.ge [sflag:s9], $0x1E00  }
0x5e: {  	[sflag:s9] =	ssyncset.done $0x0  }
0x5f: {  	s28 =	rddreg [dreg:$0x8];
	[sflag:s9] =	ssyncadd.s32 $0xFFFFE200  }
0x60: {  	[spmem:s2] =	stream.indirect.scatter.add.f32 [tilespmem:s8], [sflag:$0xB], $0x40, s28, s24, $0xb8;
	[tilespmem:$0x1F5E0] =	vst v63  }
0x61: {  	_ =	swait.ge [sflag:s10], $0x1E00  }
0x62: {  	[sflag:s10] =	ssyncset.done $0x0  }
0x63: {  	s28 =	rddreg [dreg:$0x9];
	[sflag:s10] =	ssyncadd.s32 $0xFFFFE200  }
0x64: {  	[spmem:s2] =	stream.indirect.scatter.add.f32 [tilespmem:s22], [sflag:$0xC], $0x40, s28, s24, $0xb8;
	[tilespmem:$0x1F5E0] =	vst v63  }
0x65: {  	_ =	swait.ge [sflag:s11], $0x1E00  }
0x66: {  	s22 =	rddreg [dreg:$0x4]  }
0x67: {  	[sflag:s11] =	ssyncset.done $0x0;
	s21 =	sadd.s32 $0x0, s22  }
0x68: {  	[sflag:s11] =	ssyncadd.s32 $0xFFFFE200;
	s28 =	sadd.s32 $0xB4, s21  }
0x69: {  	[tilespmem:s4], [sflag:$0xD] =	stream.linear.gather [hbm4b:s28+s4], $0xF0, $0x38;
	[tilespmem:$0x1F5E0] =	vst v63  }
0x6a: {  	_ =	swait.ge [sflag:s12], $0x1E00  }
0x6b: {  	[sflag:s12] =	ssyncset.done $0x0  }
0x6c: {  	s28 =	sadd.s32 $0xD2, s21;
	[sflag:s12] =	ssyncadd.s32 $0xFFFFE200  }
0x6d: {  	[tilespmem:s29], [sflag:$0xE] =	stream.linear.gather [hbm4b:s28+s4], $0xF0, $0x38;
	[tilespmem:$0x1F5E0] =	vst v63  }
0x6e: {  	_ =	swait.ge [sflag:s13], $0x1E00  }
0x6f: {  	[sflag:s13] =	ssyncset.done $0x0  }
0x70: {  	s28 =	sadd.s32 $0xF0, s21;
	[sflag:s13] =	ssyncadd.s32 $0xFFFFE200  }
0x71: {  	[tilespmem:s31], [sflag:$0xF] =	stream.linear.gather [hbm4b:s28+s4], $0xF0, $0x38;
	[tilespmem:$0x1F5E0] =	vst v63  }
0x72: {  	_ =	swait.ge [sflag:s14], $0x1E00  }
0x73: {  	[sflag:s14] =	ssyncset.done $0x0  }
0x74: {  	s28 =	sadd.s32 $0x10E, s21;
	[sflag:s14] =	ssyncadd.s32 $0xFFFFE200  }
0x75: {  	[tilespmem:s25], [sflag:$0x10] =	stream.linear.gather [hbm4b:s28+s4], $0xF0, $0x38;
	[tilespmem:$0x1F5E0] =	vst v63  }
0x76: {  	_ =	swait.ge [sflag:s15], $0x1E00  }
0x77: {  	[sflag:s15] =	ssyncset.done $0x0  }
0x78: {  	s28 =	sadd.s32 $0x12C, s21;
	[sflag:s15] =	ssyncadd.s32 $0xFFFFE200  }
0x79: {  	[tilespmem:s26], [sflag:$0x11] =	stream.linear.gather [hbm4b:s28+s4], $0xF0, $0x38;
	[tilespmem:$0x1F5E0] =	vst v63  }
0x7a: {  	_ =	swait.ge [sflag:s18], $0x1E00  }
0x7b: {  	[sflag:s18] =	ssyncset.done $0x0  }
0x7c: {  	s21 =	sadd.s32 $0x14A, s21;
	[sflag:s18] =	ssyncadd.s32 $0xFFFFE200  }
0x7d: {  	[tilespmem:s23], [sflag:$0x12] =	stream.linear.gather [hbm4b:s21+s4], $0xF0, $0x38;
	[tilespmem:$0x1F5E0] =	vst v63  }
0x7e: {  	_ =	swait.ge [sflag:s7], $0xF0  }
0x7f: {  	[sflag:s7] =	ssyncset.done $0x0  }
0x80: {  	[sflag:s7] =	ssyncadd.s32 $0xFFFFFF10  }
0x81: {  	[tilespmem:s30], [sflag:$0x1] =	stream.indirect.gather [spmem:s3], $0x40, s4, s24, $0xb8;
	[tilespmem:$0x1F5E0] =	vst v63  }
0x82: {  	_ =	swait.ge [sflag:s16], $0xF0  }
0x83: {  	[sflag:s16] =	ssyncset.done $0x0  }
0x84: {  	[sflag:s16] =	ssyncadd.s32 $0xFFFFFF10  }
0x85: {  	[tilespmem:s0], [sflag:$0x2] =	stream.indirect.gather [spmem:s3], $0x40, s29, s24, $0xb8;
	[tilespmem:$0x1F5E0] =	vst v63  }
0x86: {  	_ =	swait.ge [sflag:s6], $0xF0  }
0x87: {  	[sflag:s6] =	ssyncset.done $0x0  }
0x88: {  	[sflag:s6] =	ssyncadd.s32 $0xFFFFFF10  }
0x89: {  	[tilespmem:s1], [sflag:$0x3] =	stream.indirect.gather [spmem:s3], $0x40, s31, s24, $0xb8;
	[tilespmem:$0x1F5E0] =	vst v63  }
0x8a: {  	_ =	swait.ge [sflag:s17], $0xF0  }
0x8b: {  	[sflag:s17] =	ssyncset.done $0x0  }
0x8c: {  	[sflag:s17] =	ssyncadd.s32 $0xFFFFFF10  }
0x8d: {  	[tilespmem:s5], [sflag:$0x4] =	stream.indirect.gather [spmem:s3], $0x40, s25, s24, $0xb8;
	[tilespmem:$0x1F5E0] =	vst v63  }
0x8e: {  	_ =	swait.ge [sflag:s19], $0xF0  }
0x8f: {  	[sflag:s19] =	ssyncset.done $0x0  }
0x90: {  	[sflag:s19] =	ssyncadd.s32 $0xFFFFFF10  }
0x91: {  	[tilespmem:s8], [sflag:$0x5] =	stream.indirect.gather [spmem:s3], $0x40, s26, s24, $0xb8;
	[tilespmem:$0x1F5E0] =	vst v63  }
0x92: {  	_ =	swait.ge [sflag:s20], $0xF0  }
0x93: {  	[sflag:s20] =	ssyncset.done $0x0  }
0x94: {  	s21 =	simm.s32 $0xB4;
	[sflag:s20] =	ssyncadd.s32 $0xFFFFFF10  }
.LBB2_2:
0x95: {  	s30 =	simm.s32 $0x4B0;
	s31 =	simm.s32 $0x9BA0;
	s0 =	simm.s32 $0x1  }
0x96: {  	[tilespmem:s31], [sflag:$0x6] =	stream.indirect.gather [spmem:s3], $0x40, s30, s24, $0xb8;
	[tilespmem:$0x1F5E0] =	vst v63  }
0x97: {  	_ =	swait.ge [sflag:s0], $0x1E00  }
0x98: {  	[sflag:s0] =	ssyncset.done $0x0  }
0x99: {  	s23 =	simm.s32 $0x5A0;
	s1 =	simm.s32 $0x2;
	[sflag:s0] =	ssyncadd.s32 $0xFFFFE200  }
0x9a: {  	[spmem:s2] =	stream.indirect.scatter.add.f32 [tilespmem:s23], [sflag:$0x7], $0x40, s24, s24, $0xb8;
	[tilespmem:$0x1F5E0] =	vst v63  }
0x9b: {  	_ =	swait.ge [sflag:s1], $0x1E00  }
0x9c: {  	s0 =	simm.s32 $0x23A0;
	[sflag:s1] =	ssyncset.done $0x0  }
0x9d: {  	s5 =	rddreg [dreg:$0x5];
	[sflag:s1] =	ssyncadd.s32 $0xFFFFE200;
	s1 =	simm.s32 $0x3  }
0x9e: {  	[spmem:s2] =	stream.indirect.scatter.add.f32 [tilespmem:s0], [sflag:$0x8], $0x40, s5, s24, $0xb8;
	[tilespmem:$0x1F5E0] =	vst v63  }
0x9f: {  	_ =	swait.ge [sflag:s1], $0x1E00  }
0xa0: {  	s5 =	simm.s32 $0x4;
	[sflag:s1] =	ssyncset.done $0x0  }
0xa1: {  	s8 =	rddreg [dreg:$0x6];
	[sflag:s1] =	ssyncadd.s32 $0xFFFFE200;
	s1 =	simm.s32 $0x41A0  }
0xa2: {  	[spmem:s2] =	stream.indirect.scatter.add.f32 [tilespmem:s1], [sflag:$0x9], $0x40, s8, s24, $0xb8;
	[tilespmem:$0x1F5E0] =	vst v63  }
0xa3: {  	_ =	swait.ge [sflag:s5], $0x1E00  }
0xa4: {  	[sflag:s5] =	ssyncset.done $0x0  }
0xa5: {  	s25 =	rddreg [dreg:$0x7];
	[sflag:s5] =	ssyncadd.s32 $0xFFFFE200;
	s5 =	simm.s32 $0x5FA0  }
0xa6: {  	[spmem:s2] =	stream.indirect.scatter.add.f32 [tilespmem:s5], [sflag:$0xA], $0x40, s25, s24, $0xb8;
	[tilespmem:$0x1F5E0] =	vst v63  }
0xa7: {  	_ =	swait.ge [sflag:s9], $0x1E00  }
0xa8: {  	[sflag:s9] =	ssyncset.done $0x0  }
0xa9: {  	s8 =	simm.s32 $0x7DA0;
	s26 =	rddreg [dreg:$0x8];
	[sflag:s9] =	ssyncadd.s32 $0xFFFFE200  }
0xaa: {  	[spmem:s2] =	stream.indirect.scatter.add.f32 [tilespmem:s8], [sflag:$0xB], $0x40, s26, s24, $0xb8;
	[tilespmem:$0x1F5E0] =	vst v63  }
0xab: {  	_ =	swait.ge [sflag:s10], $0x1E00  }
0xac: {  	[sflag:s10] =	ssyncset.done $0x0  }
0xad: {  	s28 =	rddreg [dreg:$0x9];
	[sflag:s10] =	ssyncadd.s32 $0xFFFFE200  }
0xae: {  	[spmem:s2] =	stream.indirect.scatter.add.f32 [tilespmem:s31], [sflag:$0xC], $0x40, s28, s24, $0xb8;
	[tilespmem:$0x1F5E0] =	vst v63  }
0xaf: {  	_ =	swait.ge [sflag:s11], $0x1E00  }
0xb0: {  	s22 =	smov.u32 s21;
	s31 =	rddreg [dreg:$0x4]  }
0xb1: {  	[sflag:s11] =	ssyncset.done $0x0;
	s22 =	sadd.s32 s22, s31  }
0xb2: {  	[sflag:s11] =	ssyncadd.s32 $0xFFFFE200;
	s23 =	sadd.s32 $0xB4, s22  }
0xb3: {  	[tilespmem:s4], [sflag:$0xD] =	stream.linear.gather [hbm4b:s23+s4], $0xF0, $0x38;
	[tilespmem:$0x1F5E0] =	vst v63  }
0xb4: {  	_ =	swait.ge [sflag:s12], $0x1E00  }
0xb5: {  	[sflag:s12] =	ssyncset.done $0x0  }
0xb6: {  	s31 =	simm.s32 $0xF0;
	s25 =	sadd.s32 $0xD2, s22;
	[sflag:s12] =	ssyncadd.s32 $0xFFFFE200  }
0xb7: {  	[tilespmem:s31], [sflag:$0xE] =	stream.linear.gather [hbm4b:s25+s4], $0xF0, $0x38;
	[tilespmem:$0x1F5E0] =	vst v63  }
0xb8: {  	_ =	swait.ge [sflag:s13], $0x1E00  }
0xb9: {  	[sflag:s13] =	ssyncset.done $0x0  }
0xba: {  	s26 =	sadd.s32 $0xF0, s22;
	s25 =	simm.s32 $0x1E0;
	[sflag:s13] =	ssyncadd.s32 $0xFFFFE200  }
0xbb: {  	[tilespmem:s25], [sflag:$0xF] =	stream.linear.gather [hbm4b:s26+s4], $0xF0, $0x38;
	[tilespmem:$0x1F5E0] =	vst v63  }
0xbc: {  	_ =	swait.ge [sflag:s14], $0x1E00  }
0xbd: {  	[sflag:s14] =	ssyncset.done $0x0  }
0xbe: {  	s28 =	sadd.s32 $0x10E, s22;
	s26 =	simm.s32 $0x2D0;
	[sflag:s14] =	ssyncadd.s32 $0xFFFFE200  }
0xbf: {  	[tilespmem:s26], [sflag:$0x10] =	stream.linear.gather [hbm4b:s28+s4], $0xF0, $0x38;
	[tilespmem:$0x1F5E0] =	vst v63  }
0xc0: {  	_ =	swait.ge [sflag:s15], $0x1E00  }
0xc1: {  	[sflag:s15] =	ssyncset.done $0x0  }
0xc2: {  	s23 =	sadd.s32 $0x12C, s22;
	s28 =	simm.s32 $0x3C0;
	[sflag:s15] =	ssyncadd.s32 $0xFFFFE200  }
0xc3: {  	[tilespmem:s28], [sflag:$0x11] =	stream.linear.gather [hbm4b:s23+s4], $0xF0, $0x38;
	[tilespmem:$0x1F5E0] =	vst v63  }
0xc4: {  	_ =	swait.ge [sflag:s18], $0x1E00  }
0xc5: {  	[sflag:s18] =	ssyncset.done $0x0  }
0xc6: {  	s22 =	sadd.s32 $0x14A, s22;
	[sflag:s18] =	ssyncadd.s32 $0xFFFFE200  }
0xc7: {  	[tilespmem:s30], [sflag:$0x12] =	stream.linear.gather [hbm4b:s22+s4], $0xF0, $0x38;
	[tilespmem:$0x1F5E0] =	vst v63  }
0xc8: {  	_ =	swait.ge [sflag:s7], $0xF0  }
0xc9: {  	[sflag:s7] =	ssyncset.done $0x0  }
0xca: {  	s30 =	simm.s32 $0x5A0;
	[sflag:s7] =	ssyncadd.s32 $0xFFFFFF10  }
0xcb: {  	[tilespmem:s30], [sflag:$0x1] =	stream.indirect.gather [spmem:s3], $0x40, s4, s24, $0xb8;
	[tilespmem:$0x1F5E0] =	vst v63  }
0xcc: {  	_ =	swait.ge [sflag:s16], $0xF0  }
0xcd: {  	[sflag:s16] =	ssyncset.done $0x0  }
0xce: {  	[sflag:s16] =	ssyncadd.s32 $0xFFFFFF10  }
0xcf: {  	[tilespmem:s0], [sflag:$0x2] =	stream.indirect.gather [spmem:s3], $0x40, s31, s24, $0xb8;
	[tilespmem:$0x1F5E0] =	vst v63  }
0xd0: {  	_ =	swait.ge [sflag:s6], $0xF0  }
0xd1: {  	[sflag:s6] =	ssyncset.done $0x0  }
0xd2: {  	[sflag:s6] =	ssyncadd.s32 $0xFFFFFF10  }
0xd3: {  	[tilespmem:s1], [sflag:$0x3] =	stream.indirect.gather [spmem:s3], $0x40, s25, s24, $0xb8;
	[tilespmem:$0x1F5E0] =	vst v63  }
0xd4: {  	_ =	swait.ge [sflag:s17], $0xF0  }
0xd5: {  	[sflag:s17] =	ssyncset.done $0x0  }
0xd6: {  	[sflag:s17] =	ssyncadd.s32 $0xFFFFFF10  }
0xd7: {  	[tilespmem:s5], [sflag:$0x4] =	stream.indirect.gather [spmem:s3], $0x40, s26, s24, $0xb8;
	[tilespmem:$0x1F5E0] =	vst v63  }
0xd8: {  	_ =	swait.ge [sflag:s19], $0xF0  }
0xd9: {  	p0 =	sne.s32 s21, $0x13B0;
	[sflag:s19] =	ssyncset.done $0x0  }
.Ltmp0:
0xda: {  	[sflag:s19] =	ssyncadd.s32 $0xFFFFFF10;
	(pc) =	sbr.rel @p0 .LBB2_2-.Ltmp0, $4  }
0xdb: {  	[tilespmem:s8], [sflag:$0x5] =	stream.indirect.gather [spmem:s3], $0x40, s28, s24, $0xb8;
	[tilespmem:$0x1F5E0] =	vst v63  }
0xdc: {  	_ =	swait.ge [sflag:s20], $0xF0  }
0xdd: {  	s21 =	sadd.s32 $0xB4, s21;
	[sflag:s20] =	ssyncset.done $0x0  }
0xde: {  	s29 =	simm.s32 $0x9BA0;
	s23 =	simm.s32 $0x4B0;
	[sflag:s20] =	ssyncadd.s32 $0xFFFFFF10  }
0xdf: {  	[tilespmem:s29], [sflag:$0x6] =	stream.indirect.gather [spmem:s3], $0x40, s23, s24, $0xb8;
	[tilespmem:$0x1F5E0] =	vst v63  }
0xe0: {  	s0 =	simm.s32 $0x1  }
0xe1: {  	_ =	swait.ge [sflag:s0], $0x1E00  }
0xe2: {  	[sflag:s0] =	ssyncset.done $0x0  }
0xe3: {  	s23 =	simm.s32 $0x2;
	[sflag:s0] =	ssyncadd.s32 $0xFFFFE200  }
0xe4: {  	_ =	swait.ge [sflag:s23], $0x1E00  }
0xe5: {  	[sflag:s23] =	ssyncset.done $0x0  }
0xe6: {  	s25 =	simm.s32 $0x3;
	[sflag:s23] =	ssyncadd.s32 $0xFFFFE200  }
0xe7: {  	_ =	swait.ge [sflag:s25], $0x1E00  }
0xe8: {  	[sflag:s25] =	ssyncset.done $0x0  }
0xe9: {  	s26 =	simm.s32 $0x4;
	[sflag:s25] =	ssyncadd.s32 $0xFFFFE200  }
0xea: {  	_ =	swait.ge [sflag:s26], $0x1E00  }
0xeb: {  	[sflag:s26] =	ssyncset.done $0x0  }
0xec: {  	[sflag:s26] =	ssyncadd.s32 $0xFFFFE200  }
0xed: {  	_ =	swait.ge [sflag:s9], $0x1E00  }
0xee: {  	[sflag:s9] =	ssyncset.done $0x0  }
0xef: {  	[sflag:s9] =	ssyncadd.s32 $0xFFFFE200  }
0xf0: {  	_ =	swait.ge [sflag:s10], $0x1E00  }
0xf1: {  	[sflag:s10] =	ssyncset.done $0x0  }
0xf2: {  	[sflag:s10] =	ssyncadd.s32 $0xFFFFE200  }
0xf3: {  	[bflag:$0x0] =	sbarrier.arrive $0xFFFF  }
0xf4: {  	s25 =	rddreg [dreg:$0xb]  }
0xf5: {  	s21 =	rddreg [dreg:$0x12]  }
0xf6: {  	s28 =	simm.s32 $0x13;
	s23 =	rddreg [dreg:$0x15]  }
0xf7: {  	[hbm:s21], [sflag:s25] =	dma.local [spmem:s23], $0x1400  }
0xf8: {  	_ =	swait.ge [sflag:s28], $0x1400  }
0xf9: {  	s22 =	rddreg [dreg:$0x17]  }
0xfa: {  	s29 =	rddreg [dreg:$0x13];
	s22 =	sadd.s32 $0x1, s22  }
0xfb: {  	p0 =	sne.s32 s22, s29  }
.Ltmp1:
0xfc: {  	_ = 	snop;
	(pc) =	sbr.rel @p0 .LBB2_1-.Ltmp1, $3  }
0xfd: {  	_ =	sdelay $0x1  }
0xfe: {  	s31 =	simm.s32 $0x13;
	[sflag:s28] =	ssyncset.done $0x0  }
0xff: {  	[sflag:s31] =	ssyncadd.s32 $0xFFFFEC00  }
0x100: {  	_ =	sfence.sel $0x180000  }
0x101: {  	[bflag:$0x0] =	sbarrier.arrive $0xFFFF  }
0x102: {  	_ =	strace $0x9000004A  }
0x103: {  	s0 =	stileid.u32;
	[bflag:$0x2] =	sbarrier.arrive $0xFFFF  }
0x104: {  	p0 =	sne.s32 s0, $0x0;
	s0 =	rddreg [dreg:$0x3]  }
0x105: {  	s0 =	sadd.s32 @!p0 $0x100000, s0  }
0x106: {  	[sflag:s0] =	ssyncadd.tile.s32 @!p0 $0x1;
	_ =	shalt  }
.Lfunc_end2:
_tile_overlayer_lowered:
.L_overlay_start_2:
0x107: {  	(tag) =	ssettag $0x2  }
0x108: {  	s0 =	rddreg [dreg:$0x0];
	s2 =	stileid.u32  }
0x109: {  	s1 =	rddreg [dreg:$0x1];
	p0 =	sne.s32 s2, $0x0  }
0x10a: {  	s3 =	rddreg [dreg:$0x2];
	[bflag:$0x3] =	sbarrier.arrive $0xFFFF;
	s2 =	simm.s32 @!p0 $0x1C13  }
0x10b: {  	[timem:s3], [sflag:s2] =	dma.local @!p0 [hbm:s0], s1  }
0x10c: {  	s0 =	simm.s32 @!p0 $0x13  }
0x10d: {  	_ =	swait.ge @!p0 [sflag:s0], s1  }
0x10e: {  	s1 =	ssub.s32 @!p0 $0x0, s1;
	[sflag:s0] =	ssyncset.done @!p0 $0x0  }
0x10f: {  	[sflag:s0] =	ssyncadd.s32 @!p0 s1  }
0x110: {  	[bflag:$0x3] =	sbarrier.arrive $0xFFFF  }
0x111: {  	_ =	shalt  }

// kernel: kernel.18.cloned.1.call-start
scs
__scs_entry_jumppad:
0x0: {  	(pc) =	sbr.rel $0x88, $3  }
0x1: {  	(tag) =	ssettag $0x0;
	lr =	simm.s32 $0x1  }
0x2: {  	[smem:$0x3F91] =	sst lr;
	_ =	strace $0xD0000000  }
0x3: {  	_ = 	snop  }
0x4: {  	_ = 	snop  }
0x5: {  	_ = 	snop  }
0x6: {  	_ = 	snop  }
0x7: {  	_ = 	snop  }
__scs_overlays_trampoline_lowered:
0x8: {  	[smem:$0x3FA0] =	sst s0  }
0x9: {  	[smem:$0x3FA1] =	sst s1  }
0xa: {  	[smem:$0x3FA2] =	sst s2  }
0xb: {  	[smem:$0x3FA3] =	sst s3  }
0xc: {  	[smem:$0x3FA4] =	sst s4  }
0xd: {  	[smem:$0x3FA5] =	sst s5  }
0xe: {  	[smem:$0x3FA6] =	sst s6  }
0xf: {  	[smem:$0x3FA7] =	sst s7  }
0x10: {  	[smem:$0x3FA8] =	sst s8  }
0x11: {  	[smem:$0x3FA9] =	sst s9;
	s0 =	simm.s32 @!p0 $0x0  }
0x12: {  	s1 =	sld [smem:$0x3F8F];
	s0 =	simm.s32 @p0 $0x1  }
0x13: {  	[smem:$0x3FAA] =	sst s0;
	s0 =	simm.s32 @!p1 $0x0  }
0x14: {  	s2 =	sld [smem:$0x3F8E];
	s0 =	simm.s32 @p1 $0x1  }
0x15: {  	[smem:$0x3FAB] =	sst s0;
	s0 =	simm.s32 @!p2 $0x0  }
0x16: {  	s3 =	sld [smem:$0x3FDB];
	s0 =	simm.s32 @p2 $0x1  }
0x17: {  	s4 =	simm.s32 $0x1BF5;
	[smem:$0x3FAD] =	sst s0  }
0x18: {  	s0 =	sld [smem:$0x3F90];
	_ =	swait.ge [sflag:s4], $0x0  }
0x19: {  	s7 =	sld [smem:$0x3F91]  }
0x1a: {  	s8 =	sadd.s32 $0xFFFFE003, lr  }
0x1b: {  	s9 =	sadd.s32 $0xFFFFFEF7, lr;
	s5 =	simm.s32 $0xFFFFFFFF;
	p2 =	slt.u32 s8, $0xFFFFF086  }
0x1c: {  	p1 =	slt.u32 s9, $0xF7A;
	s5 =	simm.s32 @!p2 $0x0  }
0x1d: {  	s5 =	simm.s32 @p1 $0x1;
	p0 =	seq.s32 s7, s2  }
0x1e: {  	s7 =	smul.u32 @!p0 $0xF7A, s2;
	p2 =	seq.s32 @!p0 s5, $0x0  }
0x1f: {  	s9 =	smul.u32 $0xF7A, s1;
	s8 =	simm.s32 @!p0 $0x1BF5;
	p2 =	por !p2, p0  }
0x20: {  	[sflag:s8] =	ssyncset.s32 @!p0 $0xFFFFF086;
	s6 =	sadd.s32 @!p0 s3, s7;
	s7 =	simm.s32 @!p0 $0x108  }
0x21: {  	s3 =	sadd.s32 s3, s9;
	s6 =	sadd.s32 @!p0 $0x88, s6;
	s7 =	simm.s32 @p2 $0x1082  }
0x22: {  	[simem:s7], [sflag:s8] =	dma.local @!p0 [hbm:s6], $0xF7A  }
0x23: {  	s9 =	sor.u32 $0xD0000000, s2;
	s6 =	simm.s32 $0x108;
	_ =	swait.ge @!p0 [sflag:s8], $0x0  }
0x24: {  	s3 =	sadd.s32 $0x88, s3;
	s6 =	simm.s32 @!p1 $0x1082;
	[sflag:s4] =	ssyncset.s32 $0xFFFFF086  }
0x25: {  	[simem:s6], [sflag:s4] =	dma.local [hbm:s3], $0xF7A  }
0x26: {  	[smem:$0x3F91] =	sst s1;
	(tag) =	ssettag s2;
	_ =	strace s9  }
0x27: {  	s1 =	sld [smem:$0x3FA1]  }
0x28: {  	s2 =	sld [smem:$0x3FA2]  }
0x29: {  	s4 =	sld [smem:$0x3FA4]  }
0x2a: {  	p0 =	seq.s32 s5, $0x0;
	s5 =	sld [smem:$0x3FA5]  }
0x2b: {  	s6 =	sld [smem:$0x3FA6]  }
0x2c: {  	s7 =	sld [smem:$0x3FA7]  }
0x2d: {  	s3 =	simm.s32 $0x108;
	s8 =	sld [smem:$0x3FA8]  }
0x2e: {  	s3 =	simm.s32 @!p0 $0x1082;
	s9 =	sld [smem:$0x3FA9]  }
0x2f: {  	lr =	sadd.s32 s0, s3;
	s0 =	sld [smem:$0x3FA0]  }
0x30: {  	s3 =	sld [smem:$0x3FA3]  }
0x31: {  	[smem:$0x3FAC] =	sst s10  }
0x32: {  	s10 =	sld [smem:$0x3FAA];
	_ =	sdelay $0x3  }
0x33: {  	p0 =	seq.s32 s10, $0x1;
	s10 =	sld [smem:$0x3FAC];
	_ =	sdelay $0x3  }
0x34: {  	[smem:$0x3FAC] =	sst s10  }
0x35: {  	s10 =	sld [smem:$0x3FAB];
	_ =	sdelay $0x3  }
0x36: {  	p1 =	seq.s32 s10, $0x1;
	s10 =	sld [smem:$0x3FAC];
	_ =	sdelay $0x3  }
0x37: {  	[smem:$0x3FAC] =	sst s10  }
0x38: {  	s10 =	sld [smem:$0x3FAD]  }
0x39: {  	_ = 	snop;
	(pc) =	sbr.ind lr, $3  }
0x3a: {  	_ = 	snop  }
0x3b: {  	_ = 	snop  }
0x3c: {  	p2 =	seq.s32 s10, $0x1;
	s10 =	sld [smem:$0x3FAC]  }
0x3d: {  	_ =	shalt  }
0x3e: {  	_ =	shalt  }
0x3f: {  	_ =	shalt  }
0x40: {  	_ =	shalt  }
0x41: {  	_ =	shalt  }
0x42: {  	_ =	shalt  }
0x43: {  	_ =	shalt  }
0x44: {  	_ =	shalt  }
0x45: {  	_ =	shalt  }
0x46: {  	_ =	shalt  }
0x47: {  	_ =	shalt  }
0x48: {  	_ =	shalt  }
0x49: {  	_ =	shalt  }
0x4a: {  	_ =	shalt  }
0x4b: {  	_ =	shalt  }
0x4c: {  	_ =	shalt  }
0x4d: {  	_ =	shalt  }
0x4e: {  	_ =	shalt  }
0x4f: {  	_ =	shalt  }
0x50: {  	_ =	shalt  }
0x51: {  	_ =	shalt  }
0x52: {  	_ =	shalt  }
0x53: {  	_ =	shalt  }
0x54: {  	_ =	shalt  }
0x55: {  	_ =	shalt  }
0x56: {  	_ =	shalt  }
0x57: {  	_ =	shalt  }
0x58: {  	_ =	shalt  }
0x59: {  	_ =	shalt  }
0x5a: {  	_ =	shalt  }
0x5b: {  	_ =	shalt  }
0x5c: {  	_ =	shalt  }
0x5d: {  	_ =	shalt  }
0x5e: {  	_ =	shalt  }
0x5f: {  	_ =	shalt  }
0x60: {  	_ =	shalt  }
0x61: {  	_ =	shalt  }
0x62: {  	_ =	shalt  }
0x63: {  	_ =	shalt  }
0x64: {  	_ =	shalt  }
0x65: {  	_ =	shalt  }
0x66: {  	_ =	shalt  }
0x67: {  	_ =	shalt  }
0x68: {  	_ =	shalt  }
0x69: {  	_ =	shalt  }
0x6a: {  	_ =	shalt  }
0x6b: {  	_ =	shalt  }
0x6c: {  	_ =	shalt  }
0x6d: {  	_ =	shalt  }
0x6e: {  	_ =	shalt  }
0x6f: {  	_ =	shalt  }
0x70: {  	_ =	shalt  }
0x71: {  	_ =	shalt  }
0x72: {  	_ =	shalt  }
0x73: {  	_ =	shalt  }
0x74: {  	_ =	shalt  }
0x75: {  	_ =	shalt  }
0x76: {  	_ =	shalt  }
0x77: {  	_ =	shalt  }
0x78: {  	_ =	shalt  }
0x79: {  	_ =	shalt  }
0x7a: {  	_ =	shalt  }
0x7b: {  	_ =	shalt  }
0x7c: {  	_ =	shalt  }
0x7d: {  	_ =	shalt  }
0x7e: {  	_ =	shalt  }
0x7f: {  	_ =	shalt  }
0x80: {  	_ =	shalt  }
0x81: {  	_ =	shalt  }
0x82: {  	_ =	shalt  }
0x83: {  	_ =	shalt  }
0x84: {  	_ =	shalt  }
0x85: {  	_ =	shalt  }
0x86: {  	_ =	shalt  }
0x87: {  	_ =	shalt  }
.Lfunc_end0:
.L_simem_size_0:
called_computation.2_lowered:
.L_overlay_start_0:
0x88: {  	s2 =	sld [smem:$0x3FD9]  }
0x89: {  	s3 =	sld [smem:$0x3FFE];
	_ =	sdelay $0x1  }
0x8a: {  	s1 =	srdreg.scid  }
0x8b: {  	s0 =	sand.u32 $0x1, s1  }
0x8c: {  	s16 =	sshll.u32 s0, $0xA;
	s2 =	sadd.s32 s3, s2  }
0x8d: {  	s2 =	sadd.s32 s2, s16  }
0x8e: {  	[smem:$0x3FB8] =	sst s2  }
0x8f: {  	_ = 	snop  }
0x90: {  	(tm) =	ssettm $0x1  }
0x91: {  	s17 =	sld [smem:$0x3FFB];
	_ =	sdelay $0x3  }
0x92: {  	_ =	strace s17  }
0x93: {  	s2 =	sld [smem:$0x3FFC];
	_ =	sdelay $0x3  }
0x94: {  	_ =	strace s2  }
0x95: {  	s2 =	sld [smem:$0x3FFD];
	_ =	sdelay $0x3  }
0x96: {  	_ =	strace s2  }
0x97: {  	_ =	strace $0x8FFFFFFF  }
0x98: {  	s18 =	sld [smem:$0x3FDB];
	_ =	sdelay $0x1  }
0x99: {  	s19 =	simm.s32 $_scs_section_size  }
0x9a: {  	s4 =	simm.s32 $_size__tile_overlayer_lowered;
	s5 =	simm.s32 $_tile_overlayer_lowered  }
0x9b: {  	s22 =	simm.s32 $0x1BFF;
	s21 =	sshll.u32 s5, $0x1;
	s2 =	sadd.s32 s19, s18  }
0x9c: {  	s6 =	simm.s32 $0x0;
	s20 =	sshll.u32 s4, $0x1;
	s4 =	sadd.s32 s21, s2  }
0x9d: {  	[timem:s6], [sflag:s22] =	dma.local [hbm:s4], s20  }
0x9e: {  	_ =	swait.ge [sflag:s22], s20  }
0x9f: {  	s3 =	ssub.s32 $0x0, s20;
	[sflag:s22] =	ssyncset.done $0x0  }
0xa0: {  	[sflag:s22] =	ssyncadd.s32 s3;
	_ =	sdelay $0x1  }
0xa1: {  	s23 =	simm.s32 $0x1B8B  }
0xa2: {  	_ =	swait.ge [sflag:s23], $0x1  }
0xa3: {  	[sflag:s23] =	ssyncset.done $0x0  }
0xa4: {  	s25 =	simm.s32 $0x1B8E;
	s24 =	sld [smem:$0x3FFE];
	[sflag:s23] =	ssyncadd.s32 $0xFFFFFFFF  }
0xa5: {  	s26 =	simm.s32 $execute0_lowered;
	[smem:$0x3FD2] =	sst s25  }
0xa6: {  	s4 =	sshll.u32 s26, $0x1;
	_ =	strace $0x8000004C;
	[dreg:$0x1] =	wrdreg $0xFFFFFFFF  }
0xa7: {  	s28 =	simm.s32 $_size_execute0_lowered;
	s2 =	sadd.s32 s2, s4;
	[dreg:$0x0] =	wrdreg $0x0  }
0xa8: {  	s4 =	sshll.u32 s28, $0x1;
	[dreg:$0x2] =	wrdreg s2  }
0xa9: {  	[dreg:$0x3] =	wrdreg s4  }
0xaa: {  	[dreg:$0x4] =	wrdreg $0xC0  }
0xab: {  	_ =	task [dreg:s6], $0x5FFFF  }
0xac: {  	[dreg:$0x1] =	wrdreg $0xFFFFFFFF  }
0xad: {  	[dreg:$0x0] =	wrdreg $0x60  }
0xae: {  	[dreg:$0x2] =	wrdreg s24  }
0xaf: {  	[dreg:$0x3] =	wrdreg $0xB9A00  }
0xb0: {  	[dreg:$0x4] =	wrdreg $0x159A00  }
0xb1: {  	[dreg:$0x5] =	wrdreg $0x9  }
0xb2: {  	_ =	task.clear_ibuf [dreg:s6], $0x6FFFF;
	_ =	strace $0x9000004C  }
0xb3: {  	s29 =	simm.s32 $0x9;
	_ =	strace $0x8000004E  }
0xb4: {  	_ =	swait.ge [sflag:s29], $0x1  }
0xb5: {  	[sflag:s29] =	ssyncadd.s32 $0xFFFFFFFF  }
0xb6: {  	_ =	strace $0x9000004E  }
0xb7: {  	_ =	sfence  }
0xb8: {  	s30 =	sld [smem:$0x0];
	_ =	sdelay $0x2  }
0xb9: {  	s31 =	sshll.u32 s1, $0xD;
	s1 =	sshrl.u32 s1, $0x2  }
0xba: {  	s3 =	sand.u32 $0x4000, s31;
	s1 =	sadd.s32 s1, s30  }
0xbb: {  	s0 =	sor.u32 s3, s0;
	s1 =	sshll.u32 s1, $0x11  }
0xbc: {  	s0 =	sor.u32 s1, s0  }
0xbd: {  	s0 =	sadd.s32 $0x8F2B, s0  }
0xbe: {  	[sflag:s0] =	ssyncadd.remote.s32 $0x1  }
0xbf: {  	_ =	sfence.sel $0xFFFF  }
0xc0: {  	[dreg:$0x0] =	wrdreg $0xFFFFFFFF;
	(pc) =	sbr.abs _section_cstart, $3  }
0xc1: {  	[dreg:$0x1] =	wrdreg $0xFFFFFFFF  }
0xc2: {  	_ =	task.clear_ibuf [dreg:s6], $0x2FFFF;
	_ =	strace $0x9FFFFFFF  }
0xc3: {  	(tm) =	ssettm $0x7FFFFFFF  }
tec
execute0_lowered:
.L_overlay_start_1:
0x0: {  	(tag) =	ssettag $0x1  }
0x1: {  	s0 =	rddreg [dreg:$0x0]  }
0x2: {  	s2 =	rddreg [dreg:$0x1]  }
0x3: {  	s3 =	rddreg [dreg:$0x2];
	s1 =	srdreg.scid  }
0x4: {  	s12 =	stileid.u32;
	s4 =	simm.s32 $0x0;
	s24 =	simm.s32 $0x168  }
0x5: {  	s26 =	simm.s32 $0x258;
	s30 =	simm.s32 $0x5A0;
	s5 =	smul.u32 $0xA000, s12  }
0x6: {  	s1 =	sand.u32 $0x1, s1;
	[smem:$0x7FF] =	sst s4;
	s10 =	smul.u32 $0xA8C0, s12  }
0x7: {  	s7 =	sadd.s32 $0x62600, s0;
	s8 =	sadd.s32 $0x3E00, s0;
	s11 =	smul.u32 $0x9C40, s12  }
0x8: {  	s29 =	sshll.u32 s12, $0x6;
	s18 =	smul.u32 $0x1518, s12;
	s12 =	simm.s32 $0x8  }
0x9: {  	s6 =	smul.u32 $0xA0000, s1;
	_ =	strace $0x8000004D;
	[dreg:$0xa] =	wrdreg s8  }
0xa: {  	s28 =	ssub.s32 $0x2, s1;
	s25 =	sor.u32 $0x1C13, s29;
	[dreg:$0x5] =	wrdreg s24  }
0xb: {  	p0 =	seq.s32 s1, $0x1;
	[dreg:$0x6] =	wrdreg s26;
	s29 =	simm.s32 $0x438  }
0xc: {  	s24 =	simm.s32 $0x78;
	s9 =	sshrl.u32 s28, $0x1;
	s10 =	sshrl.u32 s10, $0x3  }
0xd: {  	s31 =	sadd.s32 s11, s3;
	s14 =	sshrl.u32 s11, $0x3;
	[dreg:$0x8] =	wrdreg s29  }
0xe: {  	s21 =	sadd.s32 s18, s7;
	s11 =	simm.s32 $0x7;
	[dreg:$0xb] =	wrdreg s25  }
0xf: {  	s18 =	simm.s32 $0xC;
	s13 =	sadd.s32 s7, s10;
	[dreg:$0x4] =	wrdreg s21  }
0x10: {  	s6 =	sadd.s32 s5, s6;
	s22 =	sshrl.u32 s31, $0x3;
	[dreg:$0xc] =	wrdreg s13  }
0x11: {  	s8 =	ssub.s32 s28, s9;
	s28 =	simm.s32 $0x348;
	[dreg:$0x16] =	wrdreg s22  }
0x12: {  	s5 =	sadd.s32 s5, s2;
	s31 =	simm.s32 $0x528;
	[dreg:$0x7] =	wrdreg s28  }
0x13: {  	s9 =	simm.s32 $0x5;
	s10 =	sadd.s32 $0x1E, s13;
	[dreg:$0x9] =	wrdreg s31  }
0x14: {  	s7 =	simm.s32 $0xD;
	s15 =	sadd.s32 $0x3C, s13;
	[dreg:$0xd] =	wrdreg s10  }
0x15: {  	s6 =	sshrl.u32 s6, $0x3;
	s16 =	sadd.s32 $0x5A, s13;
	[dreg:$0xe] =	wrdreg s15  }
0x16: {  	s17 =	sadd.s32 $0x78, s13;
	s19 =	sadd.s32 $0x96, s13;
	[dreg:$0xf] =	wrdreg s16  }
0x17: {  	s20 =	smax.u32 s8, $0x1;
	s23 =	sshrl.u32 s5, $0x3;
	[dreg:$0x10] =	wrdreg s17  }
0x18: {  	s13 =	simm.s32 $0x9;
	s22 =	simm.s32 $0x0;
	[dreg:$0x11] =	wrdreg s19  }
0x19: {  	s6 =	sadd.s32 s6, s0;
	s10 =	simm.s32 $0x77800;
	[dreg:$0x13] =	wrdreg s20  }
0x1a: {  	s15 =	simm.s32 $0xB;
	s16 =	simm.s32 $0xE;
	s17 =	simm.s32 $0x10  }
0x1b: {  	s19 =	simm.s32 $0x11;
	s20 =	simm.s32 $0x12;
	s10 =	simm.s32 @!p0 $0x8B200  }
0x1c: {  	[dreg:$0x15] =	wrdreg s23;
	s6 =	sadd.s32 $0x9EC00, s6;
	s0 =	sadd.s32 s10, s0  }
0x1d: {  	[dreg:$0x12] =	wrdreg s6;
	s10 =	simm.s32 $0x6;
	s0 =	sadd.s32 s0, s14  }
0x1e: {  	s6 =	simm.s32 $0xF;
	s14 =	simm.s32 $0xA;
	[dreg:$0x14] =	wrdreg s0  }
.LBB2_1:
0x1f: {  	[dreg:$0x17] =	wrdreg s22  }
0x20: {  	s22 =	simm.s32 $0x13;
	s21 =	rddreg [dreg:$0xa]  }
0x21: {  	[spmem:s23], [sflag:s25] =	dma.local [hbm:s21], $0x1400  }
0x22: {  	_ =	swait.ge [sflag:s22], $0x1400  }
0x23: {  	[sflag:s22] =	ssyncset.done $0x0;
	s26 =	rddreg [dreg:$0x14]  }
0x24: {  	s28 =	rddreg [dreg:$0x16];
	[sflag:s22] =	ssyncadd.s32 $0xFFFFEC00  }
0x25: {  	[spmem:s28], [sflag:s25] =	dma.local [hbm:s26], $0x1388  }
0x26: {  	_ =	swait.ge [sflag:s22], $0x1388  }
0x27: {  	[sflag:s22] =	ssyncset.done $0x0  }
0x28: {  	s29 =	rddreg [dreg:$0xc];
	[sflag:s22] =	ssyncadd.s32 $0xFFFFEC78  }
0x29: {  	[tilespmem:s4], [sflag:$0x13] =	stream.linear.gather [hbm4b:s29+s4], $0xF0, $0x38;
	[tilespmem:$0x1F5E0] =	vst v63  }
0x2a: {  	_ =	swait.ge [sflag:s22], $0xF0  }
0x2b: {  	[sflag:s22] =	ssyncset.done $0x0  }
0x2c: {  	s29 =	simm.s32 $0xF0;
	s31 =	rddreg [dreg:$0xd];
	[sflag:s22] =	ssyncadd.s32 $0xFFFFFF10  }
0x2d: {  	[tilespmem:s29], [sflag:$0x13] =	stream.linear.gather [hbm4b:s31+s4], $0xF0, $0x38;
	[tilespmem:$0x1F5E0] =	vst v63  }
0x2e: {  	_ =	swait.ge [sflag:s22], $0xF0  }
0x2f: {  	[sflag:s22] =	ssyncset.done $0x0  }
0x30: {  	s31 =	simm.s32 $0x1E0;
	s0 =	rddreg [dreg:$0xe];
	[sflag:s22] =	ssyncadd.s32 $0xFFFFFF10  }
0x31: {  	[tilespmem:s31], [sflag:$0x13] =	stream.linear.gather [hbm4b:s0+s4], $0xF0, $0x38;
	[tilespmem:$0x1F5E0] =	vst v63  }
0x32: {  	_ =	swait.ge [sflag:s22], $0xF0  }
0x33: {  	[sflag:s22] =	ssyncset.done $0x0  }
0x34: {  	s25 =	simm.s32 $0x2D0;
	s1 =	rddreg [dreg:$0xf];
	[sflag:s22] =	ssyncadd.s32 $0xFFFFFF10  }
0x35: {  	[tilespmem:s25], [sflag:$0x13] =	stream.linear.gather [hbm4b:s1+s4], $0xF0, $0x38;
	[tilespmem:$0x1F5E0] =	vst v63  }
0x36: {  	_ =	swait.ge [sflag:s22], $0xF0  }
0x37: {  	[sflag:s22] =	ssyncset.done $0x0  }
0x38: {  	s26 =	simm.s32 $0x3C0;
	s5 =	rddreg [dreg:$0x10];
	[sflag:s22] =	ssyncadd.s32 $0xFFFFFF10  }
0x39: {  	[tilespmem:s26], [sflag:$0x13] =	stream.linear.gather [hbm4b:s5+s4], $0xF0, $0x38;
	[tilespmem:$0x1F5E0] =	vst v63  }
0x3a: {  	_ =	swait.ge [sflag:s22], $0xF0  }
0x3b: {  	[sflag:s22] =	ssyncset.done $0x0  }
0x3c: {  	s23 =	simm.s32 $0x4B0;
	s8 =	rddreg [dreg:$0x11];
	[sflag:s22] =	ssyncadd.s32 $0xFFFFFF10  }
0x3d: {  	[tilespmem:s23], [sflag:$0x13] =	stream.linear.gather [hbm4b:s8+s4], $0xF0, $0x38;
	[tilespmem:$0x1F5E0] =	vst v63  }
0x3e: {  	_ =	swait.ge [sflag:s22], $0xF0  }
0x3f: {  	[sflag:s22] =	ssyncset.done $0x0  }
0x40: {  	[sflag:s22] =	ssyncadd.s32 $0xFFFFFF10  }
0x41: {  	[bflag:$0x0] =	sbarrier.arrive $0xFFFF  }
0x42: {  	[tilespmem:s30], [sflag:$0x1] =	stream.indirect.gather [spmem:s3], $0x40, s4, s24, $0xb8;
	[tilespmem:$0x1F5E0] =	vst v63  }
0x43: {  	s0 =	simm.s32 $0x23A0  }
0x44: {  	[tilespmem:s0], [sflag:$0x2] =	stream.indirect.gather [spmem:s3], $0x40, s29, s24, $0xb8;
	[tilespmem:$0x1F5E0] =	vst v63  }
0x45: {  	s1 =	simm.s32 $0x41A0  }
0x46: {  	[tilespmem:s1], [sflag:$0x3] =	stream.indirect.gather [spmem:s3], $0x40, s31, s24, $0xb8;
	[tilespmem:$0x1F5E0] =	vst v63  }
0x47: {  	s5 =	simm.s32 $0x5FA0  }
0x48: {  	[tilespmem:s5], [sflag:$0x4] =	stream.indirect.gather [spmem:s3], $0x40, s25, s24, $0xb8;
	[tilespmem:$0x1F5E0] =	vst v63  }
0x49: {  	s8 =	simm.s32 $0x7DA0  }
0x4a: {  	[tilespmem:s8], [sflag:$0x5] =	stream.indirect.gather [spmem:s3], $0x40, s26, s24, $0xb8;
	[tilespmem:$0x1F5E0] =	vst v63  }
0x4b: {  	s28 =	simm.s32 $0x1;
	s22 =	simm.s32 $0x9BA0  }
0x4c: {  	[tilespmem:s22], [sflag:$0x6] =	stream.indirect.gather [spmem:s3], $0x40, s23, s24, $0xb8;
	[tilespmem:$0x1F5E0] =	vst v63  }
0x4d: {  	_ =	swait.ge [sflag:s28], $0x1E00  }
0x4e: {  	[sflag:s28] =	ssyncset.done $0x0  }
0x4f: {  	[sflag:s28] =	ssyncadd.s32 $0xFFFFE200;
	s28 =	simm.s32 $0x2  }
0x50: {  	[spmem:s2] =	stream.indirect.scatter.add.f32 [tilespmem:s30], [sflag:$0x7], $0x40, s24, s24, $0xb8;
	[tilespmem:$0x1F5E0] =	vst v63  }
0x51: {  	_ =	swait.ge [sflag:s28], $0x1E00  }
0x52: {  	[sflag:s28] =	ssyncset.done $0x0  }
0x53: {  	s21 =	rddreg [dreg:$0x5];
	[sflag:s28] =	ssyncadd.s32 $0xFFFFE200;
	s28 =	simm.s32 $0x3  }
0x54: {  	[spmem:s2] =	stream.indirect.scatter.add.f32 [tilespmem:s0], [sflag:$0x8], $0x40, s21, s24, $0xb8;
	[tilespmem:$0x1F5E0] =	vst v63  }
0x55: {  	_ =	swait.ge [sflag:s28], $0x1E00  }
0x56: {  	[sflag:s28] =	ssyncset.done $0x0  }
0x57: {  	s21 =	rddreg [dreg:$0x6];
	[sflag:s28] =	ssyncadd.s32 $0xFFFFE200;
	s28 =	simm.s32 $0x4  }
0x58: {  	[spmem:s2] =	stream.indirect.scatter.add.f32 [tilespmem:s1], [sflag:$0x9], $0x40, s21, s24, $0xb8;
	[tilespmem:$0x1F5E0] =	vst v63  }
0x59: {  	_ =	swait.ge [sflag:s28], $0x1E00  }
0x5a: {  	[sflag:s28] =	ssyncset.done $0x0  }
0x5b: {  	s21 =	rddreg [dreg:$0x7];
	[sflag:s28] =	ssyncadd.s32 $0xFFFFE200  }
0x5c: {  	[spmem:s2] =	stream.indirect.scatter.add.f32 [tilespmem:s5], [sflag:$0xA], $0x40, s21, s24, $0xb8;
	[tilespmem:$0x1F5E0] =	vst v63  }
0x5d: {  	_ =	swait.ge [sflag:s9], $0x1E00  }
0x5e: {  	[sflag:s9] =	ssyncset.done $0x0  }
0x5f: {  	s28 =	rddreg [dreg:$0x8];
	[sflag:s9] =	ssyncadd.s32 $0xFFFFE200  }
0x60: {  	[spmem:s2] =	stream.indirect.scatter.add.f32 [tilespmem:s8], [sflag:$0xB], $0x40, s28, s24, $0xb8;
	[tilespmem:$0x1F5E0] =	vst v63  }
0x61: {  	_ =	swait.ge [sflag:s10], $0x1E00  }
0x62: {  	[sflag:s10] =	ssyncset.done $0x0  }
0x63: {  	s28 =	rddreg [dreg:$0x9];
	[sflag:s10] =	ssyncadd.s32 $0xFFFFE200  }
0x64: {  	[spmem:s2] =	stream.indirect.scatter.add.f32 [tilespmem:s22], [sflag:$0xC], $0x40, s28, s24, $0xb8;
	[tilespmem:$0x1F5E0] =	vst v63  }
0x65: {  	_ =	swait.ge [sflag:s11], $0x1E00  }
0x66: {  	s22 =	rddreg [dreg:$0x4]  }
0x67: {  	[sflag:s11] =	ssyncset.done $0x0;
	s21 =	sadd.s32 $0x0, s22  }
0x68: {  	[sflag:s11] =	ssyncadd.s32 $0xFFFFE200;
	s28 =	sadd.s32 $0xB4, s21  }
0x69: {  	[tilespmem:s4], [sflag:$0xD] =	stream.linear.gather [hbm4b:s28+s4], $0xF0, $0x38;
	[tilespmem:$0x1F5E0] =	vst v63  }
0x6a: {  	_ =	swait.ge [sflag:s12], $0x1E00  }
0x6b: {  	[sflag:s12] =	ssyncset.done $0x0  }
0x6c: {  	s28 =	sadd.s32 $0xD2, s21;
	[sflag:s12] =	ssyncadd.s32 $0xFFFFE200  }
0x6d: {  	[tilespmem:s29], [sflag:$0xE] =	stream.linear.gather [hbm4b:s28+s4], $0xF0, $0x38;
	[tilespmem:$0x1F5E0] =	vst v63  }
0x6e: {  	_ =	swait.ge [sflag:s13], $0x1E00  }
0x6f: {  	[sflag:s13] =	ssyncset.done $0x0  }
0x70: {  	s28 =	sadd.s32 $0xF0, s21;
	[sflag:s13] =	ssyncadd.s32 $0xFFFFE200  }
0x71: {  	[tilespmem:s31], [sflag:$0xF] =	stream.linear.gather [hbm4b:s28+s4], $0xF0, $0x38;
	[tilespmem:$0x1F5E0] =	vst v63  }
0x72: {  	_ =	swait.ge [sflag:s14], $0x1E00  }
0x73: {  	[sflag:s14] =	ssyncset.done $0x0  }
0x74: {  	s28 =	sadd.s32 $0x10E, s21;
	[sflag:s14] =	ssyncadd.s32 $0xFFFFE200  }
0x75: {  	[tilespmem:s25], [sflag:$0x10] =	stream.linear.gather [hbm4b:s28+s4], $0xF0, $0x38;
	[tilespmem:$0x1F5E0] =	vst v63  }
0x76: {  	_ =	swait.ge [sflag:s15], $0x1E00  }
0x77: {  	[sflag:s15] =	ssyncset.done $0x0  }
0x78: {  	s28 =	sadd.s32 $0x12C, s21;
	[sflag:s15] =	ssyncadd.s32 $0xFFFFE200  }
0x79: {  	[tilespmem:s26], [sflag:$0x11] =	stream.linear.gather [hbm4b:s28+s4], $0xF0, $0x38;
	[tilespmem:$0x1F5E0] =	vst v63  }
0x7a: {  	_ =	swait.ge [sflag:s18], $0x1E00  }
0x7b: {  	[sflag:s18] =	ssyncset.done $0x0  }
0x7c: {  	s21 =	sadd.s32 $0x14A, s21;
	[sflag:s18] =	ssyncadd.s32 $0xFFFFE200  }
0x7d: {  	[tilespmem:s23], [sflag:$0x12] =	stream.linear.gather [hbm4b:s21+s4], $0xF0, $0x38;
	[tilespmem:$0x1F5E0] =	vst v63  }
0x7e: {  	_ =	swait.ge [sflag:s7], $0xF0  }
0x7f: {  	[sflag:s7] =	ssyncset.done $0x0  }
0x80: {  	[sflag:s7] =	ssyncadd.s32 $0xFFFFFF10  }
0x81: {  	[tilespmem:s30], [sflag:$0x1] =	stream.indirect.gather [spmem:s3], $0x40, s4, s24, $0xb8;
	[tilespmem:$0x1F5E0] =	vst v63  }
0x82: {  	_ =	swait.ge [sflag:s16], $0xF0  }
0x83: {  	[sflag:s16] =	ssyncset.done $0x0  }
0x84: {  	[sflag:s16] =	ssyncadd.s32 $0xFFFFFF10  }
0x85: {  	[tilespmem:s0], [sflag:$0x2] =	stream.indirect.gather [spmem:s3], $0x40, s29, s24, $0xb8;
	[tilespmem:$0x1F5E0] =	vst v63  }
0x86: {  	_ =	swait.ge [sflag:s6], $0xF0  }
0x87: {  	[sflag:s6] =	ssyncset.done $0x0  }
0x88: {  	[sflag:s6] =	ssyncadd.s32 $0xFFFFFF10  }
0x89: {  	[tilespmem:s1], [sflag:$0x3] =	stream.indirect.gather [spmem:s3], $0x40, s31, s24, $0xb8;
	[tilespmem:$0x1F5E0] =	vst v63  }
0x8a: {  	_ =	swait.ge [sflag:s17], $0xF0  }
0x8b: {  	[sflag:s17] =	ssyncset.done $0x0  }
0x8c: {  	[sflag:s17] =	ssyncadd.s32 $0xFFFFFF10  }
0x8d: {  	[tilespmem:s5], [sflag:$0x4] =	stream.indirect.gather [spmem:s3], $0x40, s25, s24, $0xb8;
	[tilespmem:$0x1F5E0] =	vst v63  }
0x8e: {  	_ =	swait.ge [sflag:s19], $0xF0  }
0x8f: {  	[sflag:s19] =	ssyncset.done $0x0  }
0x90: {  	[sflag:s19] =	ssyncadd.s32 $0xFFFFFF10  }
0x91: {  	[tilespmem:s8], [sflag:$0x5] =	stream.indirect.gather [spmem:s3], $0x40, s26, s24, $0xb8;
	[tilespmem:$0x1F5E0] =	vst v63  }
0x92: {  	_ =	swait.ge [sflag:s20], $0xF0  }
0x93: {  	[sflag:s20] =	ssyncset.done $0x0  }
0x94: {  	s21 =	simm.s32 $0xB4;
	[sflag:s20] =	ssyncadd.s32 $0xFFFFFF10  }
.LBB2_2:
0x95: {  	s30 =	simm.s32 $0x4B0;
	s31 =	simm.s32 $0x9BA0;
	s0 =	simm.s32 $0x1  }
0x96: {  	[tilespmem:s31], [sflag:$0x6] =	stream.indirect.gather [spmem:s3], $0x40, s30, s24, $0xb8;
	[tilespmem:$0x1F5E0] =	vst v63  }
0x97: {  	_ =	swait.ge [sflag:s0], $0x1E00  }
0x98: {  	[sflag:s0] =	ssyncset.done $0x0  }
0x99: {  	s23 =	simm.s32 $0x5A0;
	s1 =	simm.s32 $0x2;
	[sflag:s0] =	ssyncadd.s32 $0xFFFFE200  }
0x9a: {  	[spmem:s2] =	stream.indirect.scatter.add.f32 [tilespmem:s23], [sflag:$0x7], $0x40, s24, s24, $0xb8;
	[tilespmem:$0x1F5E0] =	vst v63  }
0x9b: {  	_ =	swait.ge [sflag:s1], $0x1E00  }
0x9c: {  	s0 =	simm.s32 $0x23A0;
	[sflag:s1] =	ssyncset.done $0x0  }
0x9d: {  	s5 =	rddreg [dreg:$0x5];
	[sflag:s1] =	ssyncadd.s32 $0xFFFFE200;
	s1 =	simm.s32 $0x3  }
0x9e: {  	[spmem:s2] =	stream.indirect.scatter.add.f32 [tilespmem:s0], [sflag:$0x8], $0x40, s5, s24, $0xb8;
	[tilespmem:$0x1F5E0] =	vst v63  }
0x9f: {  	_ =	swait.ge [sflag:s1], $0x1E00  }
0xa0: {  	s5 =	simm.s32 $0x4;
	[sflag:s1] =	ssyncset.done $0x0  }
0xa1: {  	s8 =	rddreg [dreg:$0x6];
	[sflag:s1] =	ssyncadd.s32 $0xFFFFE200;
	s1 =	simm.s32 $0x41A0  }
0xa2: {  	[spmem:s2] =	stream.indirect.scatter.add.f32 [tilespmem:s1], [sflag:$0x9], $0x40, s8, s24, $0xb8;
	[tilespmem:$0x1F5E0] =	vst v63  }
0xa3: {  	_ =	swait.ge [sflag:s5], $0x1E00  }
0xa4: {  	[sflag:s5] =	ssyncset.done $0x0  }
0xa5: {  	s25 =	rddreg [dreg:$0x7];
	[sflag:s5] =	ssyncadd.s32 $0xFFFFE200;
	s5 =	simm.s32 $0x5FA0  }
0xa6: {  	[spmem:s2] =	stream.indirect.scatter.add.f32 [tilespmem:s5], [sflag:$0xA], $0x40, s25, s24, $0xb8;
	[tilespmem:$0x1F5E0] =	vst v63  }
0xa7: {  	_ =	swait.ge [sflag:s9], $0x1E00  }
0xa8: {  	[sflag:s9] =	ssyncset.done $0x0  }
0xa9: {  	s8 =	simm.s32 $0x7DA0;
	s26 =	rddreg [dreg:$0x8];
	[sflag:s9] =	ssyncadd.s32 $0xFFFFE200  }
0xaa: {  	[spmem:s2] =	stream.indirect.scatter.add.f32 [tilespmem:s8], [sflag:$0xB], $0x40, s26, s24, $0xb8;
	[tilespmem:$0x1F5E0] =	vst v63  }
0xab: {  	_ =	swait.ge [sflag:s10], $0x1E00  }
0xac: {  	[sflag:s10] =	ssyncset.done $0x0  }
0xad: {  	s28 =	rddreg [dreg:$0x9];
	[sflag:s10] =	ssyncadd.s32 $0xFFFFE200  }
0xae: {  	[spmem:s2] =	stream.indirect.scatter.add.f32 [tilespmem:s31], [sflag:$0xC], $0x40, s28, s24, $0xb8;
	[tilespmem:$0x1F5E0] =	vst v63  }
0xaf: {  	_ =	swait.ge [sflag:s11], $0x1E00  }
0xb0: {  	s22 =	smov.u32 s21;
	s31 =	rddreg [dreg:$0x4]  }
0xb1: {  	[sflag:s11] =	ssyncset.done $0x0;
	s22 =	sadd.s32 s22, s31  }
0xb2: {  	[sflag:s11] =	ssyncadd.s32 $0xFFFFE200;
	s23 =	sadd.s32 $0xB4, s22  }
0xb3: {  	[tilespmem:s4], [sflag:$0xD] =	stream.linear.gather [hbm4b:s23+s4], $0xF0, $0x38;
	[tilespmem:$0x1F5E0] =	vst v63  }
0xb4: {  	_ =	swait.ge [sflag:s12], $0x1E00  }
0xb5: {  	[sflag:s12] =	ssyncset.done $0x0  }
0xb6: {  	s31 =	simm.s32 $0xF0;
	s25 =	sadd.s32 $0xD2, s22;
	[sflag:s12] =	ssyncadd.s32 $0xFFFFE200  }
0xb7: {  	[tilespmem:s31], [sflag:$0xE] =	stream.linear.gather [hbm4b:s25+s4], $0xF0, $0x38;
	[tilespmem:$0x1F5E0] =	vst v63  }
0xb8: {  	_ =	swait.ge [sflag:s13], $0x1E00  }
0xb9: {  	[sflag:s13] =	ssyncset.done $0x0  }
0xba: {  	s26 =	sadd.s32 $0xF0, s22;
	s25 =	simm.s32 $0x1E0;
	[sflag:s13] =	ssyncadd.s32 $0xFFFFE200  }
0xbb: {  	[tilespmem:s25], [sflag:$0xF] =	stream.linear.gather [hbm4b:s26+s4], $0xF0, $0x38;
	[tilespmem:$0x1F5E0] =	vst v63  }
0xbc: {  	_ =	swait.ge [sflag:s14], $0x1E00  }
0xbd: {  	[sflag:s14] =	ssyncset.done $0x0  }
0xbe: {  	s28 =	sadd.s32 $0x10E, s22;
	s26 =	simm.s32 $0x2D0;
	[sflag:s14] =	ssyncadd.s32 $0xFFFFE200  }
0xbf: {  	[tilespmem:s26], [sflag:$0x10] =	stream.linear.gather [hbm4b:s28+s4], $0xF0, $0x38;
	[tilespmem:$0x1F5E0] =	vst v63  }
0xc0: {  	_ =	swait.ge [sflag:s15], $0x1E00  }
0xc1: {  	[sflag:s15] =	ssyncset.done $0x0  }
0xc2: {  	s23 =	sadd.s32 $0x12C, s22;
	s28 =	simm.s32 $0x3C0;
	[sflag:s15] =	ssyncadd.s32 $0xFFFFE200  }
0xc3: {  	[tilespmem:s28], [sflag:$0x11] =	stream.linear.gather [hbm4b:s23+s4], $0xF0, $0x38;
	[tilespmem:$0x1F5E0] =	vst v63  }
0xc4: {  	_ =	swait.ge [sflag:s18], $0x1E00  }
0xc5: {  	[sflag:s18] =	ssyncset.done $0x0  }
0xc6: {  	s22 =	sadd.s32 $0x14A, s22;
	[sflag:s18] =	ssyncadd.s32 $0xFFFFE200  }
0xc7: {  	[tilespmem:s30], [sflag:$0x12] =	stream.linear.gather [hbm4b:s22+s4], $0xF0, $0x38;
	[tilespmem:$0x1F5E0] =	vst v63  }
0xc8: {  	_ =	swait.ge [sflag:s7], $0xF0  }
0xc9: {  	[sflag:s7] =	ssyncset.done $0x0  }
0xca: {  	s30 =	simm.s32 $0x5A0;
	[sflag:s7] =	ssyncadd.s32 $0xFFFFFF10  }
0xcb: {  	[tilespmem:s30], [sflag:$0x1] =	stream.indirect.gather [spmem:s3], $0x40, s4, s24, $0xb8;
	[tilespmem:$0x1F5E0] =	vst v63  }
0xcc: {  	_ =	swait.ge [sflag:s16], $0xF0  }
0xcd: {  	[sflag:s16] =	ssyncset.done $0x0  }
0xce: {  	[sflag:s16] =	ssyncadd.s32 $0xFFFFFF10  }
0xcf: {  	[tilespmem:s0], [sflag:$0x2] =	stream.indirect.gather [spmem:s3], $0x40, s31, s24, $0xb8;
	[tilespmem:$0x1F5E0] =	vst v63  }
0xd0: {  	_ =	swait.ge [sflag:s6], $0xF0  }
0xd1: {  	[sflag:s6] =	ssyncset.done $0x0  }
0xd2: {  	[sflag:s6] =	ssyncadd.s32 $0xFFFFFF10  }
0xd3: {  	[tilespmem:s1], [sflag:$0x3] =	stream.indirect.gather [spmem:s3], $0x40, s25, s24, $0xb8;
	[tilespmem:$0x1F5E0] =	vst v63  }
0xd4: {  	_ =	swait.ge [sflag:s17], $0xF0  }
0xd5: {  	[sflag:s17] =	ssyncset.done $0x0  }
0xd6: {  	[sflag:s17] =	ssyncadd.s32 $0xFFFFFF10  }
0xd7: {  	[tilespmem:s5], [sflag:$0x4] =	stream.indirect.gather [spmem:s3], $0x40, s26, s24, $0xb8;
	[tilespmem:$0x1F5E0] =	vst v63  }
0xd8: {  	_ =	swait.ge [sflag:s19], $0xF0  }
0xd9: {  	p0 =	sne.s32 s21, $0x13B0;
	[sflag:s19] =	ssyncset.done $0x0  }
.Ltmp0:
0xda: {  	[sflag:s19] =	ssyncadd.s32 $0xFFFFFF10;
	(pc) =	sbr.rel @p0 .LBB2_2-.Ltmp0, $4  }
0xdb: {  	[tilespmem:s8], [sflag:$0x5] =	stream.indirect.gather [spmem:s3], $0x40, s28, s24, $0xb8;
	[tilespmem:$0x1F5E0] =	vst v63  }
0xdc: {  	_ =	swait.ge [sflag:s20], $0xF0  }
0xdd: {  	s21 =	sadd.s32 $0xB4, s21;
	[sflag:s20] =	ssyncset.done $0x0  }
0xde: {  	s29 =	simm.s32 $0x9BA0;
	s23 =	simm.s32 $0x4B0;
	[sflag:s20] =	ssyncadd.s32 $0xFFFFFF10  }
0xdf: {  	[tilespmem:s29], [sflag:$0x6] =	stream.indirect.gather [spmem:s3], $0x40, s23, s24, $0xb8;
	[tilespmem:$0x1F5E0] =	vst v63  }
0xe0: {  	s0 =	simm.s32 $0x1  }
0xe1: {  	_ =	swait.ge [sflag:s0], $0x1E00  }
0xe2: {  	[sflag:s0] =	ssyncset.done $0x0  }
0xe3: {  	s23 =	simm.s32 $0x2;
	[sflag:s0] =	ssyncadd.s32 $0xFFFFE200  }
0xe4: {  	_ =	swait.ge [sflag:s23], $0x1E00  }
0xe5: {  	[sflag:s23] =	ssyncset.done $0x0  }
0xe6: {  	s25 =	simm.s32 $0x3;
	[sflag:s23] =	ssyncadd.s32 $0xFFFFE200  }
0xe7: {  	_ =	swait.ge [sflag:s25], $0x1E00  }
0xe8: {  	[sflag:s25] =	ssyncset.done $0x0  }
0xe9: {  	s26 =	simm.s32 $0x4;
	[sflag:s25] =	ssyncadd.s32 $0xFFFFE200  }
0xea: {  	_ =	swait.ge [sflag:s26], $0x1E00  }
0xeb: {  	[sflag:s26] =	ssyncset.done $0x0  }
0xec: {  	[sflag:s26] =	ssyncadd.s32 $0xFFFFE200  }
0xed: {  	_ =	swait.ge [sflag:s9], $0x1E00  }
0xee: {  	[sflag:s9] =	ssyncset.done $0x0  }
0xef: {  	[sflag:s9] =	ssyncadd.s32 $0xFFFFE200  }
0xf0: {  	_ =	swait.ge [sflag:s10], $0x1E00  }
0xf1: {  	[sflag:s10] =	ssyncset.done $0x0  }
0xf2: {  	[sflag:s10] =	ssyncadd.s32 $0xFFFFE200  }
0xf3: {  	[bflag:$0x0] =	sbarrier.arrive $0xFFFF  }
0xf4: {  	s25 =	rddreg [dreg:$0xb]  }
0xf5: {  	s21 =	rddreg [dreg:$0x12]  }
0xf6: {  	s28 =	simm.s32 $0x13;
	s23 =	rddreg [dreg:$0x15]  }
0xf7: {  	[hbm:s21], [sflag:s25] =	dma.local [spmem:s23], $0x1400  }
0xf8: {  	_ =	swait.ge [sflag:s28], $0x1400  }
0xf9: {  	s22 =	rddreg [dreg:$0x17]  }
0xfa: {  	s29 =	rddreg [dreg:$0x13];
	s22 =	sadd.s32 $0x1, s22  }
0xfb: {  	p0 =	sne.s32 s22, s29  }
.Ltmp1:
0xfc: {  	_ = 	snop;
	(pc) =	sbr.rel @p0 .LBB2_1-.Ltmp1, $3  }
0xfd: {  	_ =	sdelay $0x1  }
0xfe: {  	s31 =	simm.s32 $0x13;
	[sflag:s28] =	ssyncset.done $0x0  }
0xff: {  	[sflag:s31] =	ssyncadd.s32 $0xFFFFEC00  }
0x100: {  	_ =	sfence.sel $0x180000  }
0x101: {  	[bflag:$0x0] =	sbarrier.arrive $0xFFFF  }
0x102: {  	_ =	strace $0x9000004D  }
0x103: {  	s0 =	stileid.u32;
	[bflag:$0x2] =	sbarrier.arrive $0xFFFF  }
0x104: {  	p0 =	sne.s32 s0, $0x0;
	s0 =	rddreg [dreg:$0x3]  }
0x105: {  	s0 =	sadd.s32 @!p0 $0x100000, s0  }
0x106: {  	[sflag:s0] =	ssyncadd.tile.s32 @!p0 $0x1;
	_ =	shalt  }
.Lfunc_end2:
_tile_overlayer_lowered:
.L_overlay_start_2:
0x107: {  	(tag) =	ssettag $0x2  }
0x108: {  	s0 =	rddreg [dreg:$0x0];
	s2 =	stileid.u32  }
0x109: {  	s1 =	rddreg [dreg:$0x1];
	p0 =	sne.s32 s2, $0x0  }
0x10a: {  	s3 =	rddreg [dreg:$0x2];
	[bflag:$0x3] =	sbarrier.arrive $0xFFFF;
	s2 =	simm.s32 @!p0 $0x1C13  }
0x10b: {  	[timem:s3], [sflag:s2] =	dma.local @!p0 [hbm:s0], s1  }
0x10c: {  	s0 =	simm.s32 @!p0 $0x13  }
0x10d: {  	_ =	swait.ge @!p0 [sflag:s0], s1  }
0x10e: {  	s1 =	ssub.s32 @!p0 $0x0, s1;
	[sflag:s0] =	ssyncset.done @!p0 $0x0  }
0x10f: {  	[sflag:s0] =	ssyncadd.s32 @!p0 s1  }
0x110: {  	[bflag:$0x3] =	sbarrier.arrive $0xFFFF  }
0x111: {  	_ =	shalt  }

// kernel: kernel.21.cloned.1.call-start
scs
__scs_entry_jumppad:
0x0: {  	(pc) =	sbr.rel $0x88, $3  }
0x1: {  	(tag) =	ssettag $0x0;
	lr =	simm.s32 $0x1  }
0x2: {  	[smem:$0x3F91] =	sst lr;
	_ =	strace $0xD0000000  }
0x3: {  	_ = 	snop  }
0x4: {  	_ = 	snop  }
0x5: {  	_ = 	snop  }
0x6: {  	_ = 	snop  }
0x7: {  	_ = 	snop  }
__scs_overlays_trampoline_lowered:
0x8: {  	[smem:$0x3FA0] =	sst s0  }
0x9: {  	[smem:$0x3FA1] =	sst s1  }
0xa: {  	[smem:$0x3FA2] =	sst s2  }
0xb: {  	[smem:$0x3FA3] =	sst s3  }
0xc: {  	[smem:$0x3FA4] =	sst s4  }
0xd: {  	[smem:$0x3FA5] =	sst s5  }
0xe: {  	[smem:$0x3FA6] =	sst s6  }
0xf: {  	[smem:$0x3FA7] =	sst s7  }
0x10: {  	[smem:$0x3FA8] =	sst s8  }
0x11: {  	[smem:$0x3FA9] =	sst s9;
	s0 =	simm.s32 @!p0 $0x0  }
0x12: {  	s1 =	sld [smem:$0x3F8F];
	s0 =	simm.s32 @p0 $0x1  }
0x13: {  	[smem:$0x3FAA] =	sst s0;
	s0 =	simm.s32 @!p1 $0x0  }
0x14: {  	s2 =	sld [smem:$0x3F8E];
	s0 =	simm.s32 @p1 $0x1  }
0x15: {  	[smem:$0x3FAB] =	sst s0;
	s0 =	simm.s32 @!p2 $0x0  }
0x16: {  	s3 =	sld [smem:$0x3FDB];
	s0 =	simm.s32 @p2 $0x1  }
0x17: {  	s4 =	simm.s32 $0x1BF5;
	[smem:$0x3FAD] =	sst s0  }
0x18: {  	s0 =	sld [smem:$0x3F90];
	_ =	swait.ge [sflag:s4], $0x0  }
0x19: {  	s7 =	sld [smem:$0x3F91]  }
0x1a: {  	s8 =	sadd.s32 $0xFFFFE003, lr  }
0x1b: {  	s9 =	sadd.s32 $0xFFFFFEF7, lr;
	s5 =	simm.s32 $0xFFFFFFFF;
	p2 =	slt.u32 s8, $0xFFFFF086  }
0x1c: {  	p1 =	slt.u32 s9, $0xF7A;
	s5 =	simm.s32 @!p2 $0x0  }
0x1d: {  	s5 =	simm.s32 @p1 $0x1;
	p0 =	seq.s32 s7, s2  }
0x1e: {  	s7 =	smul.u32 @!p0 $0xF7A, s2;
	p2 =	seq.s32 @!p0 s5, $0x0  }
0x1f: {  	s9 =	smul.u32 $0xF7A, s1;
	s8 =	simm.s32 @!p0 $0x1BF5;
	p2 =	por !p2, p0  }
0x20: {  	[sflag:s8] =	ssyncset.s32 @!p0 $0xFFFFF086;
	s6 =	sadd.s32 @!p0 s3, s7;
	s7 =	simm.s32 @!p0 $0x108  }
0x21: {  	s3 =	sadd.s32 s3, s9;
	s6 =	sadd.s32 @!p0 $0x88, s6;
	s7 =	simm.s32 @p2 $0x1082  }
0x22: {  	[simem:s7], [sflag:s8] =	dma.local @!p0 [hbm:s6], $0xF7A  }
0x23: {  	s9 =	sor.u32 $0xD0000000, s2;
	s6 =	simm.s32 $0x108;
	_ =	swait.ge @!p0 [sflag:s8], $0x0  }
0x24: {  	s3 =	sadd.s32 $0x88, s3;
	s6 =	simm.s32 @!p1 $0x1082;
	[sflag:s4] =	ssyncset.s32 $0xFFFFF086  }
0x25: {  	[simem:s6], [sflag:s4] =	dma.local [hbm:s3], $0xF7A  }
0x26: {  	[smem:$0x3F91] =	sst s1;
	(tag) =	ssettag s2;
	_ =	strace s9  }
0x27: {  	s1 =	sld [smem:$0x3FA1]  }
0x28: {  	s2 =	sld [smem:$0x3FA2]  }
0x29: {  	s4 =	sld [smem:$0x3FA4]  }
0x2a: {  	p0 =	seq.s32 s5, $0x0;
	s5 =	sld [smem:$0x3FA5]  }
0x2b: {  	s6 =	sld [smem:$0x3FA6]  }
0x2c: {  	s7 =	sld [smem:$0x3FA7]  }
0x2d: {  	s3 =	simm.s32 $0x108;
	s8 =	sld [smem:$0x3FA8]  }
0x2e: {  	s3 =	simm.s32 @!p0 $0x1082;
	s9 =	sld [smem:$0x3FA9]  }
0x2f: {  	lr =	sadd.s32 s0, s3;
	s0 =	sld [smem:$0x3FA0]  }
0x30: {  	s3 =	sld [smem:$0x3FA3]  }
0x31: {  	[smem:$0x3FAC] =	sst s10  }
0x32: {  	s10 =	sld [smem:$0x3FAA];
	_ =	sdelay $0x3  }
0x33: {  	p0 =	seq.s32 s10, $0x1;
	s10 =	sld [smem:$0x3FAC];
	_ =	sdelay $0x3  }
0x34: {  	[smem:$0x3FAC] =	sst s10  }
0x35: {  	s10 =	sld [smem:$0x3FAB];
	_ =	sdelay $0x3  }
0x36: {  	p1 =	seq.s32 s10, $0x1;
	s10 =	sld [smem:$0x3FAC];
	_ =	sdelay $0x3  }
0x37: {  	[smem:$0x3FAC] =	sst s10  }
0x38: {  	s10 =	sld [smem:$0x3FAD]  }
0x39: {  	_ = 	snop;
	(pc) =	sbr.ind lr, $3  }
0x3a: {  	_ = 	snop  }
0x3b: {  	_ = 	snop  }
0x3c: {  	p2 =	seq.s32 s10, $0x1;
	s10 =	sld [smem:$0x3FAC]  }
0x3d: {  	_ =	shalt  }
0x3e: {  	_ =	shalt  }
0x3f: {  	_ =	shalt  }
0x40: {  	_ =	shalt  }
0x41: {  	_ =	shalt  }
0x42: {  	_ =	shalt  }
0x43: {  	_ =	shalt  }
0x44: {  	_ =	shalt  }
0x45: {  	_ =	shalt  }
0x46: {  	_ =	shalt  }
0x47: {  	_ =	shalt  }
0x48: {  	_ =	shalt  }
0x49: {  	_ =	shalt  }
0x4a: {  	_ =	shalt  }
0x4b: {  	_ =	shalt  }
0x4c: {  	_ =	shalt  }
0x4d: {  	_ =	shalt  }
0x4e: {  	_ =	shalt  }
0x4f: {  	_ =	shalt  }
0x50: {  	_ =	shalt  }
0x51: {  	_ =	shalt  }
0x52: {  	_ =	shalt  }
0x53: {  	_ =	shalt  }
0x54: {  	_ =	shalt  }
0x55: {  	_ =	shalt  }
0x56: {  	_ =	shalt  }
0x57: {  	_ =	shalt  }
0x58: {  	_ =	shalt  }
0x59: {  	_ =	shalt  }
0x5a: {  	_ =	shalt  }
0x5b: {  	_ =	shalt  }
0x5c: {  	_ =	shalt  }
0x5d: {  	_ =	shalt  }
0x5e: {  	_ =	shalt  }
0x5f: {  	_ =	shalt  }
0x60: {  	_ =	shalt  }
0x61: {  	_ =	shalt  }
0x62: {  	_ =	shalt  }
0x63: {  	_ =	shalt  }
0x64: {  	_ =	shalt  }
0x65: {  	_ =	shalt  }
0x66: {  	_ =	shalt  }
0x67: {  	_ =	shalt  }
0x68: {  	_ =	shalt  }
0x69: {  	_ =	shalt  }
0x6a: {  	_ =	shalt  }
0x6b: {  	_ =	shalt  }
0x6c: {  	_ =	shalt  }
0x6d: {  	_ =	shalt  }
0x6e: {  	_ =	shalt  }
0x6f: {  	_ =	shalt  }
0x70: {  	_ =	shalt  }
0x71: {  	_ =	shalt  }
0x72: {  	_ =	shalt  }
0x73: {  	_ =	shalt  }
0x74: {  	_ =	shalt  }
0x75: {  	_ =	shalt  }
0x76: {  	_ =	shalt  }
0x77: {  	_ =	shalt  }
0x78: {  	_ =	shalt  }
0x79: {  	_ =	shalt  }
0x7a: {  	_ =	shalt  }
0x7b: {  	_ =	shalt  }
0x7c: {  	_ =	shalt  }
0x7d: {  	_ =	shalt  }
0x7e: {  	_ =	shalt  }
0x7f: {  	_ =	shalt  }
0x80: {  	_ =	shalt  }
0x81: {  	_ =	shalt  }
0x82: {  	_ =	shalt  }
0x83: {  	_ =	shalt  }
0x84: {  	_ =	shalt  }
0x85: {  	_ =	shalt  }
0x86: {  	_ =	shalt  }
0x87: {  	_ =	shalt  }
.Lfunc_end0:
.L_simem_size_0:
called_computation.3_lowered:
.L_overlay_start_0:
0x88: {  	s2 =	sld [smem:$0x3FD9]  }
0x89: {  	s3 =	sld [smem:$0x3FFE];
	_ =	sdelay $0x1  }
0x8a: {  	s1 =	srdreg.scid  }
0x8b: {  	s0 =	sand.u32 $0x1, s1  }
0x8c: {  	s16 =	sshll.u32 s0, $0xA;
	s2 =	sadd.s32 s3, s2  }
0x8d: {  	s2 =	sadd.s32 s2, s16  }
0x8e: {  	[smem:$0x3FB8] =	sst s2  }
0x8f: {  	_ = 	snop  }
0x90: {  	(tm) =	ssettm $0x1  }
0x91: {  	s17 =	sld [smem:$0x3FFB];
	_ =	sdelay $0x3  }
0x92: {  	_ =	strace s17  }
0x93: {  	s2 =	sld [smem:$0x3FFC];
	_ =	sdelay $0x3  }
0x94: {  	_ =	strace s2  }
0x95: {  	s2 =	sld [smem:$0x3FFD];
	_ =	sdelay $0x3  }
0x96: {  	_ =	strace s2  }
0x97: {  	_ =	strace $0x8FFFFFFF  }
0x98: {  	s18 =	sld [smem:$0x3FDB];
	_ =	sdelay $0x1  }
0x99: {  	s19 =	simm.s32 $_scs_section_size  }
0x9a: {  	s4 =	simm.s32 $_size__tile_overlayer_lowered;
	s5 =	simm.s32 $_tile_overlayer_lowered  }
0x9b: {  	s22 =	simm.s32 $0x1BFF;
	s21 =	sshll.u32 s5, $0x1;
	s2 =	sadd.s32 s19, s18  }
0x9c: {  	s6 =	simm.s32 $0x0;
	s20 =	sshll.u32 s4, $0x1;
	s4 =	sadd.s32 s21, s2  }
0x9d: {  	[timem:s6], [sflag:s22] =	dma.local [hbm:s4], s20  }
0x9e: {  	_ =	swait.ge [sflag:s22], s20  }
0x9f: {  	s3 =	ssub.s32 $0x0, s20;
	[sflag:s22] =	ssyncset.done $0x0  }
0xa0: {  	[sflag:s22] =	ssyncadd.s32 s3;
	_ =	sdelay $0x1  }
0xa1: {  	s23 =	simm.s32 $0x1B8B  }
0xa2: {  	_ =	swait.ge [sflag:s23], $0x1  }
0xa3: {  	[sflag:s23] =	ssyncset.done $0x0  }
0xa4: {  	s25 =	simm.s32 $0x1B8E;
	s24 =	sld [smem:$0x3FFE];
	[sflag:s23] =	ssyncadd.s32 $0xFFFFFFFF  }
0xa5: {  	s26 =	simm.s32 $execute0_lowered;
	[smem:$0x3FD2] =	sst s25  }
0xa6: {  	s4 =	sshll.u32 s26, $0x1;
	_ =	strace $0x8000004F;
	[dreg:$0x1] =	wrdreg $0xFFFFFFFF  }
0xa7: {  	s28 =	simm.s32 $_size_execute0_lowered;
	s2 =	sadd.s32 s2, s4;
	[dreg:$0x0] =	wrdreg $0x0  }
0xa8: {  	s4 =	sshll.u32 s28, $0x1;
	[dreg:$0x2] =	wrdreg s2  }
0xa9: {  	[dreg:$0x3] =	wrdreg s4  }
0xaa: {  	[dreg:$0x4] =	wrdreg $0xC0  }
0xab: {  	_ =	task [dreg:s6], $0x5FFFF  }
0xac: {  	[dreg:$0x1] =	wrdreg $0xFFFFFFFF  }
0xad: {  	[dreg:$0x0] =	wrdreg $0x60  }
0xae: {  	[dreg:$0x2] =	wrdreg s24  }
0xaf: {  	[dreg:$0x3] =	wrdreg $0xB9A00  }
0xb0: {  	[dreg:$0x4] =	wrdreg $0x159A00  }
0xb1: {  	[dreg:$0x5] =	wrdreg $0x9  }
0xb2: {  	_ =	task.clear_ibuf [dreg:s6], $0x6FFFF;
	_ =	strace $0x9000004F  }
0xb3: {  	s29 =	simm.s32 $0x9;
	_ =	strace $0x80000051  }
0xb4: {  	_ =	swait.ge [sflag:s29], $0x1  }
0xb5: {  	[sflag:s29] =	ssyncadd.s32 $0xFFFFFFFF  }
0xb6: {  	_ =	strace $0x90000051  }
0xb7: {  	_ =	sfence  }
0xb8: {  	s30 =	sld [smem:$0x0];
	_ =	sdelay $0x2  }
0xb9: {  	s31 =	sshll.u32 s1, $0xD;
	s1 =	sshrl.u32 s1, $0x2  }
0xba: {  	s3 =	sand.u32 $0x4000, s31;
	s1 =	sadd.s32 s1, s30  }
0xbb: {  	s0 =	sor.u32 s3, s0;
	s1 =	sshll.u32 s1, $0x11  }
0xbc: {  	s0 =	sor.u32 s1, s0  }
0xbd: {  	s0 =	sadd.s32 $0x8F2B, s0  }
0xbe: {  	[sflag:s0] =	ssyncadd.remote.s32 $0x1  }
0xbf: {  	_ =	sfence.sel $0xFFFF  }
0xc0: {  	[dreg:$0x0] =	wrdreg $0xFFFFFFFF;
	(pc) =	sbr.abs _section_cstart, $3  }
0xc1: {  	[dreg:$0x1] =	wrdreg $0xFFFFFFFF  }
0xc2: {  	_ =	task.clear_ibuf [dreg:s6], $0x2FFFF;
	_ =	strace $0x9FFFFFFF  }
0xc3: {  	(tm) =	ssettm $0x7FFFFFFF  }
tec
execute0_lowered:
.L_overlay_start_1:
0x0: {  	(tag) =	ssettag $0x1  }
0x1: {  	s0 =	rddreg [dreg:$0x0]  }
0x2: {  	s2 =	rddreg [dreg:$0x1]  }
0x3: {  	s3 =	rddreg [dreg:$0x2];
	s1 =	srdreg.scid  }
0x4: {  	s12 =	stileid.u32;
	s4 =	simm.s32 $0x0;
	s24 =	simm.s32 $0x168  }
0x5: {  	s26 =	simm.s32 $0x258;
	s30 =	simm.s32 $0x5A0;
	s5 =	smul.u32 $0xA000, s12  }
0x6: {  	s1 =	sand.u32 $0x1, s1;
	[smem:$0x7FF] =	sst s4;
	s10 =	smul.u32 $0xA8C0, s12  }
0x7: {  	s7 =	sadd.s32 $0x62600, s0;
	s8 =	sadd.s32 $0x3E00, s0;
	s11 =	smul.u32 $0x9C40, s12  }
0x8: {  	s29 =	sshll.u32 s12, $0x6;
	s18 =	smul.u32 $0x1518, s12;
	s12 =	simm.s32 $0x8  }
0x9: {  	s6 =	smul.u32 $0xA0000, s1;
	_ =	strace $0x80000050;
	[dreg:$0xa] =	wrdreg s8  }
0xa: {  	s28 =	ssub.s32 $0x2, s1;
	s25 =	sor.u32 $0x1C13, s29;
	[dreg:$0x5] =	wrdreg s24  }
0xb: {  	p0 =	seq.s32 s1, $0x1;
	[dreg:$0x6] =	wrdreg s26;
	s29 =	simm.s32 $0x438  }
0xc: {  	s24 =	simm.s32 $0x78;
	s9 =	sshrl.u32 s28, $0x1;
	s10 =	sshrl.u32 s10, $0x3  }
0xd: {  	s31 =	sadd.s32 s11, s3;
	s14 =	sshrl.u32 s11, $0x3;
	[dreg:$0x8] =	wrdreg s29  }
0xe: {  	s21 =	sadd.s32 s18, s7;
	s11 =	simm.s32 $0x7;
	[dreg:$0xb] =	wrdreg s25  }
0xf: {  	s18 =	simm.s32 $0xC;
	s13 =	sadd.s32 s7, s10;
	[dreg:$0x4] =	wrdreg s21  }
0x10: {  	s6 =	sadd.s32 s5, s6;
	s22 =	sshrl.u32 s31, $0x3;
	[dreg:$0xc] =	wrdreg s13  }
0x11: {  	s8 =	ssub.s32 s28, s9;
	s28 =	simm.s32 $0x348;
	[dreg:$0x16] =	wrdreg s22  }
0x12: {  	s5 =	sadd.s32 s5, s2;
	s31 =	simm.s32 $0x528;
	[dreg:$0x7] =	wrdreg s28  }
0x13: {  	s9 =	simm.s32 $0x5;
	s10 =	sadd.s32 $0x1E, s13;
	[dreg:$0x9] =	wrdreg s31  }
0x14: {  	s7 =	simm.s32 $0xD;
	s15 =	sadd.s32 $0x3C, s13;
	[dreg:$0xd] =	wrdreg s10  }
0x15: {  	s6 =	sshrl.u32 s6, $0x3;
	s16 =	sadd.s32 $0x5A, s13;
	[dreg:$0xe] =	wrdreg s15  }
0x16: {  	s17 =	sadd.s32 $0x78, s13;
	s19 =	sadd.s32 $0x96, s13;
	[dreg:$0xf] =	wrdreg s16  }
0x17: {  	s20 =	smax.u32 s8, $0x1;
	s23 =	sshrl.u32 s5, $0x3;
	[dreg:$0x10] =	wrdreg s17  }
0x18: {  	s13 =	simm.s32 $0x9;
	s22 =	simm.s32 $0x0;
	[dreg:$0x11] =	wrdreg s19  }
0x19: {  	s6 =	sadd.s32 s6, s0;
	s10 =	simm.s32 $0x77800;
	[dreg:$0x13] =	wrdreg s20  }
0x1a: {  	s15 =	simm.s32 $0xB;
	s16 =	simm.s32 $0xE;
	s17 =	simm.s32 $0x10  }
0x1b: {  	s19 =	simm.s32 $0x11;
	s20 =	simm.s32 $0x12;
	s10 =	simm.s32 @!p0 $0x8B200  }
0x1c: {  	[dreg:$0x15] =	wrdreg s23;
	s6 =	sadd.s32 $0x9EC00, s6;
	s0 =	sadd.s32 s10, s0  }
0x1d: {  	[dreg:$0x12] =	wrdreg s6;
	s10 =	simm.s32 $0x6;
	s0 =	sadd.s32 s0, s14  }
0x1e: {  	s6 =	simm.s32 $0xF;
	s14 =	simm.s32 $0xA;
	[dreg:$0x14] =	wrdreg s0  }
.LBB2_1:
0x1f: {  	[dreg:$0x17] =	wrdreg s22  }
0x20: {  	s22 =	simm.s32 $0x13;
	s21 =	rddreg [dreg:$0xa]  }
0x21: {  	[spmem:s23], [sflag:s25] =	dma.local [hbm:s21], $0x1400  }
0x22: {  	_ =	swait.ge [sflag:s22], $0x1400  }
0x23: {  	[sflag:s22] =	ssyncset.done $0x0;
	s26 =	rddreg [dreg:$0x14]  }
0x24: {  	s28 =	rddreg [dreg:$0x16];
	[sflag:s22] =	ssyncadd.s32 $0xFFFFEC00  }
0x25: {  	[spmem:s28], [sflag:s25] =	dma.local [hbm:s26], $0x1388  }
0x26: {  	_ =	swait.ge [sflag:s22], $0x1388  }
0x27: {  	[sflag:s22] =	ssyncset.done $0x0  }
0x28: {  	s29 =	rddreg [dreg:$0xc];
	[sflag:s22] =	ssyncadd.s32 $0xFFFFEC78  }
0x29: {  	[tilespmem:s4], [sflag:$0x13] =	stream.linear.gather [hbm4b:s29+s4], $0xF0, $0x38;
	[tilespmem:$0x1F5E0] =	vst v63  }
0x2a: {  	_ =	swait.ge [sflag:s22], $0xF0  }
0x2b: {  	[sflag:s22] =	ssyncset.done $0x0  }
0x2c: {  	s29 =	simm.s32 $0xF0;
	s31 =	rddreg [dreg:$0xd];
	[sflag:s22] =	ssyncadd.s32 $0xFFFFFF10  }
0x2d: {  	[tilespmem:s29], [sflag:$0x13] =	stream.linear.gather [hbm4b:s31+s4], $0xF0, $0x38;
	[tilespmem:$0x1F5E0] =	vst v63  }
0x2e: {  	_ =	swait.ge [sflag:s22], $0xF0  }
0x2f: {  	[sflag:s22] =	ssyncset.done $0x0  }
0x30: {  	s31 =	simm.s32 $0x1E0;
	s0 =	rddreg [dreg:$0xe];
	[sflag:s22] =	ssyncadd.s32 $0xFFFFFF10  }
0x31: {  	[tilespmem:s31], [sflag:$0x13] =	stream.linear.gather [hbm4b:s0+s4], $0xF0, $0x38;
	[tilespmem:$0x1F5E0] =	vst v63  }
0x32: {  	_ =	swait.ge [sflag:s22], $0xF0  }
0x33: {  	[sflag:s22] =	ssyncset.done $0x0  }
0x34: {  	s25 =	simm.s32 $0x2D0;
	s1 =	rddreg [dreg:$0xf];
	[sflag:s22] =	ssyncadd.s32 $0xFFFFFF10  }
0x35: {  	[tilespmem:s25], [sflag:$0x13] =	stream.linear.gather [hbm4b:s1+s4], $0xF0, $0x38;
	[tilespmem:$0x1F5E0] =	vst v63  }
0x36: {  	_ =	swait.ge [sflag:s22], $0xF0  }
0x37: {  	[sflag:s22] =	ssyncset.done $0x0  }
0x38: {  	s26 =	simm.s32 $0x3C0;
	s5 =	rddreg [dreg:$0x10];
	[sflag:s22] =	ssyncadd.s32 $0xFFFFFF10  }
0x39: {  	[tilespmem:s26], [sflag:$0x13] =	stream.linear.gather [hbm4b:s5+s4], $0xF0, $0x38;
	[tilespmem:$0x1F5E0] =	vst v63  }
0x3a: {  	_ =	swait.ge [sflag:s22], $0xF0  }
0x3b: {  	[sflag:s22] =	ssyncset.done $0x0  }
0x3c: {  	s23 =	simm.s32 $0x4B0;
	s8 =	rddreg [dreg:$0x11];
	[sflag:s22] =	ssyncadd.s32 $0xFFFFFF10  }
0x3d: {  	[tilespmem:s23], [sflag:$0x13] =	stream.linear.gather [hbm4b:s8+s4], $0xF0, $0x38;
	[tilespmem:$0x1F5E0] =	vst v63  }
0x3e: {  	_ =	swait.ge [sflag:s22], $0xF0  }
0x3f: {  	[sflag:s22] =	ssyncset.done $0x0  }
0x40: {  	[sflag:s22] =	ssyncadd.s32 $0xFFFFFF10  }
0x41: {  	[bflag:$0x0] =	sbarrier.arrive $0xFFFF  }
0x42: {  	[tilespmem:s30], [sflag:$0x1] =	stream.indirect.gather [spmem:s3], $0x40, s4, s24, $0xb8;
	[tilespmem:$0x1F5E0] =	vst v63  }
0x43: {  	s0 =	simm.s32 $0x23A0  }
0x44: {  	[tilespmem:s0], [sflag:$0x2] =	stream.indirect.gather [spmem:s3], $0x40, s29, s24, $0xb8;
	[tilespmem:$0x1F5E0] =	vst v63  }
0x45: {  	s1 =	simm.s32 $0x41A0  }
0x46: {  	[tilespmem:s1], [sflag:$0x3] =	stream.indirect.gather [spmem:s3], $0x40, s31, s24, $0xb8;
	[tilespmem:$0x1F5E0] =	vst v63  }
0x47: {  	s5 =	simm.s32 $0x5FA0  }
0x48: {  	[tilespmem:s5], [sflag:$0x4] =	stream.indirect.gather [spmem:s3], $0x40, s25, s24, $0xb8;
	[tilespmem:$0x1F5E0] =	vst v63  }
0x49: {  	s8 =	simm.s32 $0x7DA0  }
0x4a: {  	[tilespmem:s8], [sflag:$0x5] =	stream.indirect.gather [spmem:s3], $0x40, s26, s24, $0xb8;
	[tilespmem:$0x1F5E0] =	vst v63  }
0x4b: {  	s28 =	simm.s32 $0x1;
	s22 =	simm.s32 $0x9BA0  }
0x4c: {  	[tilespmem:s22], [sflag:$0x6] =	stream.indirect.gather [spmem:s3], $0x40, s23, s24, $0xb8;
	[tilespmem:$0x1F5E0] =	vst v63  }
0x4d: {  	_ =	swait.ge [sflag:s28], $0x1E00  }
0x4e: {  	[sflag:s28] =	ssyncset.done $0x0  }
0x4f: {  	[sflag:s28] =	ssyncadd.s32 $0xFFFFE200;
	s28 =	simm.s32 $0x2  }
0x50: {  	[spmem:s2] =	stream.indirect.scatter.add.f32 [tilespmem:s30], [sflag:$0x7], $0x40, s24, s24, $0xb8;
	[tilespmem:$0x1F5E0] =	vst v63  }
0x51: {  	_ =	swait.ge [sflag:s28], $0x1E00  }
0x52: {  	[sflag:s28] =	ssyncset.done $0x0  }
0x53: {  	s21 =	rddreg [dreg:$0x5];
	[sflag:s28] =	ssyncadd.s32 $0xFFFFE200;
	s28 =	simm.s32 $0x3  }
0x54: {  	[spmem:s2] =	stream.indirect.scatter.add.f32 [tilespmem:s0], [sflag:$0x8], $0x40, s21, s24, $0xb8;
	[tilespmem:$0x1F5E0] =	vst v63  }
0x55: {  	_ =	swait.ge [sflag:s28], $0x1E00  }
0x56: {  	[sflag:s28] =	ssyncset.done $0x0  }
0x57: {  	s21 =	rddreg [dreg:$0x6];
	[sflag:s28] =	ssyncadd.s32 $0xFFFFE200;
	s28 =	simm.s32 $0x4  }
0x58: {  	[spmem:s2] =	stream.indirect.scatter.add.f32 [tilespmem:s1], [sflag:$0x9], $0x40, s21, s24, $0xb8;
	[tilespmem:$0x1F5E0] =	vst v63  }
0x59: {  	_ =	swait.ge [sflag:s28], $0x1E00  }
0x5a: {  	[sflag:s28] =	ssyncset.done $0x0  }
0x5b: {  	s21 =	rddreg [dreg:$0x7];
	[sflag:s28] =	ssyncadd.s32 $0xFFFFE200  }
0x5c: {  	[spmem:s2] =	stream.indirect.scatter.add.f32 [tilespmem:s5], [sflag:$0xA], $0x40, s21, s24, $0xb8;
	[tilespmem:$0x1F5E0] =	vst v63  }
0x5d: {  	_ =	swait.ge [sflag:s9], $0x1E00  }
0x5e: {  	[sflag:s9] =	ssyncset.done $0x0  }
0x5f: {  	s28 =	rddreg [dreg:$0x8];
	[sflag:s9] =	ssyncadd.s32 $0xFFFFE200  }
0x60: {  	[spmem:s2] =	stream.indirect.scatter.add.f32 [tilespmem:s8], [sflag:$0xB], $0x40, s28, s24, $0xb8;
	[tilespmem:$0x1F5E0] =	vst v63  }
0x61: {  	_ =	swait.ge [sflag:s10], $0x1E00  }
0x62: {  	[sflag:s10] =	ssyncset.done $0x0  }
0x63: {  	s28 =	rddreg [dreg:$0x9];
	[sflag:s10] =	ssyncadd.s32 $0xFFFFE200  }
0x64: {  	[spmem:s2] =	stream.indirect.scatter.add.f32 [tilespmem:s22], [sflag:$0xC], $0x40, s28, s24, $0xb8;
	[tilespmem:$0x1F5E0] =	vst v63  }
0x65: {  	_ =	swait.ge [sflag:s11], $0x1E00  }
0x66: {  	s22 =	rddreg [dreg:$0x4]  }
0x67: {  	[sflag:s11] =	ssyncset.done $0x0;
	s21 =	sadd.s32 $0x0, s22  }
0x68: {  	[sflag:s11] =	ssyncadd.s32 $0xFFFFE200;
	s28 =	sadd.s32 $0xB4, s21  }
0x69: {  	[tilespmem:s4], [sflag:$0xD] =	stream.linear.gather [hbm4b:s28+s4], $0xF0, $0x38;
	[tilespmem:$0x1F5E0] =	vst v63  }
0x6a: {  	_ =	swait.ge [sflag:s12], $0x1E00  }
0x6b: {  	[sflag:s12] =	ssyncset.done $0x0  }
0x6c: {  	s28 =	sadd.s32 $0xD2, s21;
	[sflag:s12] =	ssyncadd.s32 $0xFFFFE200  }
0x6d: {  	[tilespmem:s29], [sflag:$0xE] =	stream.linear.gather [hbm4b:s28+s4], $0xF0, $0x38;
	[tilespmem:$0x1F5E0] =	vst v63  }
0x6e: {  	_ =	swait.ge [sflag:s13], $0x1E00  }
0x6f: {  	[sflag:s13] =	ssyncset.done $0x0  }
0x70: {  	s28 =	sadd.s32 $0xF0, s21;
	[sflag:s13] =	ssyncadd.s32 $0xFFFFE200  }
0x71: {  	[tilespmem:s31], [sflag:$0xF] =	stream.linear.gather [hbm4b:s28+s4], $0xF0, $0x38;
	[tilespmem:$0x1F5E0] =	vst v63  }
0x72: {  	_ =	swait.ge [sflag:s14], $0x1E00  }
0x73: {  	[sflag:s14] =	ssyncset.done $0x0  }
0x74: {  	s28 =	sadd.s32 $0x10E, s21;
	[sflag:s14] =	ssyncadd.s32 $0xFFFFE200  }
0x75: {  	[tilespmem:s25], [sflag:$0x10] =	stream.linear.gather [hbm4b:s28+s4], $0xF0, $0x38;
	[tilespmem:$0x1F5E0] =	vst v63  }
0x76: {  	_ =	swait.ge [sflag:s15], $0x1E00  }
0x77: {  	[sflag:s15] =	ssyncset.done $0x0  }
0x78: {  	s28 =	sadd.s32 $0x12C, s21;
	[sflag:s15] =	ssyncadd.s32 $0xFFFFE200  }
0x79: {  	[tilespmem:s26], [sflag:$0x11] =	stream.linear.gather [hbm4b:s28+s4], $0xF0, $0x38;
	[tilespmem:$0x1F5E0] =	vst v63  }
0x7a: {  	_ =	swait.ge [sflag:s18], $0x1E00  }
0x7b: {  	[sflag:s18] =	ssyncset.done $0x0  }
0x7c: {  	s21 =	sadd.s32 $0x14A, s21;
	[sflag:s18] =	ssyncadd.s32 $0xFFFFE200  }
0x7d: {  	[tilespmem:s23], [sflag:$0x12] =	stream.linear.gather [hbm4b:s21+s4], $0xF0, $0x38;
	[tilespmem:$0x1F5E0] =	vst v63  }
0x7e: {  	_ =	swait.ge [sflag:s7], $0xF0  }
0x7f: {  	[sflag:s7] =	ssyncset.done $0x0  }
0x80: {  	[sflag:s7] =	ssyncadd.s32 $0xFFFFFF10  }
0x81: {  	[tilespmem:s30], [sflag:$0x1] =	stream.indirect.gather [spmem:s3], $0x40, s4, s24, $0xb8;
	[tilespmem:$0x1F5E0] =	vst v63  }
0x82: {  	_ =	swait.ge [sflag:s16], $0xF0  }
0x83: {  	[sflag:s16] =	ssyncset.done $0x0  }
0x84: {  	[sflag:s16] =	ssyncadd.s32 $0xFFFFFF10  }
0x85: {  	[tilespmem:s0], [sflag:$0x2] =	stream.indirect.gather [spmem:s3], $0x40, s29, s24, $0xb8;
	[tilespmem:$0x1F5E0] =	vst v63  }
0x86: {  	_ =	swait.ge [sflag:s6], $0xF0  }
0x87: {  	[sflag:s6] =	ssyncset.done $0x0  }
0x88: {  	[sflag:s6] =	ssyncadd.s32 $0xFFFFFF10  }
0x89: {  	[tilespmem:s1], [sflag:$0x3] =	stream.indirect.gather [spmem:s3], $0x40, s31, s24, $0xb8;
	[tilespmem:$0x1F5E0] =	vst v63  }
0x8a: {  	_ =	swait.ge [sflag:s17], $0xF0  }
0x8b: {  	[sflag:s17] =	ssyncset.done $0x0  }
0x8c: {  	[sflag:s17] =	ssyncadd.s32 $0xFFFFFF10  }
0x8d: {  	[tilespmem:s5], [sflag:$0x4] =	stream.indirect.gather [spmem:s3], $0x40, s25, s24, $0xb8;
	[tilespmem:$0x1F5E0] =	vst v63  }
0x8e: {  	_ =	swait.ge [sflag:s19], $0xF0  }
0x8f: {  	[sflag:s19] =	ssyncset.done $0x0  }
0x90: {  	[sflag:s19] =	ssyncadd.s32 $0xFFFFFF10  }
0x91: {  	[tilespmem:s8], [sflag:$0x5] =	stream.indirect.gather [spmem:s3], $0x40, s26, s24, $0xb8;
	[tilespmem:$0x1F5E0] =	vst v63  }
0x92: {  	_ =	swait.ge [sflag:s20], $0xF0  }
0x93: {  	[sflag:s20] =	ssyncset.done $0x0  }
0x94: {  	s21 =	simm.s32 $0xB4;
	[sflag:s20] =	ssyncadd.s32 $0xFFFFFF10  }
.LBB2_2:
0x95: {  	s30 =	simm.s32 $0x4B0;
	s31 =	simm.s32 $0x9BA0;
	s0 =	simm.s32 $0x1  }
0x96: {  	[tilespmem:s31], [sflag:$0x6] =	stream.indirect.gather [spmem:s3], $0x40, s30, s24, $0xb8;
	[tilespmem:$0x1F5E0] =	vst v63  }
0x97: {  	_ =	swait.ge [sflag:s0], $0x1E00  }
0x98: {  	[sflag:s0] =	ssyncset.done $0x0  }
0x99: {  	s23 =	simm.s32 $0x5A0;
	s1 =	simm.s32 $0x2;
	[sflag:s0] =	ssyncadd.s32 $0xFFFFE200  }
0x9a: {  	[spmem:s2] =	stream.indirect.scatter.add.f32 [tilespmem:s23], [sflag:$0x7], $0x40, s24, s24, $0xb8;
	[tilespmem:$0x1F5E0] =	vst v63  }
0x9b: {  	_ =	swait.ge [sflag:s1], $0x1E00  }
0x9c: {  	s0 =	simm.s32 $0x23A0;
	[sflag:s1] =	ssyncset.done $0x0  }
0x9d: {  	s5 =	rddreg [dreg:$0x5];
	[sflag:s1] =	ssyncadd.s32 $0xFFFFE200;
	s1 =	simm.s32 $0x3  }
0x9e: {  	[spmem:s2] =	stream.indirect.scatter.add.f32 [tilespmem:s0], [sflag:$0x8], $0x40, s5, s24, $0xb8;
	[tilespmem:$0x1F5E0] =	vst v63  }
0x9f: {  	_ =	swait.ge [sflag:s1], $0x1E00  }
0xa0: {  	s5 =	simm.s32 $0x4;
	[sflag:s1] =	ssyncset.done $0x0  }
0xa1: {  	s8 =	rddreg [dreg:$0x6];
	[sflag:s1] =	ssyncadd.s32 $0xFFFFE200;
	s1 =	simm.s32 $0x41A0  }
0xa2: {  	[spmem:s2] =	stream.indirect.scatter.add.f32 [tilespmem:s1], [sflag:$0x9], $0x40, s8, s24, $0xb8;
	[tilespmem:$0x1F5E0] =	vst v63  }
0xa3: {  	_ =	swait.ge [sflag:s5], $0x1E00  }
0xa4: {  	[sflag:s5] =	ssyncset.done $0x0  }
0xa5: {  	s25 =	rddreg [dreg:$0x7];
	[sflag:s5] =	ssyncadd.s32 $0xFFFFE200;
	s5 =	simm.s32 $0x5FA0  }
0xa6: {  	[spmem:s2] =	stream.indirect.scatter.add.f32 [tilespmem:s5], [sflag:$0xA], $0x40, s25, s24, $0xb8;
	[tilespmem:$0x1F5E0] =	vst v63  }
0xa7: {  	_ =	swait.ge [sflag:s9], $0x1E00  }
0xa8: {  	[sflag:s9] =	ssyncset.done $0x0  }
0xa9: {  	s8 =	simm.s32 $0x7DA0;
	s26 =	rddreg [dreg:$0x8];
	[sflag:s9] =	ssyncadd.s32 $0xFFFFE200  }
0xaa: {  	[spmem:s2] =	stream.indirect.scatter.add.f32 [tilespmem:s8], [sflag:$0xB], $0x40, s26, s24, $0xb8;
	[tilespmem:$0x1F5E0] =	vst v63  }
0xab: {  	_ =	swait.ge [sflag:s10], $0x1E00  }
0xac: {  	[sflag:s10] =	ssyncset.done $0x0  }
0xad: {  	s28 =	rddreg [dreg:$0x9];
	[sflag:s10] =	ssyncadd.s32 $0xFFFFE200  }
0xae: {  	[spmem:s2] =	stream.indirect.scatter.add.f32 [tilespmem:s31], [sflag:$0xC], $0x40, s28, s24, $0xb8;
	[tilespmem:$0x1F5E0] =	vst v63  }
0xaf: {  	_ =	swait.ge [sflag:s11], $0x1E00  }
0xb0: {  	s22 =	smov.u32 s21;
	s31 =	rddreg [dreg:$0x4]  }
0xb1: {  	[sflag:s11] =	ssyncset.done $0x0;
	s22 =	sadd.s32 s22, s31  }
0xb2: {  	[sflag:s11] =	ssyncadd.s32 $0xFFFFE200;
	s23 =	sadd.s32 $0xB4, s22  }
0xb3: {  	[tilespmem:s4], [sflag:$0xD] =	stream.linear.gather [hbm4b:s23+s4], $0xF0, $0x38;
	[tilespmem:$0x1F5E0] =	vst v63  }
0xb4: {  	_ =	swait.ge [sflag:s12], $0x1E00  }
0xb5: {  	[sflag:s12] =	ssyncset.done $0x0  }
0xb6: {  	s31 =	simm.s32 $0xF0;
	s25 =	sadd.s32 $0xD2, s22;
	[sflag:s12] =	ssyncadd.s32 $0xFFFFE200  }
0xb7: {  	[tilespmem:s31], [sflag:$0xE] =	stream.linear.gather [hbm4b:s25+s4], $0xF0, $0x38;
	[tilespmem:$0x1F5E0] =	vst v63  }
0xb8: {  	_ =	swait.ge [sflag:s13], $0x1E00  }
0xb9: {  	[sflag:s13] =	ssyncset.done $0x0  }
0xba: {  	s26 =	sadd.s32 $0xF0, s22;
	s25 =	simm.s32 $0x1E0;
	[sflag:s13] =	ssyncadd.s32 $0xFFFFE200  }
0xbb: {  	[tilespmem:s25], [sflag:$0xF] =	stream.linear.gather [hbm4b:s26+s4], $0xF0, $0x38;
	[tilespmem:$0x1F5E0] =	vst v63  }
0xbc: {  	_ =	swait.ge [sflag:s14], $0x1E00  }
0xbd: {  	[sflag:s14] =	ssyncset.done $0x0  }
0xbe: {  	s28 =	sadd.s32 $0x10E, s22;
	s26 =	simm.s32 $0x2D0;
	[sflag:s14] =	ssyncadd.s32 $0xFFFFE200  }
0xbf: {  	[tilespmem:s26], [sflag:$0x10] =	stream.linear.gather [hbm4b:s28+s4], $0xF0, $0x38;
	[tilespmem:$0x1F5E0] =	vst v63  }
0xc0: {  	_ =	swait.ge [sflag:s15], $0x1E00  }
0xc1: {  	[sflag:s15] =	ssyncset.done $0x0  }
0xc2: {  	s23 =	sadd.s32 $0x12C, s22;
	s28 =	simm.s32 $0x3C0;
	[sflag:s15] =	ssyncadd.s32 $0xFFFFE200  }
0xc3: {  	[tilespmem:s28], [sflag:$0x11] =	stream.linear.gather [hbm4b:s23+s4], $0xF0, $0x38;
	[tilespmem:$0x1F5E0] =	vst v63  }
0xc4: {  	_ =	swait.ge [sflag:s18], $0x1E00  }
0xc5: {  	[sflag:s18] =	ssyncset.done $0x0  }
0xc6: {  	s22 =	sadd.s32 $0x14A, s22;
	[sflag:s18] =	ssyncadd.s32 $0xFFFFE200  }
0xc7: {  	[tilespmem:s30], [sflag:$0x12] =	stream.linear.gather [hbm4b:s22+s4], $0xF0, $0x38;
	[tilespmem:$0x1F5E0] =	vst v63  }
0xc8: {  	_ =	swait.ge [sflag:s7], $0xF0  }
0xc9: {  	[sflag:s7] =	ssyncset.done $0x0  }
0xca: {  	s30 =	simm.s32 $0x5A0;
	[sflag:s7] =	ssyncadd.s32 $0xFFFFFF10  }
0xcb: {  	[tilespmem:s30], [sflag:$0x1] =	stream.indirect.gather [spmem:s3], $0x40, s4, s24, $0xb8;
	[tilespmem:$0x1F5E0] =	vst v63  }
0xcc: {  	_ =	swait.ge [sflag:s16], $0xF0  }
0xcd: {  	[sflag:s16] =	ssyncset.done $0x0  }
0xce: {  	[sflag:s16] =	ssyncadd.s32 $0xFFFFFF10  }
0xcf: {  	[tilespmem:s0], [sflag:$0x2] =	stream.indirect.gather [spmem:s3], $0x40, s31, s24, $0xb8;
	[tilespmem:$0x1F5E0] =	vst v63  }
0xd0: {  	_ =	swait.ge [sflag:s6], $0xF0  }
0xd1: {  	[sflag:s6] =	ssyncset.done $0x0  }
0xd2: {  	[sflag:s6] =	ssyncadd.s32 $0xFFFFFF10  }
0xd3: {  	[tilespmem:s1], [sflag:$0x3] =	stream.indirect.gather [spmem:s3], $0x40, s25, s24, $0xb8;
	[tilespmem:$0x1F5E0] =	vst v63  }
0xd4: {  	_ =	swait.ge [sflag:s17], $0xF0  }
0xd5: {  	[sflag:s17] =	ssyncset.done $0x0  }
0xd6: {  	[sflag:s17] =	ssyncadd.s32 $0xFFFFFF10  }
0xd7: {  	[tilespmem:s5], [sflag:$0x4] =	stream.indirect.gather [spmem:s3], $0x40, s26, s24, $0xb8;
	[tilespmem:$0x1F5E0] =	vst v63  }
0xd8: {  	_ =	swait.ge [sflag:s19], $0xF0  }
0xd9: {  	p0 =	sne.s32 s21, $0x13B0;
	[sflag:s19] =	ssyncset.done $0x0  }
.Ltmp0:
0xda: {  	[sflag:s19] =	ssyncadd.s32 $0xFFFFFF10;
	(pc) =	sbr.rel @p0 .LBB2_2-.Ltmp0, $4  }
0xdb: {  	[tilespmem:s8], [sflag:$0x5] =	stream.indirect.gather [spmem:s3], $0x40, s28, s24, $0xb8;
	[tilespmem:$0x1F5E0] =	vst v63  }
0xdc: {  	_ =	swait.ge [sflag:s20], $0xF0  }
0xdd: {  	s21 =	sadd.s32 $0xB4, s21;
	[sflag:s20] =	ssyncset.done $0x0  }
0xde: {  	s29 =	simm.s32 $0x9BA0;
	s23 =	simm.s32 $0x4B0;
	[sflag:s20] =	ssyncadd.s32 $0xFFFFFF10  }
0xdf: {  	[tilespmem:s29], [sflag:$0x6] =	stream.indirect.gather [spmem:s3], $0x40, s23, s24, $0xb8;
	[tilespmem:$0x1F5E0] =	vst v63  }
0xe0: {  	s0 =	simm.s32 $0x1  }
0xe1: {  	_ =	swait.ge [sflag:s0], $0x1E00  }
0xe2: {  	[sflag:s0] =	ssyncset.done $0x0  }
0xe3: {  	s23 =	simm.s32 $0x2;
	[sflag:s0] =	ssyncadd.s32 $0xFFFFE200  }
0xe4: {  	_ =	swait.ge [sflag:s23], $0x1E00  }
0xe5: {  	[sflag:s23] =	ssyncset.done $0x0  }
0xe6: {  	s25 =	simm.s32 $0x3;
	[sflag:s23] =	ssyncadd.s32 $0xFFFFE200  }
0xe7: {  	_ =	swait.ge [sflag:s25], $0x1E00  }
0xe8: {  	[sflag:s25] =	ssyncset.done $0x0  }
0xe9: {  	s26 =	simm.s32 $0x4;
	[sflag:s25] =	ssyncadd.s32 $0xFFFFE200  }
0xea: {  	_ =	swait.ge [sflag:s26], $0x1E00  }
0xeb: {  	[sflag:s26] =	ssyncset.done $0x0  }
0xec: {  	[sflag:s26] =	ssyncadd.s32 $0xFFFFE200  }
0xed: {  	_ =	swait.ge [sflag:s9], $0x1E00  }
0xee: {  	[sflag:s9] =	ssyncset.done $0x0  }
0xef: {  	[sflag:s9] =	ssyncadd.s32 $0xFFFFE200  }
0xf0: {  	_ =	swait.ge [sflag:s10], $0x1E00  }
0xf1: {  	[sflag:s10] =	ssyncset.done $0x0  }
0xf2: {  	[sflag:s10] =	ssyncadd.s32 $0xFFFFE200  }
0xf3: {  	[bflag:$0x0] =	sbarrier.arrive $0xFFFF  }
0xf4: {  	s25 =	rddreg [dreg:$0xb]  }
0xf5: {  	s21 =	rddreg [dreg:$0x12]  }
0xf6: {  	s28 =	simm.s32 $0x13;
	s23 =	rddreg [dreg:$0x15]  }
0xf7: {  	[hbm:s21], [sflag:s25] =	dma.local [spmem:s23], $0x1400  }
0xf8: {  	_ =	swait.ge [sflag:s28], $0x1400  }
0xf9: {  	s22 =	rddreg [dreg:$0x17]  }
0xfa: {  	s29 =	rddreg [dreg:$0x13];
	s22 =	sadd.s32 $0x1, s22  }
0xfb: {  	p0 =	sne.s32 s22, s29  }
.Ltmp1:
0xfc: {  	_ = 	snop;
	(pc) =	sbr.rel @p0 .LBB2_1-.Ltmp1, $3  }
0xfd: {  	_ =	sdelay $0x1  }
0xfe: {  	s31 =	simm.s32 $0x13;
	[sflag:s28] =	ssyncset.done $0x0  }
0xff: {  	[sflag:s31] =	ssyncadd.s32 $0xFFFFEC00  }
0x100: {  	_ =	sfence.sel $0x180000  }
0x101: {  	[bflag:$0x0] =	sbarrier.arrive $0xFFFF  }
0x102: {  	_ =	strace $0x90000050  }
0x103: {  	s0 =	stileid.u32;
	[bflag:$0x2] =	sbarrier.arrive $0xFFFF  }
0x104: {  	p0 =	sne.s32 s0, $0x0;
	s0 =	rddreg [dreg:$0x3]  }
0x105: {  	s0 =	sadd.s32 @!p0 $0x100000, s0  }
0x106: {  	[sflag:s0] =	ssyncadd.tile.s32 @!p0 $0x1;
	_ =	shalt  }
.Lfunc_end2:
_tile_overlayer_lowered:
.L_overlay_start_2:
0x107: {  	(tag) =	ssettag $0x2  }
0x108: {  	s0 =	rddreg [dreg:$0x0];
	s2 =	stileid.u32  }
0x109: {  	s1 =	rddreg [dreg:$0x1];
	p0 =	sne.s32 s2, $0x0  }
0x10a: {  	s3 =	rddreg [dreg:$0x2];
	[bflag:$0x3] =	sbarrier.arrive $0xFFFF;
	s2 =	simm.s32 @!p0 $0x1C13  }
0x10b: {  	[timem:s3], [sflag:s2] =	dma.local @!p0 [hbm:s0], s1  }
0x10c: {  	s0 =	simm.s32 @!p0 $0x13  }
0x10d: {  	_ =	swait.ge @!p0 [sflag:s0], s1  }
0x10e: {  	s1 =	ssub.s32 @!p0 $0x0, s1;
	[sflag:s0] =	ssyncset.done @!p0 $0x0  }
0x10f: {  	[sflag:s0] =	ssyncadd.s32 @!p0 s1  }
0x110: {  	[bflag:$0x3] =	sbarrier.arrive $0xFFFF  }
0x111: {  	_ =	shalt  }

// kernel: kernel.24.cloned.1.call-start
scs
__scs_entry_jumppad:
0x0: {  	(pc) =	sbr.rel $0x88, $3  }
0x1: {  	(tag) =	ssettag $0x0;
	lr =	simm.s32 $0x1  }
0x2: {  	[smem:$0x3F91] =	sst lr;
	_ =	strace $0xD0000000  }
0x3: {  	_ = 	snop  }
0x4: {  	_ = 	snop  }
0x5: {  	_ = 	snop  }
0x6: {  	_ = 	snop  }
0x7: {  	_ = 	snop  }
__scs_overlays_trampoline_lowered:
0x8: {  	[smem:$0x3FA0] =	sst s0  }
0x9: {  	[smem:$0x3FA1] =	sst s1  }
0xa: {  	[smem:$0x3FA2] =	sst s2  }
0xb: {  	[smem:$0x3FA3] =	sst s3  }
0xc: {  	[smem:$0x3FA4] =	sst s4  }
0xd: {  	[smem:$0x3FA5] =	sst s5  }
0xe: {  	[smem:$0x3FA6] =	sst s6  }
0xf: {  	[smem:$0x3FA7] =	sst s7  }
0x10: {  	[smem:$0x3FA8] =	sst s8  }
0x11: {  	[smem:$0x3FA9] =	sst s9;
	s0 =	simm.s32 @!p0 $0x0  }
0x12: {  	s1 =	sld [smem:$0x3F8F];
	s0 =	simm.s32 @p0 $0x1  }
0x13: {  	[smem:$0x3FAA] =	sst s0;
	s0 =	simm.s32 @!p1 $0x0  }
0x14: {  	s2 =	sld [smem:$0x3F8E];
	s0 =	simm.s32 @p1 $0x1  }
0x15: {  	[smem:$0x3FAB] =	sst s0;
	s0 =	simm.s32 @!p2 $0x0  }
0x16: {  	s3 =	sld [smem:$0x3FDB];
	s0 =	simm.s32 @p2 $0x1  }
0x17: {  	s4 =	simm.s32 $0x1BF5;
	[smem:$0x3FAD] =	sst s0  }
0x18: {  	s0 =	sld [smem:$0x3F90];
	_ =	swait.ge [sflag:s4], $0x0  }
0x19: {  	s7 =	sld [smem:$0x3F91]  }
0x1a: {  	s8 =	sadd.s32 $0xFFFFE003, lr  }
0x1b: {  	s9 =	sadd.s32 $0xFFFFFEF7, lr;
	s5 =	simm.s32 $0xFFFFFFFF;
	p2 =	slt.u32 s8, $0xFFFFF086  }
0x1c: {  	p1 =	slt.u32 s9, $0xF7A;
	s5 =	simm.s32 @!p2 $0x0  }
0x1d: {  	s5 =	simm.s32 @p1 $0x1;
	p0 =	seq.s32 s7, s2  }
0x1e: {  	s7 =	smul.u32 @!p0 $0xF7A, s2;
	p2 =	seq.s32 @!p0 s5, $0x0  }
0x1f: {  	s9 =	smul.u32 $0xF7A, s1;
	s8 =	simm.s32 @!p0 $0x1BF5;
	p2 =	por !p2, p0  }
0x20: {  	[sflag:s8] =	ssyncset.s32 @!p0 $0xFFFFF086;
	s6 =	sadd.s32 @!p0 s3, s7;
	s7 =	simm.s32 @!p0 $0x108  }
0x21: {  	s3 =	sadd.s32 s3, s9;
	s6 =	sadd.s32 @!p0 $0x88, s6;
	s7 =	simm.s32 @p2 $0x1082  }
0x22: {  	[simem:s7], [sflag:s8] =	dma.local @!p0 [hbm:s6], $0xF7A  }
0x23: {  	s9 =	sor.u32 $0xD0000000, s2;
	s6 =	simm.s32 $0x108;
	_ =	swait.ge @!p0 [sflag:s8], $0x0  }
0x24: {  	s3 =	sadd.s32 $0x88, s3;
	s6 =	simm.s32 @!p1 $0x1082;
	[sflag:s4] =	ssyncset.s32 $0xFFFFF086  }
0x25: {  	[simem:s6], [sflag:s4] =	dma.local [hbm:s3], $0xF7A  }
0x26: {  	[smem:$0x3F91] =	sst s1;
	(tag) =	ssettag s2;
	_ =	strace s9  }
0x27: {  	s1 =	sld [smem:$0x3FA1]  }
0x28: {  	s2 =	sld [smem:$0x3FA2]  }
0x29: {  	s4 =	sld [smem:$0x3FA4]  }
0x2a: {  	p0 =	seq.s32 s5, $0x0;
	s5 =	sld [smem:$0x3FA5]  }
0x2b: {  	s6 =	sld [smem:$0x3FA6]  }
0x2c: {  	s7 =	sld [smem:$0x3FA7]  }
0x2d: {  	s3 =	simm.s32 $0x108;
	s8 =	sld [smem:$0x3FA8]  }
0x2e: {  	s3 =	simm.s32 @!p0 $0x1082;
	s9 =	sld [smem:$0x3FA9]  }
0x2f: {  	lr =	sadd.s32 s0, s3;
	s0 =	sld [smem:$0x3FA0]  }
0x30: {  	s3 =	sld [smem:$0x3FA3]  }
0x31: {  	[smem:$0x3FAC] =	sst s10  }
0x32: {  	s10 =	sld [smem:$0x3FAA];
	_ =	sdelay $0x3  }
0x33: {  	p0 =	seq.s32 s10, $0x1;
	s10 =	sld [smem:$0x3FAC];
	_ =	sdelay $0x3  }
0x34: {  	[smem:$0x3FAC] =	sst s10  }
0x35: {  	s10 =	sld [smem:$0x3FAB];
	_ =	sdelay $0x3  }
0x36: {  	p1 =	seq.s32 s10, $0x1;
	s10 =	sld [smem:$0x3FAC];
	_ =	sdelay $0x3  }
0x37: {  	[smem:$0x3FAC] =	sst s10  }
0x38: {  	s10 =	sld [smem:$0x3FAD]  }
0x39: {  	_ = 	snop;
	(pc) =	sbr.ind lr, $3  }
0x3a: {  	_ = 	snop  }
0x3b: {  	_ = 	snop  }
0x3c: {  	p2 =	seq.s32 s10, $0x1;
	s10 =	sld [smem:$0x3FAC]  }
0x3d: {  	_ =	shalt  }
0x3e: {  	_ =	shalt  }
0x3f: {  	_ =	shalt  }
0x40: {  	_ =	shalt  }
0x41: {  	_ =	shalt  }
0x42: {  	_ =	shalt  }
0x43: {  	_ =	shalt  }
0x44: {  	_ =	shalt  }
0x45: {  	_ =	shalt  }
0x46: {  	_ =	shalt  }
0x47: {  	_ =	shalt  }
0x48: {  	_ =	shalt  }
0x49: {  	_ =	shalt  }
0x4a: {  	_ =	shalt  }
0x4b: {  	_ =	shalt  }
0x4c: {  	_ =	shalt  }
0x4d: {  	_ =	shalt  }
0x4e: {  	_ =	shalt  }
0x4f: {  	_ =	shalt  }
0x50: {  	_ =	shalt  }
0x51: {  	_ =	shalt  }
0x52: {  	_ =	shalt  }
0x53: {  	_ =	shalt  }
0x54: {  	_ =	shalt  }
0x55: {  	_ =	shalt  }
0x56: {  	_ =	shalt  }
0x57: {  	_ =	shalt  }
0x58: {  	_ =	shalt  }
0x59: {  	_ =	shalt  }
0x5a: {  	_ =	shalt  }
0x5b: {  	_ =	shalt  }
0x5c: {  	_ =	shalt  }
0x5d: {  	_ =	shalt  }
0x5e: {  	_ =	shalt  }
0x5f: {  	_ =	shalt  }
0x60: {  	_ =	shalt  }
0x61: {  	_ =	shalt  }
0x62: {  	_ =	shalt  }
0x63: {  	_ =	shalt  }
0x64: {  	_ =	shalt  }
0x65: {  	_ =	shalt  }
0x66: {  	_ =	shalt  }
0x67: {  	_ =	shalt  }
0x68: {  	_ =	shalt  }
0x69: {  	_ =	shalt  }
0x6a: {  	_ =	shalt  }
0x6b: {  	_ =	shalt  }
0x6c: {  	_ =	shalt  }
0x6d: {  	_ =	shalt  }
0x6e: {  	_ =	shalt  }
0x6f: {  	_ =	shalt  }
0x70: {  	_ =	shalt  }
0x71: {  	_ =	shalt  }
0x72: {  	_ =	shalt  }
0x73: {  	_ =	shalt  }
0x74: {  	_ =	shalt  }
0x75: {  	_ =	shalt  }
0x76: {  	_ =	shalt  }
0x77: {  	_ =	shalt  }
0x78: {  	_ =	shalt  }
0x79: {  	_ =	shalt  }
0x7a: {  	_ =	shalt  }
0x7b: {  	_ =	shalt  }
0x7c: {  	_ =	shalt  }
0x7d: {  	_ =	shalt  }
0x7e: {  	_ =	shalt  }
0x7f: {  	_ =	shalt  }
0x80: {  	_ =	shalt  }
0x81: {  	_ =	shalt  }
0x82: {  	_ =	shalt  }
0x83: {  	_ =	shalt  }
0x84: {  	_ =	shalt  }
0x85: {  	_ =	shalt  }
0x86: {  	_ =	shalt  }
0x87: {  	_ =	shalt  }
.Lfunc_end0:
.L_simem_size_0:
called_computation.4_lowered:
.L_overlay_start_0:
0x88: {  	s2 =	sld [smem:$0x3FD9]  }
0x89: {  	s3 =	sld [smem:$0x3FFE];
	_ =	sdelay $0x1  }
0x8a: {  	s1 =	srdreg.scid  }
0x8b: {  	s0 =	sand.u32 $0x1, s1  }
0x8c: {  	s16 =	sshll.u32 s0, $0xA;
	s2 =	sadd.s32 s3, s2  }
0x8d: {  	s2 =	sadd.s32 s2, s16  }
0x8e: {  	[smem:$0x3FB8] =	sst s2  }
0x8f: {  	_ = 	snop  }
0x90: {  	(tm) =	ssettm $0x1  }
0x91: {  	s17 =	sld [smem:$0x3FFB];
	_ =	sdelay $0x3  }
0x92: {  	_ =	strace s17  }
0x93: {  	s2 =	sld [smem:$0x3FFC];
	_ =	sdelay $0x3  }
0x94: {  	_ =	strace s2  }
0x95: {  	s2 =	sld [smem:$0x3FFD];
	_ =	sdelay $0x3  }
0x96: {  	_ =	strace s2  }
0x97: {  	_ =	strace $0x8FFFFFFF  }
0x98: {  	s18 =	sld [smem:$0x3FDB];
	_ =	sdelay $0x1  }
0x99: {  	s19 =	simm.s32 $_scs_section_size  }
0x9a: {  	s4 =	simm.s32 $_size__tile_overlayer_lowered;
	s5 =	simm.s32 $_tile_overlayer_lowered  }
0x9b: {  	s22 =	simm.s32 $0x1BFF;
	s21 =	sshll.u32 s5, $0x1;
	s2 =	sadd.s32 s19, s18  }
0x9c: {  	s6 =	simm.s32 $0x0;
	s20 =	sshll.u32 s4, $0x1;
	s4 =	sadd.s32 s21, s2  }
0x9d: {  	[timem:s6], [sflag:s22] =	dma.local [hbm:s4], s20  }
0x9e: {  	_ =	swait.ge [sflag:s22], s20  }
0x9f: {  	s3 =	ssub.s32 $0x0, s20;
	[sflag:s22] =	ssyncset.done $0x0  }
0xa0: {  	[sflag:s22] =	ssyncadd.s32 s3;
	_ =	sdelay $0x1  }
0xa1: {  	s23 =	simm.s32 $0x1B8B  }
0xa2: {  	_ =	swait.ge [sflag:s23], $0x1  }
0xa3: {  	[sflag:s23] =	ssyncset.done $0x0  }
0xa4: {  	s25 =	simm.s32 $0x1B8E;
	s24 =	sld [smem:$0x3FFE];
	[sflag:s23] =	ssyncadd.s32 $0xFFFFFFFF  }
0xa5: {  	s26 =	simm.s32 $execute0_lowered;
	[smem:$0x3FD2] =	sst s25  }
0xa6: {  	s4 =	sshll.u32 s26, $0x1;
	_ =	strace $0x80000052;
	[dreg:$0x1] =	wrdreg $0xFFFFFFFF  }
0xa7: {  	s28 =	simm.s32 $_size_execute0_lowered;
	s2 =	sadd.s32 s2, s4;
	[dreg:$0x0] =	wrdreg $0x0  }
0xa8: {  	s4 =	sshll.u32 s28, $0x1;
	[dreg:$0x2] =	wrdreg s2  }
0xa9: {  	[dreg:$0x3] =	wrdreg s4  }
0xaa: {  	[dreg:$0x4] =	wrdreg $0xC0  }
0xab: {  	_ =	task [dreg:s6], $0x5FFFF  }
0xac: {  	[dreg:$0x1] =	wrdreg $0xFFFFFFFF  }
0xad: {  	[dreg:$0x0] =	wrdreg $0x60  }
0xae: {  	[dreg:$0x2] =	wrdreg s24  }
0xaf: {  	[dreg:$0x3] =	wrdreg $0xB9A00  }
0xb0: {  	[dreg:$0x4] =	wrdreg $0x159A00  }
0xb1: {  	[dreg:$0x5] =	wrdreg $0x9  }
0xb2: {  	_ =	task.clear_ibuf [dreg:s6], $0x6FFFF;
	_ =	strace $0x90000052  }
0xb3: {  	s29 =	simm.s32 $0x9;
	_ =	strace $0x80000054  }
0xb4: {  	_ =	swait.ge [sflag:s29], $0x1  }
0xb5: {  	[sflag:s29] =	ssyncadd.s32 $0xFFFFFFFF  }
0xb6: {  	_ =	strace $0x90000054  }
0xb7: {  	_ =	sfence  }
0xb8: {  	s30 =	sld [smem:$0x0];
	_ =	sdelay $0x2  }
0xb9: {  	s31 =	sshll.u32 s1, $0xD;
	s1 =	sshrl.u32 s1, $0x2  }
0xba: {  	s3 =	sand.u32 $0x4000, s31;
	s1 =	sadd.s32 s1, s30  }
0xbb: {  	s0 =	sor.u32 s3, s0;
	s1 =	sshll.u32 s1, $0x11  }
0xbc: {  	s0 =	sor.u32 s1, s0  }
0xbd: {  	s0 =	sadd.s32 $0x8F2B, s0  }
0xbe: {  	[sflag:s0] =	ssyncadd.remote.s32 $0x1  }
0xbf: {  	_ =	sfence.sel $0xFFFF  }
0xc0: {  	[dreg:$0x0] =	wrdreg $0xFFFFFFFF;
	(pc) =	sbr.abs _section_cstart, $3  }
0xc1: {  	[dreg:$0x1] =	wrdreg $0xFFFFFFFF  }
0xc2: {  	_ =	task.clear_ibuf [dreg:s6], $0x2FFFF;
	_ =	strace $0x9FFFFFFF  }
0xc3: {  	(tm) =	ssettm $0x7FFFFFFF  }
tec
execute0_lowered:
.L_overlay_start_1:
0x0: {  	(tag) =	ssettag $0x1  }
0x1: {  	s0 =	rddreg [dreg:$0x0]  }
0x2: {  	s2 =	rddreg [dreg:$0x1]  }
0x3: {  	s3 =	rddreg [dreg:$0x2];
	s1 =	srdreg.scid  }
0x4: {  	s12 =	stileid.u32;
	s4 =	simm.s32 $0x0;
	s24 =	simm.s32 $0x168  }
0x5: {  	s26 =	simm.s32 $0x258;
	s30 =	simm.s32 $0x5A0;
	s5 =	smul.u32 $0xA000, s12  }
0x6: {  	s1 =	sand.u32 $0x1, s1;
	[smem:$0x7FF] =	sst s4;
	s10 =	smul.u32 $0xA8C0, s12  }
0x7: {  	s7 =	sadd.s32 $0x62600, s0;
	s8 =	sadd.s32 $0x3E00, s0;
	s11 =	smul.u32 $0x9C40, s12  }
0x8: {  	s29 =	sshll.u32 s12, $0x6;
	s18 =	smul.u32 $0x1518, s12;
	s12 =	simm.s32 $0x8  }
0x9: {  	s6 =	smul.u32 $0xA0000, s1;
	_ =	strace $0x80000053;
	[dreg:$0xa] =	wrdreg s8  }
0xa: {  	s28 =	ssub.s32 $0x2, s1;
	s25 =	sor.u32 $0x1C13, s29;
	[dreg:$0x5] =	wrdreg s24  }
0xb: {  	p0 =	seq.s32 s1, $0x1;
	[dreg:$0x6] =	wrdreg s26;
	s29 =	simm.s32 $0x438  }
0xc: {  	s24 =	simm.s32 $0x78;
	s9 =	sshrl.u32 s28, $0x1;
	s10 =	sshrl.u32 s10, $0x3  }
0xd: {  	s31 =	sadd.s32 s11, s3;
	s14 =	sshrl.u32 s11, $0x3;
	[dreg:$0x8] =	wrdreg s29  }
0xe: {  	s21 =	sadd.s32 s18, s7;
	s11 =	simm.s32 $0x7;
	[dreg:$0xb] =	wrdreg s25  }
0xf: {  	s18 =	simm.s32 $0xC;
	s13 =	sadd.s32 s7, s10;
	[dreg:$0x4] =	wrdreg s21  }
0x10: {  	s6 =	sadd.s32 s5, s6;
	s22 =	sshrl.u32 s31, $0x3;
	[dreg:$0xc] =	wrdreg s13  }
0x11: {  	s8 =	ssub.s32 s28, s9;
	s28 =	simm.s32 $0x348;
	[dreg:$0x16] =	wrdreg s22  }
0x12: {  	s5 =	sadd.s32 s5, s2;
	s31 =	simm.s32 $0x528;
	[dreg:$0x7] =	wrdreg s28  }
0x13: {  	s9 =	simm.s32 $0x5;
	s10 =	sadd.s32 $0x1E, s13;
	[dreg:$0x9] =	wrdreg s31  }
0x14: {  	s7 =	simm.s32 $0xD;
	s15 =	sadd.s32 $0x3C, s13;
	[dreg:$0xd] =	wrdreg s10  }
0x15: {  	s6 =	sshrl.u32 s6, $0x3;
	s16 =	sadd.s32 $0x5A, s13;
	[dreg:$0xe] =	wrdreg s15  }
0x16: {  	s17 =	sadd.s32 $0x78, s13;
	s19 =	sadd.s32 $0x96, s13;
	[dreg:$0xf] =	wrdreg s16  }
0x17: {  	s20 =	smax.u32 s8, $0x1;
	s23 =	sshrl.u32 s5, $0x3;
	[dreg:$0x10] =	wrdreg s17  }
0x18: {  	s13 =	simm.s32 $0x9;
	s22 =	simm.s32 $0x0;
	[dreg:$0x11] =	wrdreg s19  }
0x19: {  	s6 =	sadd.s32 s6, s0;
	s10 =	simm.s32 $0x77800;
	[dreg:$0x13] =	wrdreg s20  }
0x1a: {  	s15 =	simm.s32 $0xB;
	s16 =	simm.s32 $0xE;
	s17 =	simm.s32 $0x10  }
0x1b: {  	s19 =	simm.s32 $0x11;
	s20 =	simm.s32 $0x12;
	s10 =	simm.s32 @!p0 $0x8B200  }
0x1c: {  	[dreg:$0x15] =	wrdreg s23;
	s6 =	sadd.s32 $0x9EC00, s6;
	s0 =	sadd.s32 s10, s0  }
0x1d: {  	[dreg:$0x12] =	wrdreg s6;
	s10 =	simm.s32 $0x6;
	s0 =	sadd.s32 s0, s14  }
0x1e: {  	s6 =	simm.s32 $0xF;
	s14 =	simm.s32 $0xA;
	[dreg:$0x14] =	wrdreg s0  }
.LBB2_1:
0x1f: {  	[dreg:$0x17] =	wrdreg s22  }
0x20: {  	s22 =	simm.s32 $0x13;
	s21 =	rddreg [dreg:$0xa]  }
0x21: {  	[spmem:s23], [sflag:s25] =	dma.local [hbm:s21], $0x1400  }
0x22: {  	_ =	swait.ge [sflag:s22], $0x1400  }
0x23: {  	[sflag:s22] =	ssyncset.done $0x0;
	s26 =	rddreg [dreg:$0x14]  }
0x24: {  	s28 =	rddreg [dreg:$0x16];
	[sflag:s22] =	ssyncadd.s32 $0xFFFFEC00  }
0x25: {  	[spmem:s28], [sflag:s25] =	dma.local [hbm:s26], $0x1388  }
0x26: {  	_ =	swait.ge [sflag:s22], $0x1388  }
0x27: {  	[sflag:s22] =	ssyncset.done $0x0  }
0x28: {  	s29 =	rddreg [dreg:$0xc];
	[sflag:s22] =	ssyncadd.s32 $0xFFFFEC78  }
0x29: {  	[tilespmem:s4], [sflag:$0x13] =	stream.linear.gather [hbm4b:s29+s4], $0xF0, $0x38;
	[tilespmem:$0x1F5E0] =	vst v63  }
0x2a: {  	_ =	swait.ge [sflag:s22], $0xF0  }
0x2b: {  	[sflag:s22] =	ssyncset.done $0x0  }
0x2c: {  	s29 =	simm.s32 $0xF0;
	s31 =	rddreg [dreg:$0xd];
	[sflag:s22] =	ssyncadd.s32 $0xFFFFFF10  }
0x2d: {  	[tilespmem:s29], [sflag:$0x13] =	stream.linear.gather [hbm4b:s31+s4], $0xF0, $0x38;
	[tilespmem:$0x1F5E0] =	vst v63  }
0x2e: {  	_ =	swait.ge [sflag:s22], $0xF0  }
0x2f: {  	[sflag:s22] =	ssyncset.done $0x0  }
0x30: {  	s31 =	simm.s32 $0x1E0;
	s0 =	rddreg [dreg:$0xe];
	[sflag:s22] =	ssyncadd.s32 $0xFFFFFF10  }
0x31: {  	[tilespmem:s31], [sflag:$0x13] =	stream.linear.gather [hbm4b:s0+s4], $0xF0, $0x38;
	[tilespmem:$0x1F5E0] =	vst v63  }
0x32: {  	_ =	swait.ge [sflag:s22], $0xF0  }
0x33: {  	[sflag:s22] =	ssyncset.done $0x0  }
0x34: {  	s25 =	simm.s32 $0x2D0;
	s1 =	rddreg [dreg:$0xf];
	[sflag:s22] =	ssyncadd.s32 $0xFFFFFF10  }
0x35: {  	[tilespmem:s25], [sflag:$0x13] =	stream.linear.gather [hbm4b:s1+s4], $0xF0, $0x38;
	[tilespmem:$0x1F5E0] =	vst v63  }
0x36: {  	_ =	swait.ge [sflag:s22], $0xF0  }
0x37: {  	[sflag:s22] =	ssyncset.done $0x0  }
0x38: {  	s26 =	simm.s32 $0x3C0;
	s5 =	rddreg [dreg:$0x10];
	[sflag:s22] =	ssyncadd.s32 $0xFFFFFF10  }
0x39: {  	[tilespmem:s26], [sflag:$0x13] =	stream.linear.gather [hbm4b:s5+s4], $0xF0, $0x38;
	[tilespmem:$0x1F5E0] =	vst v63  }
0x3a: {  	_ =	swait.ge [sflag:s22], $0xF0  }
0x3b: {  	[sflag:s22] =	ssyncset.done $0x0  }
0x3c: {  	s23 =	simm.s32 $0x4B0;
	s8 =	rddreg [dreg:$0x11];
	[sflag:s22] =	ssyncadd.s32 $0xFFFFFF10  }
0x3d: {  	[tilespmem:s23], [sflag:$0x13] =	stream.linear.gather [hbm4b:s8+s4], $0xF0, $0x38;
	[tilespmem:$0x1F5E0] =	vst v63  }
0x3e: {  	_ =	swait.ge [sflag:s22], $0xF0  }
0x3f: {  	[sflag:s22] =	ssyncset.done $0x0  }
0x40: {  	[sflag:s22] =	ssyncadd.s32 $0xFFFFFF10  }
0x41: {  	[bflag:$0x0] =	sbarrier.arrive $0xFFFF  }
0x42: {  	[tilespmem:s30], [sflag:$0x1] =	stream.indirect.gather [spmem:s3], $0x40, s4, s24, $0xb8;
	[tilespmem:$0x1F5E0] =	vst v63  }
0x43: {  	s0 =	simm.s32 $0x23A0  }
0x44: {  	[tilespmem:s0], [sflag:$0x2] =	stream.indirect.gather [spmem:s3], $0x40, s29, s24, $0xb8;
	[tilespmem:$0x1F5E0] =	vst v63  }
0x45: {  	s1 =	simm.s32 $0x41A0  }
0x46: {  	[tilespmem:s1], [sflag:$0x3] =	stream.indirect.gather [spmem:s3], $0x40, s31, s24, $0xb8;
	[tilespmem:$0x1F5E0] =	vst v63  }
0x47: {  	s5 =	simm.s32 $0x5FA0  }
0x48: {  	[tilespmem:s5], [sflag:$0x4] =	stream.indirect.gather [spmem:s3], $0x40, s25, s24, $0xb8;
	[tilespmem:$0x1F5E0] =	vst v63  }
0x49: {  	s8 =	simm.s32 $0x7DA0  }
0x4a: {  	[tilespmem:s8], [sflag:$0x5] =	stream.indirect.gather [spmem:s3], $0x40, s26, s24, $0xb8;
	[tilespmem:$0x1F5E0] =	vst v63  }
0x4b: {  	s28 =	simm.s32 $0x1;
	s22 =	simm.s32 $0x9BA0  }
0x4c: {  	[tilespmem:s22], [sflag:$0x6] =	stream.indirect.gather [spmem:s3], $0x40, s23, s24, $0xb8;
	[tilespmem:$0x1F5E0] =	vst v63  }
0x4d: {  	_ =	swait.ge [sflag:s28], $0x1E00  }
0x4e: {  	[sflag:s28] =	ssyncset.done $0x0  }
0x4f: {  	[sflag:s28] =	ssyncadd.s32 $0xFFFFE200;
	s28 =	simm.s32 $0x2  }
0x50: {  	[spmem:s2] =	stream.indirect.scatter.add.f32 [tilespmem:s30], [sflag:$0x7], $0x40, s24, s24, $0xb8;
	[tilespmem:$0x1F5E0] =	vst v63  }
0x51: {  	_ =	swait.ge [sflag:s28], $0x1E00  }
0x52: {  	[sflag:s28] =	ssyncset.done $0x0  }
0x53: {  	s21 =	rddreg [dreg:$0x5];
	[sflag:s28] =	ssyncadd.s32 $0xFFFFE200;
	s28 =	simm.s32 $0x3  }
0x54: {  	[spmem:s2] =	stream.indirect.scatter.add.f32 [tilespmem:s0], [sflag:$0x8], $0x40, s21, s24, $0xb8;
	[tilespmem:$0x1F5E0] =	vst v63  }
0x55: {  	_ =	swait.ge [sflag:s28], $0x1E00  }
0x56: {  	[sflag:s28] =	ssyncset.done $0x0  }
0x57: {  	s21 =	rddreg [dreg:$0x6];
	[sflag:s28] =	ssyncadd.s32 $0xFFFFE200;
	s28 =	simm.s32 $0x4  }
0x58: {  	[spmem:s2] =	stream.indirect.scatter.add.f32 [tilespmem:s1], [sflag:$0x9], $0x40, s21, s24, $0xb8;
	[tilespmem:$0x1F5E0] =	vst v63  }
0x59: {  	_ =	swait.ge [sflag:s28], $0x1E00  }
0x5a: {  	[sflag:s28] =	ssyncset.done $0x0  }
0x5b: {  	s21 =	rddreg [dreg:$0x7];
	[sflag:s28] =	ssyncadd.s32 $0xFFFFE200  }
0x5c: {  	[spmem:s2] =	stream.indirect.scatter.add.f32 [tilespmem:s5], [sflag:$0xA], $0x40, s21, s24, $0xb8;
	[tilespmem:$0x1F5E0] =	vst v63  }
0x5d: {  	_ =	swait.ge [sflag:s9], $0x1E00  }
0x5e: {  	[sflag:s9] =	ssyncset.done $0x0  }
0x5f: {  	s28 =	rddreg [dreg:$0x8];
	[sflag:s9] =	ssyncadd.s32 $0xFFFFE200  }
0x60: {  	[spmem:s2] =	stream.indirect.scatter.add.f32 [tilespmem:s8], [sflag:$0xB], $0x40, s28, s24, $0xb8;
	[tilespmem:$0x1F5E0] =	vst v63  }
0x61: {  	_ =	swait.ge [sflag:s10], $0x1E00  }
0x62: {  	[sflag:s10] =	ssyncset.done $0x0  }
0x63: {  	s28 =	rddreg [dreg:$0x9];
	[sflag:s10] =	ssyncadd.s32 $0xFFFFE200  }
0x64: {  	[spmem:s2] =	stream.indirect.scatter.add.f32 [tilespmem:s22], [sflag:$0xC], $0x40, s28, s24, $0xb8;
	[tilespmem:$0x1F5E0] =	vst v63  }
0x65: {  	_ =	swait.ge [sflag:s11], $0x1E00  }
0x66: {  	s22 =	rddreg [dreg:$0x4]  }
0x67: {  	[sflag:s11] =	ssyncset.done $0x0;
	s21 =	sadd.s32 $0x0, s22  }
0x68: {  	[sflag:s11] =	ssyncadd.s32 $0xFFFFE200;
	s28 =	sadd.s32 $0xB4, s21  }
0x69: {  	[tilespmem:s4], [sflag:$0xD] =	stream.linear.gather [hbm4b:s28+s4], $0xF0, $0x38;
	[tilespmem:$0x1F5E0] =	vst v63  }
0x6a: {  	_ =	swait.ge [sflag:s12], $0x1E00  }
0x6b: {  	[sflag:s12] =	ssyncset.done $0x0  }
0x6c: {  	s28 =	sadd.s32 $0xD2, s21;
	[sflag:s12] =	ssyncadd.s32 $0xFFFFE200  }
0x6d: {  	[tilespmem:s29], [sflag:$0xE] =	stream.linear.gather [hbm4b:s28+s4], $0xF0, $0x38;
	[tilespmem:$0x1F5E0] =	vst v63  }
0x6e: {  	_ =	swait.ge [sflag:s13], $0x1E00  }
0x6f: {  	[sflag:s13] =	ssyncset.done $0x0  }
0x70: {  	s28 =	sadd.s32 $0xF0, s21;
	[sflag:s13] =	ssyncadd.s32 $0xFFFFE200  }
0x71: {  	[tilespmem:s31], [sflag:$0xF] =	stream.linear.gather [hbm4b:s28+s4], $0xF0, $0x38;
	[tilespmem:$0x1F5E0] =	vst v63  }
0x72: {  	_ =	swait.ge [sflag:s14], $0x1E00  }
0x73: {  	[sflag:s14] =	ssyncset.done $0x0  }
0x74: {  	s28 =	sadd.s32 $0x10E, s21;
	[sflag:s14] =	ssyncadd.s32 $0xFFFFE200  }
0x75: {  	[tilespmem:s25], [sflag:$0x10] =	stream.linear.gather [hbm4b:s28+s4], $0xF0, $0x38;
	[tilespmem:$0x1F5E0] =	vst v63  }
0x76: {  	_ =	swait.ge [sflag:s15], $0x1E00  }
0x77: {  	[sflag:s15] =	ssyncset.done $0x0  }
0x78: {  	s28 =	sadd.s32 $0x12C, s21;
	[sflag:s15] =	ssyncadd.s32 $0xFFFFE200  }
0x79: {  	[tilespmem:s26], [sflag:$0x11] =	stream.linear.gather [hbm4b:s28+s4], $0xF0, $0x38;
	[tilespmem:$0x1F5E0] =	vst v63  }
0x7a: {  	_ =	swait.ge [sflag:s18], $0x1E00  }
0x7b: {  	[sflag:s18] =	ssyncset.done $0x0  }
0x7c: {  	s21 =	sadd.s32 $0x14A, s21;
	[sflag:s18] =	ssyncadd.s32 $0xFFFFE200  }
0x7d: {  	[tilespmem:s23], [sflag:$0x12] =	stream.linear.gather [hbm4b:s21+s4], $0xF0, $0x38;
	[tilespmem:$0x1F5E0] =	vst v63  }
0x7e: {  	_ =	swait.ge [sflag:s7], $0xF0  }
0x7f: {  	[sflag:s7] =	ssyncset.done $0x0  }
0x80: {  	[sflag:s7] =	ssyncadd.s32 $0xFFFFFF10  }
0x81: {  	[tilespmem:s30], [sflag:$0x1] =	stream.indirect.gather [spmem:s3], $0x40, s4, s24, $0xb8;
	[tilespmem:$0x1F5E0] =	vst v63  }
0x82: {  	_ =	swait.ge [sflag:s16], $0xF0  }
0x83: {  	[sflag:s16] =	ssyncset.done $0x0  }
0x84: {  	[sflag:s16] =	ssyncadd.s32 $0xFFFFFF10  }
0x85: {  	[tilespmem:s0], [sflag:$0x2] =	stream.indirect.gather [spmem:s3], $0x40, s29, s24, $0xb8;
	[tilespmem:$0x1F5E0] =	vst v63  }
0x86: {  	_ =	swait.ge [sflag:s6], $0xF0  }
0x87: {  	[sflag:s6] =	ssyncset.done $0x0  }
0x88: {  	[sflag:s6] =	ssyncadd.s32 $0xFFFFFF10  }
0x89: {  	[tilespmem:s1], [sflag:$0x3] =	stream.indirect.gather [spmem:s3], $0x40, s31, s24, $0xb8;
	[tilespmem:$0x1F5E0] =	vst v63  }
0x8a: {  	_ =	swait.ge [sflag:s17], $0xF0  }
0x8b: {  	[sflag:s17] =	ssyncset.done $0x0  }
0x8c: {  	[sflag:s17] =	ssyncadd.s32 $0xFFFFFF10  }
0x8d: {  	[tilespmem:s5], [sflag:$0x4] =	stream.indirect.gather [spmem:s3], $0x40, s25, s24, $0xb8;
	[tilespmem:$0x1F5E0] =	vst v63  }
0x8e: {  	_ =	swait.ge [sflag:s19], $0xF0  }
0x8f: {  	[sflag:s19] =	ssyncset.done $0x0  }
0x90: {  	[sflag:s19] =	ssyncadd.s32 $0xFFFFFF10  }
0x91: {  	[tilespmem:s8], [sflag:$0x5] =	stream.indirect.gather [spmem:s3], $0x40, s26, s24, $0xb8;
	[tilespmem:$0x1F5E0] =	vst v63  }
0x92: {  	_ =	swait.ge [sflag:s20], $0xF0  }
0x93: {  	[sflag:s20] =	ssyncset.done $0x0  }
0x94: {  	s21 =	simm.s32 $0xB4;
	[sflag:s20] =	ssyncadd.s32 $0xFFFFFF10  }
.LBB2_2:
0x95: {  	s30 =	simm.s32 $0x4B0;
	s31 =	simm.s32 $0x9BA0;
	s0 =	simm.s32 $0x1  }
0x96: {  	[tilespmem:s31], [sflag:$0x6] =	stream.indirect.gather [spmem:s3], $0x40, s30, s24, $0xb8;
	[tilespmem:$0x1F5E0] =	vst v63  }
0x97: {  	_ =	swait.ge [sflag:s0], $0x1E00  }
0x98: {  	[sflag:s0] =	ssyncset.done $0x0  }
0x99: {  	s23 =	simm.s32 $0x5A0;
	s1 =	simm.s32 $0x2;
	[sflag:s0] =	ssyncadd.s32 $0xFFFFE200  }
0x9a: {  	[spmem:s2] =	stream.indirect.scatter.add.f32 [tilespmem:s23], [sflag:$0x7], $0x40, s24, s24, $0xb8;
	[tilespmem:$0x1F5E0] =	vst v63  }
0x9b: {  	_ =	swait.ge [sflag:s1], $0x1E00  }
0x9c: {  	s0 =	simm.s32 $0x23A0;
	[sflag:s1] =	ssyncset.done $0x0  }
0x9d: {  	s5 =	rddreg [dreg:$0x5];
	[sflag:s1] =	ssyncadd.s32 $0xFFFFE200;
	s1 =	simm.s32 $0x3  }
0x9e: {  	[spmem:s2] =	stream.indirect.scatter.add.f32 [tilespmem:s0], [sflag:$0x8], $0x40, s5, s24, $0xb8;
	[tilespmem:$0x1F5E0] =	vst v63  }
0x9f: {  	_ =	swait.ge [sflag:s1], $0x1E00  }
0xa0: {  	s5 =	simm.s32 $0x4;
	[sflag:s1] =	ssyncset.done $0x0  }
0xa1: {  	s8 =	rddreg [dreg:$0x6];
	[sflag:s1] =	ssyncadd.s32 $0xFFFFE200;
	s1 =	simm.s32 $0x41A0  }
0xa2: {  	[spmem:s2] =	stream.indirect.scatter.add.f32 [tilespmem:s1], [sflag:$0x9], $0x40, s8, s24, $0xb8;
	[tilespmem:$0x1F5E0] =	vst v63  }
0xa3: {  	_ =	swait.ge [sflag:s5], $0x1E00  }
0xa4: {  	[sflag:s5] =	ssyncset.done $0x0  }
0xa5: {  	s25 =	rddreg [dreg:$0x7];
	[sflag:s5] =	ssyncadd.s32 $0xFFFFE200;
	s5 =	simm.s32 $0x5FA0  }
0xa6: {  	[spmem:s2] =	stream.indirect.scatter.add.f32 [tilespmem:s5], [sflag:$0xA], $0x40, s25, s24, $0xb8;
	[tilespmem:$0x1F5E0] =	vst v63  }
0xa7: {  	_ =	swait.ge [sflag:s9], $0x1E00  }
0xa8: {  	[sflag:s9] =	ssyncset.done $0x0  }
0xa9: {  	s8 =	simm.s32 $0x7DA0;
	s26 =	rddreg [dreg:$0x8];
	[sflag:s9] =	ssyncadd.s32 $0xFFFFE200  }
0xaa: {  	[spmem:s2] =	stream.indirect.scatter.add.f32 [tilespmem:s8], [sflag:$0xB], $0x40, s26, s24, $0xb8;
	[tilespmem:$0x1F5E0] =	vst v63  }
0xab: {  	_ =	swait.ge [sflag:s10], $0x1E00  }
0xac: {  	[sflag:s10] =	ssyncset.done $0x0  }
0xad: {  	s28 =	rddreg [dreg:$0x9];
	[sflag:s10] =	ssyncadd.s32 $0xFFFFE200  }
0xae: {  	[spmem:s2] =	stream.indirect.scatter.add.f32 [tilespmem:s31], [sflag:$0xC], $0x40, s28, s24, $0xb8;
	[tilespmem:$0x1F5E0] =	vst v63  }
0xaf: {  	_ =	swait.ge [sflag:s11], $0x1E00  }
0xb0: {  	s22 =	smov.u32 s21;
	s31 =	rddreg [dreg:$0x4]  }
0xb1: {  	[sflag:s11] =	ssyncset.done $0x0;
	s22 =	sadd.s32 s22, s31  }
0xb2: {  	[sflag:s11] =	ssyncadd.s32 $0xFFFFE200;
	s23 =	sadd.s32 $0xB4, s22  }
0xb3: {  	[tilespmem:s4], [sflag:$0xD] =	stream.linear.gather [hbm4b:s23+s4], $0xF0, $0x38;
	[tilespmem:$0x1F5E0] =	vst v63  }
0xb4: {  	_ =	swait.ge [sflag:s12], $0x1E00  }
0xb5: {  	[sflag:s12] =	ssyncset.done $0x0  }
0xb6: {  	s31 =	simm.s32 $0xF0;
	s25 =	sadd.s32 $0xD2, s22;
	[sflag:s12] =	ssyncadd.s32 $0xFFFFE200  }
0xb7: {  	[tilespmem:s31], [sflag:$0xE] =	stream.linear.gather [hbm4b:s25+s4], $0xF0, $0x38;
	[tilespmem:$0x1F5E0] =	vst v63  }
0xb8: {  	_ =	swait.ge [sflag:s13], $0x1E00  }
0xb9: {  	[sflag:s13] =	ssyncset.done $0x0  }
0xba: {  	s26 =	sadd.s32 $0xF0, s22;
	s25 =	simm.s32 $0x1E0;
	[sflag:s13] =	ssyncadd.s32 $0xFFFFE200  }
0xbb: {  	[tilespmem:s25], [sflag:$0xF] =	stream.linear.gather [hbm4b:s26+s4], $0xF0, $0x38;
	[tilespmem:$0x1F5E0] =	vst v63  }
0xbc: {  	_ =	swait.ge [sflag:s14], $0x1E00  }
0xbd: {  	[sflag:s14] =	ssyncset.done $0x0  }
0xbe: {  	s28 =	sadd.s32 $0x10E, s22;
	s26 =	simm.s32 $0x2D0;
	[sflag:s14] =	ssyncadd.s32 $0xFFFFE200  }
0xbf: {  	[tilespmem:s26], [sflag:$0x10] =	stream.linear.gather [hbm4b:s28+s4], $0xF0, $0x38;
	[tilespmem:$0x1F5E0] =	vst v63  }
0xc0: {  	_ =	swait.ge [sflag:s15], $0x1E00  }
0xc1: {  	[sflag:s15] =	ssyncset.done $0x0  }
0xc2: {  	s23 =	sadd.s32 $0x12C, s22;
	s28 =	simm.s32 $0x3C0;
	[sflag:s15] =	ssyncadd.s32 $0xFFFFE200  }
0xc3: {  	[tilespmem:s28], [sflag:$0x11] =	stream.linear.gather [hbm4b:s23+s4], $0xF0, $0x38;
	[tilespmem:$0x1F5E0] =	vst v63  }
0xc4: {  	_ =	swait.ge [sflag:s18], $0x1E00  }
0xc5: {  	[sflag:s18] =	ssyncset.done $0x0  }
0xc6: {  	s22 =	sadd.s32 $0x14A, s22;
	[sflag:s18] =	ssyncadd.s32 $0xFFFFE200  }
0xc7: {  	[tilespmem:s30], [sflag:$0x12] =	stream.linear.gather [hbm4b:s22+s4], $0xF0, $0x38;
	[tilespmem:$0x1F5E0] =	vst v63  }
0xc8: {  	_ =	swait.ge [sflag:s7], $0xF0  }
0xc9: {  	[sflag:s7] =	ssyncset.done $0x0  }
0xca: {  	s30 =	simm.s32 $0x5A0;
	[sflag:s7] =	ssyncadd.s32 $0xFFFFFF10  }
0xcb: {  	[tilespmem:s30], [sflag:$0x1] =	stream.indirect.gather [spmem:s3], $0x40, s4, s24, $0xb8;
	[tilespmem:$0x1F5E0] =	vst v63  }
0xcc: {  	_ =	swait.ge [sflag:s16], $0xF0  }
0xcd: {  	[sflag:s16] =	ssyncset.done $0x0  }
0xce: {  	[sflag:s16] =	ssyncadd.s32 $0xFFFFFF10  }
0xcf: {  	[tilespmem:s0], [sflag:$0x2] =	stream.indirect.gather [spmem:s3], $0x40, s31, s24, $0xb8;
	[tilespmem:$0x1F5E0] =	vst v63  }
0xd0: {  	_ =	swait.ge [sflag:s6], $0xF0  }
0xd1: {  	[sflag:s6] =	ssyncset.done $0x0  }
0xd2: {  	[sflag:s6] =	ssyncadd.s32 $0xFFFFFF10  }
0xd3: {  	[tilespmem:s1], [sflag:$0x3] =	stream.indirect.gather [spmem:s3], $0x40, s25, s24, $0xb8;
	[tilespmem:$0x1F5E0] =	vst v63  }
0xd4: {  	_ =	swait.ge [sflag:s17], $0xF0  }
0xd5: {  	[sflag:s17] =	ssyncset.done $0x0  }
0xd6: {  	[sflag:s17] =	ssyncadd.s32 $0xFFFFFF10  }
0xd7: {  	[tilespmem:s5], [sflag:$0x4] =	stream.indirect.gather [spmem:s3], $0x40, s26, s24, $0xb8;
	[tilespmem:$0x1F5E0] =	vst v63  }
0xd8: {  	_ =	swait.ge [sflag:s19], $0xF0  }
0xd9: {  	p0 =	sne.s32 s21, $0x13B0;
	[sflag:s19] =	ssyncset.done $0x0  }
.Ltmp0:
0xda: {  	[sflag:s19] =	ssyncadd.s32 $0xFFFFFF10;
	(pc) =	sbr.rel @p0 .LBB2_2-.Ltmp0, $4  }
0xdb: {  	[tilespmem:s8], [sflag:$0x5] =	stream.indirect.gather [spmem:s3], $0x40, s28, s24, $0xb8;
	[tilespmem:$0x1F5E0] =	vst v63  }
0xdc: {  	_ =	swait.ge [sflag:s20], $0xF0  }
0xdd: {  	s21 =	sadd.s32 $0xB4, s21;
	[sflag:s20] =	ssyncset.done $0x0  }
0xde: {  	s29 =	simm.s32 $0x9BA0;
	s23 =	simm.s32 $0x4B0;
	[sflag:s20] =	ssyncadd.s32 $0xFFFFFF10  }
0xdf: {  	[tilespmem:s29], [sflag:$0x6] =	stream.indirect.gather [spmem:s3], $0x40, s23, s24, $0xb8;
	[tilespmem:$0x1F5E0] =	vst v63  }
0xe0: {  	s0 =	simm.s32 $0x1  }
0xe1: {  	_ =	swait.ge [sflag:s0], $0x1E00  }
0xe2: {  	[sflag:s0] =	ssyncset.done $0x0  }
0xe3: {  	s23 =	simm.s32 $0x2;
	[sflag:s0] =	ssyncadd.s32 $0xFFFFE200  }
0xe4: {  	_ =	swait.ge [sflag:s23], $0x1E00  }
0xe5: {  	[sflag:s23] =	ssyncset.done $0x0  }
0xe6: {  	s25 =	simm.s32 $0x3;
	[sflag:s23] =	ssyncadd.s32 $0xFFFFE200  }
0xe7: {  	_ =	swait.ge [sflag:s25], $0x1E00  }
0xe8: {  	[sflag:s25] =	ssyncset.done $0x0  }
0xe9: {  	s26 =	simm.s32 $0x4;
	[sflag:s25] =	ssyncadd.s32 $0xFFFFE200  }
0xea: {  	_ =	swait.ge [sflag:s26], $0x1E00  }
0xeb: {  	[sflag:s26] =	ssyncset.done $0x0  }
0xec: {  	[sflag:s26] =	ssyncadd.s32 $0xFFFFE200  }
0xed: {  	_ =	swait.ge [sflag:s9], $0x1E00  }
0xee: {  	[sflag:s9] =	ssyncset.done $0x0  }
0xef: {  	[sflag:s9] =	ssyncadd.s32 $0xFFFFE200  }
0xf0: {  	_ =	swait.ge [sflag:s10], $0x1E00  }
0xf1: {  	[sflag:s10] =	ssyncset.done $0x0  }
0xf2: {  	[sflag:s10] =	ssyncadd.s32 $0xFFFFE200  }
0xf3: {  	[bflag:$0x0] =	sbarrier.arrive $0xFFFF  }
0xf4: {  	s25 =	rddreg [dreg:$0xb]  }
0xf5: {  	s21 =	rddreg [dreg:$0x12]  }
0xf6: {  	s28 =	simm.s32 $0x13;
	s23 =	rddreg [dreg:$0x15]  }
0xf7: {  	[hbm:s21], [sflag:s25] =	dma.local [spmem:s23], $0x1400  }
0xf8: {  	_ =	swait.ge [sflag:s28], $0x1400  }
0xf9: {  	s22 =	rddreg [dreg:$0x17]  }
0xfa: {  	s29 =	rddreg [dreg:$0x13];
	s22 =	sadd.s32 $0x1, s22  }
0xfb: {  	p0 =	sne.s32 s22, s29  }
.Ltmp1:
0xfc: {  	_ = 	snop;
	(pc) =	sbr.rel @p0 .LBB2_1-.Ltmp1, $3  }
0xfd: {  	_ =	sdelay $0x1  }
0xfe: {  	s31 =	simm.s32 $0x13;
	[sflag:s28] =	ssyncset.done $0x0  }
0xff: {  	[sflag:s31] =	ssyncadd.s32 $0xFFFFEC00  }
0x100: {  	_ =	sfence.sel $0x180000  }
0x101: {  	[bflag:$0x0] =	sbarrier.arrive $0xFFFF  }
0x102: {  	_ =	strace $0x90000053  }
0x103: {  	s0 =	stileid.u32;
	[bflag:$0x2] =	sbarrier.arrive $0xFFFF  }
0x104: {  	p0 =	sne.s32 s0, $0x0;
	s0 =	rddreg [dreg:$0x3]  }
0x105: {  	s0 =	sadd.s32 @!p0 $0x100000, s0  }
0x106: {  	[sflag:s0] =	ssyncadd.tile.s32 @!p0 $0x1;
	_ =	shalt  }
.Lfunc_end2:
_tile_overlayer_lowered:
.L_overlay_start_2:
0x107: {  	(tag) =	ssettag $0x2  }
0x108: {  	s0 =	rddreg [dreg:$0x0];
	s2 =	stileid.u32  }
0x109: {  	s1 =	rddreg [dreg:$0x1];
	p0 =	sne.s32 s2, $0x0  }
0x10a: {  	s3 =	rddreg [dreg:$0x2];
	[bflag:$0x3] =	sbarrier.arrive $0xFFFF;
	s2 =	simm.s32 @!p0 $0x1C13  }
0x10b: {  	[timem:s3], [sflag:s2] =	dma.local @!p0 [hbm:s0], s1  }
0x10c: {  	s0 =	simm.s32 @!p0 $0x13  }
0x10d: {  	_ =	swait.ge @!p0 [sflag:s0], s1  }
0x10e: {  	s1 =	ssub.s32 @!p0 $0x0, s1;
	[sflag:s0] =	ssyncset.done @!p0 $0x0  }
0x10f: {  	[sflag:s0] =	ssyncadd.s32 @!p0 s1  }
0x110: {  	[bflag:$0x3] =	sbarrier.arrive $0xFFFF  }
0x111: {  	_ =	shalt  }

</sc_bundles>
